<compile_context>
chip_gen: v7x
topology: tpu7x:2x2x1
jax: 0.10.2.dev20260603
libtpu: 0.0.44.dev20260713+nightly
codegen_flags: <defaults>
</compile_context>

<pallas_src>
import functools

import jax
import jax.numpy as jnp
from jax import lax
from jax.experimental import pallas as pl
from jax.experimental.pallas import tpu as pltpu
from jax.experimental.pallas import tpu_sc as plsc

EMB = 64
NC = 2
NS = 16
NW = NC * NS
BLK = 128
NBUF = 4

_mesh = plsc.VectorSubcoreMesh(core_axis_name="c", subcore_axis_name="s")


def _make_relayout(vocab: int):
    nblk = vocab // BLK
    tail = vocab - nblk * BLK

    @functools.partial(
        pl.kernel,
        mesh=_mesh,
        out_type=jax.ShapeDtypeStruct((vocab * EMB,), jnp.float32),
        scratch_types=[
            pltpu.VMEM((NBUF, EMB, BLK), jnp.float32),
            pltpu.VMEM((NBUF, BLK * (EMB + 1)), jnp.float32),
            pltpu.VMEM((NBUF, BLK * EMB), jnp.float32),
            pltpu.SemaphoreType.DMA((NBUF,)),
            pltpu.SemaphoreType.DMA((NBUF,)),
        ],
        compiler_params=pltpu.CompilerParams(needs_layout_passes=False),
    )
    def relayout_kernel(tab_hbm, tail_hbm, out_hbm, rbufs, pbufs, wbufs, gsems, osems):
        wid = lax.axis_index("s") * NC + lax.axis_index("c")
        lanes = lax.iota(jnp.int32, 16)
        pitch = EMB + 1
        c65 = [(lanes + q * 16) * pitch for q in range(BLK // 16)]
        eq16 = [lanes + q * 16 for q in range(EMB // 16)]

        n_k = (nblk - wid + NW - 1) // NW

        def transpose(b, bvec):
            @plsc.parallel_loop(0, EMB, unroll=32)
            def _t1(e):
                for q in range(BLK // 16):
                    v = rbufs[b, e, pl.ds(q * 16, 16)]
                    plsc.store_scatter(pbufs, [bvec, c65[q] + e], v)

            @plsc.parallel_loop(0, BLK, unroll=32)
            def _t2(c):
                for q in range(EMB // 16):
                    v = plsc.load_gather(pbufs, [bvec, eq16[q] + c * pitch])
                    wbufs[b, pl.ds(c * EMB + q * 16, 16)] = v

        if tail:
            @pl.when(wid == NW - 1)
            def _tail():
                pltpu.sync_copy(tail_hbm, wbufs.at[0, pl.ds(0, tail * EMB)])
                pltpu.sync_copy(
                    wbufs.at[0, pl.ds(0, tail * EMB)],
                    out_hbm.at[pl.ds(nblk * BLK * EMB, tail * EMB)],
                )

        for b in range(NBUF):
            pltpu.async_copy(
                tab_hbm.at[:, pl.ds((wid + NW * b) * BLK, BLK)],
                rbufs.at[b],
                gsems.at[b],
            )

        def step(k, _):
            b = lax.rem(k, NBUF)
            blk = wid + NW * k
            bvec = jnp.full((16,), b, jnp.int32)

            @pl.when(k >= NBUF)
            def _wait_out():
                pltpu.make_async_copy(
                    wbufs.at[b], out_hbm.at[pl.ds(0, BLK * EMB)], osems.at[b]
                ).wait()

            pltpu.make_async_copy(
                tab_hbm.at[:, pl.ds(blk * BLK, BLK)],
                rbufs.at[b],
                gsems.at[b],
            ).wait()
            transpose(b, bvec)
            pltpu.async_copy(
                wbufs.at[b], out_hbm.at[pl.ds(blk * BLK * EMB, BLK * EMB)],
                osems.at[b],
            )

            @pl.when(k + NBUF < n_k)
            def _refill():
                nblk2 = wid + NW * (k + NBUF)
                pltpu.async_copy(
                    tab_hbm.at[:, pl.ds(nblk2 * BLK, BLK)],
                    rbufs.at[b],
                    gsems.at[b],
                )

            return _

        lax.fori_loop(0, n_k, step, None)

        for b in range(NBUF):
            pltpu.make_async_copy(
                wbufs.at[b], out_hbm.at[pl.ds(0, BLK * EMB)], osems.at[b]
            ).wait()

    return relayout_kernel


def _make_gather(seq: int):
    et = EMB // 8

    @functools.partial(
        pl.kernel,
        mesh=_mesh,
        out_type=jax.ShapeDtypeStruct((seq, et, NW, 8, BLK), jnp.float32),
        scratch_types=[
            pltpu.VMEM((seq, BLK), jnp.int32),
            pltpu.VMEM((NBUF, BLK, EMB), jnp.float32),
            pltpu.VMEM((NBUF, et, 8, BLK + 1), jnp.float32),
            pltpu.SemaphoreType.DMA((NBUF,)),
            pltpu.SemaphoreType.DMA((NBUF,)),
        ],
        compiler_params=pltpu.CompilerParams(
            use_tc_tiling_on_sc=False, needs_layout_passes=False
        ),
    )
    def gather_kernel(ids_hbm, table_hbm, out_hbm, idx_v, rbufs, tbufs, gsems, osems):
        wid = lax.axis_index("s") * NC + lax.axis_index("c")

        pltpu.sync_copy(ids_hbm.at[:, pl.ds(wid * BLK, BLK)], idx_v)

        lanes = lax.iota(jnp.int32, 16)
        e8vec = [(lanes + q * 16) // 8 for q in range(EMB // 16)]
        elvec = [(lanes + q * 16) % 8 for q in range(EMB // 16)]

        for b in range(NBUF):
            pltpu.async_copy(table_hbm.at[idx_v.at[b]], rbufs.at[b], gsems.at[b])

        def step(i, _):
            b = lax.rem(i, NBUF)

            @pl.when(i >= NBUF)
            def _wait_out():
                pltpu.make_async_copy(
                    tbufs.at[b, :, :, pl.ds(0, BLK)],
                    out_hbm.at[0, :, wid],
                    osems.at[b],
                ).wait()

            pltpu.make_async_copy(
                table_hbm.at[idx_v.at[i]], rbufs.at[b], gsems.at[b]
            ).wait()

            bvec = jnp.full((16,), b, jnp.int32)

            @plsc.parallel_loop(0, BLK, unroll=16)
            def _transpose(r):
                rvec = jnp.full((16,), r, jnp.int32)
                for q in range(EMB // 16):
                    v = rbufs[b, r, pl.ds(q * 16, 16)]
                    plsc.store_scatter(tbufs, [bvec, e8vec[q], elvec[q], rvec], v)

            pltpu.async_copy(
                tbufs.at[b, :, :, pl.ds(0, BLK)], out_hbm.at[i, :, wid], osems.at[b]
            )

            @pl.when(i + NBUF < seq)
            def _refill():
                pltpu.async_copy(
                    table_hbm.at[idx_v.at[i + NBUF]], rbufs.at[b], gsems.at[b]
                )

            return _

        lax.fori_loop(0, seq, step, None)

        for b in range(NBUF):
            pltpu.make_async_copy(
                tbufs.at[b, :, :, pl.ds(0, BLK)],
                out_hbm.at[0, :, wid],
                osems.at[b],
            ).wait()

    return gather_kernel


def kernel(input_ids, token_table):
    batch, seq = input_ids.shape
    vocab, _ = token_table.shape
    ids_t = jnp.transpose(input_ids.astype(jnp.int32))
    table_t = jnp.transpose(token_table)
    nblk = vocab // BLK
    tail_flat = jnp.reshape(
        lax.slice(token_table, (nblk * BLK, 0), (vocab, EMB)),
        ((vocab - nblk * BLK) * EMB,),
    )
    table_lin = jnp.reshape(
        _make_relayout(vocab)(table_t, tail_flat), (vocab, EMB)
    )
    out5 = _make_gather(seq)(ids_t, table_lin)
    return jnp.transpose(out5, (2, 4, 0, 1, 3)).reshape(batch, seq, EMB)

# --- scband reference (transcript-rebuilt; emitter-appended) ---
"""Pipeline reference for scband-tool-embeddings-86955907875410 (READ-ONLY COPY).

The authoritative reference and input builder live on the scoring server;
editing this copy changes nothing except your own understanding.
"""

import jax, jax.numpy as jnp
import numpy as np

VOCAB = 1000000
EMB = 64
BATCH = 4096
SEQ = 200

def setup_inputs(seed: int = 0) -> dict:
    key = jax.random.key(seed)
    k1, k2 = jax.random.split(key)
    input_ids = jax.random.randint(k1, (BATCH, SEQ), 0, VOCAB, dtype=jnp.int64 if jax.config.jax_enable_x64 else jnp.int32)
    token_table = jax.random.normal(k2, (VOCAB, EMB), dtype=jnp.float32) * 0.02
    return {"input_ids": input_ids, "token_table": token_table}

def reference(input_ids, token_table):
    # ToolEmbeddings.forward with tool_specs=None reduces to a plain
    # embedding lookup: token_embeddings(input_ids)
    embeddings = jnp.take(token_table, input_ids, axis=0)
    return embeddings

if __name__ == "__main__":
    import jax
    _d = setup_inputs()
    print(jax.jit(kernel)(*tuple(_d.values())))

</pallas_src>

<mosaic_0001>
#map = affine_map<(d0, d1) -> (0, 0)>
#map1 = affine_map<(d0, d1) -> (0, 0, 0, 0, 0)>
module attributes {stable_mosaic.version = 14 : i64} {
  func.func @gather_kernel(%arg0: i32, %arg1: i32, %arg2: memref<200x4096xi32, #tpu.memory_space<hbm>>, %arg3: memref<1000000x64xf32, #tpu.memory_space<hbm>>, %arg4: memref<200x8x32x8x128xf32, #tpu.memory_space<hbm>>, %arg5: memref<200x128xi32, #tpu.memory_space<vmem>>, %arg6: memref<4x128x64xf32, #tpu.memory_space<vmem>>, %arg7: memref<4x8x8x129xf32, #tpu.memory_space<vmem>>, %arg8: memref<4x!tpu.dma_semaphore, #tpu.memory_space<semaphore_mem>>, %arg9: memref<4x!tpu.dma_semaphore, #tpu.memory_space<semaphore_mem>>) attributes {dimension_semantics = [#tpu.dimension_semantics<core_parallel>, #tpu.dimension_semantics<subcore_parallel>], iteration_bounds = array<i64: 2, 16>, scalar_prefetch = 0 : i64, scratch_operands = 5 : i64, tpu.core_type = #tpu.core_type<sc_vector_subcore>, window_params = [{transform_indices = #map}, {transform_indices = #map}, {transform_indices = #map1}]} {
    %mul3A = arith.constant 2 : i32
    %mul3A_0 = arith.muli %arg1, %mul3A : i32
    %add3A = arith.addi %mul3A_0, %arg0 : i32
    %mul3A_1 = arith.constant 128 : i32
    %mul3A_2 = arith.muli %add3A, %mul3A_1 : i32
    "tpu.region"() ({
      %run_scoped3A = tpu.sem_alloc : memref<!tpu.dma_semaphore, #tpu.memory_space<semaphore_mem>>
      %dma_start3A_391 = arith.constant 0 : i32
      %dma_start3A_392 = tpu.memref_slice %arg2[%dma_start3A_391, %mul3A_2] : memref<200x4096xi32, #tpu.memory_space<hbm>> -> memref<200x128xi32, #tpu.memory_space<hbm>>
      %dma_start3A_393 = arith.constant 0 : i32
      %dma_start3A_394 = tpu.memref_slice %arg2[%dma_start3A_393, %mul3A_2] : memref<200x4096xi32, #tpu.memory_space<hbm>> -> memref<200x128xi32, #tpu.memory_space<hbm>>
      tpu.enqueue_dma source(%dma_start3A_394 : memref<200x128xi32, #tpu.memory_space<hbm>>) target(%arg5 : memref<200x128xi32, #tpu.memory_space<vmem>>) target_semaphore(%run_scoped3A : memref<!tpu.dma_semaphore, #tpu.memory_space<semaphore_mem>>)
      %dma_wait3A_395 = arith.constant 0 : i32
      %dma_wait3A_396 = tpu.memref_slice %arg2[%dma_wait3A_395, %mul3A_2] : memref<200x4096xi32, #tpu.memory_space<hbm>> -> memref<200x128xi32, #tpu.memory_space<hbm>>
      %dma_wait3A_397 = arith.constant 0 : i32
      %dma_wait3A_398 = tpu.memref_slice %arg2[%dma_wait3A_397, %mul3A_2] : memref<200x4096xi32, #tpu.memory_space<hbm>> -> memref<200x128xi32, #tpu.memory_space<hbm>>
      tpu.wait_dma2 semaphore(%run_scoped3A : memref<!tpu.dma_semaphore, #tpu.memory_space<semaphore_mem>>) src(%dma_wait3A_398 : memref<200x128xi32, #tpu.memory_space<hbm>>) dst(%arg5 : memref<200x128xi32, #tpu.memory_space<vmem>>)
      tpu.yield
    }) : () -> ()
    %iota3A = tpu.iota {dimensions = array<i32: 0>} : vector<16xi32>
    %add3A_3 = arith.constant 0 : i32
    %add3A_4 = vector.broadcast %add3A_3 : i32 to vector<16xi32>
    %add3A_5 = arith.addi %iota3A, %add3A_4 : vector<16xi32>
    %jit3A = arith.constant 8 : i32
    %div3A = vector.broadcast %jit3A : i32 to vector<16xi32>
    %div3A_6 = arith.divsi %add3A_5, %div3A : vector<16xi32>
    %sign3A = arith.constant 0 : i32
    %sign3A_7 = vector.broadcast %sign3A : i32 to vector<16xi32>
    %sign3A_8 = arith.cmpi sgt, %add3A_5, %sign3A_7 : vector<16xi32>
    %sign3A_9 = arith.extui %sign3A_8 : vector<16xi1> to vector<16xi32>
    %sign3A_10 = arith.constant 0 : i32
    %sign3A_11 = vector.broadcast %sign3A_10 : i32 to vector<16xi32>
    %sign3A_12 = arith.cmpi slt, %add3A_5, %sign3A_11 : vector<16xi32>
    %sign3A_13 = arith.extui %sign3A_12 : vector<16xi1> to vector<16xi32>
    %sign3A_14 = arith.subi %sign3A_9, %sign3A_13 : vector<16xi32>
    %sign3A_15 = arith.constant 0 : i32
    %sign3A_16 = arith.cmpi sgt, %jit3A, %sign3A_15 : i32
    %sign3A_17 = arith.extui %sign3A_16 : i1 to i32
    %sign3A_18 = arith.constant 0 : i32
    %sign3A_19 = arith.cmpi slt, %jit3A, %sign3A_18 : i32
    %sign3A_20 = arith.extui %sign3A_19 : i1 to i32
    %sign3A_21 = arith.subi %sign3A_17, %sign3A_20 : i32
    %ne3A = vector.broadcast %sign3A_21 : i32 to vector<16xi32>
    %ne3A_22 = arith.cmpi ne, %sign3A_14, %ne3A : vector<16xi32>
    %rem3A = vector.broadcast %jit3A : i32 to vector<16xi32>
    %rem3A_23 = arith.remsi %add3A_5, %rem3A : vector<16xi32>
    %ne3A_24 = arith.constant 0 : i32
    %ne3A_25 = vector.broadcast %ne3A_24 : i32 to vector<16xi32>
    %ne3A_26 = arith.cmpi ne, %rem3A_23, %ne3A_25 : vector<16xi32>
    %and3A = arith.andi %ne3A_22, %ne3A_26 : vector<16xi1>
    %sub3A = arith.constant 1 : i32
    %sub3A_27 = vector.broadcast %sub3A : i32 to vector<16xi32>
    %sub3A_28 = arith.subi %div3A_6, %sub3A_27 : vector<16xi32>
    %select_n3A = arith.select %and3A, %sub3A_28, %div3A_6 : vector<16xi1>, vector<16xi32>
    %add3A_29 = arith.constant 16 : i32
    %add3A_30 = vector.broadcast %add3A_29 : i32 to vector<16xi32>
    %add3A_31 = arith.addi %iota3A, %add3A_30 : vector<16xi32>
    %jit3A_32 = arith.constant 8 : i32
    %div3A_33 = vector.broadcast %jit3A_32 : i32 to vector<16xi32>
    %div3A_34 = arith.divsi %add3A_31, %div3A_33 : vector<16xi32>
    %sign3A_35 = arith.constant 0 : i32
    %sign3A_36 = vector.broadcast %sign3A_35 : i32 to vector<16xi32>
    %sign3A_37 = arith.cmpi sgt, %add3A_31, %sign3A_36 : vector<16xi32>
    %sign3A_38 = arith.extui %sign3A_37 : vector<16xi1> to vector<16xi32>
    %sign3A_39 = arith.constant 0 : i32
    %sign3A_40 = vector.broadcast %sign3A_39 : i32 to vector<16xi32>
    %sign3A_41 = arith.cmpi slt, %add3A_31, %sign3A_40 : vector<16xi32>
    %sign3A_42 = arith.extui %sign3A_41 : vector<16xi1> to vector<16xi32>
    %sign3A_43 = arith.subi %sign3A_38, %sign3A_42 : vector<16xi32>
    %sign3A_44 = arith.constant 0 : i32
    %sign3A_45 = arith.cmpi sgt, %jit3A_32, %sign3A_44 : i32
    %sign3A_46 = arith.extui %sign3A_45 : i1 to i32
    %sign3A_47 = arith.constant 0 : i32
    %sign3A_48 = arith.cmpi slt, %jit3A_32, %sign3A_47 : i32
    %sign3A_49 = arith.extui %sign3A_48 : i1 to i32
    %sign3A_50 = arith.subi %sign3A_46, %sign3A_49 : i32
    %ne3A_51 = vector.broadcast %sign3A_50 : i32 to vector<16xi32>
    %ne3A_52 = arith.cmpi ne, %sign3A_43, %ne3A_51 : vector<16xi32>
    %rem3A_53 = vector.broadcast %jit3A_32 : i32 to vector<16xi32>
    %rem3A_54 = arith.remsi %add3A_31, %rem3A_53 : vector<16xi32>
    %ne3A_55 = arith.constant 0 : i32
    %ne3A_56 = vector.broadcast %ne3A_55 : i32 to vector<16xi32>
    %ne3A_57 = arith.cmpi ne, %rem3A_54, %ne3A_56 : vector<16xi32>
    %and3A_58 = arith.andi %ne3A_52, %ne3A_57 : vector<16xi1>
    %sub3A_59 = arith.constant 1 : i32
    %sub3A_60 = vector.broadcast %sub3A_59 : i32 to vector<16xi32>
    %sub3A_61 = arith.subi %div3A_34, %sub3A_60 : vector<16xi32>
    %select_n3A_62 = arith.select %and3A_58, %sub3A_61, %div3A_34 : vector<16xi1>, vector<16xi32>
    %add3A_63 = arith.constant 32 : i32
    %add3A_64 = vector.broadcast %add3A_63 : i32 to vector<16xi32>
    %add3A_65 = arith.addi %iota3A, %add3A_64 : vector<16xi32>
    %jit3A_66 = arith.constant 8 : i32
    %div3A_67 = vector.broadcast %jit3A_66 : i32 to vector<16xi32>
    %div3A_68 = arith.divsi %add3A_65, %div3A_67 : vector<16xi32>
    %sign3A_69 = arith.constant 0 : i32
    %sign3A_70 = vector.broadcast %sign3A_69 : i32 to vector<16xi32>
    %sign3A_71 = arith.cmpi sgt, %add3A_65, %sign3A_70 : vector<16xi32>
    %sign3A_72 = arith.extui %sign3A_71 : vector<16xi1> to vector<16xi32>
    %sign3A_73 = arith.constant 0 : i32
    %sign3A_74 = vector.broadcast %sign3A_73 : i32 to vector<16xi32>
    %sign3A_75 = arith.cmpi slt, %add3A_65, %sign3A_74 : vector<16xi32>
    %sign3A_76 = arith.extui %sign3A_75 : vector<16xi1> to vector<16xi32>
    %sign3A_77 = arith.subi %sign3A_72, %sign3A_76 : vector<16xi32>
    %sign3A_78 = arith.constant 0 : i32
    %sign3A_79 = arith.cmpi sgt, %jit3A_66, %sign3A_78 : i32
    %sign3A_80 = arith.extui %sign3A_79 : i1 to i32
    %sign3A_81 = arith.constant 0 : i32
    %sign3A_82 = arith.cmpi slt, %jit3A_66, %sign3A_81 : i32
    %sign3A_83 = arith.extui %sign3A_82 : i1 to i32
    %sign3A_84 = arith.subi %sign3A_80, %sign3A_83 : i32
    %ne3A_85 = vector.broadcast %sign3A_84 : i32 to vector<16xi32>
    %ne3A_86 = arith.cmpi ne, %sign3A_77, %ne3A_85 : vector<16xi32>
    %rem3A_87 = vector.broadcast %jit3A_66 : i32 to vector<16xi32>
    %rem3A_88 = arith.remsi %add3A_65, %rem3A_87 : vector<16xi32>
    %ne3A_89 = arith.constant 0 : i32
    %ne3A_90 = vector.broadcast %ne3A_89 : i32 to vector<16xi32>
    %ne3A_91 = arith.cmpi ne, %rem3A_88, %ne3A_90 : vector<16xi32>
    %and3A_92 = arith.andi %ne3A_86, %ne3A_91 : vector<16xi1>
    %sub3A_93 = arith.constant 1 : i32
    %sub3A_94 = vector.broadcast %sub3A_93 : i32 to vector<16xi32>
    %sub3A_95 = arith.subi %div3A_68, %sub3A_94 : vector<16xi32>
    %select_n3A_96 = arith.select %and3A_92, %sub3A_95, %div3A_68 : vector<16xi1>, vector<16xi32>
    %add3A_97 = arith.constant 48 : i32
    %add3A_98 = vector.broadcast %add3A_97 : i32 to vector<16xi32>
    %add3A_99 = arith.addi %iota3A, %add3A_98 : vector<16xi32>
    %jit3A_100 = arith.constant 8 : i32
    %div3A_101 = vector.broadcast %jit3A_100 : i32 to vector<16xi32>
    %div3A_102 = arith.divsi %add3A_99, %div3A_101 : vector<16xi32>
    %sign3A_103 = arith.constant 0 : i32
    %sign3A_104 = vector.broadcast %sign3A_103 : i32 to vector<16xi32>
    %sign3A_105 = arith.cmpi sgt, %add3A_99, %sign3A_104 : vector<16xi32>
    %sign3A_106 = arith.extui %sign3A_105 : vector<16xi1> to vector<16xi32>
    %sign3A_107 = arith.constant 0 : i32
    %sign3A_108 = vector.broadcast %sign3A_107 : i32 to vector<16xi32>
    %sign3A_109 = arith.cmpi slt, %add3A_99, %sign3A_108 : vector<16xi32>
    %sign3A_110 = arith.extui %sign3A_109 : vector<16xi1> to vector<16xi32>
    %sign3A_111 = arith.subi %sign3A_106, %sign3A_110 : vector<16xi32>
    %sign3A_112 = arith.constant 0 : i32
    %sign3A_113 = arith.cmpi sgt, %jit3A_100, %sign3A_112 : i32
    %sign3A_114 = arith.extui %sign3A_113 : i1 to i32
    %sign3A_115 = arith.constant 0 : i32
    %sign3A_116 = arith.cmpi slt, %jit3A_100, %sign3A_115 : i32
    %sign3A_117 = arith.extui %sign3A_116 : i1 to i32
    %sign3A_118 = arith.subi %sign3A_114, %sign3A_117 : i32
    %ne3A_119 = vector.broadcast %sign3A_118 : i32 to vector<16xi32>
    %ne3A_120 = arith.cmpi ne, %sign3A_111, %ne3A_119 : vector<16xi32>
    %rem3A_121 = vector.broadcast %jit3A_100 : i32 to vector<16xi32>
    %rem3A_122 = arith.remsi %add3A_99, %rem3A_121 : vector<16xi32>
    %ne3A_123 = arith.constant 0 : i32
    %ne3A_124 = vector.broadcast %ne3A_123 : i32 to vector<16xi32>
    %ne3A_125 = arith.cmpi ne, %rem3A_122, %ne3A_124 : vector<16xi32>
    %and3A_126 = arith.andi %ne3A_120, %ne3A_125 : vector<16xi1>
    %sub3A_127 = arith.constant 1 : i32
    %sub3A_128 = vector.broadcast %sub3A_127 : i32 to vector<16xi32>
    %sub3A_129 = arith.subi %div3A_102, %sub3A_128 : vector<16xi32>
    %select_n3A_130 = arith.select %and3A_126, %sub3A_129, %div3A_102 : vector<16xi1>, vector<16xi32>
    %add3A_131 = arith.constant 0 : i32
    %add3A_132 = vector.broadcast %add3A_131 : i32 to vector<16xi32>
    %add3A_133 = arith.addi %iota3A, %add3A_132 : vector<16xi32>
    %jit3A_134 = arith.constant 8 : i32
    %eq3A = arith.constant 0 : i32
    %eq3A_135 = arith.cmpi eq, %jit3A_134, %eq3A : i32
    %jit3A_136 = arith.constant 1 : i32
    %select_n3A_137 = arith.select %eq3A_135, %jit3A_136, %jit3A_134 : i32
    %rem3A_138 = vector.broadcast %select_n3A_137 : i32 to vector<16xi32>
    %rem3A_139 = arith.remsi %add3A_133, %rem3A_138 : vector<16xi32>
    %ne3A_140 = arith.constant 0 : i32
    %ne3A_141 = vector.broadcast %ne3A_140 : i32 to vector<16xi32>
    %ne3A_142 = arith.cmpi ne, %rem3A_139, %ne3A_141 : vector<16xi32>
    %lt3A = arith.constant 0 : i32
    %lt3A_143 = vector.broadcast %lt3A : i32 to vector<16xi32>
    %lt3A_144 = arith.cmpi slt, %rem3A_139, %lt3A_143 : vector<16xi32>
    %lt3A_145 = arith.constant 0 : i32
    %lt3A_146 = arith.cmpi slt, %select_n3A_137, %lt3A_145 : i32
    %ne3A_147 = vector.broadcast %lt3A_146 : i1 to vector<16xi1>
    %ne3A_148 = vector.broadcast %ne3A_147 : vector<16xi1> to vector<16xi1>
    %ne3A_149 = arith.xori %lt3A_144, %ne3A_148 : vector<16xi1>
    %and3A_150 = arith.andi %ne3A_149, %ne3A_142 : vector<16xi1>
    %add3A_151 = vector.broadcast %select_n3A_137 : i32 to vector<16xi32>
    %add3A_152 = arith.addi %rem3A_139, %add3A_151 : vector<16xi32>
    %select_n3A_153 = arith.select %and3A_150, %add3A_152, %rem3A_139 : vector<16xi1>, vector<16xi32>
    %add3A_154 = arith.constant 16 : i32
    %add3A_155 = vector.broadcast %add3A_154 : i32 to vector<16xi32>
    %add3A_156 = arith.addi %iota3A, %add3A_155 : vector<16xi32>
    %jit3A_157 = arith.constant 8 : i32
    %eq3A_158 = arith.constant 0 : i32
    %eq3A_159 = arith.cmpi eq, %jit3A_157, %eq3A_158 : i32
    %jit3A_160 = arith.constant 1 : i32
    %select_n3A_161 = arith.select %eq3A_159, %jit3A_160, %jit3A_157 : i32
    %rem3A_162 = vector.broadcast %select_n3A_161 : i32 to vector<16xi32>
    %rem3A_163 = arith.remsi %add3A_156, %rem3A_162 : vector<16xi32>
    %ne3A_164 = arith.constant 0 : i32
    %ne3A_165 = vector.broadcast %ne3A_164 : i32 to vector<16xi32>
    %ne3A_166 = arith.cmpi ne, %rem3A_163, %ne3A_165 : vector<16xi32>
    %lt3A_167 = arith.constant 0 : i32
    %lt3A_168 = vector.broadcast %lt3A_167 : i32 to vector<16xi32>
    %lt3A_169 = arith.cmpi slt, %rem3A_163, %lt3A_168 : vector<16xi32>
    %lt3A_170 = arith.constant 0 : i32
    %lt3A_171 = arith.cmpi slt, %select_n3A_161, %lt3A_170 : i32
    %ne3A_172 = vector.broadcast %lt3A_171 : i1 to vector<16xi1>
    %ne3A_173 = vector.broadcast %ne3A_172 : vector<16xi1> to vector<16xi1>
    %ne3A_174 = arith.xori %lt3A_169, %ne3A_173 : vector<16xi1>
    %and3A_175 = arith.andi %ne3A_174, %ne3A_166 : vector<16xi1>
    %add3A_176 = vector.broadcast %select_n3A_161 : i32 to vector<16xi32>
    %add3A_177 = arith.addi %rem3A_163, %add3A_176 : vector<16xi32>
    %select_n3A_178 = arith.select %and3A_175, %add3A_177, %rem3A_163 : vector<16xi1>, vector<16xi32>
    %add3A_179 = arith.constant 32 : i32
    %add3A_180 = vector.broadcast %add3A_179 : i32 to vector<16xi32>
    %add3A_181 = arith.addi %iota3A, %add3A_180 : vector<16xi32>
    %jit3A_182 = arith.constant 8 : i32
    %eq3A_183 = arith.constant 0 : i32
    %eq3A_184 = arith.cmpi eq, %jit3A_182, %eq3A_183 : i32
    %jit3A_185 = arith.constant 1 : i32
    %select_n3A_186 = arith.select %eq3A_184, %jit3A_185, %jit3A_182 : i32
    %rem3A_187 = vector.broadcast %select_n3A_186 : i32 to vector<16xi32>
    %rem3A_188 = arith.remsi %add3A_181, %rem3A_187 : vector<16xi32>
    %ne3A_189 = arith.constant 0 : i32
    %ne3A_190 = vector.broadcast %ne3A_189 : i32 to vector<16xi32>
    %ne3A_191 = arith.cmpi ne, %rem3A_188, %ne3A_190 : vector<16xi32>
    %lt3A_192 = arith.constant 0 : i32
    %lt3A_193 = vector.broadcast %lt3A_192 : i32 to vector<16xi32>
    %lt3A_194 = arith.cmpi slt, %rem3A_188, %lt3A_193 : vector<16xi32>
    %lt3A_195 = arith.constant 0 : i32
    %lt3A_196 = arith.cmpi slt, %select_n3A_186, %lt3A_195 : i32
    %ne3A_197 = vector.broadcast %lt3A_196 : i1 to vector<16xi1>
    %ne3A_198 = vector.broadcast %ne3A_197 : vector<16xi1> to vector<16xi1>
    %ne3A_199 = arith.xori %lt3A_194, %ne3A_198 : vector<16xi1>
    %and3A_200 = arith.andi %ne3A_199, %ne3A_191 : vector<16xi1>
    %add3A_201 = vector.broadcast %select_n3A_186 : i32 to vector<16xi32>
    %add3A_202 = arith.addi %rem3A_188, %add3A_201 : vector<16xi32>
    %select_n3A_203 = arith.select %and3A_200, %add3A_202, %rem3A_188 : vector<16xi1>, vector<16xi32>
    %add3A_204 = arith.constant 48 : i32
    %add3A_205 = vector.broadcast %add3A_204 : i32 to vector<16xi32>
    %add3A_206 = arith.addi %iota3A, %add3A_205 : vector<16xi32>
    %jit3A_207 = arith.constant 8 : i32
    %eq3A_208 = arith.constant 0 : i32
    %eq3A_209 = arith.cmpi eq, %jit3A_207, %eq3A_208 : i32
    %jit3A_210 = arith.constant 1 : i32
    %select_n3A_211 = arith.select %eq3A_209, %jit3A_210, %jit3A_207 : i32
    %rem3A_212 = vector.broadcast %select_n3A_211 : i32 to vector<16xi32>
    %rem3A_213 = arith.remsi %add3A_206, %rem3A_212 : vector<16xi32>
    %ne3A_214 = arith.constant 0 : i32
    %ne3A_215 = vector.broadcast %ne3A_214 : i32 to vector<16xi32>
    %ne3A_216 = arith.cmpi ne, %rem3A_213, %ne3A_215 : vector<16xi32>
    %lt3A_217 = arith.constant 0 : i32
    %lt3A_218 = vector.broadcast %lt3A_217 : i32 to vector<16xi32>
    %lt3A_219 = arith.cmpi slt, %rem3A_213, %lt3A_218 : vector<16xi32>
    %lt3A_220 = arith.constant 0 : i32
    %lt3A_221 = arith.cmpi slt, %select_n3A_211, %lt3A_220 : i32
    %ne3A_222 = vector.broadcast %lt3A_221 : i1 to vector<16xi1>
    %ne3A_223 = vector.broadcast %ne3A_222 : vector<16xi1> to vector<16xi1>
    %ne3A_224 = arith.xori %lt3A_219, %ne3A_223 : vector<16xi1>
    %and3A_225 = arith.andi %ne3A_224, %ne3A_216 : vector<16xi1>
    %add3A_226 = vector.broadcast %select_n3A_211 : i32 to vector<16xi32>
    %add3A_227 = arith.addi %rem3A_213, %add3A_226 : vector<16xi32>
    %select_n3A_228 = arith.select %and3A_225, %add3A_227, %rem3A_213 : vector<16xi1>, vector<16xi32>
    %dma_start3A = arith.constant 0 : i32
    %dma_start3A_229 = arith.constant 0 : i32
    %dma_start3A_230 = arith.constant 0 : i32
    %dma_start3A_231 = arith.constant 0 : i32
    %dma_start3A_232 = arith.constant 0 : i32
    %dma_start3A_233 = tpu.memref_slice %arg6[%dma_start3A_229, %dma_start3A_231, %dma_start3A_232] : memref<4x128x64xf32, #tpu.memory_space<vmem>> -> memref<1x128x64xf32, #tpu.memory_space<vmem>>
    %dma_start3A_234 = tpu.memref_squeeze %dma_start3A_233 : memref<1x128x64xf32, #tpu.memory_space<vmem>> -> memref<128x64xf32, #tpu.memory_space<vmem>>
    %dma_start3A_235 = arith.constant 0 : i32
    %dma_start3A_236 = tpu.memref_slice %arg5[%dma_start3A, %dma_start3A_235] : memref<200x128xi32, #tpu.memory_space<vmem>> -> memref<1x128xi32, #tpu.memory_space<vmem>>
    %dma_start3A_237 = tpu.memref_squeeze %dma_start3A_236 : memref<1x128xi32, #tpu.memory_space<vmem>> -> memref<128xi32, #tpu.memory_space<vmem>>
    %dma_start3A_238 = arith.constant 0 : i32
    %dma_start3A_239 = arith.constant 0 : i32
    %dma_start3A_240 = tpu.memref_slice %arg3[%dma_start3A_238, %dma_start3A_239] : memref<1000000x64xf32, #tpu.memory_space<hbm>> -> memref<1000000x64xf32, #tpu.memory_space<hbm>>
    %dma_start3A_241 = tpu.memref_slice %arg8[%dma_start3A_230] : memref<4x!tpu.dma_semaphore, #tpu.memory_space<semaphore_mem>> -> memref<1x!tpu.dma_semaphore, #tpu.memory_space<semaphore_mem>>
    %dma_start3A_242 = tpu.memref_squeeze %dma_start3A_241 : memref<1x!tpu.dma_semaphore, #tpu.memory_space<semaphore_mem>> -> memref<!tpu.dma_semaphore, #tpu.memory_space<semaphore_mem>>
    tpu.enqueue_indirect_dma source(%dma_start3A_240 : memref<1000000x64xf32, #tpu.memory_space<hbm>>) target(%dma_start3A_234 : memref<128x64xf32, #tpu.memory_space<vmem>>) offsets(%dma_start3A_237 : memref<128xi32, #tpu.memory_space<vmem>>) semaphore(%dma_start3A_242 : memref<!tpu.dma_semaphore, #tpu.memory_space<semaphore_mem>>)
    %dma_start3A_243 = arith.constant 1 : i32
    %dma_start3A_244 = arith.constant 1 : i32
    %dma_start3A_245 = arith.constant 1 : i32
    %dma_start3A_246 = arith.constant 0 : i32
    %dma_start3A_247 = arith.constant 0 : i32
    %dma_start3A_248 = tpu.memref_slice %arg6[%dma_start3A_244, %dma_start3A_246, %dma_start3A_247] : memref<4x128x64xf32, #tpu.memory_space<vmem>> -> memref<1x128x64xf32, #tpu.memory_space<vmem>>
    %dma_start3A_249 = tpu.memref_squeeze %dma_start3A_248 : memref<1x128x64xf32, #tpu.memory_space<vmem>> -> memref<128x64xf32, #tpu.memory_space<vmem>>
    %dma_start3A_250 = arith.constant 0 : i32
    %dma_start3A_251 = tpu.memref_slice %arg5[%dma_start3A_243, %dma_start3A_250] : memref<200x128xi32, #tpu.memory_space<vmem>> -> memref<1x128xi32, #tpu.memory_space<vmem>>
    %dma_start3A_252 = tpu.memref_squeeze %dma_start3A_251 : memref<1x128xi32, #tpu.memory_space<vmem>> -> memref<128xi32, #tpu.memory_space<vmem>>
    %dma_start3A_253 = arith.constant 0 : i32
    %dma_start3A_254 = arith.constant 0 : i32
    %dma_start3A_255 = tpu.memref_slice %arg3[%dma_start3A_253, %dma_start3A_254] : memref<1000000x64xf32, #tpu.memory_space<hbm>> -> memref<1000000x64xf32, #tpu.memory_space<hbm>>
    %dma_start3A_256 = tpu.memref_slice %arg8[%dma_start3A_245] : memref<4x!tpu.dma_semaphore, #tpu.memory_space<semaphore_mem>> -> memref<1x!tpu.dma_semaphore, #tpu.memory_space<semaphore_mem>>
    %dma_start3A_257 = tpu.memref_squeeze %dma_start3A_256 : memref<1x!tpu.dma_semaphore, #tpu.memory_space<semaphore_mem>> -> memref<!tpu.dma_semaphore, #tpu.memory_space<semaphore_mem>>
    tpu.enqueue_indirect_dma source(%dma_start3A_255 : memref<1000000x64xf32, #tpu.memory_space<hbm>>) target(%dma_start3A_249 : memref<128x64xf32, #tpu.memory_space<vmem>>) offsets(%dma_start3A_252 : memref<128xi32, #tpu.memory_space<vmem>>) semaphore(%dma_start3A_257 : memref<!tpu.dma_semaphore, #tpu.memory_space<semaphore_mem>>)
    %dma_start3A_258 = arith.constant 2 : i32
    %dma_start3A_259 = arith.constant 2 : i32
    %dma_start3A_260 = arith.constant 2 : i32
    %dma_start3A_261 = arith.constant 0 : i32
    %dma_start3A_262 = arith.constant 0 : i32
    %dma_start3A_263 = tpu.memref_slice %arg6[%dma_start3A_259, %dma_start3A_261, %dma_start3A_262] : memref<4x128x64xf32, #tpu.memory_space<vmem>> -> memref<1x128x64xf32, #tpu.memory_space<vmem>>
    %dma_start3A_264 = tpu.memref_squeeze %dma_start3A_263 : memref<1x128x64xf32, #tpu.memory_space<vmem>> -> memref<128x64xf32, #tpu.memory_space<vmem>>
    %dma_start3A_265 = arith.constant 0 : i32
    %dma_start3A_266 = tpu.memref_slice %arg5[%dma_start3A_258, %dma_start3A_265] : memref<200x128xi32, #tpu.memory_space<vmem>> -> memref<1x128xi32, #tpu.memory_space<vmem>>
    %dma_start3A_267 = tpu.memref_squeeze %dma_start3A_266 : memref<1x128xi32, #tpu.memory_space<vmem>> -> memref<128xi32, #tpu.memory_space<vmem>>
    %dma_start3A_268 = arith.constant 0 : i32
    %dma_start3A_269 = arith.constant 0 : i32
    %dma_start3A_270 = tpu.memref_slice %arg3[%dma_start3A_268, %dma_start3A_269] : memref<1000000x64xf32, #tpu.memory_space<hbm>> -> memref<1000000x64xf32, #tpu.memory_space<hbm>>
    %dma_start3A_271 = tpu.memref_slice %arg8[%dma_start3A_260] : memref<4x!tpu.dma_semaphore, #tpu.memory_space<semaphore_mem>> -> memref<1x!tpu.dma_semaphore, #tpu.memory_space<semaphore_mem>>
    %dma_start3A_272 = tpu.memref_squeeze %dma_start3A_271 : memref<1x!tpu.dma_semaphore, #tpu.memory_space<semaphore_mem>> -> memref<!tpu.dma_semaphore, #tpu.memory_space<semaphore_mem>>
    tpu.enqueue_indirect_dma source(%dma_start3A_270 : memref<1000000x64xf32, #tpu.memory_space<hbm>>) target(%dma_start3A_264 : memref<128x64xf32, #tpu.memory_space<vmem>>) offsets(%dma_start3A_267 : memref<128xi32, #tpu.memory_space<vmem>>) semaphore(%dma_start3A_272 : memref<!tpu.dma_semaphore, #tpu.memory_space<semaphore_mem>>)
    %dma_start3A_273 = arith.constant 3 : i32
    %dma_start3A_274 = arith.constant 3 : i32
    %dma_start3A_275 = arith.constant 3 : i32
    %dma_start3A_276 = arith.constant 0 : i32
    %dma_start3A_277 = arith.constant 0 : i32
    %dma_start3A_278 = tpu.memref_slice %arg6[%dma_start3A_274, %dma_start3A_276, %dma_start3A_277] : memref<4x128x64xf32, #tpu.memory_space<vmem>> -> memref<1x128x64xf32, #tpu.memory_space<vmem>>
    %dma_start3A_279 = tpu.memref_squeeze %dma_start3A_278 : memref<1x128x64xf32, #tpu.memory_space<vmem>> -> memref<128x64xf32, #tpu.memory_space<vmem>>
    %dma_start3A_280 = arith.constant 0 : i32
    %dma_start3A_281 = tpu.memref_slice %arg5[%dma_start3A_273, %dma_start3A_280] : memref<200x128xi32, #tpu.memory_space<vmem>> -> memref<1x128xi32, #tpu.memory_space<vmem>>
    %dma_start3A_282 = tpu.memref_squeeze %dma_start3A_281 : memref<1x128xi32, #tpu.memory_space<vmem>> -> memref<128xi32, #tpu.memory_space<vmem>>
    %dma_start3A_283 = arith.constant 0 : i32
    %dma_start3A_284 = arith.constant 0 : i32
    %dma_start3A_285 = tpu.memref_slice %arg3[%dma_start3A_283, %dma_start3A_284] : memref<1000000x64xf32, #tpu.memory_space<hbm>> -> memref<1000000x64xf32, #tpu.memory_space<hbm>>
    %dma_start3A_286 = tpu.memref_slice %arg8[%dma_start3A_275] : memref<4x!tpu.dma_semaphore, #tpu.memory_space<semaphore_mem>> -> memref<1x!tpu.dma_semaphore, #tpu.memory_space<semaphore_mem>>
    %dma_start3A_287 = tpu.memref_squeeze %dma_start3A_286 : memref<1x!tpu.dma_semaphore, #tpu.memory_space<semaphore_mem>> -> memref<!tpu.dma_semaphore, #tpu.memory_space<semaphore_mem>>
    tpu.enqueue_indirect_dma source(%dma_start3A_285 : memref<1000000x64xf32, #tpu.memory_space<hbm>>) target(%dma_start3A_279 : memref<128x64xf32, #tpu.memory_space<vmem>>) offsets(%dma_start3A_282 : memref<128xi32, #tpu.memory_space<vmem>>) semaphore(%dma_start3A_287 : memref<!tpu.dma_semaphore, #tpu.memory_space<semaphore_mem>>)
    %scan3A = arith.constant 0 : i32
    %scan3A_288 = arith.constant 200 : i32
    %scan3A_289 = arith.addi %scan3A, %scan3A_288 : i32
    %scan3A_290 = arith.constant 1 : i32
    scf.for %scan3A_391 = %scan3A to %scan3A_289 step %scan3A_290  : i32 {
      %rem3A_392 = arith.constant 4 : i32
      %rem3A_393 = arith.remsi %scan3A_391, %rem3A_392 : i32
      %ge3A = arith.constant 4 : i32
      %ge3A_394 = arith.cmpi sge, %scan3A_391, %ge3A : i32
      %convert_element_type3A = arith.extui %ge3A_394 : i1 to i32
      %cond3A = arith.constant 0 : i32
      %cond3A_395 = arith.cmpi ne, %convert_element_type3A, %cond3A : i32
      scf.if %cond3A_395 {
        %dma_wait3A_439 = arith.constant 0 : i32
        %dma_wait3A_440 = arith.constant 0 : i32
        %dma_wait3A_441 = arith.constant 0 : i32
        %dma_wait3A_442 = arith.constant 0 : i32
        %dma_wait3A_443 = tpu.memref_slice %arg7[%rem3A_393, %dma_wait3A_440, %dma_wait3A_441, %dma_wait3A_442] : memref<4x8x8x129xf32, #tpu.memory_space<vmem>> -> memref<1x8x8x128xf32, #tpu.memory_space<vmem>>
        %dma_wait3A_444 = tpu.memref_squeeze %dma_wait3A_443 : memref<1x8x8x128xf32, #tpu.memory_space<vmem>> -> memref<8x8x128xf32, #tpu.memory_space<vmem>>
        %dma_wait3A_445 = arith.constant 0 : i32
        %dma_wait3A_446 = arith.constant 0 : i32
        %dma_wait3A_447 = arith.constant 0 : i32
        %dma_wait3A_448 = tpu.memref_slice %arg4[%dma_wait3A_439, %dma_wait3A_445, %add3A, %dma_wait3A_446, %dma_wait3A_447] : memref<200x8x32x8x128xf32, #tpu.memory_space<hbm>> -> memref<1x8x1x8x128xf32, #tpu.memory_space<hbm>>
        %dma_wait3A_449 = tpu.memref_squeeze %dma_wait3A_448 : memref<1x8x1x8x128xf32, #tpu.memory_space<hbm>> -> memref<8x8x128xf32, #tpu.memory_space<hbm>>
        %dma_wait3A_450 = tpu.memref_slice %arg9[%rem3A_393] : memref<4x!tpu.dma_semaphore, #tpu.memory_space<semaphore_mem>> -> memref<1x!tpu.dma_semaphore, #tpu.memory_space<semaphore_mem>>
        %dma_wait3A_451 = tpu.memref_squeeze %dma_wait3A_450 : memref<1x!tpu.dma_semaphore, #tpu.memory_space<semaphore_mem>> -> memref<!tpu.dma_semaphore, #tpu.memory_space<semaphore_mem>>
        %dma_wait3A_452 = arith.constant 0 : i32
        %dma_wait3A_453 = arith.constant 0 : i32
        %dma_wait3A_454 = arith.constant 0 : i32
        %dma_wait3A_455 = tpu.memref_slice %arg4[%dma_wait3A_439, %dma_wait3A_452, %add3A, %dma_wait3A_453, %dma_wait3A_454] : memref<200x8x32x8x128xf32, #tpu.memory_space<hbm>> -> memref<1x8x1x8x128xf32, #tpu.memory_space<hbm>>
        %dma_wait3A_456 = tpu.memref_squeeze %dma_wait3A_455 : memref<1x8x1x8x128xf32, #tpu.memory_space<hbm>> -> memref<8x8x128xf32, #tpu.memory_space<hbm>>
        %dma_wait3A_457 = arith.constant 0 : i32
        %dma_wait3A_458 = arith.constant 0 : i32
        %dma_wait3A_459 = arith.constant 0 : i32
        %dma_wait3A_460 = tpu.memref_slice %arg7[%rem3A_393, %dma_wait3A_457, %dma_wait3A_458, %dma_wait3A_459] : memref<4x8x8x129xf32, #tpu.memory_space<vmem>> -> memref<1x8x8x128xf32, #tpu.memory_space<vmem>>
        %dma_wait3A_461 = tpu.memref_squeeze %dma_wait3A_460 : memref<1x8x8x128xf32, #tpu.memory_space<vmem>> -> memref<8x8x128xf32, #tpu.memory_space<vmem>>
        tpu.wait_dma2 semaphore(%dma_wait3A_451 : memref<!tpu.dma_semaphore, #tpu.memory_space<semaphore_mem>>) src(%dma_wait3A_461 : memref<8x8x128xf32, #tpu.memory_space<vmem>>) dst(%dma_wait3A_456 : memref<8x8x128xf32, #tpu.memory_space<hbm>>)
      } else {
      }
      %dma_wait3A_396 = arith.constant 0 : i32
      %dma_wait3A_397 = arith.constant 0 : i32
      %dma_wait3A_398 = tpu.memref_slice %arg6[%rem3A_393, %dma_wait3A_396, %dma_wait3A_397] : memref<4x128x64xf32, #tpu.memory_space<vmem>> -> memref<1x128x64xf32, #tpu.memory_space<vmem>>
      %dma_wait3A_399 = tpu.memref_squeeze %dma_wait3A_398 : memref<1x128x64xf32, #tpu.memory_space<vmem>> -> memref<128x64xf32, #tpu.memory_space<vmem>>
      %dma_wait3A_400 = arith.constant 0 : i32
      %dma_wait3A_401 = tpu.memref_slice %arg5[%scan3A_391, %dma_wait3A_400] : memref<200x128xi32, #tpu.memory_space<vmem>> -> memref<1x128xi32, #tpu.memory_space<vmem>>
      %dma_wait3A_402 = tpu.memref_squeeze %dma_wait3A_401 : memref<1x128xi32, #tpu.memory_space<vmem>> -> memref<128xi32, #tpu.memory_space<vmem>>
      %dma_wait3A_403 = arith.constant 0 : i32
      %dma_wait3A_404 = arith.constant 0 : i32
      %dma_wait3A_405 = tpu.memref_slice %arg3[%dma_wait3A_403, %dma_wait3A_404] : memref<1000000x64xf32, #tpu.memory_space<hbm>> -> memref<1000000x64xf32, #tpu.memory_space<hbm>>
      %dma_wait3A_406 = tpu.memref_slice %arg8[%rem3A_393] : memref<4x!tpu.dma_semaphore, #tpu.memory_space<semaphore_mem>> -> memref<1x!tpu.dma_semaphore, #tpu.memory_space<semaphore_mem>>
      %dma_wait3A_407 = tpu.memref_squeeze %dma_wait3A_406 : memref<1x!tpu.dma_semaphore, #tpu.memory_space<semaphore_mem>> -> memref<!tpu.dma_semaphore, #tpu.memory_space<semaphore_mem>>
      tpu.wait_indirect_dma semaphore(%dma_wait3A_407 : memref<!tpu.dma_semaphore, #tpu.memory_space<semaphore_mem>>) src(%dma_wait3A_405 : memref<1000000x64xf32, #tpu.memory_space<hbm>>) dst(%dma_wait3A_399 : memref<128x64xf32, #tpu.memory_space<vmem>>)
      %broadcast_in_dim3A = vector.broadcast %rem3A_393 : i32 to vector<16xi32>
      %parallel_loop3A = arith.constant 0 : i32
      %parallel_loop3A_408 = arith.constant 128 : i32
      %parallel_loop3A_409 = arith.constant 1 : i32
      scf.for %parallel_loop3A_439 = %parallel_loop3A to %parallel_loop3A_408 step %parallel_loop3A_409  : i32 {
        %parallel_loop3A_440 = vector.broadcast %parallel_loop3A_439 : i32 to vector<16xi32>
        %parallel_loop3A_441 = arith.index_cast %rem3A_393 : i32 to index
        %parallel_loop3A_442 = arith.index_cast %parallel_loop3A_439 : i32 to index
        %parallel_loop3A_443 = arith.constant 0 : index
        %parallel_loop3A_444 = tpu.vector_load %arg6[%parallel_loop3A_441, %parallel_loop3A_442, %parallel_loop3A_443] {strides = array<i32>} : memref<4x128x64xf32, #tpu.memory_space<vmem>>, vector<16xf32>,
        tpu.vector_store_idx %arg7[%broadcast_in_dim3A, %select_n3A, %select_n3A_153, %parallel_loop3A_440], %parallel_loop3A_444 : memref<4x8x8x129xf32, #tpu.memory_space<vmem>>[vector<16xi32>, vector<16xi32>, vector<16xi32>, vector<16xi32>], vector<16xf32>,
        %parallel_loop3A_445 = arith.index_cast %rem3A_393 : i32 to index
        %parallel_loop3A_446 = arith.index_cast %parallel_loop3A_439 : i32 to index
        %parallel_loop3A_447 = arith.constant 16 : index
        %parallel_loop3A_448 = tpu.vector_load %arg6[%parallel_loop3A_445, %parallel_loop3A_446, %parallel_loop3A_447] {strides = array<i32>} : memref<4x128x64xf32, #tpu.memory_space<vmem>>, vector<16xf32>,
        tpu.vector_store_idx %arg7[%broadcast_in_dim3A, %select_n3A_62, %select_n3A_178, %parallel_loop3A_440], %parallel_loop3A_448 : memref<4x8x8x129xf32, #tpu.memory_space<vmem>>[vector<16xi32>, vector<16xi32>, vector<16xi32>, vector<16xi32>], vector<16xf32>,
        %parallel_loop3A_449 = arith.index_cast %rem3A_393 : i32 to index
        %parallel_loop3A_450 = arith.index_cast %parallel_loop3A_439 : i32 to index
        %parallel_loop3A_451 = arith.constant 32 : index
        %parallel_loop3A_452 = tpu.vector_load %arg6[%parallel_loop3A_449, %parallel_loop3A_450, %parallel_loop3A_451] {strides = array<i32>} : memref<4x128x64xf32, #tpu.memory_space<vmem>>, vector<16xf32>,
        tpu.vector_store_idx %arg7[%broadcast_in_dim3A, %select_n3A_96, %select_n3A_203, %parallel_loop3A_440], %parallel_loop3A_452 : memref<4x8x8x129xf32, #tpu.memory_space<vmem>>[vector<16xi32>, vector<16xi32>, vector<16xi32>, vector<16xi32>], vector<16xf32>,
        %parallel_loop3A_453 = arith.index_cast %rem3A_393 : i32 to index
        %parallel_loop3A_454 = arith.index_cast %parallel_loop3A_439 : i32 to index
        %parallel_loop3A_455 = arith.constant 48 : index
        %parallel_loop3A_456 = tpu.vector_load %arg6[%parallel_loop3A_453, %parallel_loop3A_454, %parallel_loop3A_455] {strides = array<i32>} : memref<4x128x64xf32, #tpu.memory_space<vmem>>, vector<16xf32>,
        tpu.vector_store_idx %arg7[%broadcast_in_dim3A, %select_n3A_130, %select_n3A_228, %parallel_loop3A_440], %parallel_loop3A_456 : memref<4x8x8x129xf32, #tpu.memory_space<vmem>>[vector<16xi32>, vector<16xi32>, vector<16xi32>, vector<16xi32>], vector<16xf32>,
      } {sc.loop_unroll_factor = 16 : i64, sc.parallel_access}
      %dma_start3A_410 = arith.constant 0 : i32
      %dma_start3A_411 = arith.constant 0 : i32
      %dma_start3A_412 = arith.constant 0 : i32
      %dma_start3A_413 = tpu.memref_slice %arg7[%rem3A_393, %dma_start3A_410, %dma_start3A_411, %dma_start3A_412] : memref<4x8x8x129xf32, #tpu.memory_space<vmem>> -> memref<1x8x8x128xf32, #tpu.memory_space<vmem>>
      %dma_start3A_414 = tpu.memref_squeeze %dma_start3A_413 : memref<1x8x8x128xf32, #tpu.memory_space<vmem>> -> memref<8x8x128xf32, #tpu.memory_space<vmem>>
      %dma_start3A_415 = arith.constant 0 : i32
      %dma_start3A_416 = arith.constant 0 : i32
      %dma_start3A_417 = arith.constant 0 : i32
      %dma_start3A_418 = tpu.memref_slice %arg4[%scan3A_391, %dma_start3A_415, %add3A, %dma_start3A_416, %dma_start3A_417] : memref<200x8x32x8x128xf32, #tpu.memory_space<hbm>> -> memref<1x8x1x8x128xf32, #tpu.memory_space<hbm>>
      %dma_start3A_419 = tpu.memref_squeeze %dma_start3A_418 : memref<1x8x1x8x128xf32, #tpu.memory_space<hbm>> -> memref<8x8x128xf32, #tpu.memory_space<hbm>>
      %dma_start3A_420 = tpu.memref_slice %arg9[%rem3A_393] : memref<4x!tpu.dma_semaphore, #tpu.memory_space<semaphore_mem>> -> memref<1x!tpu.dma_semaphore, #tpu.memory_space<semaphore_mem>>
      %dma_start3A_421 = tpu.memref_squeeze %dma_start3A_420 : memref<1x!tpu.dma_semaphore, #tpu.memory_space<semaphore_mem>> -> memref<!tpu.dma_semaphore, #tpu.memory_space<semaphore_mem>>
      %dma_start3A_422 = arith.constant 0 : i32
      %dma_start3A_423 = arith.constant 0 : i32
      %dma_start3A_424 = arith.constant 0 : i32
      %dma_start3A_425 = tpu.memref_slice %arg4[%scan3A_391, %dma_start3A_422, %add3A, %dma_start3A_423, %dma_start3A_424] : memref<200x8x32x8x128xf32, #tpu.memory_space<hbm>> -> memref<1x8x1x8x128xf32, #tpu.memory_space<hbm>>
      %dma_start3A_426 = tpu.memref_squeeze %dma_start3A_425 : memref<1x8x1x8x128xf32, #tpu.memory_space<hbm>> -> memref<8x8x128xf32, #tpu.memory_space<hbm>>
      %dma_start3A_427 = arith.constant 0 : i32
      %dma_start3A_428 = arith.constant 0 : i32
      %dma_start3A_429 = arith.constant 0 : i32
      %dma_start3A_430 = tpu.memref_slice %arg7[%rem3A_393, %dma_start3A_427, %dma_start3A_428, %dma_start3A_429] : memref<4x8x8x129xf32, #tpu.memory_space<vmem>> -> memref<1x8x8x128xf32, #tpu.memory_space<vmem>>
      %dma_start3A_431 = tpu.memref_squeeze %dma_start3A_430 : memref<1x8x8x128xf32, #tpu.memory_space<vmem>> -> memref<8x8x128xf32, #tpu.memory_space<vmem>>
      tpu.enqueue_dma source(%dma_start3A_431 : memref<8x8x128xf32, #tpu.memory_space<vmem>>) target(%dma_start3A_426 : memref<8x8x128xf32, #tpu.memory_space<hbm>>) target_semaphore(%dma_start3A_421 : memref<!tpu.dma_semaphore, #tpu.memory_space<semaphore_mem>>)
      %add3A_432 = arith.constant 4 : i32
      %add3A_433 = arith.addi %scan3A_391, %add3A_432 : i32
      %lt3A_434 = arith.constant 200 : i32
      %lt3A_435 = arith.cmpi slt, %add3A_433, %lt3A_434 : i32
      %convert_element_type3A_436 = arith.extui %lt3A_435 : i1 to i32
      %cond3A_437 = arith.constant 0 : i32
      %cond3A_438 = arith.cmpi ne, %convert_element_type3A_436, %cond3A_437 : i32
      scf.if %cond3A_438 {
        %add3A_439 = arith.constant 4 : i32
        %add3A_440 = arith.addi %scan3A_391, %add3A_439 : i32
        %dma_start3A_441 = arith.constant 0 : i32
        %dma_start3A_442 = arith.constant 0 : i32
        %dma_start3A_443 = tpu.memref_slice %arg6[%rem3A_393, %dma_start3A_441, %dma_start3A_442] : memref<4x128x64xf32, #tpu.memory_space<vmem>> -> memref<1x128x64xf32, #tpu.memory_space<vmem>>
        %dma_start3A_444 = tpu.memref_squeeze %dma_start3A_443 : memref<1x128x64xf32, #tpu.memory_space<vmem>> -> memref<128x64xf32, #tpu.memory_space<vmem>>
        %dma_start3A_445 = arith.constant 0 : i32
        %dma_start3A_446 = tpu.memref_slice %arg5[%add3A_440, %dma_start3A_445] : memref<200x128xi32, #tpu.memory_space<vmem>> -> memref<1x128xi32, #tpu.memory_space<vmem>>
        %dma_start3A_447 = tpu.memref_squeeze %dma_start3A_446 : memref<1x128xi32, #tpu.memory_space<vmem>> -> memref<128xi32, #tpu.memory_space<vmem>>
        %dma_start3A_448 = arith.constant 0 : i32
        %dma_start3A_449 = arith.constant 0 : i32
        %dma_start3A_450 = tpu.memref_slice %arg3[%dma_start3A_448, %dma_start3A_449] : memref<1000000x64xf32, #tpu.memory_space<hbm>> -> memref<1000000x64xf32, #tpu.memory_space<hbm>>
        %dma_start3A_451 = tpu.memref_slice %arg8[%rem3A_393] : memref<4x!tpu.dma_semaphore, #tpu.memory_space<semaphore_mem>> -> memref<1x!tpu.dma_semaphore, #tpu.memory_space<semaphore_mem>>
        %dma_start3A_452 = tpu.memref_squeeze %dma_start3A_451 : memref<1x!tpu.dma_semaphore, #tpu.memory_space<semaphore_mem>> -> memref<!tpu.dma_semaphore, #tpu.memory_space<semaphore_mem>>
        tpu.enqueue_indirect_dma source(%dma_start3A_450 : memref<1000000x64xf32, #tpu.memory_space<hbm>>) target(%dma_start3A_444 : memref<128x64xf32, #tpu.memory_space<vmem>>) offsets(%dma_start3A_447 : memref<128xi32, #tpu.memory_space<vmem>>) semaphore(%dma_start3A_452 : memref<!tpu.dma_semaphore, #tpu.memory_space<semaphore_mem>>)
      } else {
      }
    }
    %scan3A_291 = arith.constant 200 : i32
    %dma_wait3A = arith.constant 0 : i32
    %dma_wait3A_292 = arith.constant 0 : i32
    %dma_wait3A_293 = arith.constant 0 : i32
    %dma_wait3A_294 = arith.constant 0 : i32
    %dma_wait3A_295 = arith.constant 0 : i32
    %dma_wait3A_296 = arith.constant 0 : i32
    %dma_wait3A_297 = tpu.memref_slice %arg7[%dma_wait3A, %dma_wait3A_294, %dma_wait3A_295, %dma_wait3A_296] : memref<4x8x8x129xf32, #tpu.memory_space<vmem>> -> memref<1x8x8x128xf32, #tpu.memory_space<vmem>>
    %dma_wait3A_298 = tpu.memref_squeeze %dma_wait3A_297 : memref<1x8x8x128xf32, #tpu.memory_space<vmem>> -> memref<8x8x128xf32, #tpu.memory_space<vmem>>
    %dma_wait3A_299 = arith.constant 0 : i32
    %dma_wait3A_300 = arith.constant 0 : i32
    %dma_wait3A_301 = arith.constant 0 : i32
    %dma_wait3A_302 = tpu.memref_slice %arg4[%dma_wait3A_292, %dma_wait3A_299, %add3A, %dma_wait3A_300, %dma_wait3A_301] : memref<200x8x32x8x128xf32, #tpu.memory_space<hbm>> -> memref<1x8x1x8x128xf32, #tpu.memory_space<hbm>>
    %dma_wait3A_303 = tpu.memref_squeeze %dma_wait3A_302 : memref<1x8x1x8x128xf32, #tpu.memory_space<hbm>> -> memref<8x8x128xf32, #tpu.memory_space<hbm>>
    %dma_wait3A_304 = tpu.memref_slice %arg9[%dma_wait3A_293] : memref<4x!tpu.dma_semaphore, #tpu.memory_space<semaphore_mem>> -> memref<1x!tpu.dma_semaphore, #tpu.memory_space<semaphore_mem>>
    %dma_wait3A_305 = tpu.memref_squeeze %dma_wait3A_304 : memref<1x!tpu.dma_semaphore, #tpu.memory_space<semaphore_mem>> -> memref<!tpu.dma_semaphore, #tpu.memory_space<semaphore_mem>>
    %dma_wait3A_306 = arith.constant 0 : i32
    %dma_wait3A_307 = arith.constant 0 : i32
    %dma_wait3A_308 = arith.constant 0 : i32
    %dma_wait3A_309 = tpu.memref_slice %arg4[%dma_wait3A_292, %dma_wait3A_306, %add3A, %dma_wait3A_307, %dma_wait3A_308] : memref<200x8x32x8x128xf32, #tpu.memory_space<hbm>> -> memref<1x8x1x8x128xf32, #tpu.memory_space<hbm>>
    %dma_wait3A_310 = tpu.memref_squeeze %dma_wait3A_309 : memref<1x8x1x8x128xf32, #tpu.memory_space<hbm>> -> memref<8x8x128xf32, #tpu.memory_space<hbm>>
    %dma_wait3A_311 = arith.constant 0 : i32
    %dma_wait3A_312 = arith.constant 0 : i32
    %dma_wait3A_313 = arith.constant 0 : i32
    %dma_wait3A_314 = tpu.memref_slice %arg7[%dma_wait3A, %dma_wait3A_311, %dma_wait3A_312, %dma_wait3A_313] : memref<4x8x8x129xf32, #tpu.memory_space<vmem>> -> memref<1x8x8x128xf32, #tpu.memory_space<vmem>>
    %dma_wait3A_315 = tpu.memref_squeeze %dma_wait3A_314 : memref<1x8x8x128xf32, #tpu.memory_space<vmem>> -> memref<8x8x128xf32, #tpu.memory_space<vmem>>
    tpu.wait_dma2 semaphore(%dma_wait3A_305 : memref<!tpu.dma_semaphore, #tpu.memory_space<semaphore_mem>>) src(%dma_wait3A_315 : memref<8x8x128xf32, #tpu.memory_space<vmem>>) dst(%dma_wait3A_310 : memref<8x8x128xf32, #tpu.memory_space<hbm>>)
    %dma_wait3A_316 = arith.constant 1 : i32
    %dma_wait3A_317 = arith.constant 0 : i32
    %dma_wait3A_318 = arith.constant 1 : i32
    %dma_wait3A_319 = arith.constant 0 : i32
    %dma_wait3A_320 = arith.constant 0 : i32
    %dma_wait3A_321 = arith.constant 0 : i32
    %dma_wait3A_322 = tpu.memref_slice %arg7[%dma_wait3A_316, %dma_wait3A_319, %dma_wait3A_320, %dma_wait3A_321] : memref<4x8x8x129xf32, #tpu.memory_space<vmem>> -> memref<1x8x8x128xf32, #tpu.memory_space<vmem>>
    %dma_wait3A_323 = tpu.memref_squeeze %dma_wait3A_322 : memref<1x8x8x128xf32, #tpu.memory_space<vmem>> -> memref<8x8x128xf32, #tpu.memory_space<vmem>>
    %dma_wait3A_324 = arith.constant 0 : i32
    %dma_wait3A_325 = arith.constant 0 : i32
    %dma_wait3A_326 = arith.constant 0 : i32
    %dma_wait3A_327 = tpu.memref_slice %arg4[%dma_wait3A_317, %dma_wait3A_324, %add3A, %dma_wait3A_325, %dma_wait3A_326] : memref<200x8x32x8x128xf32, #tpu.memory_space<hbm>> -> memref<1x8x1x8x128xf32, #tpu.memory_space<hbm>>
    %dma_wait3A_328 = tpu.memref_squeeze %dma_wait3A_327 : memref<1x8x1x8x128xf32, #tpu.memory_space<hbm>> -> memref<8x8x128xf32, #tpu.memory_space<hbm>>
    %dma_wait3A_329 = tpu.memref_slice %arg9[%dma_wait3A_318] : memref<4x!tpu.dma_semaphore, #tpu.memory_space<semaphore_mem>> -> memref<1x!tpu.dma_semaphore, #tpu.memory_space<semaphore_mem>>
    %dma_wait3A_330 = tpu.memref_squeeze %dma_wait3A_329 : memref<1x!tpu.dma_semaphore, #tpu.memory_space<semaphore_mem>> -> memref<!tpu.dma_semaphore, #tpu.memory_space<semaphore_mem>>
    %dma_wait3A_331 = arith.constant 0 : i32
    %dma_wait3A_332 = arith.constant 0 : i32
    %dma_wait3A_333 = arith.constant 0 : i32
    %dma_wait3A_334 = tpu.memref_slice %arg4[%dma_wait3A_317, %dma_wait3A_331, %add3A, %dma_wait3A_332, %dma_wait3A_333] : memref<200x8x32x8x128xf32, #tpu.memory_space<hbm>> -> memref<1x8x1x8x128xf32, #tpu.memory_space<hbm>>
    %dma_wait3A_335 = tpu.memref_squeeze %dma_wait3A_334 : memref<1x8x1x8x128xf32, #tpu.memory_space<hbm>> -> memref<8x8x128xf32, #tpu.memory_space<hbm>>
    %dma_wait3A_336 = arith.constant 0 : i32
    %dma_wait3A_337 = arith.constant 0 : i32
    %dma_wait3A_338 = arith.constant 0 : i32
    %dma_wait3A_339 = tpu.memref_slice %arg7[%dma_wait3A_316, %dma_wait3A_336, %dma_wait3A_337, %dma_wait3A_338] : memref<4x8x8x129xf32, #tpu.memory_space<vmem>> -> memref<1x8x8x128xf32, #tpu.memory_space<vmem>>
    %dma_wait3A_340 = tpu.memref_squeeze %dma_wait3A_339 : memref<1x8x8x128xf32, #tpu.memory_space<vmem>> -> memref<8x8x128xf32, #tpu.memory_space<vmem>>
    tpu.wait_dma2 semaphore(%dma_wait3A_330 : memref<!tpu.dma_semaphore, #tpu.memory_space<semaphore_mem>>) src(%dma_wait3A_340 : memref<8x8x128xf32, #tpu.memory_space<vmem>>) dst(%dma_wait3A_335 : memref<8x8x128xf32, #tpu.memory_space<hbm>>)
    %dma_wait3A_341 = arith.constant 2 : i32
    %dma_wait3A_342 = arith.constant 0 : i32
    %dma_wait3A_343 = arith.constant 2 : i32
    %dma_wait3A_344 = arith.constant 0 : i32
    %dma_wait3A_345 = arith.constant 0 : i32
    %dma_wait3A_346 = arith.constant 0 : i32
    %dma_wait3A_347 = tpu.memref_slice %arg7[%dma_wait3A_341, %dma_wait3A_344, %dma_wait3A_345, %dma_wait3A_346] : memref<4x8x8x129xf32, #tpu.memory_space<vmem>> -> memref<1x8x8x128xf32, #tpu.memory_space<vmem>>
    %dma_wait3A_348 = tpu.memref_squeeze %dma_wait3A_347 : memref<1x8x8x128xf32, #tpu.memory_space<vmem>> -> memref<8x8x128xf32, #tpu.memory_space<vmem>>
    %dma_wait3A_349 = arith.constant 0 : i32
    %dma_wait3A_350 = arith.constant 0 : i32
    %dma_wait3A_351 = arith.constant 0 : i32
    %dma_wait3A_352 = tpu.memref_slice %arg4[%dma_wait3A_342, %dma_wait3A_349, %add3A, %dma_wait3A_350, %dma_wait3A_351] : memref<200x8x32x8x128xf32, #tpu.memory_space<hbm>> -> memref<1x8x1x8x128xf32, #tpu.memory_space<hbm>>
    %dma_wait3A_353 = tpu.memref_squeeze %dma_wait3A_352 : memref<1x8x1x8x128xf32, #tpu.memory_space<hbm>> -> memref<8x8x128xf32, #tpu.memory_space<hbm>>
    %dma_wait3A_354 = tpu.memref_slice %arg9[%dma_wait3A_343] : memref<4x!tpu.dma_semaphore, #tpu.memory_space<semaphore_mem>> -> memref<1x!tpu.dma_semaphore, #tpu.memory_space<semaphore_mem>>
    %dma_wait3A_355 = tpu.memref_squeeze %dma_wait3A_354 : memref<1x!tpu.dma_semaphore, #tpu.memory_space<semaphore_mem>> -> memref<!tpu.dma_semaphore, #tpu.memory_space<semaphore_mem>>
    %dma_wait3A_356 = arith.constant 0 : i32
    %dma_wait3A_357 = arith.constant 0 : i32
    %dma_wait3A_358 = arith.constant 0 : i32
    %dma_wait3A_359 = tpu.memref_slice %arg4[%dma_wait3A_342, %dma_wait3A_356, %add3A, %dma_wait3A_357, %dma_wait3A_358] : memref<200x8x32x8x128xf32, #tpu.memory_space<hbm>> -> memref<1x8x1x8x128xf32, #tpu.memory_space<hbm>>
    %dma_wait3A_360 = tpu.memref_squeeze %dma_wait3A_359 : memref<1x8x1x8x128xf32, #tpu.memory_space<hbm>> -> memref<8x8x128xf32, #tpu.memory_space<hbm>>
    %dma_wait3A_361 = arith.constant 0 : i32
    %dma_wait3A_362 = arith.constant 0 : i32
    %dma_wait3A_363 = arith.constant 0 : i32
    %dma_wait3A_364 = tpu.memref_slice %arg7[%dma_wait3A_341, %dma_wait3A_361, %dma_wait3A_362, %dma_wait3A_363] : memref<4x8x8x129xf32, #tpu.memory_space<vmem>> -> memref<1x8x8x128xf32, #tpu.memory_space<vmem>>
    %dma_wait3A_365 = tpu.memref_squeeze %dma_wait3A_364 : memref<1x8x8x128xf32, #tpu.memory_space<vmem>> -> memref<8x8x128xf32, #tpu.memory_space<vmem>>
    tpu.wait_dma2 semaphore(%dma_wait3A_355 : memref<!tpu.dma_semaphore, #tpu.memory_space<semaphore_mem>>) src(%dma_wait3A_365 : memref<8x8x128xf32, #tpu.memory_space<vmem>>) dst(%dma_wait3A_360 : memref<8x8x128xf32, #tpu.memory_space<hbm>>)
    %dma_wait3A_366 = arith.constant 3 : i32
    %dma_wait3A_367 = arith.constant 0 : i32
    %dma_wait3A_368 = arith.constant 3 : i32
    %dma_wait3A_369 = arith.constant 0 : i32
    %dma_wait3A_370 = arith.constant 0 : i32
    %dma_wait3A_371 = arith.constant 0 : i32
    %dma_wait3A_372 = tpu.memref_slice %arg7[%dma_wait3A_366, %dma_wait3A_369, %dma_wait3A_370, %dma_wait3A_371] : memref<4x8x8x129xf32, #tpu.memory_space<vmem>> -> memref<1x8x8x128xf32, #tpu.memory_space<vmem>>
    %dma_wait3A_373 = tpu.memref_squeeze %dma_wait3A_372 : memref<1x8x8x128xf32, #tpu.memory_space<vmem>> -> memref<8x8x128xf32, #tpu.memory_space<vmem>>
    %dma_wait3A_374 = arith.constant 0 : i32
    %dma_wait3A_375 = arith.constant 0 : i32
    %dma_wait3A_376 = arith.constant 0 : i32
    %dma_wait3A_377 = tpu.memref_slice %arg4[%dma_wait3A_367, %dma_wait3A_374, %add3A, %dma_wait3A_375, %dma_wait3A_376] : memref<200x8x32x8x128xf32, #tpu.memory_space<hbm>> -> memref<1x8x1x8x128xf32, #tpu.memory_space<hbm>>
    %dma_wait3A_378 = tpu.memref_squeeze %dma_wait3A_377 : memref<1x8x1x8x128xf32, #tpu.memory_space<hbm>> -> memref<8x8x128xf32, #tpu.memory_space<hbm>>
    %dma_wait3A_379 = tpu.memref_slice %arg9[%dma_wait3A_368] : memref<4x!tpu.dma_semaphore, #tpu.memory_space<semaphore_mem>> -> memref<1x!tpu.dma_semaphore, #tpu.memory_space<semaphore_mem>>
    %dma_wait3A_380 = tpu.memref_squeeze %dma_wait3A_379 : memref<1x!tpu.dma_semaphore, #tpu.memory_space<semaphore_mem>> -> memref<!tpu.dma_semaphore, #tpu.memory_space<semaphore_mem>>
    %dma_wait3A_381 = arith.constant 0 : i32
    %dma_wait3A_382 = arith.constant 0 : i32
    %dma_wait3A_383 = arith.constant 0 : i32
    %dma_wait3A_384 = tpu.memref_slice %arg4[%dma_wait3A_367, %dma_wait3A_381, %add3A, %dma_wait3A_382, %dma_wait3A_383] : memref<200x8x32x8x128xf32, #tpu.memory_space<hbm>> -> memref<1x8x1x8x128xf32, #tpu.memory_space<hbm>>
    %dma_wait3A_385 = tpu.memref_squeeze %dma_wait3A_384 : memref<1x8x1x8x128xf32, #tpu.memory_space<hbm>> -> memref<8x8x128xf32, #tpu.memory_space<hbm>>
    %dma_wait3A_386 = arith.constant 0 : i32
    %dma_wait3A_387 = arith.constant 0 : i32
    %dma_wait3A_388 = arith.constant 0 : i32
    %dma_wait3A_389 = tpu.memref_slice %arg7[%dma_wait3A_366, %dma_wait3A_386, %dma_wait3A_387, %dma_wait3A_388] : memref<4x8x8x129xf32, #tpu.memory_space<vmem>> -> memref<1x8x8x128xf32, #tpu.memory_space<vmem>>
    %dma_wait3A_390 = tpu.memref_squeeze %dma_wait3A_389 : memref<1x8x8x128xf32, #tpu.memory_space<vmem>> -> memref<8x8x128xf32, #tpu.memory_space<vmem>>
    tpu.wait_dma2 semaphore(%dma_wait3A_380 : memref<!tpu.dma_semaphore, #tpu.memory_space<semaphore_mem>>) src(%dma_wait3A_390 : memref<8x8x128xf32, #tpu.memory_space<vmem>>) dst(%dma_wait3A_385 : memref<8x8x128xf32, #tpu.memory_space<hbm>>)
    return
  }
}

#map = affine_map<(d0, d1) -> (0, 0)>
#map1 = affine_map<(d0, d1) -> (0)>
module attributes {stable_mosaic.version = 14 : i64} {
  func.func @relayout_kernel(%arg0: i32, %arg1: i32, %arg2: memref<64x1000000xf32, #tpu.memory_space<hbm>>, %arg3: memref<4096xf32, #tpu.memory_space<hbm>>, %arg4: memref<64000000xf32, #tpu.memory_space<hbm>>, %arg5: memref<4x64x128xf32, #tpu.memory_space<vmem>>, %arg6: memref<4x8320xf32, #tpu.memory_space<vmem>>, %arg7: memref<4x8192xf32, #tpu.memory_space<vmem>>, %arg8: memref<4x!tpu.dma_semaphore, #tpu.memory_space<semaphore_mem>>, %arg9: memref<4x!tpu.dma_semaphore, #tpu.memory_space<semaphore_mem>>) attributes {dimension_semantics = [#tpu.dimension_semantics<core_parallel>, #tpu.dimension_semantics<subcore_parallel>], iteration_bounds = array<i64: 2, 16>, scalar_prefetch = 0 : i64, scratch_operands = 5 : i64, tpu.core_type = #tpu.core_type<sc_vector_subcore>, window_params = [{transform_indices = #map}, {transform_indices = #map1}, {transform_indices = #map1}]} {
    %mul3A = arith.constant 2 : i32
    %mul3A_0 = arith.muli %arg1, %mul3A : i32
    %add3A = arith.addi %mul3A_0, %arg0 : i32
    %iota3A = tpu.iota {dimensions = array<i32: 0>} : vector<16xi32>
    %add3A_1 = arith.constant 0 : i32
    %add3A_2 = vector.broadcast %add3A_1 : i32 to vector<16xi32>
    %add3A_3 = arith.addi %iota3A, %add3A_2 : vector<16xi32>
    %mul3A_4 = arith.constant 65 : i32
    %mul3A_5 = vector.broadcast %mul3A_4 : i32 to vector<16xi32>
    %mul3A_6 = arith.muli %add3A_3, %mul3A_5 : vector<16xi32>
    %add3A_7 = arith.constant 16 : i32
    %add3A_8 = vector.broadcast %add3A_7 : i32 to vector<16xi32>
    %add3A_9 = arith.addi %iota3A, %add3A_8 : vector<16xi32>
    %mul3A_10 = arith.constant 65 : i32
    %mul3A_11 = vector.broadcast %mul3A_10 : i32 to vector<16xi32>
    %mul3A_12 = arith.muli %add3A_9, %mul3A_11 : vector<16xi32>
    %add3A_13 = arith.constant 32 : i32
    %add3A_14 = vector.broadcast %add3A_13 : i32 to vector<16xi32>
    %add3A_15 = arith.addi %iota3A, %add3A_14 : vector<16xi32>
    %mul3A_16 = arith.constant 65 : i32
    %mul3A_17 = vector.broadcast %mul3A_16 : i32 to vector<16xi32>
    %mul3A_18 = arith.muli %add3A_15, %mul3A_17 : vector<16xi32>
    %add3A_19 = arith.constant 48 : i32
    %add3A_20 = vector.broadcast %add3A_19 : i32 to vector<16xi32>
    %add3A_21 = arith.addi %iota3A, %add3A_20 : vector<16xi32>
    %mul3A_22 = arith.constant 65 : i32
    %mul3A_23 = vector.broadcast %mul3A_22 : i32 to vector<16xi32>
    %mul3A_24 = arith.muli %add3A_21, %mul3A_23 : vector<16xi32>
    %add3A_25 = arith.constant 64 : i32
    %add3A_26 = vector.broadcast %add3A_25 : i32 to vector<16xi32>
    %add3A_27 = arith.addi %iota3A, %add3A_26 : vector<16xi32>
    %mul3A_28 = arith.constant 65 : i32
    %mul3A_29 = vector.broadcast %mul3A_28 : i32 to vector<16xi32>
    %mul3A_30 = arith.muli %add3A_27, %mul3A_29 : vector<16xi32>
    %add3A_31 = arith.constant 80 : i32
    %add3A_32 = vector.broadcast %add3A_31 : i32 to vector<16xi32>
    %add3A_33 = arith.addi %iota3A, %add3A_32 : vector<16xi32>
    %mul3A_34 = arith.constant 65 : i32
    %mul3A_35 = vector.broadcast %mul3A_34 : i32 to vector<16xi32>
    %mul3A_36 = arith.muli %add3A_33, %mul3A_35 : vector<16xi32>
    %add3A_37 = arith.constant 96 : i32
    %add3A_38 = vector.broadcast %add3A_37 : i32 to vector<16xi32>
    %add3A_39 = arith.addi %iota3A, %add3A_38 : vector<16xi32>
    %mul3A_40 = arith.constant 65 : i32
    %mul3A_41 = vector.broadcast %mul3A_40 : i32 to vector<16xi32>
    %mul3A_42 = arith.muli %add3A_39, %mul3A_41 : vector<16xi32>
    %add3A_43 = arith.constant 112 : i32
    %add3A_44 = vector.broadcast %add3A_43 : i32 to vector<16xi32>
    %add3A_45 = arith.addi %iota3A, %add3A_44 : vector<16xi32>
    %mul3A_46 = arith.constant 65 : i32
    %mul3A_47 = vector.broadcast %mul3A_46 : i32 to vector<16xi32>
    %mul3A_48 = arith.muli %add3A_45, %mul3A_47 : vector<16xi32>
    %add3A_49 = arith.constant 0 : i32
    %add3A_50 = vector.broadcast %add3A_49 : i32 to vector<16xi32>
    %add3A_51 = arith.addi %iota3A, %add3A_50 : vector<16xi32>
    %add3A_52 = arith.constant 16 : i32
    %add3A_53 = vector.broadcast %add3A_52 : i32 to vector<16xi32>
    %add3A_54 = arith.addi %iota3A, %add3A_53 : vector<16xi32>
    %add3A_55 = arith.constant 32 : i32
    %add3A_56 = vector.broadcast %add3A_55 : i32 to vector<16xi32>
    %add3A_57 = arith.addi %iota3A, %add3A_56 : vector<16xi32>
    %add3A_58 = arith.constant 48 : i32
    %add3A_59 = vector.broadcast %add3A_58 : i32 to vector<16xi32>
    %add3A_60 = arith.addi %iota3A, %add3A_59 : vector<16xi32>
    %sub3A = arith.constant 7812 : i32
    %sub3A_61 = arith.subi %sub3A, %add3A : i32
    %add3A_62 = arith.constant 32 : i32
    %add3A_63 = arith.addi %sub3A_61, %add3A_62 : i32
    %sub3A_64 = arith.constant 1 : i32
    %sub3A_65 = arith.subi %add3A_63, %sub3A_64 : i32
    %jit3A = arith.constant 32 : i32
    %div3A = arith.divsi %sub3A_65, %jit3A : i32
    %sign3A = arith.constant 0 : i32
    %sign3A_66 = arith.cmpi sgt, %sub3A_65, %sign3A : i32
    %sign3A_67 = arith.extui %sign3A_66 : i1 to i32
    %sign3A_68 = arith.constant 0 : i32
    %sign3A_69 = arith.cmpi slt, %sub3A_65, %sign3A_68 : i32
    %sign3A_70 = arith.extui %sign3A_69 : i1 to i32
    %sign3A_71 = arith.subi %sign3A_67, %sign3A_70 : i32
    %sign3A_72 = arith.constant 0 : i32
    %sign3A_73 = arith.cmpi sgt, %jit3A, %sign3A_72 : i32
    %sign3A_74 = arith.extui %sign3A_73 : i1 to i32
    %sign3A_75 = arith.constant 0 : i32
    %sign3A_76 = arith.cmpi slt, %jit3A, %sign3A_75 : i32
    %sign3A_77 = arith.extui %sign3A_76 : i1 to i32
    %sign3A_78 = arith.subi %sign3A_74, %sign3A_77 : i32
    %ne3A = arith.cmpi ne, %sign3A_71, %sign3A_78 : i32
    %rem3A = arith.remsi %sub3A_65, %jit3A : i32
    %ne3A_79 = arith.constant 0 : i32
    %ne3A_80 = arith.cmpi ne, %rem3A, %ne3A_79 : i32
    %and3A = arith.andi %ne3A, %ne3A_80 : i1
    %sub3A_81 = arith.constant 1 : i32
    %sub3A_82 = arith.subi %div3A, %sub3A_81 : i32
    %select_n3A = arith.select %and3A, %sub3A_82, %div3A : i32
    %eq3A = arith.constant 31 : i32
    %eq3A_83 = arith.cmpi eq, %add3A, %eq3A : i32
    %convert_element_type3A = arith.extui %eq3A_83 : i1 to i32
    %cond3A = arith.constant 0 : i32
    %cond3A_84 = arith.cmpi ne, %convert_element_type3A, %cond3A : i32
    scf.if %cond3A_84 {
      %run_scoped3A = arith.constant 0 : i32
      "tpu.region"() ({
        %run_scoped3A_228 = tpu.sem_alloc : memref<!tpu.dma_semaphore, #tpu.memory_space<semaphore_mem>>
        %dma_start3A_229 = arith.constant 0 : i32
        %dma_start3A_230 = tpu.memref_slice %arg7[%run_scoped3A, %dma_start3A_229] : memref<4x8192xf32, #tpu.memory_space<vmem>> -> memref<1x4096xf32, #tpu.memory_space<vmem>>
        %dma_start3A_231 = tpu.memref_squeeze %dma_start3A_230 : memref<1x4096xf32, #tpu.memory_space<vmem>> -> memref<4096xf32, #tpu.memory_space<vmem>>
        %dma_start3A_232 = arith.constant 0 : i32
        %dma_start3A_233 = tpu.memref_slice %arg7[%run_scoped3A, %dma_start3A_232] : memref<4x8192xf32, #tpu.memory_space<vmem>> -> memref<1x4096xf32, #tpu.memory_space<vmem>>
        %dma_start3A_234 = tpu.memref_squeeze %dma_start3A_233 : memref<1x4096xf32, #tpu.memory_space<vmem>> -> memref<4096xf32, #tpu.memory_space<vmem>>
        tpu.enqueue_dma source(%arg3 : memref<4096xf32, #tpu.memory_space<hbm>>) target(%dma_start3A_234 : memref<4096xf32, #tpu.memory_space<vmem>>) target_semaphore(%run_scoped3A_228 : memref<!tpu.dma_semaphore, #tpu.memory_space<semaphore_mem>>)
        %dma_wait3A_235 = arith.constant 0 : i32
        %dma_wait3A_236 = tpu.memref_slice %arg7[%run_scoped3A, %dma_wait3A_235] : memref<4x8192xf32, #tpu.memory_space<vmem>> -> memref<1x4096xf32, #tpu.memory_space<vmem>>
        %dma_wait3A_237 = tpu.memref_squeeze %dma_wait3A_236 : memref<1x4096xf32, #tpu.memory_space<vmem>> -> memref<4096xf32, #tpu.memory_space<vmem>>
        %dma_wait3A_238 = arith.constant 0 : i32
        %dma_wait3A_239 = tpu.memref_slice %arg7[%run_scoped3A, %dma_wait3A_238] : memref<4x8192xf32, #tpu.memory_space<vmem>> -> memref<1x4096xf32, #tpu.memory_space<vmem>>
        %dma_wait3A_240 = tpu.memref_squeeze %dma_wait3A_239 : memref<1x4096xf32, #tpu.memory_space<vmem>> -> memref<4096xf32, #tpu.memory_space<vmem>>
        tpu.wait_dma2 semaphore(%run_scoped3A_228 : memref<!tpu.dma_semaphore, #tpu.memory_space<semaphore_mem>>) src(%arg3 : memref<4096xf32, #tpu.memory_space<hbm>>) dst(%dma_wait3A_240 : memref<4096xf32, #tpu.memory_space<vmem>>)
        tpu.yield
      }) : () -> ()
      %run_scoped3A_227 = arith.constant 0 : i32
      "tpu.region"() ({
        %run_scoped3A_228 = tpu.sem_alloc : memref<!tpu.dma_semaphore, #tpu.memory_space<semaphore_mem>>
        %dma_start3A_229 = arith.constant 0 : i32
        %dma_start3A_230 = tpu.memref_slice %arg7[%run_scoped3A_227, %dma_start3A_229] : memref<4x8192xf32, #tpu.memory_space<vmem>> -> memref<1x4096xf32, #tpu.memory_space<vmem>>
        %dma_start3A_231 = tpu.memref_squeeze %dma_start3A_230 : memref<1x4096xf32, #tpu.memory_space<vmem>> -> memref<4096xf32, #tpu.memory_space<vmem>>
        %dma_start3A_232 = arith.constant 63995904 : i32
        %dma_start3A_233 = tpu.memref_slice %arg4[%dma_start3A_232] : memref<64000000xf32, #tpu.memory_space<hbm>> -> memref<4096xf32, #tpu.memory_space<hbm>>
        %dma_start3A_234 = arith.constant 63995904 : i32
        %dma_start3A_235 = tpu.memref_slice %arg4[%dma_start3A_234] : memref<64000000xf32, #tpu.memory_space<hbm>> -> memref<4096xf32, #tpu.memory_space<hbm>>
        %dma_start3A_236 = arith.constant 0 : i32
        %dma_start3A_237 = tpu.memref_slice %arg7[%run_scoped3A_227, %dma_start3A_236] : memref<4x8192xf32, #tpu.memory_space<vmem>> -> memref<1x4096xf32, #tpu.memory_space<vmem>>
        %dma_start3A_238 = tpu.memref_squeeze %dma_start3A_237 : memref<1x4096xf32, #tpu.memory_space<vmem>> -> memref<4096xf32, #tpu.memory_space<vmem>>
        tpu.enqueue_dma source(%dma_start3A_238 : memref<4096xf32, #tpu.memory_space<vmem>>) target(%dma_start3A_235 : memref<4096xf32, #tpu.memory_space<hbm>>) target_semaphore(%run_scoped3A_228 : memref<!tpu.dma_semaphore, #tpu.memory_space<semaphore_mem>>)
        %dma_wait3A_239 = arith.constant 0 : i32
        %dma_wait3A_240 = tpu.memref_slice %arg7[%run_scoped3A_227, %dma_wait3A_239] : memref<4x8192xf32, #tpu.memory_space<vmem>> -> memref<1x4096xf32, #tpu.memory_space<vmem>>
        %dma_wait3A_241 = tpu.memref_squeeze %dma_wait3A_240 : memref<1x4096xf32, #tpu.memory_space<vmem>> -> memref<4096xf32, #tpu.memory_space<vmem>>
        %dma_wait3A_242 = arith.constant 63995904 : i32
        %dma_wait3A_243 = tpu.memref_slice %arg4[%dma_wait3A_242] : memref<64000000xf32, #tpu.memory_space<hbm>> -> memref<4096xf32, #tpu.memory_space<hbm>>
        %dma_wait3A_244 = arith.constant 63995904 : i32
        %dma_wait3A_245 = tpu.memref_slice %arg4[%dma_wait3A_244] : memref<64000000xf32, #tpu.memory_space<hbm>> -> memref<4096xf32, #tpu.memory_space<hbm>>
        %dma_wait3A_246 = arith.constant 0 : i32
        %dma_wait3A_247 = tpu.memref_slice %arg7[%run_scoped3A_227, %dma_wait3A_246] : memref<4x8192xf32, #tpu.memory_space<vmem>> -> memref<1x4096xf32, #tpu.memory_space<vmem>>
        %dma_wait3A_248 = tpu.memref_squeeze %dma_wait3A_247 : memref<1x4096xf32, #tpu.memory_space<vmem>> -> memref<4096xf32, #tpu.memory_space<vmem>>
        tpu.wait_dma2 semaphore(%run_scoped3A_228 : memref<!tpu.dma_semaphore, #tpu.memory_space<semaphore_mem>>) src(%dma_wait3A_248 : memref<4096xf32, #tpu.memory_space<vmem>>) dst(%dma_wait3A_245 : memref<4096xf32, #tpu.memory_space<hbm>>)
        tpu.yield
      }) : () -> ()
    } else {
    }
    %add3A_85 = arith.constant 0 : i32
    %add3A_86 = arith.addi %add3A, %add3A_85 : i32
    %mul3A_87 = arith.constant 128 : i32
    %mul3A_88 = arith.muli %add3A_86, %mul3A_87 : i32
    %dma_start3A = arith.constant 0 : i32
    %dma_start3A_89 = arith.constant 0 : i32
    %dma_start3A_90 = arith.constant 0 : i32
    %dma_start3A_91 = arith.constant 0 : i32
    %dma_start3A_92 = tpu.memref_slice %arg5[%dma_start3A, %dma_start3A_90, %dma_start3A_91] : memref<4x64x128xf32, #tpu.memory_space<vmem>> -> memref<1x64x128xf32, #tpu.memory_space<vmem>>
    %dma_start3A_93 = tpu.memref_squeeze %dma_start3A_92 : memref<1x64x128xf32, #tpu.memory_space<vmem>> -> memref<64x128xf32, #tpu.memory_space<vmem>>
    %dma_start3A_94 = arith.constant 0 : i32
    %dma_start3A_95 = tpu.memref_slice %arg2[%dma_start3A_94, %mul3A_88] : memref<64x1000000xf32, #tpu.memory_space<hbm>> -> memref<64x128xf32, #tpu.memory_space<hbm>>
    %dma_start3A_96 = tpu.memref_slice %arg8[%dma_start3A_89] : memref<4x!tpu.dma_semaphore, #tpu.memory_space<semaphore_mem>> -> memref<1x!tpu.dma_semaphore, #tpu.memory_space<semaphore_mem>>
    %dma_start3A_97 = tpu.memref_squeeze %dma_start3A_96 : memref<1x!tpu.dma_semaphore, #tpu.memory_space<semaphore_mem>> -> memref<!tpu.dma_semaphore, #tpu.memory_space<semaphore_mem>>
    %dma_start3A_98 = arith.constant 0 : i32
    %dma_start3A_99 = arith.constant 0 : i32
    %dma_start3A_100 = tpu.memref_slice %arg5[%dma_start3A, %dma_start3A_98, %dma_start3A_99] : memref<4x64x128xf32, #tpu.memory_space<vmem>> -> memref<1x64x128xf32, #tpu.memory_space<vmem>>
    %dma_start3A_101 = tpu.memref_squeeze %dma_start3A_100 : memref<1x64x128xf32, #tpu.memory_space<vmem>> -> memref<64x128xf32, #tpu.memory_space<vmem>>
    %dma_start3A_102 = arith.constant 0 : i32
    %dma_start3A_103 = tpu.memref_slice %arg2[%dma_start3A_102, %mul3A_88] : memref<64x1000000xf32, #tpu.memory_space<hbm>> -> memref<64x128xf32, #tpu.memory_space<hbm>>
    tpu.enqueue_dma source(%dma_start3A_103 : memref<64x128xf32, #tpu.memory_space<hbm>>) target(%dma_start3A_101 : memref<64x128xf32, #tpu.memory_space<vmem>>) target_semaphore(%dma_start3A_97 : memref<!tpu.dma_semaphore, #tpu.memory_space<semaphore_mem>>)
    %add3A_104 = arith.constant 32 : i32
    %add3A_105 = arith.addi %add3A, %add3A_104 : i32
    %mul3A_106 = arith.constant 128 : i32
    %mul3A_107 = arith.muli %add3A_105, %mul3A_106 : i32
    %dma_start3A_108 = arith.constant 1 : i32
    %dma_start3A_109 = arith.constant 1 : i32
    %dma_start3A_110 = arith.constant 0 : i32
    %dma_start3A_111 = arith.constant 0 : i32
    %dma_start3A_112 = tpu.memref_slice %arg5[%dma_start3A_108, %dma_start3A_110, %dma_start3A_111] : memref<4x64x128xf32, #tpu.memory_space<vmem>> -> memref<1x64x128xf32, #tpu.memory_space<vmem>>
    %dma_start3A_113 = tpu.memref_squeeze %dma_start3A_112 : memref<1x64x128xf32, #tpu.memory_space<vmem>> -> memref<64x128xf32, #tpu.memory_space<vmem>>
    %dma_start3A_114 = arith.constant 0 : i32
    %dma_start3A_115 = tpu.memref_slice %arg2[%dma_start3A_114, %mul3A_107] : memref<64x1000000xf32, #tpu.memory_space<hbm>> -> memref<64x128xf32, #tpu.memory_space<hbm>>
    %dma_start3A_116 = tpu.memref_slice %arg8[%dma_start3A_109] : memref<4x!tpu.dma_semaphore, #tpu.memory_space<semaphore_mem>> -> memref<1x!tpu.dma_semaphore, #tpu.memory_space<semaphore_mem>>
    %dma_start3A_117 = tpu.memref_squeeze %dma_start3A_116 : memref<1x!tpu.dma_semaphore, #tpu.memory_space<semaphore_mem>> -> memref<!tpu.dma_semaphore, #tpu.memory_space<semaphore_mem>>
    %dma_start3A_118 = arith.constant 0 : i32
    %dma_start3A_119 = arith.constant 0 : i32
    %dma_start3A_120 = tpu.memref_slice %arg5[%dma_start3A_108, %dma_start3A_118, %dma_start3A_119] : memref<4x64x128xf32, #tpu.memory_space<vmem>> -> memref<1x64x128xf32, #tpu.memory_space<vmem>>
    %dma_start3A_121 = tpu.memref_squeeze %dma_start3A_120 : memref<1x64x128xf32, #tpu.memory_space<vmem>> -> memref<64x128xf32, #tpu.memory_space<vmem>>
    %dma_start3A_122 = arith.constant 0 : i32
    %dma_start3A_123 = tpu.memref_slice %arg2[%dma_start3A_122, %mul3A_107] : memref<64x1000000xf32, #tpu.memory_space<hbm>> -> memref<64x128xf32, #tpu.memory_space<hbm>>
    tpu.enqueue_dma source(%dma_start3A_123 : memref<64x128xf32, #tpu.memory_space<hbm>>) target(%dma_start3A_121 : memref<64x128xf32, #tpu.memory_space<vmem>>) target_semaphore(%dma_start3A_117 : memref<!tpu.dma_semaphore, #tpu.memory_space<semaphore_mem>>)
    %add3A_124 = arith.constant 64 : i32
    %add3A_125 = arith.addi %add3A, %add3A_124 : i32
    %mul3A_126 = arith.constant 128 : i32
    %mul3A_127 = arith.muli %add3A_125, %mul3A_126 : i32
    %dma_start3A_128 = arith.constant 2 : i32
    %dma_start3A_129 = arith.constant 2 : i32
    %dma_start3A_130 = arith.constant 0 : i32
    %dma_start3A_131 = arith.constant 0 : i32
    %dma_start3A_132 = tpu.memref_slice %arg5[%dma_start3A_128, %dma_start3A_130, %dma_start3A_131] : memref<4x64x128xf32, #tpu.memory_space<vmem>> -> memref<1x64x128xf32, #tpu.memory_space<vmem>>
    %dma_start3A_133 = tpu.memref_squeeze %dma_start3A_132 : memref<1x64x128xf32, #tpu.memory_space<vmem>> -> memref<64x128xf32, #tpu.memory_space<vmem>>
    %dma_start3A_134 = arith.constant 0 : i32
    %dma_start3A_135 = tpu.memref_slice %arg2[%dma_start3A_134, %mul3A_127] : memref<64x1000000xf32, #tpu.memory_space<hbm>> -> memref<64x128xf32, #tpu.memory_space<hbm>>
    %dma_start3A_136 = tpu.memref_slice %arg8[%dma_start3A_129] : memref<4x!tpu.dma_semaphore, #tpu.memory_space<semaphore_mem>> -> memref<1x!tpu.dma_semaphore, #tpu.memory_space<semaphore_mem>>
    %dma_start3A_137 = tpu.memref_squeeze %dma_start3A_136 : memref<1x!tpu.dma_semaphore, #tpu.memory_space<semaphore_mem>> -> memref<!tpu.dma_semaphore, #tpu.memory_space<semaphore_mem>>
    %dma_start3A_138 = arith.constant 0 : i32
    %dma_start3A_139 = arith.constant 0 : i32
    %dma_start3A_140 = tpu.memref_slice %arg5[%dma_start3A_128, %dma_start3A_138, %dma_start3A_139] : memref<4x64x128xf32, #tpu.memory_space<vmem>> -> memref<1x64x128xf32, #tpu.memory_space<vmem>>
    %dma_start3A_141 = tpu.memref_squeeze %dma_start3A_140 : memref<1x64x128xf32, #tpu.memory_space<vmem>> -> memref<64x128xf32, #tpu.memory_space<vmem>>
    %dma_start3A_142 = arith.constant 0 : i32
    %dma_start3A_143 = tpu.memref_slice %arg2[%dma_start3A_142, %mul3A_127] : memref<64x1000000xf32, #tpu.memory_space<hbm>> -> memref<64x128xf32, #tpu.memory_space<hbm>>
    tpu.enqueue_dma source(%dma_start3A_143 : memref<64x128xf32, #tpu.memory_space<hbm>>) target(%dma_start3A_141 : memref<64x128xf32, #tpu.memory_space<vmem>>) target_semaphore(%dma_start3A_137 : memref<!tpu.dma_semaphore, #tpu.memory_space<semaphore_mem>>)
    %add3A_144 = arith.constant 96 : i32
    %add3A_145 = arith.addi %add3A, %add3A_144 : i32
    %mul3A_146 = arith.constant 128 : i32
    %mul3A_147 = arith.muli %add3A_145, %mul3A_146 : i32
    %dma_start3A_148 = arith.constant 3 : i32
    %dma_start3A_149 = arith.constant 3 : i32
    %dma_start3A_150 = arith.constant 0 : i32
    %dma_start3A_151 = arith.constant 0 : i32
    %dma_start3A_152 = tpu.memref_slice %arg5[%dma_start3A_148, %dma_start3A_150, %dma_start3A_151] : memref<4x64x128xf32, #tpu.memory_space<vmem>> -> memref<1x64x128xf32, #tpu.memory_space<vmem>>
    %dma_start3A_153 = tpu.memref_squeeze %dma_start3A_152 : memref<1x64x128xf32, #tpu.memory_space<vmem>> -> memref<64x128xf32, #tpu.memory_space<vmem>>
    %dma_start3A_154 = arith.constant 0 : i32
    %dma_start3A_155 = tpu.memref_slice %arg2[%dma_start3A_154, %mul3A_147] : memref<64x1000000xf32, #tpu.memory_space<hbm>> -> memref<64x128xf32, #tpu.memory_space<hbm>>
    %dma_start3A_156 = tpu.memref_slice %arg8[%dma_start3A_149] : memref<4x!tpu.dma_semaphore, #tpu.memory_space<semaphore_mem>> -> memref<1x!tpu.dma_semaphore, #tpu.memory_space<semaphore_mem>>
    %dma_start3A_157 = tpu.memref_squeeze %dma_start3A_156 : memref<1x!tpu.dma_semaphore, #tpu.memory_space<semaphore_mem>> -> memref<!tpu.dma_semaphore, #tpu.memory_space<semaphore_mem>>
    %dma_start3A_158 = arith.constant 0 : i32
    %dma_start3A_159 = arith.constant 0 : i32
    %dma_start3A_160 = tpu.memref_slice %arg5[%dma_start3A_148, %dma_start3A_158, %dma_start3A_159] : memref<4x64x128xf32, #tpu.memory_space<vmem>> -> memref<1x64x128xf32, #tpu.memory_space<vmem>>
    %dma_start3A_161 = tpu.memref_squeeze %dma_start3A_160 : memref<1x64x128xf32, #tpu.memory_space<vmem>> -> memref<64x128xf32, #tpu.memory_space<vmem>>
    %dma_start3A_162 = arith.constant 0 : i32
    %dma_start3A_163 = tpu.memref_slice %arg2[%dma_start3A_162, %mul3A_147] : memref<64x1000000xf32, #tpu.memory_space<hbm>> -> memref<64x128xf32, #tpu.memory_space<hbm>>
    tpu.enqueue_dma source(%dma_start3A_163 : memref<64x128xf32, #tpu.memory_space<hbm>>) target(%dma_start3A_161 : memref<64x128xf32, #tpu.memory_space<vmem>>) target_semaphore(%dma_start3A_157 : memref<!tpu.dma_semaphore, #tpu.memory_space<semaphore_mem>>)
    %while3A = arith.constant 0 : i32
    %while3A_164 = arith.subi %select_n3A, %while3A : i32
    %while3A_165 = arith.addi %while3A, %while3A_164 : i32
    %while3A_166 = arith.constant 1 : i32
    %while3A_167 = arith.divsi %while3A_164, %while3A_166 : i32
    %while3A_168 = arith.muli %while3A_167, %while3A_166 : i32
    %while3A_169 = arith.addi %while3A, %while3A_168 : i32
    %while3A_170 = arith.constant 1 : i32
    scf.for %while3A_227 = %while3A to %while3A_169 step %while3A_170  : i32 {
      %rem3A_228 = arith.constant 4 : i32
      %rem3A_229 = arith.remsi %while3A_227, %rem3A_228 : i32
      %mul3A_230 = arith.constant 32 : i32
      %mul3A_231 = arith.muli %mul3A_230, %while3A_227 : i32
      %add3A_232 = arith.addi %add3A, %mul3A_231 : i32
      %broadcast_in_dim3A = vector.broadcast %rem3A_229 : i32 to vector<16xi32>
      %ge3A = arith.constant 4 : i32
      %ge3A_233 = arith.cmpi sge, %while3A_227, %ge3A : i32
      %convert_element_type3A_234 = arith.extui %ge3A_233 : i1 to i32
      %cond3A_235 = arith.constant 0 : i32
      %cond3A_236 = arith.cmpi ne, %convert_element_type3A_234, %cond3A_235 : i32
      scf.if %cond3A_236 {
        %dma_wait3A_277 = arith.constant 0 : i32
        %dma_wait3A_278 = tpu.memref_slice %arg7[%rem3A_229, %dma_wait3A_277] : memref<4x8192xf32, #tpu.memory_space<vmem>> -> memref<1x8192xf32, #tpu.memory_space<vmem>>
        %dma_wait3A_279 = tpu.memref_squeeze %dma_wait3A_278 : memref<1x8192xf32, #tpu.memory_space<vmem>> -> memref<8192xf32, #tpu.memory_space<vmem>>
        %dma_wait3A_280 = arith.constant 0 : i32
        %dma_wait3A_281 = tpu.memref_slice %arg4[%dma_wait3A_280] : memref<64000000xf32, #tpu.memory_space<hbm>> -> memref<8192xf32, #tpu.memory_space<hbm>>
        %dma_wait3A_282 = tpu.memref_slice %arg9[%rem3A_229] : memref<4x!tpu.dma_semaphore, #tpu.memory_space<semaphore_mem>> -> memref<1x!tpu.dma_semaphore, #tpu.memory_space<semaphore_mem>>
        %dma_wait3A_283 = tpu.memref_squeeze %dma_wait3A_282 : memref<1x!tpu.dma_semaphore, #tpu.memory_space<semaphore_mem>> -> memref<!tpu.dma_semaphore, #tpu.memory_space<semaphore_mem>>
        %dma_wait3A_284 = arith.constant 0 : i32
        %dma_wait3A_285 = tpu.memref_slice %arg4[%dma_wait3A_284] : memref<64000000xf32, #tpu.memory_space<hbm>> -> memref<8192xf32, #tpu.memory_space<hbm>>
        %dma_wait3A_286 = arith.constant 0 : i32
        %dma_wait3A_287 = tpu.memref_slice %arg7[%rem3A_229, %dma_wait3A_286] : memref<4x8192xf32, #tpu.memory_space<vmem>> -> memref<1x8192xf32, #tpu.memory_space<vmem>>
        %dma_wait3A_288 = tpu.memref_squeeze %dma_wait3A_287 : memref<1x8192xf32, #tpu.memory_space<vmem>> -> memref<8192xf32, #tpu.memory_space<vmem>>
        tpu.wait_dma2 semaphore(%dma_wait3A_283 : memref<!tpu.dma_semaphore, #tpu.memory_space<semaphore_mem>>) src(%dma_wait3A_288 : memref<8192xf32, #tpu.memory_space<vmem>>) dst(%dma_wait3A_285 : memref<8192xf32, #tpu.memory_space<hbm>>)
      } else {
      }
      %mul3A_237 = arith.constant 128 : i32
      %mul3A_238 = arith.muli %add3A_232, %mul3A_237 : i32
      %dma_wait3A_239 = arith.constant 0 : i32
      %dma_wait3A_240 = arith.constant 0 : i32
      %dma_wait3A_241 = tpu.memref_slice %arg5[%rem3A_229, %dma_wait3A_239, %dma_wait3A_240] : memref<4x64x128xf32, #tpu.memory_space<vmem>> -> memref<1x64x128xf32, #tpu.memory_space<vmem>>
      %dma_wait3A_242 = tpu.memref_squeeze %dma_wait3A_241 : memref<1x64x128xf32, #tpu.memory_space<vmem>> -> memref<64x128xf32, #tpu.memory_space<vmem>>
      %dma_wait3A_243 = arith.constant 0 : i32
      %dma_wait3A_244 = tpu.memref_slice %arg2[%dma_wait3A_243, %mul3A_238] : memref<64x1000000xf32, #tpu.memory_space<hbm>> -> memref<64x128xf32, #tpu.memory_space<hbm>>
      %dma_wait3A_245 = tpu.memref_slice %arg8[%rem3A_229] : memref<4x!tpu.dma_semaphore, #tpu.memory_space<semaphore_mem>> -> memref<1x!tpu.dma_semaphore, #tpu.memory_space<semaphore_mem>>
      %dma_wait3A_246 = tpu.memref_squeeze %dma_wait3A_245 : memref<1x!tpu.dma_semaphore, #tpu.memory_space<semaphore_mem>> -> memref<!tpu.dma_semaphore, #tpu.memory_space<semaphore_mem>>
      %dma_wait3A_247 = arith.constant 0 : i32
      %dma_wait3A_248 = arith.constant 0 : i32
      %dma_wait3A_249 = tpu.memref_slice %arg5[%rem3A_229, %dma_wait3A_247, %dma_wait3A_248] : memref<4x64x128xf32, #tpu.memory_space<vmem>> -> memref<1x64x128xf32, #tpu.memory_space<vmem>>
      %dma_wait3A_250 = tpu.memref_squeeze %dma_wait3A_249 : memref<1x64x128xf32, #tpu.memory_space<vmem>> -> memref<64x128xf32, #tpu.memory_space<vmem>>
      %dma_wait3A_251 = arith.constant 0 : i32
      %dma_wait3A_252 = tpu.memref_slice %arg2[%dma_wait3A_251, %mul3A_238] : memref<64x1000000xf32, #tpu.memory_space<hbm>> -> memref<64x128xf32, #tpu.memory_space<hbm>>
      tpu.wait_dma2 semaphore(%dma_wait3A_246 : memref<!tpu.dma_semaphore, #tpu.memory_space<semaphore_mem>>) src(%dma_wait3A_252 : memref<64x128xf32, #tpu.memory_space<hbm>>) dst(%dma_wait3A_250 : memref<64x128xf32, #tpu.memory_space<vmem>>)
      %parallel_loop3A = arith.constant 0 : i32
      %parallel_loop3A_253 = arith.constant 64 : i32
      %parallel_loop3A_254 = arith.constant 1 : i32
      scf.for %parallel_loop3A_277 = %parallel_loop3A to %parallel_loop3A_253 step %parallel_loop3A_254  : i32 {
        %parallel_loop3A_278 = arith.index_cast %rem3A_229 : i32 to index
        %parallel_loop3A_279 = arith.index_cast %parallel_loop3A_277 : i32 to index
        %parallel_loop3A_280 = arith.constant 0 : index
        %parallel_loop3A_281 = tpu.vector_load %arg5[%parallel_loop3A_278, %parallel_loop3A_279, %parallel_loop3A_280] {strides = array<i32>} : memref<4x64x128xf32, #tpu.memory_space<vmem>>, vector<16xf32>,
        %parallel_loop3A_282 = vector.broadcast %parallel_loop3A_277 : i32 to vector<16xi32>
        %parallel_loop3A_283 = arith.addi %mul3A_6, %parallel_loop3A_282 : vector<16xi32>
        tpu.vector_store_idx %arg6[%broadcast_in_dim3A, %parallel_loop3A_283], %parallel_loop3A_281 : memref<4x8320xf32, #tpu.memory_space<vmem>>[vector<16xi32>, vector<16xi32>], vector<16xf32>,
        %parallel_loop3A_284 = arith.index_cast %rem3A_229 : i32 to index
        %parallel_loop3A_285 = arith.index_cast %parallel_loop3A_277 : i32 to index
        %parallel_loop3A_286 = arith.constant 16 : index
        %parallel_loop3A_287 = tpu.vector_load %arg5[%parallel_loop3A_284, %parallel_loop3A_285, %parallel_loop3A_286] {strides = array<i32>} : memref<4x64x128xf32, #tpu.memory_space<vmem>>, vector<16xf32>,
        %parallel_loop3A_288 = vector.broadcast %parallel_loop3A_277 : i32 to vector<16xi32>
        %parallel_loop3A_289 = arith.addi %mul3A_12, %parallel_loop3A_288 : vector<16xi32>
        tpu.vector_store_idx %arg6[%broadcast_in_dim3A, %parallel_loop3A_289], %parallel_loop3A_287 : memref<4x8320xf32, #tpu.memory_space<vmem>>[vector<16xi32>, vector<16xi32>], vector<16xf32>,
        %parallel_loop3A_290 = arith.index_cast %rem3A_229 : i32 to index
        %parallel_loop3A_291 = arith.index_cast %parallel_loop3A_277 : i32 to index
        %parallel_loop3A_292 = arith.constant 32 : index
        %parallel_loop3A_293 = tpu.vector_load %arg5[%parallel_loop3A_290, %parallel_loop3A_291, %parallel_loop3A_292] {strides = array<i32>} : memref<4x64x128xf32, #tpu.memory_space<vmem>>, vector<16xf32>,
        %parallel_loop3A_294 = vector.broadcast %parallel_loop3A_277 : i32 to vector<16xi32>
        %parallel_loop3A_295 = arith.addi %mul3A_18, %parallel_loop3A_294 : vector<16xi32>
        tpu.vector_store_idx %arg6[%broadcast_in_dim3A, %parallel_loop3A_295], %parallel_loop3A_293 : memref<4x8320xf32, #tpu.memory_space<vmem>>[vector<16xi32>, vector<16xi32>], vector<16xf32>,
        %parallel_loop3A_296 = arith.index_cast %rem3A_229 : i32 to index
        %parallel_loop3A_297 = arith.index_cast %parallel_loop3A_277 : i32 to index
        %parallel_loop3A_298 = arith.constant 48 : index
        %parallel_loop3A_299 = tpu.vector_load %arg5[%parallel_loop3A_296, %parallel_loop3A_297, %parallel_loop3A_298] {strides = array<i32>} : memref<4x64x128xf32, #tpu.memory_space<vmem>>, vector<16xf32>,
        %parallel_loop3A_300 = vector.broadcast %parallel_loop3A_277 : i32 to vector<16xi32>
        %parallel_loop3A_301 = arith.addi %mul3A_24, %parallel_loop3A_300 : vector<16xi32>
        tpu.vector_store_idx %arg6[%broadcast_in_dim3A, %parallel_loop3A_301], %parallel_loop3A_299 : memref<4x8320xf32, #tpu.memory_space<vmem>>[vector<16xi32>, vector<16xi32>], vector<16xf32>,
        %parallel_loop3A_302 = arith.index_cast %rem3A_229 : i32 to index
        %parallel_loop3A_303 = arith.index_cast %parallel_loop3A_277 : i32 to index
        %parallel_loop3A_304 = arith.constant 64 : index
        %parallel_loop3A_305 = tpu.vector_load %arg5[%parallel_loop3A_302, %parallel_loop3A_303, %parallel_loop3A_304] {strides = array<i32>} : memref<4x64x128xf32, #tpu.memory_space<vmem>>, vector<16xf32>,
        %parallel_loop3A_306 = vector.broadcast %parallel_loop3A_277 : i32 to vector<16xi32>
        %parallel_loop3A_307 = arith.addi %mul3A_30, %parallel_loop3A_306 : vector<16xi32>
        tpu.vector_store_idx %arg6[%broadcast_in_dim3A, %parallel_loop3A_307], %parallel_loop3A_305 : memref<4x8320xf32, #tpu.memory_space<vmem>>[vector<16xi32>, vector<16xi32>], vector<16xf32>,
        %parallel_loop3A_308 = arith.index_cast %rem3A_229 : i32 to index
        %parallel_loop3A_309 = arith.index_cast %parallel_loop3A_277 : i32 to index
        %parallel_loop3A_310 = arith.constant 80 : index
        %parallel_loop3A_311 = tpu.vector_load %arg5[%parallel_loop3A_308, %parallel_loop3A_309, %parallel_loop3A_310] {strides = array<i32>} : memref<4x64x128xf32, #tpu.memory_space<vmem>>, vector<16xf32>,
        %parallel_loop3A_312 = vector.broadcast %parallel_loop3A_277 : i32 to vector<16xi32>
        %parallel_loop3A_313 = arith.addi %mul3A_36, %parallel_loop3A_312 : vector<16xi32>
        tpu.vector_store_idx %arg6[%broadcast_in_dim3A, %parallel_loop3A_313], %parallel_loop3A_311 : memref<4x8320xf32, #tpu.memory_space<vmem>>[vector<16xi32>, vector<16xi32>], vector<16xf32>,
        %parallel_loop3A_314 = arith.index_cast %rem3A_229 : i32 to index
        %parallel_loop3A_315 = arith.index_cast %parallel_loop3A_277 : i32 to index
        %parallel_loop3A_316 = arith.constant 96 : index
        %parallel_loop3A_317 = tpu.vector_load %arg5[%parallel_loop3A_314, %parallel_loop3A_315, %parallel_loop3A_316] {strides = array<i32>} : memref<4x64x128xf32, #tpu.memory_space<vmem>>, vector<16xf32>,
        %parallel_loop3A_318 = vector.broadcast %parallel_loop3A_277 : i32 to vector<16xi32>
        %parallel_loop3A_319 = arith.addi %mul3A_42, %parallel_loop3A_318 : vector<16xi32>
        tpu.vector_store_idx %arg6[%broadcast_in_dim3A, %parallel_loop3A_319], %parallel_loop3A_317 : memref<4x8320xf32, #tpu.memory_space<vmem>>[vector<16xi32>, vector<16xi32>], vector<16xf32>,
        %parallel_loop3A_320 = arith.index_cast %rem3A_229 : i32 to index
        %parallel_loop3A_321 = arith.index_cast %parallel_loop3A_277 : i32 to index
        %parallel_loop3A_322 = arith.constant 112 : index
        %parallel_loop3A_323 = tpu.vector_load %arg5[%parallel_loop3A_320, %parallel_loop3A_321, %parallel_loop3A_322] {strides = array<i32>} : memref<4x64x128xf32, #tpu.memory_space<vmem>>, vector<16xf32>,
        %parallel_loop3A_324 = vector.broadcast %parallel_loop3A_277 : i32 to vector<16xi32>
        %parallel_loop3A_325 = arith.addi %mul3A_48, %parallel_loop3A_324 : vector<16xi32>
        tpu.vector_store_idx %arg6[%broadcast_in_dim3A, %parallel_loop3A_325], %parallel_loop3A_323 : memref<4x8320xf32, #tpu.memory_space<vmem>>[vector<16xi32>, vector<16xi32>], vector<16xf32>,
      } {sc.loop_unroll_factor = 32 : i64, sc.parallel_access}
      %parallel_loop3A_255 = arith.constant 0 : i32
      %parallel_loop3A_256 = arith.constant 128 : i32
      %parallel_loop3A_257 = arith.constant 1 : i32
      scf.for %parallel_loop3A_277 = %parallel_loop3A_255 to %parallel_loop3A_256 step %parallel_loop3A_257  : i32 {
        %parallel_loop3A_278 = arith.constant 65 : i32
        %parallel_loop3A_279 = arith.muli %parallel_loop3A_277, %parallel_loop3A_278 : i32
        %parallel_loop3A_280 = vector.broadcast %parallel_loop3A_279 : i32 to vector<16xi32>
        %parallel_loop3A_281 = arith.addi %add3A_51, %parallel_loop3A_280 : vector<16xi32>
        %parallel_loop3A_282 = tpu.vector_load_idx %arg6[%broadcast_in_dim3A, %parallel_loop3A_281] : memref<4x8320xf32, #tpu.memory_space<vmem>>[vector<16xi32>, vector<16xi32>], vector<16xf32>,
        %parallel_loop3A_283 = arith.constant 64 : i32
        %parallel_loop3A_284 = arith.muli %parallel_loop3A_277, %parallel_loop3A_283 : i32
        %parallel_loop3A_285 = arith.constant 0 : i32
        %parallel_loop3A_286 = arith.addi %parallel_loop3A_284, %parallel_loop3A_285 : i32
        %parallel_loop3A_287 = arith.index_cast %rem3A_229 : i32 to index
        %parallel_loop3A_288 = arith.index_cast %parallel_loop3A_286 : i32 to index
        %parallel_loop3A_289 = tpu.vector_load %arg7[%parallel_loop3A_287, %parallel_loop3A_288] {strides = array<i32>} : memref<4x8192xf32, #tpu.memory_space<vmem>>, vector<16xf32>,
        tpu.vector_store %arg7[%parallel_loop3A_287, %parallel_loop3A_288], %parallel_loop3A_282 {strides = array<i32>} : memref<4x8192xf32, #tpu.memory_space<vmem>>, vector<16xf32>,
        %parallel_loop3A_290 = arith.constant 65 : i32
        %parallel_loop3A_291 = arith.muli %parallel_loop3A_277, %parallel_loop3A_290 : i32
        %parallel_loop3A_292 = vector.broadcast %parallel_loop3A_291 : i32 to vector<16xi32>
        %parallel_loop3A_293 = arith.addi %add3A_54, %parallel_loop3A_292 : vector<16xi32>
        %parallel_loop3A_294 = tpu.vector_load_idx %arg6[%broadcast_in_dim3A, %parallel_loop3A_293] : memref<4x8320xf32, #tpu.memory_space<vmem>>[vector<16xi32>, vector<16xi32>], vector<16xf32>,
        %parallel_loop3A_295 = arith.constant 64 : i32
        %parallel_loop3A_296 = arith.muli %parallel_loop3A_277, %parallel_loop3A_295 : i32
        %parallel_loop3A_297 = arith.constant 16 : i32
        %parallel_loop3A_298 = arith.addi %parallel_loop3A_296, %parallel_loop3A_297 : i32
        %parallel_loop3A_299 = arith.index_cast %rem3A_229 : i32 to index
        %parallel_loop3A_300 = arith.index_cast %parallel_loop3A_298 : i32 to index
        %parallel_loop3A_301 = tpu.vector_load %arg7[%parallel_loop3A_299, %parallel_loop3A_300] {strides = array<i32>} : memref<4x8192xf32, #tpu.memory_space<vmem>>, vector<16xf32>,
        tpu.vector_store %arg7[%parallel_loop3A_299, %parallel_loop3A_300], %parallel_loop3A_294 {strides = array<i32>} : memref<4x8192xf32, #tpu.memory_space<vmem>>, vector<16xf32>,
        %parallel_loop3A_302 = arith.constant 65 : i32
        %parallel_loop3A_303 = arith.muli %parallel_loop3A_277, %parallel_loop3A_302 : i32
        %parallel_loop3A_304 = vector.broadcast %parallel_loop3A_303 : i32 to vector<16xi32>
        %parallel_loop3A_305 = arith.addi %add3A_57, %parallel_loop3A_304 : vector<16xi32>
        %parallel_loop3A_306 = tpu.vector_load_idx %arg6[%broadcast_in_dim3A, %parallel_loop3A_305] : memref<4x8320xf32, #tpu.memory_space<vmem>>[vector<16xi32>, vector<16xi32>], vector<16xf32>,
        %parallel_loop3A_307 = arith.constant 64 : i32
        %parallel_loop3A_308 = arith.muli %parallel_loop3A_277, %parallel_loop3A_307 : i32
        %parallel_loop3A_309 = arith.constant 32 : i32
        %parallel_loop3A_310 = arith.addi %parallel_loop3A_308, %parallel_loop3A_309 : i32
        %parallel_loop3A_311 = arith.index_cast %rem3A_229 : i32 to index
        %parallel_loop3A_312 = arith.index_cast %parallel_loop3A_310 : i32 to index
        %parallel_loop3A_313 = tpu.vector_load %arg7[%parallel_loop3A_311, %parallel_loop3A_312] {strides = array<i32>} : memref<4x8192xf32, #tpu.memory_space<vmem>>, vector<16xf32>,
        tpu.vector_store %arg7[%parallel_loop3A_311, %parallel_loop3A_312], %parallel_loop3A_306 {strides = array<i32>} : memref<4x8192xf32, #tpu.memory_space<vmem>>, vector<16xf32>,
        %parallel_loop3A_314 = arith.constant 65 : i32
        %parallel_loop3A_315 = arith.muli %parallel_loop3A_277, %parallel_loop3A_314 : i32
        %parallel_loop3A_316 = vector.broadcast %parallel_loop3A_315 : i32 to vector<16xi32>
        %parallel_loop3A_317 = arith.addi %add3A_60, %parallel_loop3A_316 : vector<16xi32>
        %parallel_loop3A_318 = tpu.vector_load_idx %arg6[%broadcast_in_dim3A, %parallel_loop3A_317] : memref<4x8320xf32, #tpu.memory_space<vmem>>[vector<16xi32>, vector<16xi32>], vector<16xf32>,
        %parallel_loop3A_319 = arith.constant 64 : i32
        %parallel_loop3A_320 = arith.muli %parallel_loop3A_277, %parallel_loop3A_319 : i32
        %parallel_loop3A_321 = arith.constant 48 : i32
        %parallel_loop3A_322 = arith.addi %parallel_loop3A_320, %parallel_loop3A_321 : i32
        %parallel_loop3A_323 = arith.index_cast %rem3A_229 : i32 to index
        %parallel_loop3A_324 = arith.index_cast %parallel_loop3A_322 : i32 to index
        %parallel_loop3A_325 = tpu.vector_load %arg7[%parallel_loop3A_323, %parallel_loop3A_324] {strides = array<i32>} : memref<4x8192xf32, #tpu.memory_space<vmem>>, vector<16xf32>,
        tpu.vector_store %arg7[%parallel_loop3A_323, %parallel_loop3A_324], %parallel_loop3A_318 {strides = array<i32>} : memref<4x8192xf32, #tpu.memory_space<vmem>>, vector<16xf32>,
      } {sc.loop_unroll_factor = 32 : i64, sc.parallel_access}
      %mul3A_258 = arith.constant 128 : i32
      %mul3A_259 = arith.muli %add3A_232, %mul3A_258 : i32
      %mul3A_260 = arith.constant 64 : i32
      %mul3A_261 = arith.muli %mul3A_259, %mul3A_260 : i32
      %dma_start3A_262 = arith.constant 0 : i32
      %dma_start3A_263 = tpu.memref_slice %arg7[%rem3A_229, %dma_start3A_262] : memref<4x8192xf32, #tpu.memory_space<vmem>> -> memref<1x8192xf32, #tpu.memory_space<vmem>>
      %dma_start3A_264 = tpu.memref_squeeze %dma_start3A_263 : memref<1x8192xf32, #tpu.memory_space<vmem>> -> memref<8192xf32, #tpu.memory_space<vmem>>
      %dma_start3A_265 = tpu.memref_slice %arg4[%mul3A_261] : memref<64000000xf32, #tpu.memory_space<hbm>> -> memref<8192xf32, #tpu.memory_space<hbm>>
      %dma_start3A_266 = tpu.memref_slice %arg9[%rem3A_229] : memref<4x!tpu.dma_semaphore, #tpu.memory_space<semaphore_mem>> -> memref<1x!tpu.dma_semaphore, #tpu.memory_space<semaphore_mem>>
      %dma_start3A_267 = tpu.memref_squeeze %dma_start3A_266 : memref<1x!tpu.dma_semaphore, #tpu.memory_space<semaphore_mem>> -> memref<!tpu.dma_semaphore, #tpu.memory_space<semaphore_mem>>
      %dma_start3A_268 = tpu.memref_slice %arg4[%mul3A_261] : memref<64000000xf32, #tpu.memory_space<hbm>> -> memref<8192xf32, #tpu.memory_space<hbm>>
      %dma_start3A_269 = arith.constant 0 : i32
      %dma_start3A_270 = tpu.memref_slice %arg7[%rem3A_229, %dma_start3A_269] : memref<4x8192xf32, #tpu.memory_space<vmem>> -> memref<1x8192xf32, #tpu.memory_space<vmem>>
      %dma_start3A_271 = tpu.memref_squeeze %dma_start3A_270 : memref<1x8192xf32, #tpu.memory_space<vmem>> -> memref<8192xf32, #tpu.memory_space<vmem>>
      tpu.enqueue_dma source(%dma_start3A_271 : memref<8192xf32, #tpu.memory_space<vmem>>) target(%dma_start3A_268 : memref<8192xf32, #tpu.memory_space<hbm>>) target_semaphore(%dma_start3A_267 : memref<!tpu.dma_semaphore, #tpu.memory_space<semaphore_mem>>)
      %add3A_272 = arith.constant 4 : i32
      %add3A_273 = arith.addi %while3A_227, %add3A_272 : i32
      %lt3A = arith.cmpi slt, %add3A_273, %select_n3A : i32
      %convert_element_type3A_274 = arith.extui %lt3A : i1 to i32
      %cond3A_275 = arith.constant 0 : i32
      %cond3A_276 = arith.cmpi ne, %convert_element_type3A_274, %cond3A_275 : i32
      scf.if %cond3A_276 {
        %add3A_277 = arith.constant 4 : i32
        %add3A_278 = arith.addi %while3A_227, %add3A_277 : i32
        %mul3A_279 = arith.constant 32 : i32
        %mul3A_280 = arith.muli %mul3A_279, %add3A_278 : i32
        %add3A_281 = arith.addi %add3A, %mul3A_280 : i32
        %mul3A_282 = arith.constant 128 : i32
        %mul3A_283 = arith.muli %add3A_281, %mul3A_282 : i32
        %dma_start3A_284 = arith.constant 0 : i32
        %dma_start3A_285 = arith.constant 0 : i32
        %dma_start3A_286 = tpu.memref_slice %arg5[%rem3A_229, %dma_start3A_284, %dma_start3A_285] : memref<4x64x128xf32, #tpu.memory_space<vmem>> -> memref<1x64x128xf32, #tpu.memory_space<vmem>>
        %dma_start3A_287 = tpu.memref_squeeze %dma_start3A_286 : memref<1x64x128xf32, #tpu.memory_space<vmem>> -> memref<64x128xf32, #tpu.memory_space<vmem>>
        %dma_start3A_288 = arith.constant 0 : i32
        %dma_start3A_289 = tpu.memref_slice %arg2[%dma_start3A_288, %mul3A_283] : memref<64x1000000xf32, #tpu.memory_space<hbm>> -> memref<64x128xf32, #tpu.memory_space<hbm>>
        %dma_start3A_290 = tpu.memref_slice %arg8[%rem3A_229] : memref<4x!tpu.dma_semaphore, #tpu.memory_space<semaphore_mem>> -> memref<1x!tpu.dma_semaphore, #tpu.memory_space<semaphore_mem>>
        %dma_start3A_291 = tpu.memref_squeeze %dma_start3A_290 : memref<1x!tpu.dma_semaphore, #tpu.memory_space<semaphore_mem>> -> memref<!tpu.dma_semaphore, #tpu.memory_space<semaphore_mem>>
        %dma_start3A_292 = arith.constant 0 : i32
        %dma_start3A_293 = arith.constant 0 : i32
        %dma_start3A_294 = tpu.memref_slice %arg5[%rem3A_229, %dma_start3A_292, %dma_start3A_293] : memref<4x64x128xf32, #tpu.memory_space<vmem>> -> memref<1x64x128xf32, #tpu.memory_space<vmem>>
        %dma_start3A_295 = tpu.memref_squeeze %dma_start3A_294 : memref<1x64x128xf32, #tpu.memory_space<vmem>> -> memref<64x128xf32, #tpu.memory_space<vmem>>
        %dma_start3A_296 = arith.constant 0 : i32
        %dma_start3A_297 = tpu.memref_slice %arg2[%dma_start3A_296, %mul3A_283] : memref<64x1000000xf32, #tpu.memory_space<hbm>> -> memref<64x128xf32, #tpu.memory_space<hbm>>
        tpu.enqueue_dma source(%dma_start3A_297 : memref<64x128xf32, #tpu.memory_space<hbm>>) target(%dma_start3A_295 : memref<64x128xf32, #tpu.memory_space<vmem>>) target_semaphore(%dma_start3A_291 : memref<!tpu.dma_semaphore, #tpu.memory_space<semaphore_mem>>)
      } else {
      }
    }
    %while3A_171 = arith.constant 1 : i32
    scf.for %while3A_227 = %while3A_169 to %while3A_165 step %while3A_171  : i32 {
      %rem3A_228 = arith.constant 4 : i32
      %rem3A_229 = arith.remsi %while3A_227, %rem3A_228 : i32
      %mul3A_230 = arith.constant 32 : i32
      %mul3A_231 = arith.muli %mul3A_230, %while3A_227 : i32
      %add3A_232 = arith.addi %add3A, %mul3A_231 : i32
      %broadcast_in_dim3A = vector.broadcast %rem3A_229 : i32 to vector<16xi32>
      %ge3A = arith.constant 4 : i32
      %ge3A_233 = arith.cmpi sge, %while3A_227, %ge3A : i32
      %convert_element_type3A_234 = arith.extui %ge3A_233 : i1 to i32
      %cond3A_235 = arith.constant 0 : i32
      %cond3A_236 = arith.cmpi ne, %convert_element_type3A_234, %cond3A_235 : i32
      scf.if %cond3A_236 {
        %dma_wait3A_277 = arith.constant 0 : i32
        %dma_wait3A_278 = tpu.memref_slice %arg7[%rem3A_229, %dma_wait3A_277] : memref<4x8192xf32, #tpu.memory_space<vmem>> -> memref<1x8192xf32, #tpu.memory_space<vmem>>
        %dma_wait3A_279 = tpu.memref_squeeze %dma_wait3A_278 : memref<1x8192xf32, #tpu.memory_space<vmem>> -> memref<8192xf32, #tpu.memory_space<vmem>>
        %dma_wait3A_280 = arith.constant 0 : i32
        %dma_wait3A_281 = tpu.memref_slice %arg4[%dma_wait3A_280] : memref<64000000xf32, #tpu.memory_space<hbm>> -> memref<8192xf32, #tpu.memory_space<hbm>>
        %dma_wait3A_282 = tpu.memref_slice %arg9[%rem3A_229] : memref<4x!tpu.dma_semaphore, #tpu.memory_space<semaphore_mem>> -> memref<1x!tpu.dma_semaphore, #tpu.memory_space<semaphore_mem>>
        %dma_wait3A_283 = tpu.memref_squeeze %dma_wait3A_282 : memref<1x!tpu.dma_semaphore, #tpu.memory_space<semaphore_mem>> -> memref<!tpu.dma_semaphore, #tpu.memory_space<semaphore_mem>>
        %dma_wait3A_284 = arith.constant 0 : i32
        %dma_wait3A_285 = tpu.memref_slice %arg4[%dma_wait3A_284] : memref<64000000xf32, #tpu.memory_space<hbm>> -> memref<8192xf32, #tpu.memory_space<hbm>>
        %dma_wait3A_286 = arith.constant 0 : i32
        %dma_wait3A_287 = tpu.memref_slice %arg7[%rem3A_229, %dma_wait3A_286] : memref<4x8192xf32, #tpu.memory_space<vmem>> -> memref<1x8192xf32, #tpu.memory_space<vmem>>
        %dma_wait3A_288 = tpu.memref_squeeze %dma_wait3A_287 : memref<1x8192xf32, #tpu.memory_space<vmem>> -> memref<8192xf32, #tpu.memory_space<vmem>>
        tpu.wait_dma2 semaphore(%dma_wait3A_283 : memref<!tpu.dma_semaphore, #tpu.memory_space<semaphore_mem>>) src(%dma_wait3A_288 : memref<8192xf32, #tpu.memory_space<vmem>>) dst(%dma_wait3A_285 : memref<8192xf32, #tpu.memory_space<hbm>>)
      } else {
      }
      %mul3A_237 = arith.constant 128 : i32
      %mul3A_238 = arith.muli %add3A_232, %mul3A_237 : i32
      %dma_wait3A_239 = arith.constant 0 : i32
      %dma_wait3A_240 = arith.constant 0 : i32
      %dma_wait3A_241 = tpu.memref_slice %arg5[%rem3A_229, %dma_wait3A_239, %dma_wait3A_240] : memref<4x64x128xf32, #tpu.memory_space<vmem>> -> memref<1x64x128xf32, #tpu.memory_space<vmem>>
      %dma_wait3A_242 = tpu.memref_squeeze %dma_wait3A_241 : memref<1x64x128xf32, #tpu.memory_space<vmem>> -> memref<64x128xf32, #tpu.memory_space<vmem>>
      %dma_wait3A_243 = arith.constant 0 : i32
      %dma_wait3A_244 = tpu.memref_slice %arg2[%dma_wait3A_243, %mul3A_238] : memref<64x1000000xf32, #tpu.memory_space<hbm>> -> memref<64x128xf32, #tpu.memory_space<hbm>>
      %dma_wait3A_245 = tpu.memref_slice %arg8[%rem3A_229] : memref<4x!tpu.dma_semaphore, #tpu.memory_space<semaphore_mem>> -> memref<1x!tpu.dma_semaphore, #tpu.memory_space<semaphore_mem>>
      %dma_wait3A_246 = tpu.memref_squeeze %dma_wait3A_245 : memref<1x!tpu.dma_semaphore, #tpu.memory_space<semaphore_mem>> -> memref<!tpu.dma_semaphore, #tpu.memory_space<semaphore_mem>>
      %dma_wait3A_247 = arith.constant 0 : i32
      %dma_wait3A_248 = arith.constant 0 : i32
      %dma_wait3A_249 = tpu.memref_slice %arg5[%rem3A_229, %dma_wait3A_247, %dma_wait3A_248] : memref<4x64x128xf32, #tpu.memory_space<vmem>> -> memref<1x64x128xf32, #tpu.memory_space<vmem>>
      %dma_wait3A_250 = tpu.memref_squeeze %dma_wait3A_249 : memref<1x64x128xf32, #tpu.memory_space<vmem>> -> memref<64x128xf32, #tpu.memory_space<vmem>>
      %dma_wait3A_251 = arith.constant 0 : i32
      %dma_wait3A_252 = tpu.memref_slice %arg2[%dma_wait3A_251, %mul3A_238] : memref<64x1000000xf32, #tpu.memory_space<hbm>> -> memref<64x128xf32, #tpu.memory_space<hbm>>
      tpu.wait_dma2 semaphore(%dma_wait3A_246 : memref<!tpu.dma_semaphore, #tpu.memory_space<semaphore_mem>>) src(%dma_wait3A_252 : memref<64x128xf32, #tpu.memory_space<hbm>>) dst(%dma_wait3A_250 : memref<64x128xf32, #tpu.memory_space<vmem>>)
      %parallel_loop3A = arith.constant 0 : i32
      %parallel_loop3A_253 = arith.constant 64 : i32
      %parallel_loop3A_254 = arith.constant 1 : i32
      scf.for %parallel_loop3A_277 = %parallel_loop3A to %parallel_loop3A_253 step %parallel_loop3A_254  : i32 {
        %parallel_loop3A_278 = arith.index_cast %rem3A_229 : i32 to index
        %parallel_loop3A_279 = arith.index_cast %parallel_loop3A_277 : i32 to index
        %parallel_loop3A_280 = arith.constant 0 : index
        %parallel_loop3A_281 = tpu.vector_load %arg5[%parallel_loop3A_278, %parallel_loop3A_279, %parallel_loop3A_280] {strides = array<i32>} : memref<4x64x128xf32, #tpu.memory_space<vmem>>, vector<16xf32>,
        %parallel_loop3A_282 = vector.broadcast %parallel_loop3A_277 : i32 to vector<16xi32>
        %parallel_loop3A_283 = arith.addi %mul3A_6, %parallel_loop3A_282 : vector<16xi32>
        tpu.vector_store_idx %arg6[%broadcast_in_dim3A, %parallel_loop3A_283], %parallel_loop3A_281 : memref<4x8320xf32, #tpu.memory_space<vmem>>[vector<16xi32>, vector<16xi32>], vector<16xf32>,
        %parallel_loop3A_284 = arith.index_cast %rem3A_229 : i32 to index
        %parallel_loop3A_285 = arith.index_cast %parallel_loop3A_277 : i32 to index
        %parallel_loop3A_286 = arith.constant 16 : index
        %parallel_loop3A_287 = tpu.vector_load %arg5[%parallel_loop3A_284, %parallel_loop3A_285, %parallel_loop3A_286] {strides = array<i32>} : memref<4x64x128xf32, #tpu.memory_space<vmem>>, vector<16xf32>,
        %parallel_loop3A_288 = vector.broadcast %parallel_loop3A_277 : i32 to vector<16xi32>
        %parallel_loop3A_289 = arith.addi %mul3A_12, %parallel_loop3A_288 : vector<16xi32>
        tpu.vector_store_idx %arg6[%broadcast_in_dim3A, %parallel_loop3A_289], %parallel_loop3A_287 : memref<4x8320xf32, #tpu.memory_space<vmem>>[vector<16xi32>, vector<16xi32>], vector<16xf32>,
        %parallel_loop3A_290 = arith.index_cast %rem3A_229 : i32 to index
        %parallel_loop3A_291 = arith.index_cast %parallel_loop3A_277 : i32 to index
        %parallel_loop3A_292 = arith.constant 32 : index
        %parallel_loop3A_293 = tpu.vector_load %arg5[%parallel_loop3A_290, %parallel_loop3A_291, %parallel_loop3A_292] {strides = array<i32>} : memref<4x64x128xf32, #tpu.memory_space<vmem>>, vector<16xf32>,
        %parallel_loop3A_294 = vector.broadcast %parallel_loop3A_277 : i32 to vector<16xi32>
        %parallel_loop3A_295 = arith.addi %mul3A_18, %parallel_loop3A_294 : vector<16xi32>
        tpu.vector_store_idx %arg6[%broadcast_in_dim3A, %parallel_loop3A_295], %parallel_loop3A_293 : memref<4x8320xf32, #tpu.memory_space<vmem>>[vector<16xi32>, vector<16xi32>], vector<16xf32>,
        %parallel_loop3A_296 = arith.index_cast %rem3A_229 : i32 to index
        %parallel_loop3A_297 = arith.index_cast %parallel_loop3A_277 : i32 to index
        %parallel_loop3A_298 = arith.constant 48 : index
        %parallel_loop3A_299 = tpu.vector_load %arg5[%parallel_loop3A_296, %parallel_loop3A_297, %parallel_loop3A_298] {strides = array<i32>} : memref<4x64x128xf32, #tpu.memory_space<vmem>>, vector<16xf32>,
        %parallel_loop3A_300 = vector.broadcast %parallel_loop3A_277 : i32 to vector<16xi32>
        %parallel_loop3A_301 = arith.addi %mul3A_24, %parallel_loop3A_300 : vector<16xi32>
        tpu.vector_store_idx %arg6[%broadcast_in_dim3A, %parallel_loop3A_301], %parallel_loop3A_299 : memref<4x8320xf32, #tpu.memory_space<vmem>>[vector<16xi32>, vector<16xi32>], vector<16xf32>,
        %parallel_loop3A_302 = arith.index_cast %rem3A_229 : i32 to index
        %parallel_loop3A_303 = arith.index_cast %parallel_loop3A_277 : i32 to index
        %parallel_loop3A_304 = arith.constant 64 : index
        %parallel_loop3A_305 = tpu.vector_load %arg5[%parallel_loop3A_302, %parallel_loop3A_303, %parallel_loop3A_304] {strides = array<i32>} : memref<4x64x128xf32, #tpu.memory_space<vmem>>, vector<16xf32>,
        %parallel_loop3A_306 = vector.broadcast %parallel_loop3A_277 : i32 to vector<16xi32>
        %parallel_loop3A_307 = arith.addi %mul3A_30, %parallel_loop3A_306 : vector<16xi32>
        tpu.vector_store_idx %arg6[%broadcast_in_dim3A, %parallel_loop3A_307], %parallel_loop3A_305 : memref<4x8320xf32, #tpu.memory_space<vmem>>[vector<16xi32>, vector<16xi32>], vector<16xf32>,
        %parallel_loop3A_308 = arith.index_cast %rem3A_229 : i32 to index
        %parallel_loop3A_309 = arith.index_cast %parallel_loop3A_277 : i32 to index
        %parallel_loop3A_310 = arith.constant 80 : index
        %parallel_loop3A_311 = tpu.vector_load %arg5[%parallel_loop3A_308, %parallel_loop3A_309, %parallel_loop3A_310] {strides = array<i32>} : memref<4x64x128xf32, #tpu.memory_space<vmem>>, vector<16xf32>,
        %parallel_loop3A_312 = vector.broadcast %parallel_loop3A_277 : i32 to vector<16xi32>
        %parallel_loop3A_313 = arith.addi %mul3A_36, %parallel_loop3A_312 : vector<16xi32>
        tpu.vector_store_idx %arg6[%broadcast_in_dim3A, %parallel_loop3A_313], %parallel_loop3A_311 : memref<4x8320xf32, #tpu.memory_space<vmem>>[vector<16xi32>, vector<16xi32>], vector<16xf32>,
        %parallel_loop3A_314 = arith.index_cast %rem3A_229 : i32 to index
        %parallel_loop3A_315 = arith.index_cast %parallel_loop3A_277 : i32 to index
        %parallel_loop3A_316 = arith.constant 96 : index
        %parallel_loop3A_317 = tpu.vector_load %arg5[%parallel_loop3A_314, %parallel_loop3A_315, %parallel_loop3A_316] {strides = array<i32>} : memref<4x64x128xf32, #tpu.memory_space<vmem>>, vector<16xf32>,
        %parallel_loop3A_318 = vector.broadcast %parallel_loop3A_277 : i32 to vector<16xi32>
        %parallel_loop3A_319 = arith.addi %mul3A_42, %parallel_loop3A_318 : vector<16xi32>
        tpu.vector_store_idx %arg6[%broadcast_in_dim3A, %parallel_loop3A_319], %parallel_loop3A_317 : memref<4x8320xf32, #tpu.memory_space<vmem>>[vector<16xi32>, vector<16xi32>], vector<16xf32>,
        %parallel_loop3A_320 = arith.index_cast %rem3A_229 : i32 to index
        %parallel_loop3A_321 = arith.index_cast %parallel_loop3A_277 : i32 to index
        %parallel_loop3A_322 = arith.constant 112 : index
        %parallel_loop3A_323 = tpu.vector_load %arg5[%parallel_loop3A_320, %parallel_loop3A_321, %parallel_loop3A_322] {strides = array<i32>} : memref<4x64x128xf32, #tpu.memory_space<vmem>>, vector<16xf32>,
        %parallel_loop3A_324 = vector.broadcast %parallel_loop3A_277 : i32 to vector<16xi32>
        %parallel_loop3A_325 = arith.addi %mul3A_48, %parallel_loop3A_324 : vector<16xi32>
        tpu.vector_store_idx %arg6[%broadcast_in_dim3A, %parallel_loop3A_325], %parallel_loop3A_323 : memref<4x8320xf32, #tpu.memory_space<vmem>>[vector<16xi32>, vector<16xi32>], vector<16xf32>,
      } {sc.loop_unroll_factor = 32 : i64, sc.parallel_access}
      %parallel_loop3A_255 = arith.constant 0 : i32
      %parallel_loop3A_256 = arith.constant 128 : i32
      %parallel_loop3A_257 = arith.constant 1 : i32
      scf.for %parallel_loop3A_277 = %parallel_loop3A_255 to %parallel_loop3A_256 step %parallel_loop3A_257  : i32 {
        %parallel_loop3A_278 = arith.constant 65 : i32
        %parallel_loop3A_279 = arith.muli %parallel_loop3A_277, %parallel_loop3A_278 : i32
        %parallel_loop3A_280 = vector.broadcast %parallel_loop3A_279 : i32 to vector<16xi32>
        %parallel_loop3A_281 = arith.addi %add3A_51, %parallel_loop3A_280 : vector<16xi32>
        %parallel_loop3A_282 = tpu.vector_load_idx %arg6[%broadcast_in_dim3A, %parallel_loop3A_281] : memref<4x8320xf32, #tpu.memory_space<vmem>>[vector<16xi32>, vector<16xi32>], vector<16xf32>,
        %parallel_loop3A_283 = arith.constant 64 : i32
        %parallel_loop3A_284 = arith.muli %parallel_loop3A_277, %parallel_loop3A_283 : i32
        %parallel_loop3A_285 = arith.constant 0 : i32
        %parallel_loop3A_286 = arith.addi %parallel_loop3A_284, %parallel_loop3A_285 : i32
        %parallel_loop3A_287 = arith.index_cast %rem3A_229 : i32 to index
        %parallel_loop3A_288 = arith.index_cast %parallel_loop3A_286 : i32 to index
        %parallel_loop3A_289 = tpu.vector_load %arg7[%parallel_loop3A_287, %parallel_loop3A_288] {strides = array<i32>} : memref<4x8192xf32, #tpu.memory_space<vmem>>, vector<16xf32>,
        tpu.vector_store %arg7[%parallel_loop3A_287, %parallel_loop3A_288], %parallel_loop3A_282 {strides = array<i32>} : memref<4x8192xf32, #tpu.memory_space<vmem>>, vector<16xf32>,
        %parallel_loop3A_290 = arith.constant 65 : i32
        %parallel_loop3A_291 = arith.muli %parallel_loop3A_277, %parallel_loop3A_290 : i32
        %parallel_loop3A_292 = vector.broadcast %parallel_loop3A_291 : i32 to vector<16xi32>
        %parallel_loop3A_293 = arith.addi %add3A_54, %parallel_loop3A_292 : vector<16xi32>
        %parallel_loop3A_294 = tpu.vector_load_idx %arg6[%broadcast_in_dim3A, %parallel_loop3A_293] : memref<4x8320xf32, #tpu.memory_space<vmem>>[vector<16xi32>, vector<16xi32>], vector<16xf32>,
        %parallel_loop3A_295 = arith.constant 64 : i32
        %parallel_loop3A_296 = arith.muli %parallel_loop3A_277, %parallel_loop3A_295 : i32
        %parallel_loop3A_297 = arith.constant 16 : i32
        %parallel_loop3A_298 = arith.addi %parallel_loop3A_296, %parallel_loop3A_297 : i32
        %parallel_loop3A_299 = arith.index_cast %rem3A_229 : i32 to index
        %parallel_loop3A_300 = arith.index_cast %parallel_loop3A_298 : i32 to index
        %parallel_loop3A_301 = tpu.vector_load %arg7[%parallel_loop3A_299, %parallel_loop3A_300] {strides = array<i32>} : memref<4x8192xf32, #tpu.memory_space<vmem>>, vector<16xf32>,
        tpu.vector_store %arg7[%parallel_loop3A_299, %parallel_loop3A_300], %parallel_loop3A_294 {strides = array<i32>} : memref<4x8192xf32, #tpu.memory_space<vmem>>, vector<16xf32>,
        %parallel_loop3A_302 = arith.constant 65 : i32
        %parallel_loop3A_303 = arith.muli %parallel_loop3A_277, %parallel_loop3A_302 : i32
        %parallel_loop3A_304 = vector.broadcast %parallel_loop3A_303 : i32 to vector<16xi32>
        %parallel_loop3A_305 = arith.addi %add3A_57, %parallel_loop3A_304 : vector<16xi32>
        %parallel_loop3A_306 = tpu.vector_load_idx %arg6[%broadcast_in_dim3A, %parallel_loop3A_305] : memref<4x8320xf32, #tpu.memory_space<vmem>>[vector<16xi32>, vector<16xi32>], vector<16xf32>,
        %parallel_loop3A_307 = arith.constant 64 : i32
        %parallel_loop3A_308 = arith.muli %parallel_loop3A_277, %parallel_loop3A_307 : i32
        %parallel_loop3A_309 = arith.constant 32 : i32
        %parallel_loop3A_310 = arith.addi %parallel_loop3A_308, %parallel_loop3A_309 : i32
        %parallel_loop3A_311 = arith.index_cast %rem3A_229 : i32 to index
        %parallel_loop3A_312 = arith.index_cast %parallel_loop3A_310 : i32 to index
        %parallel_loop3A_313 = tpu.vector_load %arg7[%parallel_loop3A_311, %parallel_loop3A_312] {strides = array<i32>} : memref<4x8192xf32, #tpu.memory_space<vmem>>, vector<16xf32>,
        tpu.vector_store %arg7[%parallel_loop3A_311, %parallel_loop3A_312], %parallel_loop3A_306 {strides = array<i32>} : memref<4x8192xf32, #tpu.memory_space<vmem>>, vector<16xf32>,
        %parallel_loop3A_314 = arith.constant 65 : i32
        %parallel_loop3A_315 = arith.muli %parallel_loop3A_277, %parallel_loop3A_314 : i32
        %parallel_loop3A_316 = vector.broadcast %parallel_loop3A_315 : i32 to vector<16xi32>
        %parallel_loop3A_317 = arith.addi %add3A_60, %parallel_loop3A_316 : vector<16xi32>
        %parallel_loop3A_318 = tpu.vector_load_idx %arg6[%broadcast_in_dim3A, %parallel_loop3A_317] : memref<4x8320xf32, #tpu.memory_space<vmem>>[vector<16xi32>, vector<16xi32>], vector<16xf32>,
        %parallel_loop3A_319 = arith.constant 64 : i32
        %parallel_loop3A_320 = arith.muli %parallel_loop3A_277, %parallel_loop3A_319 : i32
        %parallel_loop3A_321 = arith.constant 48 : i32
        %parallel_loop3A_322 = arith.addi %parallel_loop3A_320, %parallel_loop3A_321 : i32
        %parallel_loop3A_323 = arith.index_cast %rem3A_229 : i32 to index
        %parallel_loop3A_324 = arith.index_cast %parallel_loop3A_322 : i32 to index
        %parallel_loop3A_325 = tpu.vector_load %arg7[%parallel_loop3A_323, %parallel_loop3A_324] {strides = array<i32>} : memref<4x8192xf32, #tpu.memory_space<vmem>>, vector<16xf32>,
        tpu.vector_store %arg7[%parallel_loop3A_323, %parallel_loop3A_324], %parallel_loop3A_318 {strides = array<i32>} : memref<4x8192xf32, #tpu.memory_space<vmem>>, vector<16xf32>,
      } {sc.loop_unroll_factor = 32 : i64, sc.parallel_access}
      %mul3A_258 = arith.constant 128 : i32
      %mul3A_259 = arith.muli %add3A_232, %mul3A_258 : i32
      %mul3A_260 = arith.constant 64 : i32
      %mul3A_261 = arith.muli %mul3A_259, %mul3A_260 : i32
      %dma_start3A_262 = arith.constant 0 : i32
      %dma_start3A_263 = tpu.memref_slice %arg7[%rem3A_229, %dma_start3A_262] : memref<4x8192xf32, #tpu.memory_space<vmem>> -> memref<1x8192xf32, #tpu.memory_space<vmem>>
      %dma_start3A_264 = tpu.memref_squeeze %dma_start3A_263 : memref<1x8192xf32, #tpu.memory_space<vmem>> -> memref<8192xf32, #tpu.memory_space<vmem>>
      %dma_start3A_265 = tpu.memref_slice %arg4[%mul3A_261] : memref<64000000xf32, #tpu.memory_space<hbm>> -> memref<8192xf32, #tpu.memory_space<hbm>>
      %dma_start3A_266 = tpu.memref_slice %arg9[%rem3A_229] : memref<4x!tpu.dma_semaphore, #tpu.memory_space<semaphore_mem>> -> memref<1x!tpu.dma_semaphore, #tpu.memory_space<semaphore_mem>>
      %dma_start3A_267 = tpu.memref_squeeze %dma_start3A_266 : memref<1x!tpu.dma_semaphore, #tpu.memory_space<semaphore_mem>> -> memref<!tpu.dma_semaphore, #tpu.memory_space<semaphore_mem>>
      %dma_start3A_268 = tpu.memref_slice %arg4[%mul3A_261] : memref<64000000xf32, #tpu.memory_space<hbm>> -> memref<8192xf32, #tpu.memory_space<hbm>>
      %dma_start3A_269 = arith.constant 0 : i32
      %dma_start3A_270 = tpu.memref_slice %arg7[%rem3A_229, %dma_start3A_269] : memref<4x8192xf32, #tpu.memory_space<vmem>> -> memref<1x8192xf32, #tpu.memory_space<vmem>>
      %dma_start3A_271 = tpu.memref_squeeze %dma_start3A_270 : memref<1x8192xf32, #tpu.memory_space<vmem>> -> memref<8192xf32, #tpu.memory_space<vmem>>
      tpu.enqueue_dma source(%dma_start3A_271 : memref<8192xf32, #tpu.memory_space<vmem>>) target(%dma_start3A_268 : memref<8192xf32, #tpu.memory_space<hbm>>) target_semaphore(%dma_start3A_267 : memref<!tpu.dma_semaphore, #tpu.memory_space<semaphore_mem>>)
      %add3A_272 = arith.constant 4 : i32
      %add3A_273 = arith.addi %while3A_227, %add3A_272 : i32
      %lt3A = arith.cmpi slt, %add3A_273, %select_n3A : i32
      %convert_element_type3A_274 = arith.extui %lt3A : i1 to i32
      %cond3A_275 = arith.constant 0 : i32
      %cond3A_276 = arith.cmpi ne, %convert_element_type3A_274, %cond3A_275 : i32
      scf.if %cond3A_276 {
        %add3A_277 = arith.constant 4 : i32
        %add3A_278 = arith.addi %while3A_227, %add3A_277 : i32
        %mul3A_279 = arith.constant 32 : i32
        %mul3A_280 = arith.muli %mul3A_279, %add3A_278 : i32
        %add3A_281 = arith.addi %add3A, %mul3A_280 : i32
        %mul3A_282 = arith.constant 128 : i32
        %mul3A_283 = arith.muli %add3A_281, %mul3A_282 : i32
        %dma_start3A_284 = arith.constant 0 : i32
        %dma_start3A_285 = arith.constant 0 : i32
        %dma_start3A_286 = tpu.memref_slice %arg5[%rem3A_229, %dma_start3A_284, %dma_start3A_285] : memref<4x64x128xf32, #tpu.memory_space<vmem>> -> memref<1x64x128xf32, #tpu.memory_space<vmem>>
        %dma_start3A_287 = tpu.memref_squeeze %dma_start3A_286 : memref<1x64x128xf32, #tpu.memory_space<vmem>> -> memref<64x128xf32, #tpu.memory_space<vmem>>
        %dma_start3A_288 = arith.constant 0 : i32
        %dma_start3A_289 = tpu.memref_slice %arg2[%dma_start3A_288, %mul3A_283] : memref<64x1000000xf32, #tpu.memory_space<hbm>> -> memref<64x128xf32, #tpu.memory_space<hbm>>
        %dma_start3A_290 = tpu.memref_slice %arg8[%rem3A_229] : memref<4x!tpu.dma_semaphore, #tpu.memory_space<semaphore_mem>> -> memref<1x!tpu.dma_semaphore, #tpu.memory_space<semaphore_mem>>
        %dma_start3A_291 = tpu.memref_squeeze %dma_start3A_290 : memref<1x!tpu.dma_semaphore, #tpu.memory_space<semaphore_mem>> -> memref<!tpu.dma_semaphore, #tpu.memory_space<semaphore_mem>>
        %dma_start3A_292 = arith.constant 0 : i32
        %dma_start3A_293 = arith.constant 0 : i32
        %dma_start3A_294 = tpu.memref_slice %arg5[%rem3A_229, %dma_start3A_292, %dma_start3A_293] : memref<4x64x128xf32, #tpu.memory_space<vmem>> -> memref<1x64x128xf32, #tpu.memory_space<vmem>>
        %dma_start3A_295 = tpu.memref_squeeze %dma_start3A_294 : memref<1x64x128xf32, #tpu.memory_space<vmem>> -> memref<64x128xf32, #tpu.memory_space<vmem>>
        %dma_start3A_296 = arith.constant 0 : i32
        %dma_start3A_297 = tpu.memref_slice %arg2[%dma_start3A_296, %mul3A_283] : memref<64x1000000xf32, #tpu.memory_space<hbm>> -> memref<64x128xf32, #tpu.memory_space<hbm>>
        tpu.enqueue_dma source(%dma_start3A_297 : memref<64x128xf32, #tpu.memory_space<hbm>>) target(%dma_start3A_295 : memref<64x128xf32, #tpu.memory_space<vmem>>) target_semaphore(%dma_start3A_291 : memref<!tpu.dma_semaphore, #tpu.memory_space<semaphore_mem>>)
      } else {
      }
    }
    %dma_wait3A = arith.constant 0 : i32
    %dma_wait3A_172 = arith.constant 0 : i32
    %dma_wait3A_173 = arith.constant 0 : i32
    %dma_wait3A_174 = tpu.memref_slice %arg7[%dma_wait3A, %dma_wait3A_173] : memref<4x8192xf32, #tpu.memory_space<vmem>> -> memref<1x8192xf32, #tpu.memory_space<vmem>>
    %dma_wait3A_175 = tpu.memref_squeeze %dma_wait3A_174 : memref<1x8192xf32, #tpu.memory_space<vmem>> -> memref<8192xf32, #tpu.memory_space<vmem>>
    %dma_wait3A_176 = arith.constant 0 : i32
    %dma_wait3A_177 = tpu.memref_slice %arg4[%dma_wait3A_176] : memref<64000000xf32, #tpu.memory_space<hbm>> -> memref<8192xf32, #tpu.memory_space<hbm>>
    %dma_wait3A_178 = tpu.memref_slice %arg9[%dma_wait3A_172] : memref<4x!tpu.dma_semaphore, #tpu.memory_space<semaphore_mem>> -> memref<1x!tpu.dma_semaphore, #tpu.memory_space<semaphore_mem>>
    %dma_wait3A_179 = tpu.memref_squeeze %dma_wait3A_178 : memref<1x!tpu.dma_semaphore, #tpu.memory_space<semaphore_mem>> -> memref<!tpu.dma_semaphore, #tpu.memory_space<semaphore_mem>>
    %dma_wait3A_180 = arith.constant 0 : i32
    %dma_wait3A_181 = tpu.memref_slice %arg4[%dma_wait3A_180] : memref<64000000xf32, #tpu.memory_space<hbm>> -> memref<8192xf32, #tpu.memory_space<hbm>>
    %dma_wait3A_182 = arith.constant 0 : i32
    %dma_wait3A_183 = tpu.memref_slice %arg7[%dma_wait3A, %dma_wait3A_182] : memref<4x8192xf32, #tpu.memory_space<vmem>> -> memref<1x8192xf32, #tpu.memory_space<vmem>>
    %dma_wait3A_184 = tpu.memref_squeeze %dma_wait3A_183 : memref<1x8192xf32, #tpu.memory_space<vmem>> -> memref<8192xf32, #tpu.memory_space<vmem>>
    tpu.wait_dma2 semaphore(%dma_wait3A_179 : memref<!tpu.dma_semaphore, #tpu.memory_space<semaphore_mem>>) src(%dma_wait3A_184 : memref<8192xf32, #tpu.memory_space<vmem>>) dst(%dma_wait3A_181 : memref<8192xf32, #tpu.memory_space<hbm>>)
    %dma_wait3A_185 = arith.constant 1 : i32
    %dma_wait3A_186 = arith.constant 1 : i32
    %dma_wait3A_187 = arith.constant 0 : i32
    %dma_wait3A_188 = tpu.memref_slice %arg7[%dma_wait3A_185, %dma_wait3A_187] : memref<4x8192xf32, #tpu.memory_space<vmem>> -> memref<1x8192xf32, #tpu.memory_space<vmem>>
    %dma_wait3A_189 = tpu.memref_squeeze %dma_wait3A_188 : memref<1x8192xf32, #tpu.memory_space<vmem>> -> memref<8192xf32, #tpu.memory_space<vmem>>
    %dma_wait3A_190 = arith.constant 0 : i32
    %dma_wait3A_191 = tpu.memref_slice %arg4[%dma_wait3A_190] : memref<64000000xf32, #tpu.memory_space<hbm>> -> memref<8192xf32, #tpu.memory_space<hbm>>
    %dma_wait3A_192 = tpu.memref_slice %arg9[%dma_wait3A_186] : memref<4x!tpu.dma_semaphore, #tpu.memory_space<semaphore_mem>> -> memref<1x!tpu.dma_semaphore, #tpu.memory_space<semaphore_mem>>
    %dma_wait3A_193 = tpu.memref_squeeze %dma_wait3A_192 : memref<1x!tpu.dma_semaphore, #tpu.memory_space<semaphore_mem>> -> memref<!tpu.dma_semaphore, #tpu.memory_space<semaphore_mem>>
    %dma_wait3A_194 = arith.constant 0 : i32
    %dma_wait3A_195 = tpu.memref_slice %arg4[%dma_wait3A_194] : memref<64000000xf32, #tpu.memory_space<hbm>> -> memref<8192xf32, #tpu.memory_space<hbm>>
    %dma_wait3A_196 = arith.constant 0 : i32
    %dma_wait3A_197 = tpu.memref_slice %arg7[%dma_wait3A_185, %dma_wait3A_196] : memref<4x8192xf32, #tpu.memory_space<vmem>> -> memref<1x8192xf32, #tpu.memory_space<vmem>>
    %dma_wait3A_198 = tpu.memref_squeeze %dma_wait3A_197 : memref<1x8192xf32, #tpu.memory_space<vmem>> -> memref<8192xf32, #tpu.memory_space<vmem>>
    tpu.wait_dma2 semaphore(%dma_wait3A_193 : memref<!tpu.dma_semaphore, #tpu.memory_space<semaphore_mem>>) src(%dma_wait3A_198 : memref<8192xf32, #tpu.memory_space<vmem>>) dst(%dma_wait3A_195 : memref<8192xf32, #tpu.memory_space<hbm>>)
    %dma_wait3A_199 = arith.constant 2 : i32
    %dma_wait3A_200 = arith.constant 2 : i32
    %dma_wait3A_201 = arith.constant 0 : i32
    %dma_wait3A_202 = tpu.memref_slice %arg7[%dma_wait3A_199, %dma_wait3A_201] : memref<4x8192xf32, #tpu.memory_space<vmem>> -> memref<1x8192xf32, #tpu.memory_space<vmem>>
    %dma_wait3A_203 = tpu.memref_squeeze %dma_wait3A_202 : memref<1x8192xf32, #tpu.memory_space<vmem>> -> memref<8192xf32, #tpu.memory_space<vmem>>
    %dma_wait3A_204 = arith.constant 0 : i32
    %dma_wait3A_205 = tpu.memref_slice %arg4[%dma_wait3A_204] : memref<64000000xf32, #tpu.memory_space<hbm>> -> memref<8192xf32, #tpu.memory_space<hbm>>
    %dma_wait3A_206 = tpu.memref_slice %arg9[%dma_wait3A_200] : memref<4x!tpu.dma_semaphore, #tpu.memory_space<semaphore_mem>> -> memref<1x!tpu.dma_semaphore, #tpu.memory_space<semaphore_mem>>
    %dma_wait3A_207 = tpu.memref_squeeze %dma_wait3A_206 : memref<1x!tpu.dma_semaphore, #tpu.memory_space<semaphore_mem>> -> memref<!tpu.dma_semaphore, #tpu.memory_space<semaphore_mem>>
    %dma_wait3A_208 = arith.constant 0 : i32
    %dma_wait3A_209 = tpu.memref_slice %arg4[%dma_wait3A_208] : memref<64000000xf32, #tpu.memory_space<hbm>> -> memref<8192xf32, #tpu.memory_space<hbm>>
    %dma_wait3A_210 = arith.constant 0 : i32
    %dma_wait3A_211 = tpu.memref_slice %arg7[%dma_wait3A_199, %dma_wait3A_210] : memref<4x8192xf32, #tpu.memory_space<vmem>> -> memref<1x8192xf32, #tpu.memory_space<vmem>>
    %dma_wait3A_212 = tpu.memref_squeeze %dma_wait3A_211 : memref<1x8192xf32, #tpu.memory_space<vmem>> -> memref<8192xf32, #tpu.memory_space<vmem>>
    tpu.wait_dma2 semaphore(%dma_wait3A_207 : memref<!tpu.dma_semaphore, #tpu.memory_space<semaphore_mem>>) src(%dma_wait3A_212 : memref<8192xf32, #tpu.memory_space<vmem>>) dst(%dma_wait3A_209 : memref<8192xf32, #tpu.memory_space<hbm>>)
    %dma_wait3A_213 = arith.constant 3 : i32
    %dma_wait3A_214 = arith.constant 3 : i32
    %dma_wait3A_215 = arith.constant 0 : i32
    %dma_wait3A_216 = tpu.memref_slice %arg7[%dma_wait3A_213, %dma_wait3A_215] : memref<4x8192xf32, #tpu.memory_space<vmem>> -> memref<1x8192xf32, #tpu.memory_space<vmem>>
    %dma_wait3A_217 = tpu.memref_squeeze %dma_wait3A_216 : memref<1x8192xf32, #tpu.memory_space<vmem>> -> memref<8192xf32, #tpu.memory_space<vmem>>
    %dma_wait3A_218 = arith.constant 0 : i32
    %dma_wait3A_219 = tpu.memref_slice %arg4[%dma_wait3A_218] : memref<64000000xf32, #tpu.memory_space<hbm>> -> memref<8192xf32, #tpu.memory_space<hbm>>
    %dma_wait3A_220 = tpu.memref_slice %arg9[%dma_wait3A_214] : memref<4x!tpu.dma_semaphore, #tpu.memory_space<semaphore_mem>> -> memref<1x!tpu.dma_semaphore, #tpu.memory_space<semaphore_mem>>
    %dma_wait3A_221 = tpu.memref_squeeze %dma_wait3A_220 : memref<1x!tpu.dma_semaphore, #tpu.memory_space<semaphore_mem>> -> memref<!tpu.dma_semaphore, #tpu.memory_space<semaphore_mem>>
    %dma_wait3A_222 = arith.constant 0 : i32
    %dma_wait3A_223 = tpu.memref_slice %arg4[%dma_wait3A_222] : memref<64000000xf32, #tpu.memory_space<hbm>> -> memref<8192xf32, #tpu.memory_space<hbm>>
    %dma_wait3A_224 = arith.constant 0 : i32
    %dma_wait3A_225 = tpu.memref_slice %arg7[%dma_wait3A_213, %dma_wait3A_224] : memref<4x8192xf32, #tpu.memory_space<vmem>> -> memref<1x8192xf32, #tpu.memory_space<vmem>>
    %dma_wait3A_226 = tpu.memref_squeeze %dma_wait3A_225 : memref<1x8192xf32, #tpu.memory_space<vmem>> -> memref<8192xf32, #tpu.memory_space<vmem>>
    tpu.wait_dma2 semaphore(%dma_wait3A_221 : memref<!tpu.dma_semaphore, #tpu.memory_space<semaphore_mem>>) src(%dma_wait3A_226 : memref<8192xf32, #tpu.memory_space<vmem>>) dst(%dma_wait3A_223 : memref<8192xf32, #tpu.memory_space<hbm>>)
    return
  }
}

</mosaic_0001>

<sc_bundles>
// kernel: kernel.4.cloned.1.call-start
scs
__scs_entry_jumppad:
0x0: {  	(pc) =	sbr.rel $0x88, $3  }
0x1: {  	(tag) =	ssettag $0x0;
	lr =	simm.s32 $0x1  }
0x2: {  	[smem:$0x3F9F] =	sst lr;
	_ =	strace $0xD0000000  }
0x3: {  	_ = 	snop  }
0x4: {  	_ = 	snop  }
0x5: {  	_ = 	snop  }
0x6: {  	_ = 	snop  }
0x7: {  	_ = 	snop  }
__scs_overlays_trampoline_lowered:
0x8: {  	[smem:$0x3FAE] =	sst s0  }
0x9: {  	[smem:$0x3FAF] =	sst s1  }
0xa: {  	[smem:$0x3FB0] =	sst s2  }
0xb: {  	[smem:$0x3FB1] =	sst s3  }
0xc: {  	[smem:$0x3FB2] =	sst s4  }
0xd: {  	[smem:$0x3FB3] =	sst s5  }
0xe: {  	[smem:$0x3FB4] =	sst s6  }
0xf: {  	[smem:$0x3FB5] =	sst s7  }
0x10: {  	[smem:$0x3FB6] =	sst s8  }
0x11: {  	[smem:$0x3FB7] =	sst s9;
	s0 =	simm.s32 @!p0 $0x0  }
0x12: {  	s1 =	sld [smem:$0x3F9D];
	s0 =	simm.s32 @p0 $0x1  }
0x13: {  	[smem:$0x3FB8] =	sst s0;
	s0 =	simm.s32 @!p1 $0x0  }
0x14: {  	s2 =	sld [smem:$0x3F9C];
	s0 =	simm.s32 @p1 $0x1  }
0x15: {  	[smem:$0x3FB9] =	sst s0;
	s0 =	simm.s32 @!p2 $0x0  }
0x16: {  	s3 =	sld [smem:$0x3FDB];
	s0 =	simm.s32 @p2 $0x1  }
0x17: {  	s4 =	simm.s32 $0x1BF5;
	[smem:$0x3FBB] =	sst s0  }
0x18: {  	s0 =	sld [smem:$0x3F9E];
	_ =	swait.ge [sflag:s4], $0x0  }
0x19: {  	s7 =	sld [smem:$0x3F9F]  }
0x1a: {  	s8 =	sadd.s32 $0xFFFFE003, lr  }
0x1b: {  	s9 =	sadd.s32 $0xFFFFFEF7, lr;
	s5 =	simm.s32 $0xFFFFFFFF;
	p2 =	slt.u32 s8, $0xFFFFF086  }
0x1c: {  	p1 =	slt.u32 s9, $0xF7A;
	s5 =	simm.s32 @!p2 $0x0  }
0x1d: {  	s5 =	simm.s32 @p1 $0x1;
	p0 =	seq.s32 s7, s2  }
0x1e: {  	s7 =	smul.u32 @!p0 $0xF7A, s2;
	p2 =	seq.s32 @!p0 s5, $0x0  }
0x1f: {  	s9 =	smul.u32 $0xF7A, s1;
	s8 =	simm.s32 @!p0 $0x1BF5;
	p2 =	por !p2, p0  }
0x20: {  	[sflag:s8] =	ssyncset.s32 @!p0 $0xFFFFF086;
	s6 =	sadd.s32 @!p0 s3, s7;
	s7 =	simm.s32 @!p0 $0x108  }
0x21: {  	s3 =	sadd.s32 s3, s9;
	s6 =	sadd.s32 @!p0 $0x88, s6;
	s7 =	simm.s32 @p2 $0x1082  }
0x22: {  	[simem:s7], [sflag:s8] =	dma.local @!p0 [hbm:s6], $0xF7A  }
0x23: {  	s9 =	sor.u32 $0xD0000000, s2;
	s6 =	simm.s32 $0x108;
	_ =	swait.ge @!p0 [sflag:s8], $0x0  }
0x24: {  	s3 =	sadd.s32 $0x88, s3;
	s6 =	simm.s32 @!p1 $0x1082;
	[sflag:s4] =	ssyncset.s32 $0xFFFFF086  }
0x25: {  	[simem:s6], [sflag:s4] =	dma.local [hbm:s3], $0xF7A  }
0x26: {  	[smem:$0x3F9F] =	sst s1;
	(tag) =	ssettag s2;
	_ =	strace s9  }
0x27: {  	s1 =	sld [smem:$0x3FAF]  }
0x28: {  	s2 =	sld [smem:$0x3FB0]  }
0x29: {  	s4 =	sld [smem:$0x3FB2]  }
0x2a: {  	p0 =	seq.s32 s5, $0x0;
	s5 =	sld [smem:$0x3FB3]  }
0x2b: {  	s6 =	sld [smem:$0x3FB4]  }
0x2c: {  	s7 =	sld [smem:$0x3FB5]  }
0x2d: {  	s3 =	simm.s32 $0x108;
	s8 =	sld [smem:$0x3FB6]  }
0x2e: {  	s3 =	simm.s32 @!p0 $0x1082;
	s9 =	sld [smem:$0x3FB7]  }
0x2f: {  	lr =	sadd.s32 s0, s3;
	s0 =	sld [smem:$0x3FAE]  }
0x30: {  	s3 =	sld [smem:$0x3FB1]  }
0x31: {  	[smem:$0x3FBA] =	sst s10  }
0x32: {  	s10 =	sld [smem:$0x3FB8];
	_ =	sdelay $0x3  }
0x33: {  	p0 =	seq.s32 s10, $0x1;
	s10 =	sld [smem:$0x3FBA];
	_ =	sdelay $0x3  }
0x34: {  	[smem:$0x3FBA] =	sst s10  }
0x35: {  	s10 =	sld [smem:$0x3FB9];
	_ =	sdelay $0x3  }
0x36: {  	p1 =	seq.s32 s10, $0x1;
	s10 =	sld [smem:$0x3FBA];
	_ =	sdelay $0x3  }
0x37: {  	[smem:$0x3FBA] =	sst s10  }
0x38: {  	s10 =	sld [smem:$0x3FBB]  }
0x39: {  	_ = 	snop;
	(pc) =	sbr.ind lr, $3  }
0x3a: {  	_ = 	snop  }
0x3b: {  	_ = 	snop  }
0x3c: {  	p2 =	seq.s32 s10, $0x1;
	s10 =	sld [smem:$0x3FBA]  }
0x3d: {  	_ =	shalt  }
0x3e: {  	_ =	shalt  }
0x3f: {  	_ =	shalt  }
0x40: {  	_ =	shalt  }
0x41: {  	_ =	shalt  }
0x42: {  	_ =	shalt  }
0x43: {  	_ =	shalt  }
0x44: {  	_ =	shalt  }
0x45: {  	_ =	shalt  }
0x46: {  	_ =	shalt  }
0x47: {  	_ =	shalt  }
0x48: {  	_ =	shalt  }
0x49: {  	_ =	shalt  }
0x4a: {  	_ =	shalt  }
0x4b: {  	_ =	shalt  }
0x4c: {  	_ =	shalt  }
0x4d: {  	_ =	shalt  }
0x4e: {  	_ =	shalt  }
0x4f: {  	_ =	shalt  }
0x50: {  	_ =	shalt  }
0x51: {  	_ =	shalt  }
0x52: {  	_ =	shalt  }
0x53: {  	_ =	shalt  }
0x54: {  	_ =	shalt  }
0x55: {  	_ =	shalt  }
0x56: {  	_ =	shalt  }
0x57: {  	_ =	shalt  }
0x58: {  	_ =	shalt  }
0x59: {  	_ =	shalt  }
0x5a: {  	_ =	shalt  }
0x5b: {  	_ =	shalt  }
0x5c: {  	_ =	shalt  }
0x5d: {  	_ =	shalt  }
0x5e: {  	_ =	shalt  }
0x5f: {  	_ =	shalt  }
0x60: {  	_ =	shalt  }
0x61: {  	_ =	shalt  }
0x62: {  	_ =	shalt  }
0x63: {  	_ =	shalt  }
0x64: {  	_ =	shalt  }
0x65: {  	_ =	shalt  }
0x66: {  	_ =	shalt  }
0x67: {  	_ =	shalt  }
0x68: {  	_ =	shalt  }
0x69: {  	_ =	shalt  }
0x6a: {  	_ =	shalt  }
0x6b: {  	_ =	shalt  }
0x6c: {  	_ =	shalt  }
0x6d: {  	_ =	shalt  }
0x6e: {  	_ =	shalt  }
0x6f: {  	_ =	shalt  }
0x70: {  	_ =	shalt  }
0x71: {  	_ =	shalt  }
0x72: {  	_ =	shalt  }
0x73: {  	_ =	shalt  }
0x74: {  	_ =	shalt  }
0x75: {  	_ =	shalt  }
0x76: {  	_ =	shalt  }
0x77: {  	_ =	shalt  }
0x78: {  	_ =	shalt  }
0x79: {  	_ =	shalt  }
0x7a: {  	_ =	shalt  }
0x7b: {  	_ =	shalt  }
0x7c: {  	_ =	shalt  }
0x7d: {  	_ =	shalt  }
0x7e: {  	_ =	shalt  }
0x7f: {  	_ =	shalt  }
0x80: {  	_ =	shalt  }
0x81: {  	_ =	shalt  }
0x82: {  	_ =	shalt  }
0x83: {  	_ =	shalt  }
0x84: {  	_ =	shalt  }
0x85: {  	_ =	shalt  }
0x86: {  	_ =	shalt  }
0x87: {  	_ =	shalt  }
.Lfunc_end0:
.L_simem_size_0:
called_computation_lowered:
.L_overlay_start_0:
0x88: {  	s2 =	sld [smem:$0x3FD9]  }
0x89: {  	s3 =	sld [smem:$0x3FFE];
	_ =	sdelay $0x1  }
0x8a: {  	s1 =	srdreg.scid  }
0x8b: {  	s0 =	sand.u32 $0x1, s1  }
0x8c: {  	s17 =	sshll.u32 s0, $0xA;
	s2 =	sadd.s32 s3, s2  }
0x8d: {  	s2 =	sadd.s32 s2, s17  }
0x8e: {  	[smem:$0x3FC6] =	sst s2  }
0x8f: {  	_ = 	snop  }
0x90: {  	s2 =	sld [smem:$0x3FC8]  }
0x91: {  	s18 =	sld [smem:$0x3FD0];
	(tm) =	ssettm $0x1  }
0x92: {  	s4 =	sld [smem:$0x3FFB];
	_ =	sdelay $0x3  }
0x93: {  	_ =	strace s4  }
0x94: {  	s4 =	sld [smem:$0x3FFC];
	_ =	sdelay $0x3  }
0x95: {  	_ =	strace s4  }
0x96: {  	s4 =	sld [smem:$0x3FFD];
	_ =	sdelay $0x3  }
0x97: {  	_ =	strace s4  }
0x98: {  	_ =	strace $0x8FFFFFFF  }
0x99: {  	s19 =	sld [smem:$0x3FDB];
	_ =	sdelay $0x1  }
0x9a: {  	s5 =	simm.s32 $_scs_section_size  }
0x9b: {  	s6 =	simm.s32 $_size__tile_overlayer_lowered;
	s7 =	simm.s32 $_tile_overlayer_lowered  }
0x9c: {  	s22 =	simm.s32 $0x1BFF;
	s21 =	sshll.u32 s7, $0x1;
	s4 =	sadd.s32 s5, s19  }
0x9d: {  	s8 =	simm.s32 $0x0;
	s20 =	sshll.u32 s6, $0x1;
	s6 =	sadd.s32 s21, s4  }
0x9e: {  	[timem:s8], [sflag:s22] =	dma.local [hbm:s6], s20  }
0x9f: {  	_ =	swait.ge [sflag:s22], s20  }
0xa0: {  	s5 =	ssub.s32 $0x0, s20;
	[sflag:s22] =	ssyncset.done $0x0  }
0xa1: {  	[sflag:s22] =	ssyncadd.s32 s5;
	_ =	sdelay $0x1  }
0xa2: {  	s23 =	simm.s32 $0x1B8B  }
0xa3: {  	_ =	swait.ge [sflag:s23], $0x1  }
0xa4: {  	[sflag:s23] =	ssyncset.done $0x0  }
0xa5: {  	s25 =	simm.s32 $0x1B8E;
	s24 =	sld [smem:$0x3FFE];
	[sflag:s23] =	ssyncadd.s32 $0xFFFFFFFF  }
0xa6: {  	s26 =	simm.s32 $execute0_lowered;
	[smem:$0x3FD2] =	sst s25  }
0xa7: {  	s6 =	sshll.u32 s26, $0x1;
	_ =	strace $0x80000046;
	[dreg:$0x1] =	wrdreg $0xFFFFFFFF  }
0xa8: {  	s28 =	simm.s32 $_size_execute0_lowered;
	s4 =	sadd.s32 s4, s6;
	[dreg:$0x0] =	wrdreg $0x0  }
0xa9: {  	s6 =	sshll.u32 s28, $0x1;
	[dreg:$0x2] =	wrdreg s4  }
0xaa: {  	[dreg:$0x3] =	wrdreg s6  }
0xab: {  	[dreg:$0x4] =	wrdreg $0xC0  }
0xac: {  	_ =	task [dreg:s8], $0x5FFFF  }
0xad: {  	[dreg:$0x1] =	wrdreg $0xFFFFFFFF  }
0xae: {  	[dreg:$0x0] =	wrdreg $0x60  }
0xaf: {  	[dreg:$0x2] =	wrdreg s2  }
0xb0: {  	[dreg:$0x3] =	wrdreg s18  }
0xb1: {  	[dreg:$0x4] =	wrdreg s24  }
0xb2: {  	[dreg:$0x5] =	wrdreg $0x9  }
0xb3: {  	_ =	task.clear_ibuf [dreg:s8], $0x6FFFF;
	_ =	strace $0x90000046  }
0xb4: {  	s29 =	simm.s32 $0x9;
	_ =	strace $0x80000048  }
0xb5: {  	_ =	swait.ge [sflag:s29], $0x1  }
0xb6: {  	[sflag:s29] =	ssyncadd.s32 $0xFFFFFFFF  }
0xb7: {  	_ =	strace $0x90000048  }
0xb8: {  	_ =	sfence  }
0xb9: {  	s30 =	sld [smem:$0x0];
	_ =	sdelay $0x2  }
0xba: {  	s31 =	sshll.u32 s1, $0xD;
	s1 =	sshrl.u32 s1, $0x2  }
0xbb: {  	s3 =	sand.u32 $0x4000, s31;
	s1 =	sadd.s32 s1, s30  }
0xbc: {  	s0 =	sor.u32 s3, s0;
	s1 =	sshll.u32 s1, $0x11  }
0xbd: {  	s0 =	sor.u32 s1, s0  }
0xbe: {  	s0 =	sadd.s32 $0x8F2B, s0  }
0xbf: {  	[sflag:s0] =	ssyncadd.remote.s32 $0x1  }
0xc0: {  	_ =	sfence.sel $0xFFFF  }
0xc1: {  	[dreg:$0x0] =	wrdreg $0xFFFFFFFF;
	(pc) =	sbr.abs _section_cstart, $3  }
0xc2: {  	[dreg:$0x1] =	wrdreg $0xFFFFFFFF  }
0xc3: {  	_ =	task.clear_ibuf [dreg:s8], $0x2FFFF;
	_ =	strace $0x9FFFFFFF  }
0xc4: {  	(tm) =	ssettm $0x7FFFFFFF  }
0xc5: {  	_ =	shalt  }
tec
execute0_lowered:
.L_overlay_start_1:
0x0: {  	(tag) =	ssettag $0x1  }
0x1: {  	v0 =	vimm.s32 $0x4100;
	vm0 =	vcmask $0x700;
	vm12 =	vcmask $0xB08  }
0x2: {  	vm11 =	vcmask $0xF0C;
	vm10 =	vcmask $0x1310;
	v0 =	vunpack.c.0.s8.s32 v0  }
0x3: {  	vm9 =	vcmask $0x1714;
	vm8 =	vcmask $0x1B18;
	vm7 =	vcmask $0x1F1C  }
0x4: {  	vm6 =	vcmask $0x2320;
	vm5 =	vcmask $0x2724;
	v0 =	vnsel vm0, $0xE4F, v0  }
0x5: {  	vm4 =	vcmask $0x2B28;
	vm3 =	vcmask $0x2F2C;
	v0 =	vsel vm12, $0x202, v0  }
0x6: {  	vm13 =	vcmask $0x300;
	v2 =	vimm.s32 $0x601F;
	v0 =	vsel vm11, $0x243, v0  }
0x7: {  	vm14 =	vcmask $0x704;
	v2 =	vsel vm13, $0x5050, v2;
	v0 =	vsel vm10, $0x404, v0  }
0x8: {  	vm2 =	vcmask $0x3330;
	v2 =	vsel vm14, $0x5211, v2;
	v0 =	vsel vm9, $0x445, v0  }
0x9: {  	vm1 =	vcmask $0x3734;
	v2 =	vsel vm12, $0x5252, v2;
	v0 =	vsel vm8, $0x606, v0  }
0xa: {  	v1 =	vimm.s32 $0x1E5F;
	v2 =	vsel vm11, $0x5413, v2;
	v0 =	vsel vm7, $0x647, v0  }
0xb: {  	v57 =	vimm.s32 $0x500F;
	v2 =	vsel vm10, $0x5454, v2;
	v0 =	vsel vm6, $0x808, v0  }
0xc: {  	v3 =	vlaneseq.u32;
	v2 =	vsel vm9, $0x5615, v2;
	v0 =	vsel vm5, $0x849, v0  }
0xd: {  	v1 =	vsel vm13, $0x1010, v1;
	v2 =	vsel vm8, $0x5656, v2;
	v0 =	vsel vm4, $0xA0A, v0  }
0xe: {  	v3 =	vmul.u32 $0x41, v3;
	v2 =	vsel vm7, $0x5817, v2;
	v0 =	vsel vm3, $0xA4B, v0  }
0xf: {  	v56 =	vsel vm14, $0x1051, v1;
	v2 =	vsel vm6, $0x5858, v2;
	v0 =	vsel vm2, $0xC0C, v0  }
0x10: {  	vm0 =	vcmask $0x3B38;
	v2 =	vsel vm5, $0x5A19, v2;
	v0 =	vsel vm1, $0xC4D, v0  }
0x11: {  	v1 =	vsel vm13, $0x4040, v57;
	v2 =	vsel vm4, $0x5A5A, v2;
	v0 =	vsel vm0, $0xE0E, v0  }
0x12: {  	s8 =	rddreg [dreg:$0x0];
	v1 =	vsel vm14, $0x4201, v1;
	v2 =	vsel vm3, $0x5C1B, v2;
	[tilespmem:$0x1FF40] =	vst v0;
	v0 =	vsel vm12, $0x1212, v56  }
0x13: {  	s1 =	rddreg [dreg:$0x1];
	v1 =	vsel vm12, $0x4242, v1;
	v2 =	vsel vm2, $0x5C5C, v2;
	v0 =	vsel vm11, $0x1253, v0  }
0x14: {  	s0 =	rddreg [dreg:$0x2];
	s4 =	simm.s32 $0x0;
	v1 =	vsel vm11, $0x4403, v1;
	v59 =	vsel vm1, $0x5E1D, v2;
	v0 =	vsel vm10, $0x1414, v0  }
0x15: {  	[smem:$0x7FF] =	sst s4;
	v1 =	vsel vm10, $0x4444, v1;
	v60 =	vsel vm0, $0x5E5E, v59;
	v0 =	vsel vm9, $0x1455, v0  }
0x16: {  	s2 =	srdreg.scid;
	s3 =	stileid.u32;
	v1 =	vsel vm9, $0x4605, v1;
	_ =	strace $0x80000047;
	[tilespmem:$0x1FF70] =	vst v60;
	v0 =	vsel vm8, $0x1616, v0  }
0x17: {  	s2 =	sand.u32 $0x1, s2;
	s3 =	sshll.u32 s3, $0x1;
	v61 =	vadd.s32 $0x820, v3;
	v1 =	vsel vm8, $0x4646, v1;
	[tilespmem:$0x1FF80] =	vst v3;
	v0 =	vsel vm7, $0x1657, v0  }
0x18: {  	s23 =	sadd.s32 $0xA00, s0;
	s5 =	ssub.s32 $0x2, s2;
	s2 =	sor.u32 s2, s3;
	v62 =	vadd.s32 $0xC30, v3;
	v1 =	vsel vm7, $0x4807, v1;
	[tilespmem:$0x1FF90] =	vst v61;
	v0 =	vsel vm6, $0x1818, v0  }
0x19: {  	s7 =	sadd.s32 $0x7A1A00, s0;
	s25 =	sshll.u32 s2, $0x7;
	v63 =	vadd.s32 $0x1860, v3;
	v1 =	vsel vm6, $0x4848, v1;
	[tilespmem:$0x1FFA0] =	vst v62;
	v0 =	vsel vm5, $0x1859, v0  }
0x1a: {  	s28 =	sshll.u32 s2, $0xA;
	v4 =	vadd.s32 $0x1C70, v3;
	s26 =	sadd.s32 s8, s25;
	v1 =	vsel vm5, $0x4A09, v1;
	[dreg:$0x4] =	wrdreg s23;
	[tilespmem:$0x1FFB0] =	vst v63;
	v0 =	vsel vm4, $0x1A1A, v0  }
0x1b: {  	s21 =	simm.s32 $0x8000;
	v5 =	vadd.s32 $0x410, v3;
	s29 =	sadd.s32 $0x1000, s26;
	v1 =	vsel vm4, $0x4A4A, v1;
	[dreg:$0x6] =	wrdreg s28;
	[tilespmem:$0x1FFC0] =	vst v4;
	v0 =	vsel vm3, $0x1A5B, v0  }
0x1c: {  	s24 =	sshrl.u32 s5, $0x1;
	v6 =	vadd.s32 $0x1040, v3;
	s30 =	sadd.s32 $0x2000, s26;
	v1 =	vsel vm3, $0x4C0B, v1;
	[dreg:$0x7] =	wrdreg s29;
	[tilespmem:$0x1FFD0] =	vst v5;
	v0 =	vsel vm2, $0x1C1C, v0  }
0x1d: {  	s6 =	ssub.s32 $0x1EA3, s2;
	s13 =	sshll.u32 s2, $0xD;
	v7 =	vadd.s32 $0x1450, v3;
	v1 =	vsel vm2, $0x4C4C, v1;
	[dreg:$0x8] =	wrdreg s30;
	[tilespmem:$0x1FFE0] =	vst v6;
	v0 =	vsel vm1, $0x1C5D, v0  }
0x1e: {  	s3 =	ssub.s32 s5, s24;
	s0 =	sadd.s32 $0x3000, s26;
	v58 =	vsel vm1, $0x4E0D, v1;
	[dreg:$0x5] =	wrdreg s26;
	[tilespmem:$0x1FFF0] =	vst v7;
	v0 =	vsel vm0, $0x1E1E, v0  }
0x1f: {  	p0 =	sne.s32 s2, $0x1F;
	s31 =	smax.u32 s3, $0x1;
	[dreg:$0x9] =	wrdreg s0;
	[tilespmem:$0x1FF50] =	vst v0;
	v0 =	vsel vm0, $0x4E4E, v58  }
0x20: {  	s6 =	sshrl.u32 s6, $0x5;
	s3 =	simm.s32 $0x0;
	[dreg:$0xa] =	wrdreg s31;
	[tilespmem:$0x1FF60] =	vst v0  }
.LBB2_1:
.Ltmp0:
0x21: {  	(pc) =	sbr.rel @p0 .LBB2_7-.Ltmp0, $2  }
0x22: {  	_ =	sdelay $0x2  }
0x23: {  	[dreg:$0xb] =	wrdreg s3  }
0x24: {  	s0 =	simm.s32 $0x10200  }
0x25: {  	s2 =	simm.s32 $0x10;
	s5 =	sadd.s32 $0x0, s1;
	s3 =	simm.s32 $0x10400  }
.LBB2_3:
0x26: {  	[tilespmem:s0], [sflag:$0x9] =	stream.linear.gather [hbm4b:s5+s4], $0x80, $0x38;
	[tilespmem:$0x18200] =	vst v63  }
0x27: {  	s5 =	smov.u32 s2;
	s0 =	smov.u32 s3;
	p1 =	sne.s32 s2, $0x1F0  }
.Ltmp1:
0x28: {  	s2 =	sadd.s32 $0x10, s2;
	(pc) =	sbr.rel @p1 .LBB2_3-.Ltmp1, $2  }
0x29: {  	_ =	sdelay $0x2  }
0x2a: {  	s3 =	sadd.s32 $0x200, s3;
	s5 =	sadd.s32 s5, s1  }
0x2b: {  	[tilespmem:s0], [sflag:$0x9] =	stream.linear.gather [hbm4b:s5+s4], $0x80, $0x38;
	[tilespmem:$0x18200] =	vst v63  }
0x2c: {  	s31 =	simm.s32 $0x9  }
0x2d: {  	_ =	swait.ge [sflag:s31], $0x1000  }
0x2e: {  	s0 =	simm.s32 $0x10200;
	s2 =	simm.s32 $0x10;
	[sflag:s31] =	ssyncset.done $0x0  }
0x2f: {  	s5 =	sadd.s32 $0x0, s7;
	s3 =	simm.s32 $0x10400;
	[sflag:s31] =	ssyncadd.s32 $0xFFFFF000  }
.LBB2_5:
0x30: {  	[hbm4b:s5+s4] =	stream.linear.scatter [tilespmem:s0], [sflag:$0x9], $0x80, $0x38;
	[tilespmem:$0x18200] =	vst v63  }
0x31: {  	s5 =	smov.u32 s2;
	s0 =	smov.u32 s3;
	p1 =	sne.s32 s2, $0x1F0  }
.Ltmp2:
0x32: {  	s2 =	sadd.s32 $0x10, s2;
	(pc) =	sbr.rel @p1 .LBB2_5-.Ltmp2, $2  }
0x33: {  	_ =	sdelay $0x2  }
0x34: {  	s3 =	sadd.s32 $0x200, s3;
	s5 =	sadd.s32 s5, s7  }
0x35: {  	[hbm4b:s5+s4] =	stream.linear.scatter [tilespmem:s0], [sflag:$0x9], $0x80, $0x38;
	[tilespmem:$0x18200] =	vst v63  }
0x36: {  	s31 =	simm.s32 $0x9  }
0x37: {  	_ =	swait.ge [sflag:s31], $0x1000  }
0x38: {  	[sflag:s31] =	ssyncset.done $0x0  }
0x39: {  	[sflag:s31] =	ssyncadd.s32 $0xFFFFF000  }
.LBB2_7:
0x3a: {  	s28 =	simm.s32 $0x0  }
0x3b: {  	s0 =	rddreg [dreg:$0x5];
	s2 =	simm.s32 $0x400;
	s3 =	simm.s32 $0x7A1400  }
0x3c: {  	[tilespmem:s28], [sflag:$0x1] =	stream.strided.gather [hbm4b:s0+s2], $0x2000, s3, s2, $0x38;
	[tilespmem:$0x18200] =	vst v63  }
0x3d: {  	s24 =	rddreg [dreg:$0x7];
	s5 =	simm.s32 $0x2000  }
0x3e: {  	[tilespmem:s5], [sflag:$0x2] =	stream.strided.gather [hbm4b:s24+s2], $0x2000, s3, s2, $0x38;
	[tilespmem:$0x18200] =	vst v63  }
0x3f: {  	s25 =	rddreg [dreg:$0x8];
	s26 =	simm.s32 $0x4000  }
0x40: {  	[tilespmem:s26], [sflag:$0x3] =	stream.strided.gather [hbm4b:s25+s2], $0x2000, s3, s2, $0x38;
	[tilespmem:$0x18200] =	vst v63  }
0x41: {  	s30 =	rddreg [dreg:$0x9];
	s31 =	simm.s32 $0x6000;
	s29 =	simm.s32 $0x0  }
0x42: {  	[tilespmem:s31], [sflag:$0x4] =	stream.strided.gather [hbm4b:s30+s2], $0x2000, s3, s2, $0x38;
	[tilespmem:$0x18200] =	vst v63  }
.LBB2_8:
0x43: {  	s3 =	sand.u32 $0x3, s29;
	p1 =	slt.u32 s29, $0x4  }
0x44: {  	s0 =	sadd.s32 @!p1 $0x5, s3  }
0x45: {  	_ =	swait.ge @!p1 [sflag:s0], $0x2000  }
0x46: {  	[sflag:s0] =	ssyncset.done @!p1 $0x0  }
0x47: {  	s30 =	sadd.s32 $0x1, s3;
	[sflag:s0] =	ssyncadd.s32 @!p1 $0xFFFFE000  }
0x48: {  	_ =	swait.ge [sflag:s30], $0x2000  }
0x49: {  	v60 =	vld [tilespmem:$0x1FF40]  }
0x4a: {  	v0 =	vmov s3;
	v61 =	vld [tilespmem:$0x1FF50]  }
0x4b: {  	v0 =	vshll.u32 v0, $0x7;
	v62 =	vld [tilespmem:$0x1FF60]  }
0x4c: {  	v13 =	vbroadcast v0, $0x0;
	v63 =	vld [tilespmem:$0x1FF70];
	_ =	sdelay $0x1  }
0x4d: {  	v0 =	vor.u32 v60, v13  }
0x4e: {  	s2 =	sshll.u32 s28, $0x7;
	[tilespmem:$0x1FF00] =	vst v0;
	v0 =	vor.u32 v61, v13  }
0x4f: {  	s19 =	simm.s32 $0x0;
	s5 =	sand.u32 $0x180, s2;
	[tilespmem:$0x1FF10] =	vst v0;
	v0 =	vor.u32 v62, v13  }
0x50: {  	s31 =	sshll.u32 s3, $0xD;
	s2 =	sor.u32 $0x10200, s5;
	[sflag:s30] =	ssyncset.done $0x0;
	[tilespmem:$0x1FF20] =	vst v0;
	v0 =	vor.u32 v63, v13  }
0x51: {  	s18 =	sor.u32 $0x11200, s5;
	v18 =	vmov s31;
	p1 =	por $0x1, $0x1;
	[sflag:s30] =	ssyncadd.s32 $0xFFFFE000;
	[tilespmem:$0x1FF30] =	vst v0  }
.LBB2_9:
0x52: {  	v49 =	vld [tilespmem:$0x1FF90]  }
0x53: {  	v58 =	vld [tilespmem:$0x1FFA0]  }
0x54: {  	v59 =	vld [tilespmem:$0x1FFB0]  }
0x55: {  	v51 =	vld [tilespmem:$0x1FFC0]  }
0x56: {  	v42 =	vld [tilespmem:$0x1FF80]  }
0x57: {  	v63 =	vld [tilespmem:$0x1FFD0]  }
0x58: {  	v43 =	vld [tilespmem:$0x1FFE0];
	_ =	sdelay $0x2  }
0x59: {  	s11 =	sor.u32 $0x1, s19;
	v0 =	vadd.s32 s19, v49;
	v2 =	vadd.s32 s19, v58;
	v37 =	vadd.s32 s19, v59  }
0x5a: {  	v4 =	vadd.s32 s19, v51;
	v45 =	vadd.s32 s11, v42;
	v47 =	vadd.s32 s11, v63  }
0x5b: {  	s20 =	sor.u32 $0x2, s19;
	v50 =	vadd.s32 s11, v49;
	v54 =	vadd.s32 s11, v58;
	v56 =	vadd.s32 s11, v43  }
0x5c: {  	v6 =	vadd.s32 s11, v51;
	v8 =	vadd.s32 s20, v42;
	v21 =	vadd.s32 s20, v63  }
0x5d: {  	s12 =	sor.u32 $0x3, s19;
	v23 =	vadd.s32 s20, v49;
	v26 =	vadd.s32 s20, v58;
	v29 =	vadd.s32 s20, v43  }
0x5e: {  	v41 =	vadd.s32 s12, v42;
	v1 =	vshll.u32 v0, $0x2;
	v0 =	vand.u32 $0x6F, v0  }
0x5f: {  	v36 =	vshll.u32 v2, $0x2;
	v2 =	vand.u32 $0x7F, v2;
	v3 =	vshll.u32 v37, $0x2  }
0x60: {  	v38 =	vshll.u32 v4, $0x2;
	v39 =	vand.u32 $0x7F, v4;
	v46 =	vshll.u32 v45, $0x2  }
0x61: {  	v48 =	vshll.u32 v47, $0x2;
	v52 =	vshll.u32 v50, $0x2;
	v53 =	vand.u32 $0x7F, v50  }
0x62: {  	v55 =	vshll.u32 v54, $0x2;
	v57 =	vshll.u32 v56, $0x2;
	v4 =	vadd.s32 s11, v59  }
0x63: {  	v7 =	vshll.u32 v6, $0x2;
	v10 =	vshll.u32 v8, $0x2;
	v11 =	vand.u32 $0x7F, v8  }
0x64: {  	v22 =	vshll.u32 v21, $0x2;
	v25 =	vshll.u32 v23, $0x2;
	v27 =	vshll.u32 v26, $0x2  }
0x65: {  	v28 =	vand.u32 $0x7F, v26;
	v30 =	vshll.u32 v29, $0x2;
	v44 =	vshll.u32 v41, $0x2  }
0x66: {  	v1 =	vand.u32 $0x3E00, v1;
	v3 =	vand.u32 $0xFE00, v3;
	v5 =	vshll.u32 v4, $0x2  }
0x67: {  	v17 =	vor.u32 v1, v0;
	v0 =	vand.u32 $0x7E00, v36;
	v1 =	vand.u32 $0x6F, v37  }
0x68: {  	v36 =	vadd.s32 s20, v51;
	v16 =	vor.u32 v0, v2;
	v34 =	vor.u32 v3, v1  }
0x69: {  	v0 =	vand.u32 $0x1FE00, v38;
	v2 =	vand.u32 $0x7F, v45;
	v1 =	vand.u32 $0x7F, v47  }
0x6a: {  	v3 =	vand.u32 $0x3E00, v48;
	v38 =	vshll.u32 v36, $0x2;
	v45 =	vadd.s32 s12, v63  }
0x6b: {  	v0 =	vor.u32 v0, v39;
	v37 =	vor.u32 v3, v1;
	v1 =	vand.u32 $0x7F, v56  }
0x6c: {  	v3 =	vand.u32 $0x5E00, v57;
	v57 =	vadd.s32 s12, v58;
	[tilespmem:$0x1F8B0] =	vst v0;
	v0 =	vand.u32 $0xE00, v46  }
0x6d: {  	v40 =	vor.u32 v3, v1;
	v1 =	vand.u32 $0x7F, v6;
	v3 =	vand.u32 $0x1FE00, v7  }
0x6e: {  	v20 =	vor.u32 v0, v2;
	v0 =	vand.u32 $0x3E00, v52;
	v2 =	vand.u32 $0x7F, v54  }
0x6f: {  	v9 =	vor.u32 v3, v1;
	v1 =	vand.u32 $0x7F, v23;
	v3 =	vand.u32 $0x3E00, v25  }
0x70: {  	v52 =	vld [tilespmem:$0x1FFF0];
	v54 =	vand.u32 $0x7F, v45;
	v25 =	vadd.s32 s12, v51;
	v47 =	vor.u32 v0, v53  }
0x71: {  	v0 =	vand.u32 $0x7E00, v55;
	v6 =	vor.u32 v3, v1;
	v1 =	vand.u32 $0x7E00, v27  }
0x72: {  	v3 =	vand.u32 $0x7F, v29;
	v53 =	vshll.u32 v45, $0x2;
	v55 =	vadd.s32 s12, v49  }
0x73: {  	v46 =	vor.u32 v0, v2;
	v2 =	vand.u32 $0x7F, v4;
	v39 =	vor.u32 v1, v28  }
0x74: {  	v1 =	vand.u32 $0x5E00, v30;
	v56 =	vshll.u32 v55, $0x2;
	v30 =	vshll.u32 v25, $0x2  }
0x75: {  	s8 =	sor.u32 $0x4, s19;
	v60 =	vadd.s32 s11, v52;
	v31 =	vadd.s32 s20, v52;
	v8 =	vadd.s32 s12, v52  }
0x76: {  	v14 =	vadd.s32 s8, v52;
	v61 =	vshll.u32 v60, $0x2;
	v62 =	vand.u32 $0x7F, v60  }
0x77: {  	v32 =	vshll.u32 v31, $0x2;
	v60 =	vshll.u32 v57, $0x2;
	v0 =	vand.u32 $0xFE00, v61  }
0x78: {  	v4 =	vand.u32 $0xFE00, v32;
	v61 =	vadd.s32 s12, v43;
	v32 =	vand.u32 $0x7F, v25  }
0x79: {  	v24 =	vor.u32 v0, v62;
	v0 =	vand.u32 $0xFE00, v5;
	v5 =	vadd.s32 s20, v59  }
0x7a: {  	v7 =	vand.u32 $0x7F, v61;
	v12 =	vor.u32 v0, v2;
	v0 =	vand.u32 $0xE00, v10  }
0x7b: {  	v2 =	vand.u32 $0x7F, v21;
	v33 =	vshll.u32 v5, $0x2;
	v35 =	vand.u32 $0x7F, v5  }
0x7c: {  	v21 =	vshll.u32 v8, $0x2;
	v50 =	vor.u32 v0, v11;
	v0 =	vand.u32 $0x3E00, v22  }
0x7d: {  	v11 =	vor.u32 v1, v3;
	v1 =	vand.u32 $0xFE00, v33;
	v3 =	vand.u32 $0x7F, v36  }
0x7e: {  	v22 =	vadd.s32 s12, v59;
	v33 =	vadd.s32 s8, v42;
	v10 =	vor.u32 v0, v2  }
0x7f: {  	v2 =	vand.u32 $0x7F, v31;
	v27 =	vor.u32 v1, v35;
	v1 =	vand.u32 $0x1FE00, v38  }
0x80: {  	v23 =	vshll.u32 v22, $0x2;
	v36 =	vshll.u32 v33, $0x2;
	v38 =	vadd.s32 s8, v63  }
0x81: {  	v29 =	vor.u32 v4, v2;
	v2 =	vand.u32 $0x7F, v41;
	v4 =	vand.u32 $0xE00, v44  }
0x82: {  	v48 =	vor.u32 v1, v3;
	v1 =	vand.u32 $0x3E00, v53;
	v3 =	vand.u32 $0x7F, v55  }
0x83: {  	v41 =	vshll.u32 v38, $0x2;
	v44 =	vadd.s32 s8, v49;
	v31 =	vor.u32 v4, v2  }
0x84: {  	[tilespmem:$0x1F8E0] =	vst v48;
	v48 =	vor.u32 v1, v54;
	v1 =	vand.u32 $0x3E00, v56;
	v2 =	vand.u32 $0x7F, v57  }
0x85: {  	v4 =	vand.u32 $0x7E00, v60;
	v45 =	vshll.u32 v44, $0x2;
	v53 =	vand.u32 $0x7F, v44  }
0x86: {  	v54 =	vadd.s32 s8, v58;
	v56 =	vadd.s32 s8, v43;
	v19 =	vor.u32 v1, v3  }
0x87: {  	v62 =	vor.u32 v4, v2;
	v4 =	vshll.u32 v61, $0x2;
	v3 =	vand.u32 $0x7F, v8  }
0x88: {  	v2 =	vand.u32 $0x7F, v22;
	v55 =	vshll.u32 v54, $0x2;
	v57 =	vshll.u32 v56, $0x2  }
0x89: {  	v61 =	vshll.u32 v14, $0x2;
	v8 =	vadd.s32 s8, v59;
	v22 =	vadd.s32 s8, v51  }
0x8a: {  	s24 =	sor.u32 $0x5, s19;
	v1 =	vand.u32 $0x5E00, v4;
	v4 =	vand.u32 $0xFE00, v23;
	v5 =	vand.u32 $0x5E00, v57  }
0x8b: {  	[tilespmem:$0x1F8D0] =	vst v62;
	v62 =	vand.u32 $0x7F, v14;
	v23 =	vshll.u32 v22, $0x2;
	v14 =	vadd.s32 s24, v42  }
0x8c: {  	[tilespmem:$0x1F8C0] =	vst v9;
	v9 =	vor.u32 v1, v7;
	v1 =	vand.u32 $0xFE00, v21;
	v28 =	vor.u32 v4, v2  }
0x8d: {  	v2 =	vand.u32 $0x7F, v38;
	v4 =	vand.u32 $0x3E00, v41;
	v21 =	vshll.u32 v8, $0x2  }
0x8e: {  	v26 =	vor.u32 v1, v3;
	v1 =	vand.u32 $0x1FE00, v30;
	v3 =	vand.u32 $0x7F, v33  }
0x8f: {  	[tilespmem:$0x1F940] =	vst v28;
	v2 =	vor.u32 v4, v2;
	v4 =	vand.u32 $0x7F, v54;
	v28 =	vshll.u32 v14, $0x2  }
0x90: {  	v30 =	vand.u32 $0x7F, v14;
	v35 =	vor.u32 v1, v32;
	v1 =	vand.u32 $0xE00, v36  }
0x91: {  	v33 =	vadd.s32 s24, v63;
	v36 =	vadd.s32 s24, v49;
	v15 =	vor.u32 v1, v3  }
0x92: {  	[tilespmem:$0x1F980] =	vst v35;
	v1 =	vand.u32 $0x3E00, v45;
	v3 =	vand.u32 $0x7F, v56;
	v35 =	vshll.u32 v33, $0x2  }
0x93: {  	v14 =	vshll.u32 v36, $0x2;
	v32 =	vor.u32 v1, v53;
	v1 =	vand.u32 $0x7E00, v55  }
0x94: {  	v60 =	vor.u32 v5, v3;
	v3 =	vand.u32 $0x7F, v22;
	v5 =	vand.u32 $0x1FE00, v23  }
0x95: {  	v14 =	vand.u32 $0x3E00, v14;
	v22 =	vadd.s32 s24, v58;
	v53 =	vadd.s32 s24, v52  }
0x96: {  	v23 =	vadd.s32 s24, v59;
	v45 =	vor.u32 v1, v4;
	v1 =	vand.u32 $0xFE00, v61  }
0x97: {  	[tilespmem:$0x1F910] =	vst v26;
	v4 =	vand.u32 $0x7F, v8;
	v26 =	vor.u32 v5, v3;
	v38 =	vshll.u32 v22, $0x2  }
0x98: {  	s25 =	sor.u32 $0x6, s19;
	v41 =	vand.u32 $0x7F, v22;
	v54 =	vshll.u32 v53, $0x2;
	v56 =	vshll.u32 v23, $0x2  }
0x99: {  	[tilespmem:$0x1F8F0] =	vst v9;
	v57 =	vand.u32 $0x7F, v23;
	v8 =	vadd.s32 s25, v63;
	v9 =	vor.u32 v1, v62  }
0x9a: {  	v1 =	vand.u32 $0xFE00, v21;
	v21 =	vand.u32 $0x7F, v36;
	v22 =	vand.u32 $0xFE00, v54  }
0x9b: {  	[tilespmem:$0x1F990] =	vst v26;
	v62 =	vadd.s32 s25, v42;
	v26 =	vadd.s32 s25, v49;
	v25 =	vor.u32 v1, v4  }
0x9c: {  	v1 =	vand.u32 $0xE00, v28;
	v4 =	vand.u32 $0x7F, v33;
	v21 =	vor.u32 v14, v21  }
0x9d: {  	v14 =	vadd.s32 s24, v43;
	v0 =	vshll.u32 v62, $0x2;
	v28 =	vshll.u32 v26, $0x2  }
0x9e: {  	v3 =	vor.u32 v1, v30;
	v1 =	vand.u32 $0x3E00, v35;
	v44 =	vshll.u32 v14, $0x2  }
0x9f: {  	[tilespmem:$0x1F950] =	vst v25;
	v14 =	vand.u32 $0x7F, v14;
	v25 =	vshll.u32 v8, $0x2;
	v35 =	vadd.s32 s25, v52  }
0xa0: {  	v5 =	vor.u32 v1, v4;
	v1 =	vand.u32 $0x7E00, v38;
	v4 =	vand.u32 $0x7F, v53  }
0xa1: {  	v36 =	vshll.u32 v35, $0x2;
	v41 =	vor.u32 v1, v41;
	v1 =	vand.u32 $0x5E00, v44  }
0xa2: {  	v55 =	vor.u32 v22, v4;
	v4 =	vand.u32 $0x7F, v62;
	v22 =	vand.u32 $0xE00, v0  }
0xa3: {  	v44 =	vadd.s32 s25, v51;
	v53 =	vor.u32 v1, v14;
	v1 =	vand.u32 $0xFE00, v56  }
0xa4: {  	v14 =	vadd.s32 s24, v51;
	v4 =	vor.u32 v22, v4;
	v22 =	vand.u32 $0x7F, v26  }
0xa5: {  	[tilespmem:$0x1F900] =	vst v60;
	v26 =	vadd.s32 s25, v43;
	v60 =	vor.u32 v1, v57;
	v61 =	vshll.u32 v14, $0x2  }
0xa6: {  	s14 =	sor.u32 $0x7, s19;
	[tilespmem:$0x1F920] =	vst v9;
	v14 =	vand.u32 $0x7F, v14;
	v33 =	vshll.u32 v26, $0x2;
	v1 =	vand.u32 $0x1FE00, v61  }
0xa7: {  	v57 =	vshll.u32 v44, $0x2;
	[tilespmem:$0x1F960] =	vst v60;
	v60 =	vadd.s32 s14, v42;
	v9 =	vor.u32 v1, v14  }
0xa8: {  	v14 =	vand.u32 $0x7F, v8;
	v1 =	vand.u32 $0x3E00, v25;
	v62 =	vshll.u32 v60, $0x2  }
0xa9: {  	v54 =	vor.u32 v1, v14;
	v14 =	vadd.s32 s25, v58;
	v1 =	vand.u32 $0x3E00, v28  }
0xaa: {  	v28 =	vadd.s32 s14, v49;
	v30 =	vshll.u32 v14, $0x2;
	v14 =	vand.u32 $0x7F, v14  }
0xab: {  	v23 =	vor.u32 v1, v22;
	v1 =	vand.u32 $0x5E00, v33;
	v22 =	vand.u32 $0x7F, v35  }
0xac: {  	[tilespmem:$0x1F9A0] =	vst v9;
	v9 =	vshll.u32 v28, $0x2;
	v33 =	vand.u32 $0x7F, v28;
	v25 =	vand.u32 $0x7E00, v30  }
0xad: {  	v35 =	vadd.s32 s14, v58;
	v30 =	vor.u32 v25, v14;
	v14 =	vand.u32 $0x7F, v26  }
0xae: {  	v28 =	vand.u32 $0x7F, v35;
	v8 =	vor.u32 v1, v14;
	v14 =	vadd.s32 s25, v59  }
0xaf: {  	v1 =	vand.u32 $0xFE00, v36;
	v36 =	vshll.u32 v35, $0x2;
	v35 =	vadd.s32 s14, v52  }
0xb0: {  	[tilespmem:$0x1F930] =	vst v55;
	v38 =	vshll.u32 v14, $0x2;
	v14 =	vand.u32 $0x7F, v14;
	v55 =	vor.u32 v1, v22  }
0xb1: {  	v1 =	vand.u32 $0x1FE00, v57;
	v22 =	vand.u32 $0x7F, v60;
	v25 =	vand.u32 $0xFE00, v38  }
0xb2: {  	v57 =	vadd.s32 s14, v59;
	v56 =	vor.u32 v25, v14;
	v14 =	vand.u32 $0x7F, v44  }
0xb3: {  	[tilespmem:$0x1F970] =	vst v55;
	v38 =	vadd.s32 s14, v43;
	v55 =	vshll.u32 v35, $0x2;
	v61 =	vor.u32 v1, v14  }
0xb4: {  	[tilespmem:$0x1F9B0] =	vst v56;
	v14 =	vadd.s32 s14, v63;
	v1 =	vand.u32 $0xE00, v62;
	v56 =	vand.u32 $0x7F, v35  }
0xb5: {  	v62 =	vadd.s32 s14, v51;
	v0 =	vshll.u32 v14, $0x2;
	v7 =	vand.u32 $0x7F, v14  }
0xb6: {  	[tilespmem:$0x1F9D0] =	vst v61;
	v14 =	vor.u32 v1, v22;
	v1 =	vand.u32 $0x3E00, v9;
	v61 =	vshll.u32 v57, $0x2  }
0xb7: {  	v25 =	vand.u32 $0x3E00, v0;
	v26 =	vor.u32 v1, v33;
	v1 =	vand.u32 $0x7E00, v36  }
0xb8: {  	v33 =	vshll.u32 v38, $0x2;
	v0 =	vshll.u32 v62, $0x2;
	v22 =	vor.u32 v25, v7  }
0xb9: {  	s10 =	sor.u32 $0x8, s19;
	v25 =	vand.u32 $0x7F, v38;
	v33 =	vand.u32 $0x5E00, v33;
	v36 =	vor.u32 v1, v28  }
0xba: {  	v1 =	vand.u32 $0xFE00, v55;
	v28 =	vand.u32 $0x7F, v57;
	v55 =	vadd.s32 s10, v49  }
0xbb: {  	v44 =	vor.u32 v33, v25;
	v60 =	vor.u32 v1, v56;
	v1 =	vand.u32 $0xFE00, v61  }
0xbc: {  	v25 =	vand.u32 $0x7F, v62;
	v33 =	vand.u32 $0x1FE00, v0;
	v56 =	vshll.u32 v55, $0x2  }
0xbd: {  	v9 =	vor.u32 v1, v28;
	v28 =	vor.u32 v33, v25;
	v25 =	vand.u32 $0x7F, v55;
	v55 =	vld [tilespmem:$0x1FF00]  }
0xbe: {  	v7 =	vadd.s32 s10, v42  }
0xbf: {  	v17 =	vor.u32 v13, v17;
	v38 =	vadd.s32 s10, v63;
	v33 =	vshll.u32 v7, $0x2  }
0xc0: {  	s0 =	sshll.u32 s19, $0x7;
	v35 =	vand.u32 $0x7F, v7;
	[tilespmem:$0x1F9C0] =	vst v44;
	v44 =	vshll.u32 v38, $0x2;
	v1 =	vand.u32 $0xE00, v33  }
0xc1: {  	s16 =	sand.u32 $0x3FFFFF80, s0;
	[tilespmem:$0x1FA80] =	vst v28;
	v28 =	vand.u32 $0x7F, v38;
	v62 =	vor.u32 v1, v35;
	v1 =	vand.u32 $0x3E00, v44  }
0xc2: {  	s15 =	sor.u32 $0x9, s19;
	[tilespmem:$0x1F9F0] =	vst v60;
	v33 =	vand.u32 $0x3E00, v56;
	v60 =	vor.u32 v1, v28;
	v28 =	vld.idx.msk [tilespmem:v18+s16+$0x0 ss:$0x1], $0xffff;
	v56 =	vor.u32 s19, v55  }
0xc3: {  	v16 =	vor.u32 v13, v16;
	v57 =	vadd.s32 s10, v58;
	v0 =	vadd.s32 s15, v49  }
0xc4: {  	v7 =	vshll.u32 v57, $0x2;
	[tilespmem:$0x1FA30] =	vst v9;
	v9 =	vand.u32 $0x7F, v57;
	v57 =	vadd.s32 s10, v52  }
0xc5: {  	v61 =	vor.u32 v33, v25;
	v33 =	vadd.s32 s10, v43;
	v1 =	vand.u32 $0x7E00, v7  }
0xc6: {  	[tilespmem:$0x1FA00] =	vst v61;
	v38 =	vand.u32 $0x7F, v33;
	v44 =	vshll.u32 v33, $0x2;
	v61 =	vshll.u32 v57, $0x2  }
0xc7: {  	v7 =	vadd.s32 s10, v59;
	v35 =	vor.u32 v1, v9;
	v25 =	vand.u32 $0x5E00, v44;
	[tilespmem:v56+s21+$0x0] =	vst.idx.msk $0xffff, v28;
	v56 =	vld [tilespmem:$0x1FF10]  }
0xc8: {  	[tilespmem:$0x1F9E0] =	vst v60;
	v1 =	vand.u32 $0xFE00, v61;
	v44 =	vadd.s32 s10, v51;
	v60 =	vor.u32 v25, v38  }
0xc9: {  	[tilespmem:$0x1FA20] =	vst v35;
	v35 =	vand.u32 $0x7F, v57;
	v38 =	vshll.u32 v7, $0x2;
	v25 =	vand.u32 $0x7F, v7  }
0xca: {  	v38 =	vand.u32 $0xFE00, v38;
	v9 =	vor.u32 v1, v35;
	v35 =	vshll.u32 v44, $0x2  }
0xcb: {  	[tilespmem:$0x1FA50] =	vst v60;
	v25 =	vor.u32 v38, v25;
	v38 =	vand.u32 $0x7F, v44;
	v1 =	vand.u32 $0x1FE00, v35  }
0xcc: {  	v60 =	vadd.s32 s15, v63;
	[tilespmem:$0x1FAC0] =	vst v25;
	v55 =	vor.u32 v1, v38;
	v1 =	vld.idx.msk [tilespmem:v18+s16+$0x10 ss:$0x1], $0xffff;
	v25 =	vor.u32 s19, v56  }
0xcd: {  	v7 =	vshll.u32 v0, $0x2;
	v44 =	vadd.s32 s15, v42;
	v61 =	vshll.u32 v60, $0x2  }
0xce: {  	[tilespmem:$0x1FA90] =	vst v9;
	v35 =	vand.u32 $0x7F, v60;
	v9 =	vadd.s32 s15, v58;
	v57 =	vshll.u32 v44, $0x2  }
0xcf: {  	v38 =	vand.u32 $0x3E00, v7;
	v33 =	vand.u32 $0xE00, v57;
	v28 =	vand.u32 $0x7F, v44  }
0xd0: {  	v7 =	vadd.s32 s15, v43;
	[tilespmem:$0x1FB10] =	vst v55;
	v55 =	vor.u32 v33, v28;
	v28 =	vand.u32 $0x3E00, v61  }
0xd1: {  	v57 =	vand.u32 $0x7F, v9;
	v33 =	vand.u32 $0x7F, v0;
	v60 =	vor.u32 v28, v35;
	[tilespmem:v25+s21+$0x0] =	vst.idx.msk $0xffff, v1  }
0xd2: {  	v38 =	vor.u32 v38, v33;
	v56 =	vshll.u32 v9, $0x2;
	v9 =	vadd.s32 s15, v52;
	v28 =	vld.idx.msk [tilespmem:v18+s16+$0x20 ss:$0x1], $0xffff  }
0xd3: {  	[tilespmem:$0x1FA10] =	vst v38;
	v38 =	vand.u32 $0x7F, v7;
	v44 =	vshll.u32 v9, $0x2;
	v1 =	vand.u32 $0x7E00, v56  }
0xd4: {  	v35 =	vand.u32 $0xFE00, v44;
	v25 =	vand.u32 $0x7F, v9;
	v61 =	vor.u32 v1, v57  }
0xd5: {  	v1 =	vshll.u32 v7, $0x2;
	v57 =	vor.u32 v35, v25;
	v7 =	vadd.s32 s15, v51;
	[tilespmem:$0x1FA40] =	vst v61  }
0xd6: {  	s23 =	sor.u32 $0xA, s19;
	v1 =	vand.u32 $0x5E00, v1;
	[tilespmem:$0x1FAA0] =	vst v57;
	v61 =	vadd.s32 s15, v59;
	v9 =	vshll.u32 v7, $0x2  }
0xd7: {  	v44 =	vand.u32 $0x7F, v7;
	v57 =	vadd.s32 s23, v42;
	[tilespmem:v17+s21+$0x0] =	vst.idx.msk $0xffff, v28;
	v17 =	vshll.u32 v61, $0x2  }
0xd8: {  	v56 =	vor.u32 v1, v38;
	v1 =	vand.u32 $0x7F, v61;
	v17 =	vand.u32 $0xFE00, v17;
	v28 =	vld.idx.msk [tilespmem:v18+s16+$0x30 ss:$0x1], $0xffff  }
0xd9: {  	v35 =	vld [tilespmem:$0x1FF20];
	v61 =	vand.u32 $0x7F, v57;
	v38 =	vor.u32 v17, v1;
	v17 =	vand.u32 $0x1FE00, v9  }
0xda: {  	[tilespmem:$0x1FA60] =	vst v56;
	v1 =	vshll.u32 v57, $0x2;
	v9 =	vadd.s32 s23, v49;
	v56 =	vor.u32 v17, v44  }
0xdb: {  	[tilespmem:$0x1FAD0] =	vst v38;
	v17 =	vadd.s32 s23, v63;
	v1 =	vand.u32 $0xE00, v1;
	v38 =	vshll.u32 v9, $0x2  }
0xdc: {  	v44 =	vadd.s32 s23, v58;
	[tilespmem:$0x1FB20] =	vst v56;
	v7 =	vshll.u32 v17, $0x2;
	v17 =	vand.u32 $0x7F, v17  }
0xdd: {  	v56 =	vshll.u32 v44, $0x2;
	v57 =	vand.u32 $0x7F, v44;
	v33 =	vand.u32 $0x3E00, v7;
	[tilespmem:v16+s21+$0x0] =	vst.idx.msk $0xffff, v28  }
0xde: {  	v7 =	vor.u32 v33, v17;
	v17 =	vor.u32 s19, v35;
	v35 =	vand.u32 $0x7E00, v56;
	v16 =	vld.idx.msk [tilespmem:v18+s16+$0x40 ss:$0x1], $0xffff  }
0xdf: {  	s22 =	sor.u32 $0xB, s19;
	v28 =	vor.u32 v1, v61;
	v1 =	vand.u32 $0x7F, v9;
	v9 =	vor.u32 v35, v57;
	v35 =	vld [tilespmem:$0x1FF30]  }
0xe0: {  	v20 =	vor.u32 v13, v20;
	v0 =	vadd.s32 s22, v58  }
0xe1: {  	v25 =	vand.u32 $0x3E00, v38;
	v61 =	vadd.s32 s23, v43;
	v56 =	vadd.s32 s23, v52  }
0xe2: {  	v33 =	vor.u32 v25, v1;
	v38 =	vshll.u32 v61, $0x2;
	v44 =	vand.u32 $0x7F, v61  }
0xe3: {  	v61 =	vand.u32 $0x7F, v56;
	v1 =	vand.u32 $0x5E00, v38;
	v38 =	vadd.s32 s23, v59;
	[tilespmem:v17+s21+$0x0] =	vst.idx.msk $0xffff, v16  }
0xe4: {  	v57 =	vor.u32 v1, v44;
	v16 =	vshll.u32 v56, $0x2;
	v25 =	vor.u32 s19, v35;
	v17 =	vld.idx.msk [tilespmem:v18+s16+$0x50 ss:$0x1], $0xffff  }
0xe5: {  	v56 =	vshll.u32 v38, $0x2;
	v35 =	vand.u32 $0x7F, v38;
	v16 =	vand.u32 $0xFE00, v16  }
0xe6: {  	s11 =	sshll.u32 s11, $0x7;
	v1 =	vand.u32 $0xFE00, v56;
	v44 =	vor.u32 v16, v61;
	v16 =	vadd.s32 s23, v51  }
0xe7: {  	s0 =	sand.u32 $0x3FFFFF80, s11;
	[tilespmem:$0x1FA70] =	vst v57;
	v61 =	vadd.s32 s22, v42;
	v35 =	vor.u32 v1, v35;
	v57 =	vshll.u32 v16, $0x2  }
0xe8: {  	v16 =	vand.u32 $0x7F, v16;
	[tilespmem:$0x1FAE0] =	vst v35;
	v56 =	vshll.u32 v61, $0x2;
	v35 =	vld.idx.msk [tilespmem:v18+s0+$0x0 ss:$0x1], $0xffff;
	v38 =	vand.u32 $0x1FE00, v57  }
0xe9: {  	v1 =	vand.u32 $0xE00, v56;
	v38 =	vor.u32 v38, v16;
	[tilespmem:v25+s21+$0x0] =	vst.idx.msk $0xffff, v17;
	v17 =	vadd.s32 s22, v63  }
0xea: {  	v16 =	vand.u32 $0x7F, v61;
	v61 =	vadd.s32 s22, v49;
	v57 =	vshll.u32 v17, $0x2  }
0xeb: {  	[tilespmem:$0x1FB30] =	vst v38;
	v38 =	vor.u32 v1, v16;
	v17 =	vand.u32 $0x7F, v17;
	v1 =	vand.u32 $0x3E00, v57  }
0xec: {  	v56 =	vshll.u32 v0, $0x2;
	v1 =	vor.u32 v1, v17;
	v17 =	vshll.u32 v61, $0x2  }
0xed: {  	v25 =	vand.u32 $0x7F, v61;
	[tilespmem:v20+s21+$0x0] =	vst.idx.msk $0xffff, v35;
	v20 =	vor.u32 v13, v50;
	v17 =	vand.u32 $0x3E00, v17  }
0xee: {  	v61 =	vand.u32 $0x7E00, v56;
	v25 =	vor.u32 v17, v25;
	v17 =	vand.u32 $0x7F, v0  }
0xef: {  	v0 =	vadd.s32 s22, v43;
	v57 =	vor.u32 v61, v17;
	v17 =	vor.u32 v13, v37  }
0xf0: {  	s5 =	sshll.u32 s20, $0x7;
	v50 =	vld.idx.msk [tilespmem:v18+s0+$0x10 ss:$0x1], $0xffff;
	v56 =	vshll.u32 v0, $0x2;
	v61 =	vadd.s32 s22, v52;
	v37 =	vand.u32 $0x7F, v0  }
0xf1: {  	s26 =	sand.u32 $0x3FFFFF80, s5;
	[tilespmem:$0x1FAB0] =	vst v44;
	v35 =	vand.u32 $0x5E00, v56;
	v0 =	vshll.u32 v61, $0x2;
	v44 =	vand.u32 $0x7F, v61  }
0xf2: {  	v61 =	vadd.s32 s22, v59;
	v56 =	vand.u32 $0xFE00, v0;
	v0 =	vld.idx.msk [tilespmem:v18+s26+$0x0 ss:$0x1], $0xffff;
	v35 =	vor.u32 v35, v37  }
0xf3: {  	s11 =	sor.u32 $0xC, s19;
	v44 =	vor.u32 v56, v44;
	v56 =	vshll.u32 v61, $0x2;
	v61 =	vand.u32 $0x7F, v61  }
0xf4: {  	[tilespmem:$0x1FAF0] =	vst v44;
	v37 =	vand.u32 $0xFE00, v56;
	v56 =	vadd.s32 s22, v51;
	v44 =	vadd.s32 s11, v42  }
0xf5: {  	v37 =	vor.u32 v37, v61;
	v61 =	vshll.u32 v56, $0x2;
	[tilespmem:v17+s21+$0x0] =	vst.idx.msk $0xffff, v50;
	v17 =	vand.u32 $0x7F, v56  }
0xf6: {  	v50 =	vadd.s32 s11, v49;
	[tilespmem:$0x1FB40] =	vst v37;
	v37 =	vand.u32 $0x1FE00, v61;
	v61 =	vshll.u32 v44, $0x2  }
0xf7: {  	v44 =	vand.u32 $0x7F, v44;
	[tilespmem:v20+s21+$0x0] =	vst.idx.msk $0xffff, v0;
	v37 =	vor.u32 v37, v17;
	v20 =	vadd.s32 s11, v63  }
0xf8: {  	v17 =	vand.u32 $0xE00, v61;
	v0 =	vor.u32 v13, v47;
	v56 =	vshll.u32 v20, $0x2  }
0xf9: {  	[tilespmem:$0x1FB70] =	vst v37;
	v37 =	vor.u32 v17, v44;
	v17 =	vld.idx.msk [tilespmem:v18+s0+$0x20 ss:$0x1], $0xffff;
	v20 =	vand.u32 $0x7F, v20;
	v47 =	vand.u32 $0x3E00, v56  }
0xfa: {  	v10 =	vor.u32 v13, v10;
	v61 =	vshll.u32 v50, $0x2;
	v44 =	vld.idx.msk [tilespmem:v18+s26+$0x10 ss:$0x1], $0xffff;
	v20 =	vor.u32 v47, v20  }
0xfb: {  	[tilespmem:$0x1FB00] =	vst v20;
	v20 =	vand.u32 $0x7F, v50;
	v50 =	vand.u32 $0x3E00, v61  }
0xfc: {  	v40 =	vor.u32 v13, v40;
	v20 =	vor.u32 v50, v20  }
0xfd: {  	v56 =	vadd.s32 s11, v43;
	v50 =	vadd.s32 s11, v52;
	[tilespmem:$0x1FB50] =	vst v20;
	v20 =	vadd.s32 s11, v58  }
0xfe: {  	[tilespmem:v0+s21+$0x0] =	vst.idx.msk $0xffff, v17;
	v61 =	vand.u32 $0x7F, v20;
	v17 =	vshll.u32 v20, $0x2;
	v20 =	vshll.u32 v56, $0x2  }
0xff: {  	[tilespmem:v10+s21+$0x0] =	vst.idx.msk $0xffff, v44;
	v44 =	vand.u32 $0x7E00, v17;
	v17 =	vand.u32 $0x7F, v56;
	v20 =	vand.u32 $0x5E00, v20  }
0x100: {  	v0 =	vor.u32 v44, v61;
	v47 =	vor.u32 v20, v17;
	v17 =	vor.u32 v13, v6;
	v20 =	vld.idx.msk [tilespmem:v18+s26+$0x20 ss:$0x1], $0xffff  }
0x101: {  	v10 =	vld.idx.msk [tilespmem:v18+s0+$0x30 ss:$0x1], $0xffff;
	v56 =	vadd.s32 s11, v59;
	v44 =	vshll.u32 v50, $0x2;
	[tilespmem:$0x1FB80] =	vst v0;
	v0 =	vor.u32 v13, v46  }
0x102: {  	s20 =	sor.u32 $0xD, s19;
	v61 =	vand.u32 $0x7F, v50;
	v6 =	vshll.u32 v56, $0x2;
	v44 =	vand.u32 $0xFE00, v44  }
0x103: {  	[tilespmem:$0x1FB90] =	vst v47;
	v46 =	vand.u32 $0x7F, v56;
	v47 =	vor.u32 v44, v61;
	v61 =	vadd.s32 s20, v42  }
0x104: {  	v50 =	vand.u32 $0xFE00, v6;
	v56 =	vadd.s32 s11, v51;
	v6 =	vshll.u32 v61, $0x2  }
0x105: {  	v50 =	vor.u32 v50, v46;
	v44 =	vand.u32 $0xE00, v6;
	v6 =	vadd.s32 s20, v58;
	[tilespmem:v17+s21+$0x0] =	vst.idx.msk $0xffff, v20  }
0x106: {  	v17 =	vand.u32 $0x7F, v56;
	[tilespmem:v0+s21+$0x0] =	vst.idx.msk $0xffff, v10;
	v0 =	vor.u32 v13, v39;
	v10 =	vshll.u32 v56, $0x2;
	v46 =	vld.idx.msk [tilespmem:v18+s26+$0x30 ss:$0x1], $0xffff  }
0x107: {  	v39 =	vand.u32 $0x7F, v61;
	v56 =	vadd.s32 s20, v63;
	v20 =	vld.idx.msk [tilespmem:v18+s0+$0x40 ss:$0x1], $0xffff;
	v10 =	vand.u32 $0x1FE00, v10  }
0x108: {  	v16 =	vld.idx.msk [tilespmem:v18+s16+$0x60 ss:$0x1], $0xffff;
	[tilespmem:$0x1FBA0] =	vst v47;
	v61 =	vadd.s32 s20, v49;
	v10 =	vor.u32 v10, v17;
	v17 =	vor.u32 v13, v34  }
0x109: {  	v47 =	vor.u32 v44, v39;
	v39 =	vshll.u32 v61, $0x2;
	[tilespmem:$0x1FBB0] =	vst v10;
	v10 =	vshll.u32 v56, $0x2  }
0x10a: {  	[tilespmem:$0x1FB60] =	vst v47;
	v34 =	vand.u32 $0x7F, v56;
	v47 =	vshll.u32 v6, $0x2;
	v10 =	vand.u32 $0x3E00, v10  }
0x10b: {  	v56 =	vand.u32 $0x3E00, v39;
	v39 =	vadd.s32 s20, v52;
	[tilespmem:v0+s21+$0x0] =	vst.idx.msk $0xffff, v46;
	v44 =	vor.u32 v10, v34  }
0x10c: {  	v10 =	vor.u32 v13, v11;
	[tilespmem:v40+s21+$0x0] =	vst.idx.msk $0xffff, v20;
	v20 =	vand.u32 $0x7F, v61;
	v61 =	vand.u32 $0x7F, v6  }
0x10d: {  	v40 =	vand.u32 $0x7E00, v47;
	v0 =	vor.u32 v56, v20;
	v11 =	vld.idx.msk [tilespmem:v18+s0+$0x50 ss:$0x1], $0xffff;
	v20 =	vadd.s32 s20, v43;
	[tilespmem:v17+s21+$0x0] =	vst.idx.msk $0xffff, v16  }
0x10e: {  	v56 =	vshll.u32 v39, $0x2;
	v16 =	vand.u32 $0x7F, v39;
	v39 =	vld [tilespmem:$0x1F8B0];
	[tilespmem:$0x1FBD0] =	vst v0;
	v0 =	vor.u32 v13, v24  }
0x10f: {  	s17 =	sshll.u32 s12, $0x7;
	[tilespmem:$0x1FBC0] =	vst v44;
	v44 =	vadd.s32 s20, v51;
	v46 =	vor.u32 v40, v61;
	v47 =	vshll.u32 v20, $0x2  }
0x110: {  	s17 =	sand.u32 $0x3FFFFF80, s17;
	v24 =	vor.u32 v13, v31;
	v31 =	vld.idx.msk [tilespmem:v18+s26+$0x40 ss:$0x1], $0xffff;
	v20 =	vand.u32 $0x7F, v20;
	v34 =	vand.u32 $0x5E00, v47  }
0x111: {  	v40 =	vld.idx.msk [tilespmem:v18+s17+$0x0 ss:$0x1], $0xffff;
	[tilespmem:$0x1FBE0] =	vst v46;
	v17 =	vand.u32 $0xFE00, v56;
	v61 =	vor.u32 v34, v20;
	v20 =	vadd.s32 s20, v59  }
0x112: {  	v34 =	vor.u32 v17, v16;
	[tilespmem:$0x1FBF0] =	vst v61;
	v46 =	vand.u32 $0x7F, v20;
	v20 =	vshll.u32 v20, $0x2  }
0x113: {  	v61 =	vshll.u32 v44, $0x2;
	v16 =	vor.u32 v13, v39;
	v20 =	vand.u32 $0xFE00, v20;
	[tilespmem:v0+s21+$0x0] =	vst.idx.msk $0xffff, v11;
	v11 =	vld.idx.msk [tilespmem:v18+s16+$0x70 ss:$0x1], $0xffff  }
0x114: {  	[tilespmem:$0x1FC00] =	vst v34;
	v34 =	vand.u32 $0x1FE00, v61;
	v61 =	vor.u32 v20, v46;
	v46 =	vor.u32 v13, v48;
	v48 =	vld [tilespmem:$0x1F8C0]  }
0x115: {  	v17 =	vor.u32 v13, v12;
	[tilespmem:v10+s21+$0x0] =	vst.idx.msk $0xffff, v31;
	v47 =	vld.idx.msk [tilespmem:v18+s0+$0x60 ss:$0x1], $0xffff  }
0x116: {  	v6 =	vand.u32 $0x7F, v44;
	v0 =	vor.u32 v13, v29;
	[tilespmem:v24+s21+$0x0] =	vst.idx.msk $0xffff, v40;
	v44 =	vld.idx.msk [tilespmem:v18+s26+$0x50 ss:$0x1], $0xffff  }
0x117: {  	s9 =	sshll.u32 s8, $0x7;
	s16 =	sshll.u32 s24, $0x7;
	v20 =	vld.idx.msk [tilespmem:v18+s17+$0x10 ss:$0x1], $0xffff  }
0x118: {  	s5 =	sand.u32 $0x3FFFFF80, s9;
	s12 =	sor.u32 $0xE, s19;
	v2 =	vor.u32 v13, v2;
	v15 =	vor.u32 v13, v15;
	v3 =	vor.u32 v13, v3;
	s9 =	sand.u32 $0x3FFFFF80, s16  }
0x119: {  	v56 =	vadd.s32 s12, v42;
	v34 =	vor.u32 v34, v6;
	v39 =	vld.idx.msk [tilespmem:v18+s9+$0x0 ss:$0x1], $0xffff;
	[tilespmem:v16+s21+$0x0] =	vst.idx.msk $0xffff, v11  }
0x11a: {  	v6 =	vand.u32 $0x7F, v56;
	v24 =	vor.u32 v13, v48;
	v48 =	vadd.s32 s12, v49;
	[tilespmem:v17+s21+$0x0] =	vst.idx.msk $0xffff, v47  }
0x11b: {  	v16 =	vshll.u32 v56, $0x2;
	v17 =	vld.idx.msk [tilespmem:v18+s5+$0x0 ss:$0x1], $0xffff;
	v47 =	vadd.s32 s12, v63;
	[tilespmem:v0+s21+$0x0] =	vst.idx.msk $0xffff, v44;
	v44 =	vshll.u32 v48, $0x2  }
0x11c: {  	[tilespmem:v46+s21+$0x0] =	vst.idx.msk $0xffff, v20;
	v20 =	vand.u32 $0x7F, v48;
	v56 =	vand.u32 $0x7F, v47;
	v29 =	vshll.u32 v47, $0x2  }
0x11d: {  	s24 =	sshll.u32 s25, $0x7;
	v47 =	vand.u32 $0x3E00, v44;
	v48 =	vld.idx.msk [tilespmem:v18+s0+$0x70 ss:$0x1], $0xffff;
	v44 =	vor.u32 v13, v27;
	v46 =	vand.u32 $0x3E00, v29  }
0x11e: {  	[tilespmem:v3+s21+$0x0] =	vst.idx.msk $0xffff, v39;
	s0 =	sand.u32 $0x3FFFFF80, s24;
	v40 =	vor.u32 v47, v20;
	v56 =	vor.u32 v46, v56;
	v46 =	vld.idx.msk [tilespmem:v18+s26+$0x60 ss:$0x1], $0xffff  }
0x11f: {  	v10 =	vor.u32 v13, v19;
	v16 =	vand.u32 $0xE00, v16;
	v39 =	vor.u32 v13, v4;
	[tilespmem:$0x1FC20] =	vst v40;
	v40 =	vld.idx.msk [tilespmem:v18+s0+$0x0 ss:$0x1], $0xffff  }
0x120: {  	v11 =	vor.u32 v16, v6;
	v16 =	vadd.s32 s12, v58;
	[tilespmem:v15+s21+$0x0] =	vst.idx.msk $0xffff, v17;
	v15 =	vld.idx.msk [tilespmem:v18+s17+$0x20 ss:$0x1], $0xffff  }
0x121: {  	v5 =	vor.u32 v13, v5;
	[tilespmem:$0x1FC10] =	vst v11;
	v47 =	vand.u32 $0x7F, v16;
	v17 =	vadd.s32 s12, v43;
	v19 =	vld.idx.msk [tilespmem:v18+s5+$0x10 ss:$0x1], $0xffff  }
0x122: {  	v16 =	vshll.u32 v16, $0x2;
	v11 =	vor.u32 v13, v32;
	v20 =	vshll.u32 v17, $0x2;
	[tilespmem:v24+s21+$0x0] =	vst.idx.msk $0xffff, v48;
	v48 =	vld.idx.msk [tilespmem:v18+s9+$0x10 ss:$0x1], $0xffff  }
0x123: {  	v16 =	vand.u32 $0x7E00, v16;
	v17 =	vand.u32 $0x7F, v17;
	v20 =	vand.u32 $0x5E00, v20;
	[tilespmem:v44+s21+$0x0] =	vst.idx.msk $0xffff, v46;
	v44 =	vld [tilespmem:$0x1F8D0]  }
0x124: {  	s8 =	sor.u32 $0xF, s19;
	v29 =	vor.u32 v16, v47;
	v16 =	vadd.s32 s12, v52;
	v31 =	vor.u32 v20, v17;
	[tilespmem:v39+s21+$0x0] =	vst.idx.msk $0xffff, v40  }
0x125: {  	v32 =	vld [tilespmem:$0x1F8E0];
	v17 =	vadd.s32 s12, v59;
	v40 =	vor.u32 v13, v45;
	v45 =	vadd.s32 s8, v63;
	[tilespmem:v10+s21+$0x0] =	vst.idx.msk $0xffff, v15  }
0x126: {  	v39 =	vld [tilespmem:$0x1F8F0];
	v47 =	vand.u32 $0x7F, v17;
	v17 =	vshll.u32 v17, $0x2;
	v10 =	vor.u32 v13, v21;
	[tilespmem:v2+s21+$0x0] =	vst.idx.msk $0xffff, v19  }
0x127: {  	v15 =	vand.u32 $0x7F, v16;
	v16 =	vshll.u32 v16, $0x2;
	v24 =	vand.u32 $0xFE00, v17;
	v20 =	vld.idx.msk [tilespmem:v18+s5+$0x20 ss:$0x1], $0xffff  }
0x128: {  	v46 =	vand.u32 $0xFE00, v16;
	v16 =	vld.idx.msk [tilespmem:v18+s17+$0x30 ss:$0x1], $0xffff;
	v19 =	vadd.s32 s12, v51;
	[tilespmem:v5+s21+$0x0] =	vst.idx.msk $0xffff, v48;
	v0 =	vor.u32 v13, v44  }
0x129: {  	[tilespmem:$0x1FC30] =	vst v31;
	v31 =	vor.u32 v24, v47;
	v48 =	vshll.u32 v19, $0x2;
	v27 =	vand.u32 $0x7F, v19;
	v19 =	vld.idx.msk [tilespmem:v18+s9+$0x20 ss:$0x1], $0xffff  }
0x12a: {  	v47 =	vshll.u32 v45, $0x2;
	v2 =	vor.u32 v46, v15;
	v15 =	vld.idx.msk [tilespmem:v18+s26+$0x70 ss:$0x1], $0xffff;
	v17 =	vand.u32 $0x1FE00, v48  }
0x12b: {  	[tilespmem:$0x1FC40] =	vst v2;
	v2 =	vor.u32 v13, v32;
	v3 =	vor.u32 v13, v39;
	v44 =	vor.u32 v13, v54;
	v32 =	vld [tilespmem:$0x1F900]  }
0x12c: {  	v39 =	vor.u32 v13, v14;
	v5 =	vor.u32 v17, v27;
	v17 =	vadd.s32 s8, v42;
	[tilespmem:v11+s21+$0x0] =	vst.idx.msk $0xffff, v20  }
0x12d: {  	v27 =	vor.u32 v13, v41;
	v46 =	vand.u32 $0x7F, v17;
	v17 =	vshll.u32 v17, $0x2;
	[tilespmem:v0+s21+$0x0] =	vst.idx.msk $0xffff, v16;
	v16 =	vld.idx.msk [tilespmem:v18+s0+$0x10 ss:$0x1], $0xffff  }
0x12e: {  	v48 =	vand.u32 $0xE00, v17;
	v17 =	vand.u32 $0x7F, v45;
	[tilespmem:v10+s21+$0x0] =	vst.idx.msk $0xffff, v19;
	v19 =	vand.u32 $0x3E00, v47;
	v54 =	vld.idx.msk [tilespmem:v18+s5+$0x30 ss:$0x1], $0xffff  }
0x12f: {  	[tilespmem:$0x1FC50] =	vst v31;
	v11 =	vor.u32 v48, v46;
	v24 =	vor.u32 v19, v17;
	v19 =	vadd.s32 s8, v43;
	v20 =	vld.idx.msk [tilespmem:v18+s17+$0x40 ss:$0x1], $0xffff  }
0x130: {  	v31 =	vld.idx.msk [tilespmem:v18+s9+$0x30 ss:$0x1], $0xffff;
	[tilespmem:v2+s21+$0x0] =	vst.idx.msk $0xffff, v15;
	v2 =	vor.u32 v13, v32;
	v46 =	vshll.u32 v19, $0x2  }
0x131: {  	[tilespmem:$0x1FC60] =	vst v11;
	v17 =	vadd.s32 s8, v49;
	v32 =	vld [tilespmem:$0x1F930];
	v48 =	vand.u32 $0x7F, v19;
	v21 =	vand.u32 $0x5E00, v46  }
0x132: {  	s14 =	sshll.u32 s14, $0x7;
	v15 =	vor.u32 v13, v23;
	v11 =	vor.u32 v21, v48;
	v21 =	vld [tilespmem:$0x1F910];
	[tilespmem:v44+s21+$0x0] =	vst.idx.msk $0xffff, v16;
	v16 =	vshll.u32 v17, $0x2  }
0x133: {  	s25 =	sand.u32 $0x3FFFFF80, s14;
	v14 =	vand.u32 $0x7F, v17;
	v17 =	vadd.s32 s8, v58;
	[tilespmem:v40+s21+$0x0] =	vst.idx.msk $0xffff, v54;
	v44 =	vand.u32 $0x3E00, v16;
	v16 =	vld.idx.msk [tilespmem:v18+s0+$0x20 ss:$0x1], $0xffff  }
0x134: {  	[tilespmem:v3+s21+$0x0] =	vst.idx.msk $0xffff, v20;
	v45 =	vand.u32 $0x7F, v17;
	v17 =	vshll.u32 v17, $0x2;
	v20 =	vld.idx.msk [tilespmem:v18+s25+$0x0 ss:$0x1], $0xffff  }
0x135: {  	[tilespmem:$0x1FC70] =	vst v24;
	v24 =	vor.u32 v13, v30;
	v54 =	vld.idx.msk [tilespmem:v18+s5+$0x40 ss:$0x1], $0xffff;
	v47 =	vand.u32 $0x7E00, v17  }
0x136: {  	v30 =	vld [tilespmem:$0x1F920];
	[tilespmem:v27+s21+$0x0] =	vst.idx.msk $0xffff, v31;
	v27 =	vor.u32 v44, v14;
	v14 =	vadd.s32 s8, v52;
	v10 =	vor.u32 v47, v45  }
0x137: {  	v40 =	vld.idx.msk [tilespmem:v18+s17+$0x50 ss:$0x1], $0xffff;
	v3 =	vor.u32 v13, v21;
	v47 =	vand.u32 $0x7F, v14;
	v14 =	vshll.u32 v14, $0x2  }
0x138: {  	v4 =	vor.u32 v13, v53;
	v41 =	vld.idx.msk [tilespmem:v18+s9+$0x40 ss:$0x1], $0xffff;
	v53 =	vand.u32 $0xFE00, v14;
	[tilespmem:v15+s21+$0x0] =	vst.idx.msk $0xffff, v16  }
0x139: {  	v0 =	vor.u32 v53, v47;
	v16 =	vadd.s32 s8, v59;
	[tilespmem:v39+s21+$0x0] =	vst.idx.msk $0xffff, v20;
	v20 =	vld.idx.msk [tilespmem:v18+s0+$0x30 ss:$0x1], $0xffff  }
0x13a: {  	v15 =	vor.u32 v13, v22;
	[tilespmem:v2+s21+$0x0] =	vst.idx.msk $0xffff, v54;
	v48 =	vshll.u32 v16, $0x2;
	v54 =	vld.idx.msk [tilespmem:v18+s25+$0x10 ss:$0x1], $0xffff  }
0x13b: {  	[tilespmem:$0x1FCA0] =	vst v0;
	v39 =	vadd.s32 s8, v51;
	v16 =	vand.u32 $0x7F, v16;
	v31 =	vld.idx.msk [tilespmem:v18+s5+$0x50 ss:$0x1], $0xffff;
	v22 =	vand.u32 $0xFE00, v48  }
0x13c: {  	[tilespmem:v3+s21+$0x0] =	vst.idx.msk $0xffff, v40;
	v3 =	vor.u32 v13, v32;
	v32 =	vld [tilespmem:$0x1F940];
	v46 =	vor.u32 v22, v16;
	v22 =	vshll.u32 v39, $0x2  }
0x13d: {  	v0 =	vor.u32 v13, v30;
	[tilespmem:v4+s21+$0x0] =	vst.idx.msk $0xffff, v41;
	v40 =	vand.u32 $0x7F, v39;
	v39 =	vld [tilespmem:$0x1F950];
	v41 =	vand.u32 $0x1FE00, v22  }
0x13e: {  	s24 =	sor.u32 $0x10, s19;
	[tilespmem:$0x1FC90] =	vst v11;
	v11 =	vor.u32 v13, v8;
	v8 =	vor.u32 v41, v40;
	v40 =	vld [tilespmem:$0x1F960]  }
0x13f: {  	v48 =	vadd.s32 s24, v63;
	v41 =	vld [tilespmem:$0x1F970]  }
0x140: {  	v53 =	vadd.s32 s24, v49;
	v22 =	vshll.u32 v48, $0x2;
	[tilespmem:v24+s21+$0x0] =	vst.idx.msk $0xffff, v20;
	v20 =	vld.idx.msk [tilespmem:v18+s9+$0x50 ss:$0x1], $0xffff  }
0x141: {  	v44 =	vshll.u32 v53, $0x2;
	v45 =	vand.u32 $0x3E00, v22;
	[tilespmem:v15+s21+$0x0] =	vst.idx.msk $0xffff, v54;
	v15 =	vand.u32 $0x6F, v48;
	v24 =	vld.idx.msk [tilespmem:v18+s17+$0x60 ss:$0x1], $0xffff  }
0x142: {  	[tilespmem:v0+s21+$0x0] =	vst.idx.msk $0xffff, v31;
	v48 =	vand.u32 $0x3E00, v44;
	v44 =	vadd.s32 s24, v58;
	v54 =	vld.idx.msk [tilespmem:v18+s0+$0x40 ss:$0x1], $0xffff;
	v0 =	vor.u32 v45, v15  }
0x143: {  	v4 =	vor.u32 v13, v26;
	v47 =	vand.u32 $0x7F, v53;
	v53 =	vld.idx.msk [tilespmem:v18+s25+$0x20 ss:$0x1], $0xffff;
	[tilespmem:$0x1FCB0] =	vst v0;
	v0 =	vshll.u32 v44, $0x2  }
0x144: {  	[tilespmem:$0x1FC80] =	vst v10;
	v31 =	vor.u32 v48, v47;
	v47 =	vand.u32 $0x6F, v44;
	v44 =	vld [tilespmem:$0x1F990];
	v0 =	vand.u32 $0x7E00, v0  }
0x145: {  	v2 =	vor.u32 v13, v32;
	[tilespmem:$0x1FCC0] =	vst v31;
	v0 =	vor.u32 v0, v47;
	v47 =	vld [tilespmem:$0x1F9A0]  }
0x146: {  	[tilespmem:v3+s21+$0x0] =	vst.idx.msk $0xffff, v20;
	v20 =	vld.idx.msk [tilespmem:v18+s5+$0x60 ss:$0x1], $0xffff  }
0x147: {  	v45 =	vadd.s32 s24, v52;
	v10 =	vor.u32 v13, v39;
	v3 =	vor.u32 v13, v41;
	v41 =	vld [tilespmem:$0x1F980];
	[tilespmem:v11+s21+$0x0] =	vst.idx.msk $0xffff, v54  }
0x148: {  	v21 =	vor.u32 v13, v40;
	v48 =	vld.idx.msk [tilespmem:v18+s9+$0x60 ss:$0x1], $0xffff;
	v54 =	vshll.u32 v45, $0x2;
	[tilespmem:v4+s21+$0x0] =	vst.idx.msk $0xffff, v53  }
0x149: {  	v22 =	vand.u32 $0x6F, v45;
	[tilespmem:$0x1FCD0] =	vst v0;
	v39 =	vand.u32 $0xFE00, v54;
	v54 =	vor.u32 v13, v36;
	v6 =	vld.idx.msk [tilespmem:v18+s25+$0x30 ss:$0x1], $0xffff  }
0x14a: {  	s10 =	sshll.u32 s10, $0x7;
	[tilespmem:v2+s21+$0x0] =	vst.idx.msk $0xffff, v24;
	v40 =	vld.idx.msk [tilespmem:v18+s0+$0x50 ss:$0x1], $0xffff;
	v53 =	vor.u32 v39, v22  }
0x14b: {  	v45 =	vadd.s32 s24, v59;
	v11 =	vor.u32 v13, v62;
	v23 =	vld.idx.msk [tilespmem:v18+s17+$0x70 ss:$0x1], $0xffff;
	s17 =	sand.u32 $0x3FFFFF80, s10;
	v22 =	vadd.s32 s24, v51;
	[tilespmem:$0x1FCE0] =	vst v53  }
0x14c: {  	v24 =	vor.u32 v13, v44;
	v26 =	vshll.u32 v45, $0x2;
	v31 =	vld.idx.msk [tilespmem:v18+s17+$0x0 ss:$0x1], $0xffff;
	v44 =	vand.u32 $0x6F, v22;
	[tilespmem:v10+s21+$0x0] =	vst.idx.msk $0xffff, v20  }
0x14d: {  	v4 =	vld [tilespmem:$0x1F9C0];
	v2 =	vor.u32 v13, v41;
	[tilespmem:v21+s21+$0x0] =	vst.idx.msk $0xffff, v48;
	v48 =	vand.u32 $0xFE00, v26;
	v26 =	vshll.u32 v22, $0x2  }
0x14e: {  	s14 =	sor.u32 $0x11, s19;
	v10 =	vor.u32 v13, v47;
	v20 =	vand.u32 $0x7F, v45;
	[tilespmem:v54+s21+$0x0] =	vst.idx.msk $0xffff, v6;
	v54 =	vand.u32 $0x1FE00, v26  }
0x14f: {  	v36 =	vadd.s32 s14, v42;
	[tilespmem:v3+s21+$0x0] =	vst.idx.msk $0xffff, v40;
	v47 =	vor.u32 v48, v20;
	v48 =	vor.u32 v54, v44;
	v54 =	vld [tilespmem:$0x1F9B0]  }
0x150: {  	v53 =	vshll.u32 v36, $0x2;
	v45 =	vld.idx.msk [tilespmem:v18+s5+$0x70 ss:$0x1], $0xffff;
	[tilespmem:$0x1FCF0] =	vst v47  }
0x151: {  	v22 =	vand.u32 $0x1E00, v53;
	v6 =	vand.u32 $0x7F, v36;
	v36 =	vld.idx.msk [tilespmem:v18+s9+$0x70 ss:$0x1], $0xffff;
	[tilespmem:v11+s21+$0x0] =	vst.idx.msk $0xffff, v31  }
0x152: {  	v4 =	vor.u32 v13, v4;
	v53 =	vor.u32 v22, v6;
	v6 =	vld.idx.msk [tilespmem:v18+s25+$0x40 ss:$0x1], $0xffff;
	[tilespmem:$0x1FD00] =	vst v48  }
0x153: {  	[tilespmem:$0x1FD10] =	vst v53  }
0x154: {  	s26 =	sshll.u32 s15, $0x7;
	v20 =	vld.idx.msk [tilespmem:v18+s0+$0x60 ss:$0x1], $0xffff;
	v44 =	vadd.s32 s14, v49;
	[tilespmem:v2+s21+$0x0] =	vst.idx.msk $0xffff, v23;
	v3 =	vor.u32 v13, v54  }
0x155: {  	v41 =	vadd.s32 s14, v63;
	s9 =	sand.u32 $0x3FFFFF80, s26;
	v47 =	vshll.u32 v44, $0x2;
	[tilespmem:v24+s21+$0x0] =	vst.idx.msk $0xffff, v45  }
0x156: {  	s15 =	sshll.u32 s23, $0x7;
	v32 =	vld.idx.msk [tilespmem:v18+s9+$0x0 ss:$0x1], $0xffff;
	v53 =	vand.u32 $0x7F, v44;
	v2 =	vor.u32 v13, v55;
	[tilespmem:v10+s21+$0x0] =	vst.idx.msk $0xffff, v36;
	v54 =	vand.u32 $0x3E00, v47  }
0x157: {  	s23 =	sand.u32 $0x3FFFFF80, s15;
	v44 =	vld [tilespmem:$0x1F9E0];
	v23 =	vshll.u32 v41, $0x2;
	[tilespmem:v4+s21+$0x0] =	vst.idx.msk $0xffff, v6;
	v55 =	vor.u32 v54, v53  }
0x158: {  	v62 =	vld.idx.msk [tilespmem:v18+s23+$0x0 ss:$0x1], $0xffff;
	v45 =	vand.u32 $0x7F, v41;
	v48 =	vand.u32 $0x3E00, v23;
	[tilespmem:$0x1FD20] =	vst v55  }
0x159: {  	v41 =	vld [tilespmem:$0x1F9D0];
	v39 =	vor.u32 v48, v45;
	v10 =	vor.u32 v13, v28;
	v45 =	vadd.s32 s14, v58;
	[tilespmem:v3+s21+$0x0] =	vst.idx.msk $0xffff, v20  }
0x15a: {  	v4 =	vor.u32 v13, v60;
	v24 =	vshll.u32 v45, $0x2;
	v36 =	vld.idx.msk [tilespmem:v18+s0+$0x70 ss:$0x1], $0xffff  }
0x15b: {  	v47 =	vand.u32 $0x7F, v45;
	v48 =	vand.u32 $0x7E00, v24;
	v53 =	vadd.s32 s14, v43;
	[tilespmem:v2+s21+$0x0] =	vst.idx.msk $0xffff, v32;
	v32 =	vld.idx.msk [tilespmem:v18+s17+$0x10 ss:$0x1], $0xffff  }
0x15c: {  	s22 =	sshll.u32 s22, $0x7;
	v54 =	vadd.s32 s14, v52;
	v20 =	vor.u32 v13, v44;
	v44 =	vor.u32 v48, v47;
	v48 =	vld [tilespmem:$0x1F9F0]  }
0x15d: {  	s22 =	sand.u32 $0x3FFFFF80, s22;
	v24 =	vshll.u32 v53, $0x2;
	v60 =	vshll.u32 v54, $0x2;
	v6 =	vand.u32 $0x7F, v54;
	v54 =	vld [tilespmem:$0x1FA00]  }
0x15e: {  	v55 =	vand.u32 $0x7F, v53;
	v3 =	vor.u32 v13, v41;
	[tilespmem:v10+s21+$0x0] =	vst.idx.msk $0xffff, v62;
	v62 =	vand.u32 $0x7E00, v24;
	v21 =	vld.idx.msk [tilespmem:v18+s22+$0x0 ss:$0x1], $0xffff  }
0x15f: {  	v26 =	vld.idx.msk [tilespmem:v18+s9+$0x10 ss:$0x1], $0xffff;
	v45 =	vor.u32 v62, v55;
	v62 =	vadd.s32 s14, v59  }
0x160: {  	v11 =	vor.u32 v13, v7;
	v24 =	vand.u32 $0xFE00, v60;
	v60 =	vld.idx.msk [tilespmem:v18+s23+$0x10 ss:$0x1], $0xffff;
	v7 =	vshll.u32 v62, $0x2  }
0x161: {  	v47 =	vor.u32 v24, v6;
	v55 =	vld.idx.msk [tilespmem:v18+s25+$0x50 ss:$0x1], $0xffff;
	v24 =	vand.u32 $0xFE00, v7  }
0x162: {  	v53 =	vor.u32 v13, v48;
	[tilespmem:v20+s21+$0x0] =	vst.idx.msk $0xffff, v32;
	v20 =	vand.u32 $0x7F, v62;
	v32 =	vor.u32 v13, v57;
	v57 =	vld [tilespmem:$0x1FA90]  }
0x163: {  	[tilespmem:v3+s21+$0x0] =	vst.idx.msk $0xffff, v36;
	v3 =	vor.u32 v13, v38;
	v22 =	vor.u32 v24, v20;
	v24 =	vld [tilespmem:$0x1FA10]  }
0x164: {  	v0 =	vadd.s32 s14, v51;
	[tilespmem:v4+s21+$0x0] =	vst.idx.msk $0xffff, v26;
	v36 =	vld.idx.msk [tilespmem:v18+s17+$0x20 ss:$0x1], $0xffff  }
0x165: {  	s10 =	sor.u32 $0x12, s19;
	v23 =	vshll.u32 v0, $0x2;
	[tilespmem:v11+s21+$0x0] =	vst.idx.msk $0xffff, v60;
	v48 =	vld.idx.msk [tilespmem:v18+s9+$0x20 ss:$0x1], $0xffff  }
0x166: {  	v30 =	vand.u32 $0x1FE00, v23;
	[tilespmem:$0x1FD30] =	vst v44;
	v10 =	vor.u32 v13, v54;
	v54 =	vadd.s32 s10, v42;
	v28 =	vld.idx.msk [tilespmem:v18+s23+$0x20 ss:$0x1], $0xffff  }
0x167: {  	v41 =	vor.u32 v13, v33;
	v26 =	vand.u32 $0x7F, v0;
	v60 =	vshll.u32 v54, $0x2;
	[tilespmem:v53+s21+$0x0] =	vst.idx.msk $0xffff, v55;
	v53 =	vld [tilespmem:$0x1FA20]  }
0x168: {  	v23 =	vor.u32 v30, v26;
	v55 =	vand.u32 $0x7F, v54;
	[tilespmem:v3+s21+$0x0] =	vst.idx.msk $0xffff, v21;
	v54 =	vld [tilespmem:$0x1FA30];
	v26 =	vor.u32 v13, v24  }
0x169: {  	v1 =	vor.u32 v13, v1;
	[tilespmem:$0x1FD60] =	vst v22;
	v38 =	vld.idx.msk [tilespmem:v18+s22+$0x10 ss:$0x1], $0xffff  }
0x16a: {  	v7 =	vadd.s32 s10, v63;
	v62 =	vand.u32 $0x1E00, v60;
	v60 =	vld [tilespmem:$0x1FA40];
	[tilespmem:$0x1FD70] =	vst v23;
	v21 =	vadd.s32 s10, v49  }
0x16b: {  	v31 =	vshll.u32 v7, $0x2;
	v22 =	vand.u32 $0x7F, v7;
	[tilespmem:v10+s21+$0x0] =	vst.idx.msk $0xffff, v36;
	v23 =	vshll.u32 v21, $0x2;
	v6 =	vld.idx.msk [tilespmem:v18+s25+$0x60 ss:$0x1], $0xffff  }
0x16c: {  	v40 =	vor.u32 v62, v55;
	v44 =	vld.idx.msk [tilespmem:v18+s17+$0x30 ss:$0x1], $0xffff;
	[tilespmem:v41+s21+$0x0] =	vst.idx.msk $0xffff, v28;
	v2 =	vor.u32 v13, v53  }
0x16d: {  	v24 =	vand.u32 $0x3E00, v31;
	v10 =	vor.u32 v13, v9;
	v55 =	vor.u32 v13, v54;
	v54 =	vld [tilespmem:$0x1FA60];
	[tilespmem:v26+s21+$0x0] =	vst.idx.msk $0xffff, v48  }
0x16e: {  	v36 =	vand.u32 $0x3E00, v23;
	v26 =	vand.u32 $0x7F, v21;
	v48 =	vor.u32 v24, v22;
	[tilespmem:v1+s21+$0x0] =	vst.idx.msk $0xffff, v38;
	v24 =	vld [tilespmem:$0x1FA50]  }
0x16f: {  	v62 =	vor.u32 v13, v60;
	[tilespmem:$0x1FD80] =	vst v48;
	v53 =	vor.u32 v36, v26;
	v7 =	vld.idx.msk [tilespmem:v18+s9+$0x30 ss:$0x1], $0xffff  }
0x170: {  	v28 =	vor.u32 v13, v25;
	v21 =	vadd.s32 s10, v58;
	v22 =	vadd.s32 s10, v43;
	v26 =	vld.idx.msk [tilespmem:v18+s23+$0x30 ss:$0x1], $0xffff;
	[tilespmem:$0x1FD90] =	vst v53  }
0x171: {  	v23 =	vand.u32 $0x7F, v21;
	v25 =	vshll.u32 v21, $0x2;
	v33 =	vshll.u32 v22, $0x2;
	v53 =	vld.idx.msk [tilespmem:v18+s22+$0x20 ss:$0x1], $0xffff;
	[tilespmem:v2+s21+$0x0] =	vst.idx.msk $0xffff, v44  }
0x172: {  	v41 =	vand.u32 $0x7F, v22;
	v36 =	vand.u32 $0x7E00, v25;
	v48 =	vand.u32 $0x7E00, v33;
	[tilespmem:v55+s21+$0x0] =	vst.idx.msk $0xffff, v6;
	v55 =	vld [tilespmem:$0x1FA70]  }
0x173: {  	v60 =	vadd.s32 s10, v52;
	v22 =	vor.u32 v36, v23;
	v23 =	vor.u32 v48, v41;
	v48 =	vld.idx.msk [tilespmem:v18+s17+$0x40 ss:$0x1], $0xffff  }
0x174: {  	v3 =	vshll.u32 v60, $0x2;
	v25 =	vor.u32 v13, v24;
	[tilespmem:v62+s21+$0x0] =	vst.idx.msk $0xffff, v7;
	v62 =	vand.u32 $0x7F, v60;
	v60 =	vld [tilespmem:$0x1FAA0]  }
0x175: {  	v11 =	vor.u32 v13, v54;
	[tilespmem:v10+s21+$0x0] =	vst.idx.msk $0xffff, v26;
	v7 =	vld.idx.msk [tilespmem:v18+s9+$0x40 ss:$0x1], $0xffff  }
0x176: {  	[tilespmem:$0x1FDB0] =	vst v23;
	v23 =	vld.idx.msk [tilespmem:v18+s23+$0x40 ss:$0x1], $0xffff  }
0x177: {  	v9 =	vadd.s32 s10, v59;
	[tilespmem:$0x1FDA0] =	vst v22;
	v41 =	vor.u32 v13, v55;
	v55 =	vld [tilespmem:$0x1FA80]  }
0x178: {  	v4 =	vld [tilespmem:$0x1FAB0];
	v3 =	vand.u32 $0xFE00, v3;
	v38 =	vshll.u32 v9, $0x2;
	[tilespmem:v28+s21+$0x0] =	vst.idx.msk $0xffff, v53  }
0x179: {  	v21 =	vadd.s32 s10, v51;
	v30 =	vand.u32 $0xFE00, v38;
	v38 =	vor.u32 v13, v57;
	[tilespmem:v25+s21+$0x0] =	vst.idx.msk $0xffff, v48;
	v48 =	vld.idx.msk [tilespmem:v18+s22+$0x30 ss:$0x1], $0xffff  }
0x17a: {  	v31 =	vand.u32 $0x7F, v21;
	v22 =	vand.u32 $0x7F, v9;
	v26 =	vshll.u32 v21, $0x2;
	v6 =	vld.idx.msk [tilespmem:v18+s17+$0x50 ss:$0x1], $0xffff;
	[tilespmem:v11+s21+$0x0] =	vst.idx.msk $0xffff, v7  }
0x17b: {  	[tilespmem:$0x1FD50] =	vst v47;
	v47 =	vor.u32 v30, v22;
	v33 =	vand.u32 $0x1FE00, v26;
	v54 =	vor.u32 v13, v60;
	v22 =	vld.idx.msk [tilespmem:v18+s9+$0x50 ss:$0x1], $0xffff  }
0x17c: {  	s15 =	sor.u32 $0x13, s19;
	s26 =	sshll.u32 s11, $0x7;
	v26 =	vor.u32 v3, v62;
	v62 =	vld.idx.msk [tilespmem:v18+s25+$0x70 ss:$0x1], $0xffff;
	v1 =	vor.u32 v13, v55;
	[tilespmem:v41+s21+$0x0] =	vst.idx.msk $0xffff, v23  }
0x17d: {  	s16 =	sand.u32 $0x3FFFFF80, s26;
	v9 =	vadd.s32 s15, v63;
	v10 =	vor.u32 v13, v4;
	v7 =	vadd.s32 s15, v42;
	v25 =	vld.idx.msk [tilespmem:v18+s23+$0x50 ss:$0x1], $0xffff  }
0x17e: {  	v21 =	vand.u32 $0x7F, v7;
	v2 =	vshll.u32 v7, $0x2;
	v7 =	vld.idx.msk [tilespmem:v18+s16+$0x0 ss:$0x1], $0xffff;
	v23 =	vshll.u32 v9, $0x2;
	[tilespmem:v32+s21+$0x0] =	vst.idx.msk $0xffff, v48  }
0x17f: {  	v28 =	vand.u32 $0x7F, v9;
	v24 =	vand.u32 $0x3E00, v23;
	v23 =	vld [tilespmem:$0x1FAD0];
	[tilespmem:v38+s21+$0x0] =	vst.idx.msk $0xffff, v6  }
0x180: {  	v60 =	vadd.s32 s15, v49;
	v48 =	vor.u32 v13, v35;
	v35 =	vor.u32 v13, v37;
	[tilespmem:v54+s21+$0x0] =	vst.idx.msk $0xffff, v22;
	v22 =	vld [tilespmem:$0x1FAC0]  }
0x181: {  	v33 =	vor.u32 v33, v31;
	v4 =	vand.u32 $0x7F, v60;
	v2 =	vand.u32 $0x1E00, v2;
	v57 =	vld.idx.msk [tilespmem:v18+s22+$0x40 ss:$0x1], $0xffff;
	[tilespmem:v1+s21+$0x0] =	vst.idx.msk $0xffff, v62  }
0x182: {  	v31 =	vor.u32 v2, v21;
	v21 =	vadd.s32 s15, v43;
	v1 =	vshll.u32 v60, $0x2;
	[tilespmem:v10+s21+$0x0] =	vst.idx.msk $0xffff, v25;
	v25 =	vld.idx.msk [tilespmem:v18+s17+$0x60 ss:$0x1], $0xffff  }
0x183: {  	v36 =	vshll.u32 v21, $0x2;
	v1 =	vand.u32 $0x3E00, v1;
	v10 =	vand.u32 $0x7F, v21;
	v21 =	vld [tilespmem:$0x1FB00]  }
0x184: {  	v28 =	vor.u32 v24, v28;
	v62 =	vadd.s32 s15, v58;
	v24 =	vor.u32 v1, v4;
	v4 =	vld [tilespmem:$0x1FAE0]  }
0x185: {  	v6 =	vshll.u32 v62, $0x2;
	[tilespmem:v35+s21+$0x0] =	vst.idx.msk $0xffff, v7;
	v7 =	vld [tilespmem:$0x1FAF0];
	v11 =	vor.u32 v13, v22  }
0x186: {  	v37 =	vand.u32 $0x7F, v62;
	v38 =	vand.u32 $0x7E00, v6;
	[tilespmem:v48+s21+$0x0] =	vst.idx.msk $0xffff, v57;
	v48 =	vld.idx.msk [tilespmem:v18+s9+$0x60 ss:$0x1], $0xffff  }
0x187: {  	v30 =	vadd.s32 s15, v51;
	v60 =	vld.idx.msk [tilespmem:v18+s16+$0x10 ss:$0x1], $0xffff;
	v37 =	vor.u32 v38, v37;
	v38 =	vor.u32 v13, v23  }
0x188: {  	[tilespmem:$0x1FD40] =	vst v45;
	v0 =	vand.u32 $0x7F, v30;
	v45 =	vand.u32 $0x7E00, v36;
	v23 =	vld [tilespmem:$0x1FB10];
	v54 =	vor.u32 v13, v21  }
0x189: {  	v62 =	vadd.s32 s15, v52;
	v53 =	vor.u32 v45, v10;
	v57 =	vld.idx.msk [tilespmem:v18+s23+$0x60 ss:$0x1], $0xffff;
	v10 =	vor.u32 v13, v4  }
0x18a: {  	v6 =	vshll.u32 v62, $0x2;
	v55 =	vld.idx.msk [tilespmem:v18+s22+$0x50 ss:$0x1], $0xffff;
	v22 =	vadd.s32 s15, v59;
	v35 =	vor.u32 v13, v7;
	[tilespmem:v11+s21+$0x0] =	vst.idx.msk $0xffff, v25  }
0x18b: {  	s11 =	sor.u32 $0x14, s19;
	v32 =	vand.u32 $0xFE00, v6;
	v6 =	vshll.u32 v30, $0x2;
	v25 =	vshll.u32 v22, $0x2;
	v21 =	vld.idx.msk [tilespmem:v18+s17+$0x70 ss:$0x1], $0xffff  }
0x18c: {  	[tilespmem:v38+s21+$0x0] =	vst.idx.msk $0xffff, v48;
	v48 =	vand.u32 $0x7F, v22;
	v22 =	vadd.s32 s11, v42;
	v4 =	vand.u32 $0xFE00, v25;
	v25 =	vld [tilespmem:$0x1FB20]  }
0x18d: {  	v7 =	vand.u32 $0x1FE00, v6;
	v11 =	vor.u32 v13, v23;
	v23 =	vshll.u32 v22, $0x2;
	[tilespmem:v54+s21+$0x0] =	vst.idx.msk $0xffff, v60;
	v60 =	vld [tilespmem:$0x1FB40]  }
0x18e: {  	[tilespmem:v10+s21+$0x0] =	vst.idx.msk $0xffff, v57;
	v57 =	vor.u32 v7, v0;
	v0 =	vand.u32 $0x1E00, v23;
	v23 =	vld [tilespmem:$0x1FB60]  }
0x18f: {  	[tilespmem:v35+s21+$0x0] =	vst.idx.msk $0xffff, v55;
	v35 =	vor.u32 v4, v48;
	v4 =	vld [tilespmem:$0x1FB50]  }
0x190: {  	v9 =	vand.u32 $0x7F, v62  }
0x191: {  	s5 =	sshll.u32 s20, $0x7;
	v32 =	vor.u32 v32, v9;
	v41 =	vld.idx.msk [tilespmem:v18+s9+$0x70 ss:$0x1], $0xffff;
	v48 =	vadd.s32 s11, v63;
	v10 =	vor.u32 v13, v25  }
0x192: {  	s9 =	sand.u32 $0x3FFFFF80, s5;
	v30 =	vand.u32 $0x7F, v22;
	v36 =	vld.idx.msk [tilespmem:v18+s22+$0x60 ss:$0x1], $0xffff;
	v6 =	vshll.u32 v48, $0x2;
	v55 =	vor.u32 v13, v60  }
0x193: {  	v7 =	vand.u32 $0x7F, v48;
	v62 =	vor.u32 v0, v30;
	v30 =	vld.idx.msk [tilespmem:v18+s9+$0x0 ss:$0x1], $0xffff;
	v25 =	vor.u32 v13, v23  }
0x194: {  	v44 =	vld.idx.msk [tilespmem:v18+s16+$0x20 ss:$0x1], $0xffff;
	[tilespmem:v11+s21+$0x0] =	vst.idx.msk $0xffff, v21;
	v21 =	vand.u32 $0x3E00, v6;
	v60 =	vor.u32 v13, v4;
	v4 =	vadd.s32 s11, v58  }
0x195: {  	v45 =	vld [tilespmem:$0x1FB30];
	v22 =	vadd.s32 s11, v49;
	v38 =	vor.u32 v21, v7;
	v7 =	vshll.u32 v4, $0x2  }
0x196: {  	v9 =	vadd.s32 s11, v43;
	v12 =	vshll.u32 v22, $0x2;
	[tilespmem:v10+s21+$0x0] =	vst.idx.msk $0xffff, v41;
	v10 =	vand.u32 $0x7E00, v7;
	v7 =	vld [tilespmem:$0x1FBB0]  }
0x197: {  	v3 =	vand.u32 $0x7F, v22;
	v6 =	vand.u32 $0x7F, v4;
	[tilespmem:v55+s21+$0x0] =	vst.idx.msk $0xffff, v36;
	v36 =	vshll.u32 v9, $0x2;
	v55 =	vld [tilespmem:$0x1FB80]  }
0x198: {  	v22 =	vand.u32 $0x7F, v9;
	v15 =	vor.u32 v10, v6;
	v10 =	vld [tilespmem:$0x1FBD0];
	[tilespmem:v25+s21+$0x0] =	vst.idx.msk $0xffff, v30;
	v25 =	vand.u32 $0x7E00, v36  }
0x199: {  	v21 =	vadd.s32 s11, v52;
	[tilespmem:v60+s21+$0x0] =	vst.idx.msk $0xffff, v44;
	v44 =	vor.u32 v25, v22;
	v25 =	vld [tilespmem:$0x1FC20]  }
0x19a: {  	v0 =	vor.u32 v13, v45;
	v54 =	vld.idx.msk [tilespmem:v18+s23+$0x70 ss:$0x1], $0xffff;
	v23 =	vshll.u32 v21, $0x2  }
0x19b: {  	v48 =	vand.u32 $0xFE00, v23;
	v23 =	vld [tilespmem:$0x1FC10]  }
0x19c: {  	v9 =	vld [tilespmem:$0x1FBC0]  }
0x19d: {  	s20 =	sshll.u32 s12, $0x7;
	v30 =	vand.u32 $0x7F, v21;
	v21 =	vld [tilespmem:$0x1FBF0];
	v1 =	vor.u32 v13, v55  }
0x19e: {  	s12 =	sand.u32 $0x3FFFFF80, s20;
	v55 =	vor.u32 v13, v7;
	v7 =	vor.u32 v13, v10;
	v10 =	vor.u32 v13, v25;
	v25 =	vld [tilespmem:$0x1FC80]  }
0x19f: {  	[tilespmem:v0+s21+$0x0] =	vst.idx.msk $0xffff, v54;
	v0 =	vld.idx.msk [tilespmem:v18+s12+$0x0 ss:$0x1], $0xffff  }
0x1a0: {  	v20 =	vld.idx.msk [tilespmem:v18+s16+$0x30 ss:$0x1], $0xffff  }
0x1a1: {  	v36 =	vor.u32 v13, v23;
	v23 =	vld [tilespmem:$0x1FC70]  }
0x1a2: {  	v45 =	vld.idx.msk [tilespmem:v18+s9+$0x10 ss:$0x1], $0xffff;
	v41 =	vor.u32 v13, v21;
	v21 =	vor.u32 v13, v5  }
0x1a3: {  	v17 =	vor.u32 v13, v9;
	[tilespmem:$0x1FDC0] =	vst v21;
	v21 =	vor.u32 v13, v25;
	v25 =	vor.u32 v13, v8;
	v8 =	vld [tilespmem:$0x1FCC0];
	_ =	sdelay $0x1  }
0x1a4: {  	[tilespmem:v1+s21+$0x0] =	vst.idx.msk $0xffff, v20;
	v20 =	vadd.s32 s11, v59  }
0x1a5: {  	v5 =	vor.u32 v13, v23;
	[tilespmem:v36+s21+$0x0] =	vst.idx.msk $0xffff, v0;
	v23 =	vshll.u32 v20, $0x2  }
0x1a6: {  	v36 =	vand.u32 $0x7F, v20;
	v20 =	vand.u32 $0xFE00, v23;
	[tilespmem:$0x1FDE0] =	vst v25;
	v25 =	vld [tilespmem:$0x1FCE0]  }
0x1a7: {  	[tilespmem:v17+s21+$0x0] =	vst.idx.msk $0xffff, v45;
	v17 =	vor.u32 v13, v8;
	v8 =	vor.u32 v20, v36;
	v36 =	vld [tilespmem:$0x1FCF0];
	_ =	sdelay $0x3  }
0x1a8: {  	v0 =	vor.u32 v13, v25  }
0x1a9: {  	[tilespmem:$0x1FDD0] =	vst v0;
	v0 =	vor.u32 v13, v36;
	v36 =	vld [tilespmem:$0x1FD10];
	_ =	sdelay $0x3  }
0x1aa: {  	v25 =	vld [tilespmem:$0x1FD00]  }
0x1ab: {  	v20 =	vor.u32 v13, v36;
	v36 =	vld [tilespmem:$0x1FD30];
	_ =	sdelay $0x3  }
0x1ac: {  	[tilespmem:$0x1FE10] =	vst v0;
	v0 =	vor.u32 v13, v25  }
0x1ad: {  	[tilespmem:$0x1FE40] =	vst v0;
	v0 =	vor.u32 v13, v36;
	v36 =	vld [tilespmem:$0x1FD40];
	_ =	sdelay $0x4  }
0x1ae: {  	[tilespmem:$0x1FDF0] =	vst v0;
	v0 =	vor.u32 v13, v36;
	v36 =	vld [tilespmem:$0x1FD50];
	_ =	sdelay $0x4  }
0x1af: {  	v1 =	vor.u32 v13, v36;
	v36 =	vld [tilespmem:$0x1FD60];
	_ =	sdelay $0x4  }
0x1b0: {  	[tilespmem:$0x1FE50] =	vst v1;
	v1 =	vor.u32 v13, v36;
	v36 =	vld [tilespmem:$0x1FD70];
	_ =	sdelay $0x2  }
0x1b1: {  	v4 =	vld [tilespmem:$0x1FBA0]  }
0x1b2: {  	v60 =	vld [tilespmem:$0x1FB90]  }
0x1b3: {  	[tilespmem:$0x1FE70] =	vst v1;
	v1 =	vor.u32 v13, v36;
	v36 =	vld [tilespmem:$0x1FD80]  }
0x1b4: {  	v54 =	vld [tilespmem:$0x1FB70]  }
0x1b5: {  	v12 =	vand.u32 $0x3E00, v12;
	v22 =	vld [tilespmem:$0x1FC00]  }
0x1b6: {  	v14 =	vor.u32 v12, v3;
	v12 =	vor.u32 v13, v4;
	v4 =	vld [tilespmem:$0x1FC50]  }
0x1b7: {  	v19 =	vor.u32 v48, v30;
	v30 =	vld [tilespmem:$0x1FC30];
	v6 =	vor.u32 v13, v60  }
0x1b8: {  	v60 =	vor.u32 v13, v50;
	v50 =	vor.u32 v13, v34;
	v34 =	vld [tilespmem:$0x1FC40];
	v36 =	vor.u32 v13, v36  }
0x1b9: {  	[tilespmem:$0x1FE00] =	vst v36;
	v36 =	vld [tilespmem:$0x1FD90]  }
0x1ba: {  	v48 =	vor.u32 v13, v54;
	v54 =	vor.u32 v13, v22;
	v22 =	vld [tilespmem:$0x1FC60]  }
0x1bb: {  	v3 =	vld.idx.msk [tilespmem:v18+s16+$0x40 ss:$0x1], $0xffff  }
0x1bc: {  	s23 =	sshll.u32 s8, $0x7  }
0x1bd: {  	v16 =	vor.u32 v13, v27;
	v27 =	vld [tilespmem:$0x1FC90];
	s25 =	sand.u32 $0x3FFFFF80, s23;
	v9 =	vor.u32 v13, v56;
	v56 =	vor.u32 v13, v29  }
0x1be: {  	v29 =	vor.u32 v13, v30;
	[tilespmem:$0x1FE90] =	vst v1;
	v1 =	vld.idx.msk [tilespmem:v18+s25+$0x0 ss:$0x1], $0xffff;
	v36 =	vor.u32 v13, v36  }
0x1bf: {  	v30 =	vor.u32 v13, v34;
	v34 =	vor.u32 v13, v4;
	v4 =	vor.u32 v13, v22;
	[tilespmem:$0x1FE30] =	vst v36;
	v36 =	vld [tilespmem:$0x1FDA0]  }
0x1c0: {  	[tilespmem:v6+s21+$0x0] =	vst.idx.msk $0xffff, v3;
	v6 =	vld [tilespmem:$0x1FDB0]  }
0x1c1: {  	v11 =	vld [tilespmem:$0x1FBE0]  }
0x1c2: {  	v2 =	vld.idx.msk [tilespmem:v18+s9+$0x20 ss:$0x1], $0xffff  }
0x1c3: {  	[tilespmem:$0x1FE20] =	vst v0;
	v0 =	vld.idx.msk [tilespmem:v18+s12+$0x10 ss:$0x1], $0xffff  }
0x1c4: {  	v45 =	vld [tilespmem:$0x1FCA0];
	[tilespmem:v4+s21+$0x0] =	vst.idx.msk $0xffff, v1;
	v3 =	vor.u32 v13, v36  }
0x1c5: {  	[tilespmem:$0x1FE60] =	vst v3;
	v3 =	vor.u32 v13, v6  }
0x1c6: {  	v32 =	vor.u32 v13, v32;
	v1 =	vld.idx.msk [tilespmem:v18+s22+$0x70 ss:$0x1], $0xffff;
	[tilespmem:$0x1FE80] =	vst v3;
	v3 =	vadd.s32 s11, v51  }
0x1c7: {  	v11 =	vor.u32 v13, v11;
	[tilespmem:v7+s21+$0x0] =	vst.idx.msk $0xffff, v2;
	v7 =	vor.u32 v13, v26;
	v26 =	vshll.u32 v3, $0x2  }
0x1c8: {  	v22 =	vor.u32 v13, v27;
	[tilespmem:v9+s21+$0x0] =	vst.idx.msk $0xffff, v0;
	v9 =	vand.u32 $0x7F, v3;
	v2 =	vand.u32 $0x1FE00, v26  }
0x1c9: {  	s26 =	sor.u32 $0x15, s19;
	v23 =	vld [tilespmem:$0x1FCD0];
	v27 =	vor.u32 v13, v45;
	[tilespmem:$0x1FEA0] =	vst v7;
	v4 =	vor.u32 v2, v9;
	v9 =	vor.u32 v13, v47  }
0x1ca: {  	v7 =	vor.u32 v13, v38;
	v36 =	vadd.s32 s26, v42;
	[tilespmem:$0x1FEB0] =	vst v9;
	v9 =	vor.u32 v13, v37;
	v37 =	vld [tilespmem:$0x1FF00]  }
0x1cb: {  	v38 =	vadd.s32 s26, v63;
	[tilespmem:v48+s21+$0x0] =	vst.idx.msk $0xffff, v1;
	v0 =	vand.u32 $0x7F, v36;
	v3 =	vld.idx.msk [tilespmem:v18+s16+$0x50 ss:$0x1], $0xffff;
	v26 =	vshll.u32 v36, $0x2  }
0x1cc: {  	v6 =	vor.u32 v13, v14;
	v36 =	vand.u32 $0x1E00, v26;
	v26 =	vor.u32 v13, v33;
	v2 =	vld.idx.msk [tilespmem:v18+s9+$0x30 ss:$0x1], $0xffff  }
0x1cd: {  	s5 =	sshll.u32 s24, $0x7;
	v48 =	vand.u32 $0x7F, v38;
	[tilespmem:$0x1FED0] =	vst v26;
	v26 =	vor.u32 v36, v0;
	v0 =	vor.u32 v13, v28;
	v28 =	vld.idx.msk [tilespmem:v18+s12+$0x20 ss:$0x1], $0xffff  }
0x1ce: {  	[tilespmem:$0x1FEC0] =	vst v32;
	s0 =	sand.u32 $0x3FFFFF80, s5;
	v14 =	vshll.u32 v38, $0x2;
	v47 =	vor.u32 v13, v24;
	v24 =	vld.idx.msk [tilespmem:v18+s25+$0x10 ss:$0x1], $0xffff;
	v36 =	vor.u32 v13, v35  }
0x1cf: {  	v1 =	vld.idx.msk [tilespmem:v18+s0+$0x0 ss:$0x1], $0xffff;
	v33 =	vor.u32 v13, v31;
	v31 =	vor.u32 v13, v57;
	[tilespmem:$0x1FEE0] =	vst v36;
	v32 =	vor.u32 s24, v37  }
0x1d0: {  	v45 =	vld [tilespmem:$0x1FCB0];
	v57 =	vand.u32 $0x3E00, v14;
	v14 =	vadd.s32 s26, v49;
	[tilespmem:v12+s21+$0x0] =	vst.idx.msk $0xffff, v3;
	v37 =	vadd.s32 s26, v58  }
0x1d1: {  	v35 =	vld [tilespmem:$0x1FF20];
	v38 =	vand.u32 $0x7F, v14;
	v36 =	vshll.u32 v14, $0x2;
	[tilespmem:v11+s21+$0x0] =	vst.idx.msk $0xffff, v2;
	v14 =	vshll.u32 v37, $0x2  }
0x1d2: {  	[tilespmem:v10+s21+$0x0] =	vst.idx.msk $0xffff, v28;
	v28 =	vld.idx.msk [tilespmem:v18+s9+$0x40 ss:$0x1], $0xffff;
	v11 =	vand.u32 $0x7F, v37;
	v14 =	vand.u32 $0x7E00, v14  }
0x1d3: {  	[tilespmem:v5+s21+$0x0] =	vst.idx.msk $0xffff, v24;
	v11 =	vor.u32 v14, v11;
	v14 =	vld.idx.msk [tilespmem:v18+s12+$0x30 ss:$0x1], $0xffff  }
0x1d4: {  	[tilespmem:v32+s21+$0x0] =	vst.idx.msk $0xffff, v1;
	v1 =	vld.idx.msk [tilespmem:v18+s16+$0x60 ss:$0x1], $0xffff  }
0x1d5: {  	v23 =	vor.u32 v13, v23;
	v4 =	vor.u32 v13, v4;
	v3 =	vor.u32 v57, v48;
	v24 =	vld.idx.msk [tilespmem:v18+s25+$0x20 ss:$0x1], $0xffff  }
0x1d6: {  	v45 =	vor.u32 v13, v45;
	[tilespmem:$0x1FEF0] =	vst v4;
	v4 =	vor.u32 v13, v3;
	v3 =	vld.idx.msk [tilespmem:v18+s0+$0x10 ss:$0x1], $0xffff  }
0x1d7: {  	v25 =	vor.u32 v13, v39;
	v57 =	vor.u32 v13, v8;
	v5 =	vand.u32 $0x3E00, v36;
	[tilespmem:v41+s21+$0x0] =	vst.idx.msk $0xffff, v28  }
0x1d8: {  	v12 =	vadd.s32 s26, v52;
	v5 =	vor.u32 v5, v38;
	v10 =	vor.u32 v13, v15;
	[tilespmem:v56+s21+$0x0] =	vst.idx.msk $0xffff, v14  }
0x1d9: {  	v2 =	vor.u32 s24, v35;
	v35 =	vor.u32 v13, v26;
	v15 =	vadd.s32 s26, v43;
	v14 =	vld.idx.msk [tilespmem:v18+s9+$0x50 ss:$0x1], $0xffff;
	[tilespmem:v60+s21+$0x0] =	vst.idx.msk $0xffff, v1  }
0x1da: {  	v38 =	vshll.u32 v12, $0x2;
	v48 =	vshll.u32 v15, $0x2;
	v36 =	vand.u32 $0x7F, v15;
	[tilespmem:v16+s21+$0x0] =	vst.idx.msk $0xffff, v24;
	v15 =	vld.idx.msk [tilespmem:v18+s16+$0x70 ss:$0x1], $0xffff  }
0x1db: {  	v12 =	vand.u32 $0x7F, v12;
	v8 =	vor.u32 v13, v11;
	v16 =	vadd.s32 s26, v59;
	[tilespmem:v45+s21+$0x0] =	vst.idx.msk $0xffff, v3;
	v3 =	vld.idx.msk [tilespmem:v18+s12+$0x40 ss:$0x1], $0xffff  }
0x1dc: {  	v11 =	vand.u32 $0xFE00, v38;
	v32 =	vor.u32 v13, v5;
	v41 =	vshll.u32 v16, $0x2;
	v45 =	vld.idx.msk [tilespmem:v18+s0+$0x20 ss:$0x1], $0xffff  }
0x1dd: {  	v11 =	vor.u32 v11, v12;
	v12 =	vand.u32 $0x7F, v16;
	v16 =	vand.u32 $0xFE00, v41  }
0x1de: {  	v5 =	vand.u32 $0x7E00, v48;
	v48 =	vor.u32 v16, v12;
	v12 =	vadd.s32 s26, v51;
	v60 =	vld.idx.msk [tilespmem:v18+s25+$0x30 ss:$0x1], $0xffff;
	s16 =	sshll.u32 s14, $0x7;
	s14 =	sor.u32 $0x16, s19;
	[tilespmem:v54+s21+$0x0] =	vst.idx.msk $0xffff, v14  }
0x1df: {  	v39 =	vld [tilespmem:$0x1FD20];
	v56 =	vshll.u32 v12, $0x2;
	v26 =	vand.u32 $0x7F, v12;
	s20 =	sand.u32 $0x3FFFFF80, s16;
	v12 =	vadd.s32 s14, v42;
	[tilespmem:v55+s21+$0x0] =	vst.idx.msk $0xffff, v15  }
0x1e0: {  	v41 =	vor.u32 v13, v11;
	v14 =	vld.idx.msk [tilespmem:v18+s20+$0x0 ss:$0x1], $0xffff;
	v28 =	vshll.u32 v12, $0x2;
	v15 =	vadd.s32 s14, v63;
	[tilespmem:v29+s21+$0x0] =	vst.idx.msk $0xffff, v3  }
0x1e1: {  	v12 =	vand.u32 $0x7F, v12;
	v11 =	vand.u32 $0x1E00, v28;
	v16 =	vshll.u32 v15, $0x2;
	[tilespmem:v17+s21+$0x0] =	vst.idx.msk $0xffff, v45;
	v45 =	vld.idx.msk [tilespmem:v18+s12+$0x50 ss:$0x1], $0xffff  }
0x1e2: {  	v11 =	vor.u32 v11, v12;
	v12 =	vand.u32 $0x7F, v15;
	v15 =	vand.u32 $0x3E00, v16;
	v16 =	vld.idx.msk [tilespmem:v18+s0+$0x30 ss:$0x1], $0xffff  }
0x1e3: {  	v61 =	vor.u32 v13, v61;
	v5 =	vor.u32 v5, v36;
	v36 =	vld.idx.msk [tilespmem:v18+s9+$0x60 ss:$0x1], $0xffff;
	[tilespmem:v21+s21+$0x0] =	vst.idx.msk $0xffff, v60  }
0x1e4: {  	v46 =	vor.u32 v13, v46;
	v40 =	vor.u32 v13, v40;
	v21 =	vld.idx.msk [tilespmem:v18+s25+$0x40 ss:$0x1], $0xffff  }
0x1e5: {  	v39 =	vor.u32 v13, v39;
	v37 =	vor.u32 v13, v44;
	v1 =	vand.u32 $0x1FE00, v56;
	[tilespmem:v20+s21+$0x0] =	vst.idx.msk $0xffff, v14  }
0x1e6: {  	v44 =	vor.u32 v13, v19;
	v1 =	vor.u32 v1, v26;
	[tilespmem:v30+s21+$0x0] =	vst.idx.msk $0xffff, v45  }
0x1e7: {  	v38 =	vor.u32 v13, v5;
	v56 =	vor.u32 v13, v1;
	[tilespmem:v23+s21+$0x0] =	vst.idx.msk $0xffff, v16;
	v16 =	vld.idx.msk [tilespmem:v18+s12+$0x60 ss:$0x1], $0xffff  }
0x1e8: {  	v60 =	vor.u32 v13, v48;
	v19 =	vor.u32 v13, v11;
	[tilespmem:v61+s21+$0x0] =	vst.idx.msk $0xffff, v36  }
0x1e9: {  	v14 =	vadd.s32 s14, v43;
	v48 =	vor.u32 v15, v12;
	v12 =	vadd.s32 s14, v49;
	v61 =	vld.idx.msk [tilespmem:v18+s20+$0x10 ss:$0x1], $0xffff;
	[tilespmem:v22+s21+$0x0] =	vst.idx.msk $0xffff, v21  }
0x1ea: {  	s22 =	sshll.u32 s10, $0x7;
	v54 =	vshll.u32 v12, $0x2;
	v55 =	vand.u32 $0x7F, v12;
	v12 =	vadd.s32 s14, v58;
	v5 =	vld.idx.msk [tilespmem:v18+s25+$0x50 ss:$0x1], $0xffff  }
0x1eb: {  	s10 =	sand.u32 $0x3FFFFF80, s22;
	v15 =	vshll.u32 v14, $0x2;
	v29 =	vor.u32 v13, v48;
	v21 =	vshll.u32 v12, $0x2  }
0x1ec: {  	v1 =	vand.u32 $0x3E00, v54;
	v12 =	vand.u32 $0x7F, v12;
	v11 =	vand.u32 $0x7E00, v21;
	[tilespmem:v34+s21+$0x0] =	vst.idx.msk $0xffff, v16;
	v16 =	vld.idx.msk [tilespmem:v18+s10+$0x0 ss:$0x1], $0xffff  }
0x1ed: {  	v11 =	vor.u32 v11, v12;
	v12 =	vand.u32 $0x7F, v14;
	v14 =	vand.u32 $0x7E00, v15  }
0x1ee: {  	v1 =	vor.u32 v1, v55;
	v23 =	vor.u32 v14, v12;
	v12 =	vadd.s32 s14, v52;
	[tilespmem:v25+s21+$0x0] =	vst.idx.msk $0xffff, v61  }
0x1ef: {  	v30 =	vadd.s32 s14, v59;
	v24 =	vshll.u32 v12, $0x2;
	[tilespmem:v27+s21+$0x0] =	vst.idx.msk $0xffff, v5;
	v27 =	vand.u32 $0x7F, v12;
	v12 =	vld.idx.msk [tilespmem:v18+s20+$0x20 ss:$0x1], $0xffff  }
0x1f0: {  	s23 =	sor.u32 $0x17, s19;
	v22 =	vld.idx.msk [tilespmem:v18+s9+$0x70 ss:$0x1], $0xffff;
	v15 =	vor.u32 v13, v1;
	v36 =	vshll.u32 v30, $0x2;
	v48 =	vor.u32 v13, v11  }
0x1f1: {  	v11 =	vand.u32 $0x7F, v30;
	v1 =	vand.u32 $0xFE00, v24;
	v25 =	vld.idx.msk [tilespmem:v18+s25+$0x60 ss:$0x1], $0xffff;
	[tilespmem:v40+s21+$0x0] =	vst.idx.msk $0xffff, v16;
	v16 =	vadd.s32 s23, v49  }
0x1f2: {  	v5 =	vand.u32 $0xFE00, v36;
	v1 =	vor.u32 v1, v27;
	v27 =	vshll.u32 v16, $0x2  }
0x1f3: {  	v5 =	vor.u32 v5, v11;
	v16 =	vand.u32 $0x7F, v16;
	v11 =	vand.u32 $0x3E00, v27  }
0x1f4: {  	v14 =	vadd.s32 s14, v51;
	[tilespmem:v39+s21+$0x0] =	vst.idx.msk $0xffff, v12;
	v39 =	vor.u32 v11, v16;
	v16 =	vld [tilespmem:$0x1FDE0]  }
0x1f5: {  	v17 =	vld.idx.msk [tilespmem:v18+s0+$0x40 ss:$0x1], $0xffff;
	v20 =	vshll.u32 v14, $0x2;
	[tilespmem:v50+s21+$0x0] =	vst.idx.msk $0xffff, v22  }
0x1f6: {  	v50 =	vand.u32 $0x7F, v14;
	v14 =	vand.u32 $0x1FE00, v20;
	v20 =	vld [tilespmem:$0x1FDC0];
	[tilespmem:v46+s21+$0x0] =	vst.idx.msk $0xffff, v25  }
0x1f7: {  	v3 =	vld.idx.msk [tilespmem:v18+s25+$0x70 ss:$0x1], $0xffff  }
0x1f8: {  	v30 =	vld [tilespmem:$0x1FDD0]  }
0x1f9: {  	v54 =	vld [tilespmem:$0x1FDF0]  }
0x1fa: {  	[tilespmem:v2+s21+$0x0] =	vst.idx.msk $0xffff, v17;
	v45 =	vld.idx.msk [tilespmem:v18+s12+$0x70 ss:$0x1], $0xffff  }
0x1fb: {  	v17 =	vld.idx.msk [tilespmem:v18+s0+$0x50 ss:$0x1], $0xffff  }
0x1fc: {  	v21 =	vadd.s32 s23, v42;
	[tilespmem:v16+s21+$0x0] =	vst.idx.msk $0xffff, v3;
	v16 =	vld [tilespmem:$0x1FE00]  }
0x1fd: {  	v28 =	vor.u32 v13, v23;
	v23 =	vand.u32 $0x7F, v21;
	v24 =	vadd.s32 s23, v63  }
0x1fe: {  	v22 =	vshll.u32 v21, $0x2;
	v61 =	vor.u32 v14, v50;
	v26 =	vand.u32 $0x7F, v24;
	s12 =	sshll.u32 s15, $0x7;
	v12 =	vld.idx.msk [tilespmem:v18+s20+$0x30 ss:$0x1], $0xffff  }
0x1ff: {  	v34 =	vor.u32 v13, v61;
	v55 =	vor.u32 v13, v1;
	s9 =	sand.u32 $0x3FFFFF80, s12;
	[tilespmem:v20+s21+$0x0] =	vst.idx.msk $0xffff, v45;
	v20 =	vld.idx.msk [tilespmem:v18+s10+$0x10 ss:$0x1], $0xffff  }
0x200: {  	v14 =	vor.u32 v13, v5;
	v1 =	vand.u32 $0x1E00, v22;
	v25 =	vshll.u32 v24, $0x2;
	[tilespmem:v30+s21+$0x0] =	vst.idx.msk $0xffff, v17;
	v17 =	vld.idx.msk [tilespmem:v18+s9+$0x0 ss:$0x1], $0xffff  }
0x201: {  	v1 =	vor.u32 v1, v23;
	v40 =	vadd.s32 s23, v58;
	v5 =	vand.u32 $0x3E00, v25  }
0x202: {  	s11 =	sshll.u32 s11, $0x7;
	v50 =	vshll.u32 v40, $0x2;
	v2 =	vor.u32 v5, v26;
	v5 =	vor.u32 v13, v1  }
0x203: {  	s15 =	sand.u32 $0x3FFFFF80, s11;
	v1 =	vand.u32 $0x7E00, v50;
	v11 =	vand.u32 $0x7F, v40;
	[tilespmem:v54+s21+$0x0] =	vst.idx.msk $0xffff, v12;
	v12 =	vadd.s32 s23, v43  }
0x204: {  	v61 =	vld.idx.msk [tilespmem:v18+s15+$0x0 ss:$0x1], $0xffff;
	v1 =	vor.u32 v1, v11;
	v27 =	vshll.u32 v12, $0x2;
	[tilespmem:v16+s21+$0x0] =	vst.idx.msk $0xffff, v20;
	v20 =	vadd.s32 s23, v52  }
0x205: {  	v12 =	vand.u32 $0x7F, v12;
	[tilespmem:v33+s21+$0x0] =	vst.idx.msk $0xffff, v17;
	v11 =	vand.u32 $0x7E00, v27;
	v33 =	vld [tilespmem:$0x1FE10];
	v30 =	vshll.u32 v20, $0x2  }
0x206: {  	v50 =	vld [tilespmem:$0x1FE20];
	v11 =	vor.u32 v11, v12;
	v12 =	vand.u32 $0x7F, v20;
	v20 =	vand.u32 $0xFE00, v30  }
0x207: {  	v62 =	vor.u32 v13, v62;
	v40 =	vor.u32 v20, v12;
	v20 =	vld [tilespmem:$0x1FE30]  }
0x208: {  	v36 =	vld.idx.msk [tilespmem:v18+s0+$0x60 ss:$0x1], $0xffff  }
0x209: {  	v16 =	vld.idx.msk [tilespmem:v18+s20+$0x40 ss:$0x1], $0xffff  }
0x20a: {  	v17 =	vld.idx.msk [tilespmem:v18+s10+$0x20 ss:$0x1], $0xffff;
	_ =	sdelay $0x1  }
0x20b: {  	[tilespmem:v62+s21+$0x0] =	vst.idx.msk $0xffff, v61;
	v12 =	vadd.s32 s23, v59  }
0x20c: {  	v61 =	vld.idx.msk [tilespmem:v18+s15+$0x10 ss:$0x1], $0xffff;
	v27 =	vor.u32 v13, v1;
	[tilespmem:v33+s21+$0x0] =	vst.idx.msk $0xffff, v36;
	v46 =	vshll.u32 v12, $0x2  }
0x20d: {  	s24 =	sor.u32 $0x18, s19;
	v36 =	vld.idx.msk [tilespmem:v18+s9+$0x10 ss:$0x1], $0xffff;
	v12 =	vand.u32 $0x7F, v12;
	[tilespmem:v50+s21+$0x0] =	vst.idx.msk $0xffff, v16;
	v1 =	vand.u32 $0xFE00, v46;
	v16 =	vadd.s32 s23, v51  }
0x20e: {  	v1 =	vor.u32 v1, v12;
	v12 =	vshll.u32 v16, $0x2;
	[tilespmem:v20+s21+$0x0] =	vst.idx.msk $0xffff, v17;
	v20 =	vadd.s32 s24, v42  }
0x20f: {  	v16 =	vand.u32 $0x7F, v16;
	v12 =	vand.u32 $0x1FE00, v12;
	v25 =	vshll.u32 v20, $0x2  }
0x210: {  	v12 =	vor.u32 v12, v16;
	v16 =	vand.u32 $0x7F, v20;
	v20 =	vand.u32 $0x1E00, v25  }
0x211: {  	v26 =	vld [tilespmem:$0x1FE40];
	[tilespmem:v7+s21+$0x0] =	vst.idx.msk $0xffff, v61;
	v33 =	vor.u32 v20, v16;
	v16 =	vadd.s32 s24, v63  }
0x212: {  	[tilespmem:v0+s21+$0x0] =	vst.idx.msk $0xffff, v36;
	v36 =	vshll.u32 v16, $0x2;
	v61 =	vand.u32 $0x7F, v16;
	v16 =	vld [tilespmem:$0x1FE60];
	_ =	sdelay $0x1  }
0x213: {  	v45 =	vor.u32 v13, v39;
	v39 =	vld.idx.msk [tilespmem:v18+s0+$0x70 ss:$0x1], $0xffff  }
0x214: {  	v62 =	vld.idx.msk [tilespmem:v18+s10+$0x30 ss:$0x1], $0xffff;
	_ =	sdelay $0x1  }
0x215: {  	s25 =	sshll.u32 s26, $0x7;
	v54 =	vor.u32 v13, v40;
	v40 =	vld [tilespmem:$0x1FE50]  }
0x216: {  	s26 =	sand.u32 $0x3FFFFF80, s25;
	v23 =	vld.idx.msk [tilespmem:v18+s9+$0x20 ss:$0x1], $0xffff  }
0x217: {  	[tilespmem:v26+s21+$0x0] =	vst.idx.msk $0xffff, v39;
	v30 =	vld.idx.msk [tilespmem:v18+s26+$0x0 ss:$0x1], $0xffff;
	v39 =	vor.u32 v13, v12;
	v12 =	vadd.s32 s24, v49  }
0x218: {  	v26 =	vor.u32 v13, v1;
	v24 =	vshll.u32 v12, $0x2;
	v17 =	vld.idx.msk [tilespmem:v18+s20+$0x50 ss:$0x1], $0xffff;
	[tilespmem:v16+s21+$0x0] =	vst.idx.msk $0xffff, v62;
	v16 =	vadd.s32 s24, v58  }
0x219: {  	v12 =	vand.u32 $0x7F, v12;
	v7 =	vand.u32 $0x3E00, v24;
	v20 =	vshll.u32 v16, $0x2  }
0x21a: {  	v46 =	vld.idx.msk [tilespmem:v18+s15+$0x20 ss:$0x1], $0xffff;
	v7 =	vor.u32 v7, v12;
	v12 =	vand.u32 $0x7F, v16;
	v16 =	vand.u32 $0x7E00, v20  }
0x21b: {  	[tilespmem:v47+s21+$0x0] =	vst.idx.msk $0xffff, v23;
	v50 =	vor.u32 v13, v33;
	v33 =	vld [tilespmem:$0x1FE70];
	v12 =	vor.u32 v16, v12;
	v16 =	vadd.s32 s24, v43  }
0x21c: {  	[tilespmem:v35+s21+$0x0] =	vst.idx.msk $0xffff, v30;
	v1 =	vand.u32 $0x3E00, v36;
	v30 =	vshll.u32 v16, $0x2;
	v36 =	vand.u32 $0x7F, v16;
	v16 =	vld [tilespmem:$0x1FE80]  }
0x21d: {  	v25 =	vld.idx.msk [tilespmem:v18+s9+$0x30 ss:$0x1], $0xffff;
	[tilespmem:v40+s21+$0x0] =	vst.idx.msk $0xffff, v17  }
0x21e: {  	v62 =	vld.idx.msk [tilespmem:v18+s20+$0x60 ss:$0x1], $0xffff  }
0x21f: {  	v17 =	vld.idx.msk [tilespmem:v18+s10+$0x40 ss:$0x1], $0xffff  }
0x220: {  	v20 =	vld.idx.msk [tilespmem:v18+s26+$0x10 ss:$0x1], $0xffff  }
0x221: {  	[tilespmem:v6+s21+$0x0] =	vst.idx.msk $0xffff, v46;
	v6 =	vand.u32 $0x7E00, v30;
	v30 =	vld [tilespmem:$0x1FE90];
	_ =	sdelay $0x1  }
0x222: {  	v35 =	vld.idx.msk [tilespmem:v18+s15+$0x30 ss:$0x1], $0xffff;
	v40 =	vor.u32 v13, v12;
	v12 =	vadd.s32 s24, v52;
	[tilespmem:v33+s21+$0x0] =	vst.idx.msk $0xffff, v62  }
0x223: {  	v46 =	vshll.u32 v12, $0x2;
	[tilespmem:v16+s21+$0x0] =	vst.idx.msk $0xffff, v17;
	v16 =	vld.idx.msk [tilespmem:v18+s20+$0x70 ss:$0x1], $0xffff  }
0x224: {  	v3 =	vor.u32 v13, v7;
	[tilespmem:v9+s21+$0x0] =	vst.idx.msk $0xffff, v25;
	v7 =	vand.u32 $0xFE00, v46;
	v46 =	vld [tilespmem:$0x1FEA0]  }
0x225: {  	v53 =	vor.u32 v13, v53;
	[tilespmem:v4+s21+$0x0] =	vst.idx.msk $0xffff, v20;
	v20 =	vld.idx.msk [tilespmem:v18+s9+$0x40 ss:$0x1], $0xffff  }
0x226: {  	s17 =	sshll.u32 s14, $0x7;
	v62 =	vld.idx.msk [tilespmem:v18+s26+$0x20 ss:$0x1], $0xffff  }
0x227: {  	s14 =	sand.u32 $0x3FFFFF80, s17;
	v47 =	vld.idx.msk [tilespmem:v18+s10+$0x50 ss:$0x1], $0xffff  }
0x228: {  	v17 =	vadd.s32 s24, v59;
	[tilespmem:v30+s21+$0x0] =	vst.idx.msk $0xffff, v16;
	v16 =	vld.idx.msk [tilespmem:v18+s14+$0x0 ss:$0x1], $0xffff  }
0x229: {  	[tilespmem:v10+s21+$0x0] =	vst.idx.msk $0xffff, v35;
	v1 =	vor.u32 v1, v61;
	v12 =	vand.u32 $0x7F, v12;
	v61 =	vshll.u32 v17, $0x2  }
0x22a: {  	v35 =	vld.idx.msk [tilespmem:v18+s15+$0x40 ss:$0x1], $0xffff;
	v7 =	vor.u32 v7, v12;
	[tilespmem:v53+s21+$0x0] =	vst.idx.msk $0xffff, v20;
	v12 =	vand.u32 $0x7F, v17;
	v17 =	vand.u32 $0xFE00, v61  }
0x22b: {  	v6 =	vor.u32 v6, v36;
	s20 =	sor.u32 $0x19, s19;
	[tilespmem:v32+s21+$0x0] =	vst.idx.msk $0xffff, v62;
	v32 =	vld [tilespmem:$0x1FEC0];
	v24 =	vor.u32 v17, v12;
	v12 =	vadd.s32 s24, v51  }
0x22c: {  	v25 =	vshll.u32 v12, $0x2;
	v36 =	vand.u32 $0x7F, v12;
	v12 =	vadd.s32 s20, v42;
	[tilespmem:v46+s21+$0x0] =	vst.idx.msk $0xffff, v47  }
0x22d: {  	v33 =	vor.u32 v13, v7;
	v17 =	vadd.s32 s20, v63;
	v47 =	vshll.u32 v12, $0x2;
	[tilespmem:v19+s21+$0x0] =	vst.idx.msk $0xffff, v16;
	v19 =	vld [tilespmem:$0x1FEB0]  }
0x22e: {  	v53 =	vld.idx.msk [tilespmem:v18+s9+$0x50 ss:$0x1], $0xffff;
	v20 =	vshll.u32 v17, $0x2;
	v12 =	vand.u32 $0x7F, v12;
	v7 =	vand.u32 $0x1E00, v47  }
0x22f: {  	v7 =	vor.u32 v7, v12;
	v12 =	vand.u32 $0x7F, v17;
	v17 =	vand.u32 $0x3E00, v20;
	v20 =	vld.idx.msk [tilespmem:v18+s26+$0x30 ss:$0x1], $0xffff  }
0x230: {  	[tilespmem:v37+s21+$0x0] =	vst.idx.msk $0xffff, v35;
	v9 =	vld.idx.msk [tilespmem:v18+s10+$0x60 ss:$0x1], $0xffff;
	v12 =	vor.u32 v17, v12  }
0x231: {  	v4 =	vor.u32 v13, v6;
	v17 =	vadd.s32 s20, v49;
	v22 =	vor.u32 v13, v12;
	v12 =	vld.idx.msk [tilespmem:v18+s15+$0x50 ss:$0x1], $0xffff  }
0x232: {  	v0 =	vand.u32 $0x1FE00, v25;
	v6 =	vor.u32 v13, v7;
	v61 =	vshll.u32 v17, $0x2;
	v62 =	vld.idx.msk [tilespmem:v18+s14+$0x10 ss:$0x1], $0xffff  }
0x233: {  	[tilespmem:v32+s21+$0x0] =	vst.idx.msk $0xffff, v53;
	v16 =	vand.u32 $0x7F, v17;
	v17 =	vadd.s32 s20, v58;
	v7 =	vand.u32 $0x3E00, v61  }
0x234: {  	v0 =	vor.u32 v0, v36;
	v7 =	vor.u32 v7, v16;
	v16 =	vshll.u32 v17, $0x2;
	[tilespmem:v8+s21+$0x0] =	vst.idx.msk $0xffff, v20  }
0x235: {  	v53 =	vld [tilespmem:$0x1FED0];
	v17 =	vand.u32 $0x7F, v17;
	v16 =	vand.u32 $0x7E00, v16;
	[tilespmem:v19+s21+$0x0] =	vst.idx.msk $0xffff, v9;
	v19 =	vadd.s32 s20, v43  }
0x236: {  	v20 =	vld.idx.msk [tilespmem:v18+s9+$0x60 ss:$0x1], $0xffff;
	v36 =	vor.u32 v16, v17;
	[tilespmem:v44+s21+$0x0] =	vst.idx.msk $0xffff, v12;
	v35 =	vshll.u32 v19, $0x2  }
0x237: {  	v44 =	vld.idx.msk [tilespmem:v18+s26+$0x40 ss:$0x1], $0xffff;
	v12 =	vadd.s32 s20, v59;
	[tilespmem:v29+s21+$0x0] =	vst.idx.msk $0xffff, v62;
	v16 =	vand.u32 $0x7F, v19;
	v17 =	vand.u32 $0x7E00, v35  }
0x238: {  	v2 =	vor.u32 v13, v2;
	v61 =	vld.idx.msk [tilespmem:v18+s14+$0x20 ss:$0x1], $0xffff;
	v37 =	vor.u32 v17, v16;
	v17 =	vshll.u32 v12, $0x2  }
0x239: {  	s22 =	sshll.u32 s23, $0x7;
	v11 =	vor.u32 v13, v11;
	v16 =	vld.idx.msk [tilespmem:v18+s15+$0x60 ss:$0x1], $0xffff;
	v12 =	vand.u32 $0x7F, v12;
	v17 =	vand.u32 $0xFE00, v17  }
0x23a: {  	s0 =	sand.u32 $0x3FFFFF80, s22;
	v1 =	vor.u32 v13, v1;
	v46 =	vadd.s32 s20, v52;
	v32 =	vor.u32 v17, v12;
	v17 =	vld [tilespmem:$0x1FEE0]  }
0x23b: {  	v10 =	vor.u32 v13, v24;
	v62 =	vld.idx.msk [tilespmem:v18+s0+$0x0 ss:$0x1], $0xffff;
	v19 =	vor.u32 v13, v7;
	v7 =	vshll.u32 v46, $0x2  }
0x23c: {  	v0 =	vor.u32 v13, v0;
	v47 =	vand.u32 $0x7F, v46;
	v30 =	vld.idx.msk [tilespmem:v18+s10+$0x70 ss:$0x1], $0xffff;
	v7 =	vand.u32 $0xFE00, v7;
	[tilespmem:v38+s21+$0x0] =	vst.idx.msk $0xffff, v44  }
0x23d: {  	s23 =	sor.u32 $0x1A, s19;
	v7 =	vor.u32 v7, v47;
	v23 =	vor.u32 v13, v37;
	[tilespmem:v15+s21+$0x0] =	vst.idx.msk $0xffff, v61;
	v12 =	vadd.s32 s20, v51  }
0x23e: {  	v21 =	vor.u32 v13, v7;
	v61 =	vadd.s32 s23, v49;
	v35 =	vshll.u32 v12, $0x2;
	[tilespmem:v57+s21+$0x0] =	vst.idx.msk $0xffff, v16;
	v16 =	vld.idx.msk [tilespmem:v18+s26+$0x50 ss:$0x1], $0xffff  }
0x23f: {  	s8 =	sshll.u32 s20, $0x7;
	v37 =	vand.u32 $0x7F, v12;
	v12 =	vadd.s32 s23, v42;
	v7 =	vand.u32 $0x1FE00, v35;
	v35 =	vld [tilespmem:$0x1FEF0]  }
0x240: {  	s8 =	sand.u32 $0x3FFFFF80, s8;
	v24 =	vor.u32 v13, v36;
	[tilespmem:v5+s21+$0x0] =	vst.idx.msk $0xffff, v62;
	v5 =	vshll.u32 v61, $0x2;
	v38 =	vshll.u32 v12, $0x2  }
0x241: {  	s24 =	sshll.u32 s24, $0x7;
	v12 =	vand.u32 $0x7F, v12;
	v7 =	vor.u32 v7, v37;
	v8 =	vand.u32 $0x1E00, v38;
	v37 =	vld.idx.msk [tilespmem:v18+s8+$0x0 ss:$0x1], $0xffff  }
0x242: {  	s10 =	sand.u32 $0x3FFFFF80, s24;
	v44 =	vld.idx.msk [tilespmem:v18+s15+$0x70 ss:$0x1], $0xffff;
	v46 =	vor.u32 v8, v12;
	v29 =	vor.u32 v13, v7;
	[tilespmem:v17+s21+$0x0] =	vst.idx.msk $0xffff, v20  }
0x243: {  	v5 =	vand.u32 $0x3E00, v5;
	v7 =	vor.u32 v13, v46;
	v20 =	vadd.s32 s23, v63;
	[tilespmem:v41+s21+$0x0] =	vst.idx.msk $0xffff, v16;
	v16 =	vld.idx.msk [tilespmem:v18+s10+$0x0 ss:$0x1], $0xffff  }
0x244: {  	[tilespmem:v53+s21+$0x0] =	vst.idx.msk $0xffff, v30;
	v36 =	vld.idx.msk [tilespmem:v18+s9+$0x70 ss:$0x1], $0xffff;
	v15 =	vshll.u32 v20, $0x2;
	v47 =	vand.u32 $0x7F, v20;
	v20 =	vand.u32 $0x7F, v61  }
0x245: {  	v17 =	vor.u32 v13, v32;
	v12 =	vand.u32 $0x3E00, v15;
	v15 =	vld.idx.msk [tilespmem:v18+s0+$0x10 ss:$0x1], $0xffff;
	v5 =	vor.u32 v5, v20  }
0x246: {  	v57 =	vld.idx.msk [tilespmem:v18+s14+$0x30 ss:$0x1], $0xffff;
	[tilespmem:v6+s21+$0x0] =	vst.idx.msk $0xffff, v37;
	v20 =	vadd.s32 s23, v43;
	v53 =	vor.u32 v12, v47;
	v12 =	vadd.s32 s23, v58  }
0x247: {  	[tilespmem:v35+s21+$0x0] =	vst.idx.msk $0xffff, v44;
	v32 =	vor.u32 v13, v5;
	v38 =	vshll.u32 v20, $0x2;
	v62 =	vshll.u32 v12, $0x2  }
0x248: {  	v9 =	vor.u32 v13, v53;
	v12 =	vand.u32 $0x7F, v12;
	v25 =	vand.u32 $0x7E00, v62;
	[tilespmem:v50+s21+$0x0] =	vst.idx.msk $0xffff, v16  }
0x249: {  	v5 =	vand.u32 $0x7E00, v38;
	v53 =	vadd.s32 s23, v51;
	[tilespmem:v31+s21+$0x0] =	vst.idx.msk $0xffff, v36;
	v36 =	vld.idx.msk [tilespmem:v18+s26+$0x60 ss:$0x1], $0xffff;
	v12 =	vor.u32 v25, v12  }
0x24a: {  	v44 =	vld.idx.msk [tilespmem:v18+s10+$0x10 ss:$0x1], $0xffff;
	[tilespmem:v2+s21+$0x0] =	vst.idx.msk $0xffff, v15;
	v2 =	vor.u32 v13, v12;
	v12 =	vand.u32 $0x7F, v20;
	v15 =	vadd.s32 s23, v52  }
0x24b: {  	[tilespmem:v48+s21+$0x0] =	vst.idx.msk $0xffff, v57;
	v16 =	vadd.s32 s23, v59;
	v31 =	vld.idx.msk [tilespmem:v18+s8+$0x10 ss:$0x1], $0xffff;
	v5 =	vor.u32 v5, v12;
	v12 =	vshll.u32 v15, $0x2  }
0x24c: {  	s25 =	sshll.u32 s23, $0x7;
	v6 =	vshll.u32 v53, $0x2;
	v20 =	vld.idx.msk [tilespmem:v18+s14+$0x40 ss:$0x1], $0xffff;
	v15 =	vand.u32 $0x7F, v15;
	v12 =	vand.u32 $0xFE00, v12  }
0x24d: {  	s11 =	sand.u32 $0x3FFFFF80, s25;
	v46 =	vshll.u32 v16, $0x2;
	v41 =	vld.idx.msk [tilespmem:v18+s0+$0x20 ss:$0x1], $0xffff;
	v5 =	vor.u32 v13, v5;
	v47 =	vor.u32 v12, v15  }
0x24e: {  	v50 =	vld.idx.msk [tilespmem:v18+s11+$0x0 ss:$0x1], $0xffff;
	v12 =	vand.u32 $0x7F, v16;
	v15 =	vand.u32 $0xFE00, v46;
	[tilespmem:v60+s21+$0x0] =	vst.idx.msk $0xffff, v36;
	v25 =	vor.u32 v13, v47  }
0x24f: {  	v61 =	vand.u32 $0x1FE00, v6;
	v48 =	vor.u32 v15, v12;
	v15 =	vand.u32 $0x7F, v53;
	[tilespmem:v1+s21+$0x0] =	vst.idx.msk $0xffff, v44;
	v35 =	vld.idx.msk [tilespmem:v18+s26+$0x70 ss:$0x1], $0xffff  }
0x250: {  	[tilespmem:v22+s21+$0x0] =	vst.idx.msk $0xffff, v31;
	s26 =	sor.u32 $0x1B, s19;
	v16 =	vor.u32 v13, v48;
	v37 =	vld.idx.msk [tilespmem:v18+s10+$0x20 ss:$0x1], $0xffff;
	v1 =	vor.u32 v61, v15  }
0x251: {  	[tilespmem:v28+s21+$0x0] =	vst.idx.msk $0xffff, v20;
	v22 =	vld.idx.msk [tilespmem:v18+s8+$0x20 ss:$0x1], $0xffff;
	v12 =	vadd.s32 s26, v42;
	v15 =	vor.u32 v13, v1;
	v48 =	vadd.s32 s26, v49  }
0x252: {  	[tilespmem:v45+s21+$0x0] =	vst.idx.msk $0xffff, v41;
	v60 =	vld.idx.msk [tilespmem:v18+s14+$0x50 ss:$0x1], $0xffff;
	v41 =	vadd.s32 s26, v43;
	v57 =	vshll.u32 v12, $0x2;
	v62 =	vand.u32 $0x7F, v12  }
0x253: {  	[tilespmem:v7+s21+$0x0] =	vst.idx.msk $0xffff, v50;
	v20 =	vld.idx.msk [tilespmem:v18+s0+$0x30 ss:$0x1], $0xffff;
	v50 =	vshll.u32 v48, $0x2;
	v8 =	vand.u32 $0x7F, v48;
	v12 =	vand.u32 $0x1E00, v57  }
0x254: {  	v44 =	vand.u32 $0x7F, v41;
	v6 =	vor.u32 v12, v62;
	v12 =	vadd.s32 s26, v63  }
0x255: {  	v7 =	vand.u32 $0x3E00, v50;
	v38 =	vor.u32 v13, v6;
	v46 =	vshll.u32 v12, $0x2;
	[tilespmem:v3+s21+$0x0] =	vst.idx.msk $0xffff, v37  }
0x256: {  	s15 =	sor.u32 $0x1C, s19;
	v47 =	vand.u32 $0x7F, v12;
	[tilespmem:v19+s21+$0x0] =	vst.idx.msk $0xffff, v22;
	v19 =	vadd.s32 s26, v52;
	v3 =	vshll.u32 v41, $0x2  }
0x257: {  	v12 =	vld.idx.msk [tilespmem:v18+s11+$0x10 ss:$0x1], $0xffff;
	v37 =	vadd.s32 s15, v63;
	v6 =	vand.u32 $0x3E00, v46;
	[tilespmem:v55+s21+$0x0] =	vst.idx.msk $0xffff, v60;
	v55 =	vor.u32 v7, v8  }
0x258: {  	v62 =	vld.idx.msk [tilespmem:v18+s10+$0x30 ss:$0x1], $0xffff;
	v3 =	vand.u32 $0x7E00, v3;
	[tilespmem:v27+s21+$0x0] =	vst.idx.msk $0xffff, v20;
	v6 =	vor.u32 v6, v47;
	v20 =	vadd.s32 s26, v58  }
0x259: {  	s17 =	sor.u32 $0x1E, s19;
	v22 =	vld.idx.msk [tilespmem:v18+s8+$0x30 ss:$0x1], $0xffff;
	v28 =	vor.u32 v13, v55;
	v3 =	vor.u32 v3, v44;
	v55 =	vadd.s32 s26, v51  }
0x25a: {  	s12 =	sshll.u32 s26, $0x7;
	v31 =	vld.idx.msk [tilespmem:v18+s14+$0x60 ss:$0x1], $0xffff;
	v44 =	vadd.s32 s17, v58;
	v53 =	vshll.u32 v20, $0x2;
	v57 =	vand.u32 $0x7F, v20  }
0x25b: {  	s12 =	sand.u32 $0x3FFFFF80, s12;
	v27 =	vld.idx.msk [tilespmem:v18+s0+$0x40 ss:$0x1], $0xffff;
	v6 =	vor.u32 v13, v6;
	v36 =	vor.u32 v13, v3;
	v60 =	vand.u32 $0x7E00, v53  }
0x25c: {  	v20 =	vld.idx.msk [tilespmem:v18+s12+$0x0 ss:$0x1], $0xffff;
	v61 =	vor.u32 v60, v57;
	[tilespmem:v9+s21+$0x0] =	vst.idx.msk $0xffff, v12;
	v12 =	vshll.u32 v19, $0x2;
	v19 =	vand.u32 $0x7F, v19  }
0x25d: {  	v57 =	vshll.u32 v55, $0x2;
	v60 =	vadd.s32 s15, v42;
	v9 =	vand.u32 $0x7F, v55;
	[tilespmem:v40+s21+$0x0] =	vst.idx.msk $0xffff, v62  }
0x25e: {  	v8 =	vor.u32 v13, v61;
	v45 =	vld.idx.msk [tilespmem:v18+s11+$0x20 ss:$0x1], $0xffff;
	v12 =	vand.u32 $0xFE00, v12;
	[tilespmem:v24+s21+$0x0] =	vst.idx.msk $0xffff, v22;
	v61 =	vshll.u32 v60, $0x2  }
0x25f: {  	v62 =	vand.u32 $0x7F, v60;
	v47 =	vor.u32 v12, v19;
	v12 =	vadd.s32 s26, v59;
	v19 =	vld.idx.msk [tilespmem:v18+s8+$0x40 ss:$0x1], $0xffff;
	[tilespmem:v14+s21+$0x0] =	vst.idx.msk $0xffff, v31  }
0x260: {  	v40 =	vshll.u32 v37, $0x2;
	[tilespmem:v11+s21+$0x0] =	vst.idx.msk $0xffff, v27;
	v48 =	vshll.u32 v12, $0x2;
	v53 =	vand.u32 $0x7F, v12;
	v12 =	vld.idx.msk [tilespmem:v18+s10+$0x40 ss:$0x1], $0xffff  }
0x261: {  	v22 =	vadd.s32 s15, v51;
	v60 =	vadd.s32 s17, v42;
	v31 =	vadd.s32 s15, v43;
	[tilespmem:v38+s21+$0x0] =	vst.idx.msk $0xffff, v20;
	v46 =	vld.idx.msk [tilespmem:v18+s0+$0x50 ss:$0x1], $0xffff  }
0x262: {  	v14 =	vshll.u32 v60, $0x2;
	v27 =	vor.u32 v13, v47;
	v11 =	vand.u32 $0x1E00, v61;
	v50 =	vld.idx.msk [tilespmem:v18+s12+$0x10 ss:$0x1], $0xffff  }
0x263: {  	s16 =	sor.u32 $0x1D, s19;
	v47 =	vand.u32 $0x3E00, v40;
	v1 =	vand.u32 $0xFE00, v48;
	v38 =	vor.u32 v11, v62;
	[tilespmem:v32+s21+$0x0] =	vst.idx.msk $0xffff, v45  }
0x264: {  	v40 =	vadd.s32 s16, v49;
	v61 =	vmovc v43;
	v24 =	vor.u32 v1, v53;
	v1 =	vand.u32 $0x1FE00, v57;
	[tilespmem:v23+s21+$0x0] =	vst.idx.msk $0xffff, v19  }
0x265: {  	v53 =	vadd.s32 s16, v42;
	v30 =	vadd.s32 s17, v61;
	v3 =	vor.u32 v1, v9;
	[tilespmem:v4+s21+$0x0] =	vst.idx.msk $0xffff, v12  }
0x266: {  	v55 =	vand.u32 $0x7F, v53;
	v23 =	vadd.s32 s15, v52;
	v3 =	vor.u32 v13, v3;
	[tilespmem:v54+s21+$0x0] =	vst.idx.msk $0xffff, v46  }
0x267: {  	v20 =	vld.idx.msk [tilespmem:v18+s11+$0x30 ss:$0x1], $0xffff;
	v4 =	vand.u32 $0x7F, v60;
	[tilespmem:v6+s21+$0x0] =	vst.idx.msk $0xffff, v50;
	v6 =	vor.u32 v13, v38;
	v46 =	vand.u32 $0x7F, v37  }
0x268: {  	v19 =	vld.idx.msk [tilespmem:v18+s8+$0x50 ss:$0x1], $0xffff;
	v50 =	vadd.s32 s15, v49;
	v54 =	vshll.u32 v53, $0x2;
	v37 =	vadd.s32 s15, v58  }
0x269: {  	v12 =	vld.idx.msk [tilespmem:v18+s10+$0x50 ss:$0x1], $0xffff;
	v38 =	vadd.s32 s16, v63;
	v7 =	vor.u32 v47, v46;
	v32 =	vand.u32 $0x7F, v50  }
0x26a: {  	[tilespmem:v56+s21+$0x0] =	vst.idx.msk $0xffff, v35;
	v48 =	vld.idx.msk [tilespmem:v18+s12+$0x20 ss:$0x1], $0xffff;
	v35 =	vshll.u32 v50, $0x2;
	v1 =	vand.u32 $0x1E00, v54;
	v46 =	vand.u32 $0x1E00, v14  }
0x26b: {  	s25 =	sshll.u32 s17, $0x7;
	s20 =	sor.u32 $0x1F, s19;
	v45 =	vmovc v42;
	v41 =	vld.idx.msk [tilespmem:v18+s0+$0x60 ss:$0x1], $0xffff;
	v14 =	vadd.s32 s16, v51;
	v54 =	vadd.s32 s17, v63;
	v1 =	vor.u32 v1, v55  }
0x26c: {  	s5 =	sand.u32 $0x3FFFFF80, s25;
	v47 =	vadd.s32 s20, v61;
	v50 =	vor.u32 v46, v4;
	v55 =	vadd.s32 s20, v45;
	[tilespmem:v2+s21+$0x0] =	vst.idx.msk $0xffff, v20;
	v20 =	vld.idx.msk [tilespmem:v18+s14+$0x70 ss:$0x1], $0xffff  }
0x26d: {  	v61 =	vld.idx.msk [tilespmem:v18+s5+$0x0 ss:$0x1], $0xffff;
	v4 =	vadd.s32 s17, v51;
	v45 =	vadd.s32 s20, v49;
	v9 =	vor.u32 v13, v50;
	[tilespmem:v21+s21+$0x0] =	vst.idx.msk $0xffff, v19  }
0x26e: {  	v46 =	vadd.s32 s20, v58;
	v35 =	vand.u32 $0x3E00, v35;
	v7 =	vor.u32 v13, v7;
	v56 =	vld.idx.msk [tilespmem:v18+s11+$0x40 ss:$0x1], $0xffff;
	[tilespmem:v33+s21+$0x0] =	vst.idx.msk $0xffff, v12  }
0x26f: {  	v2 =	vadd.s32 s15, v59;
	v11 =	vor.u32 v13, v1;
	v1 =	vadd.s32 s20, v51;
	[tilespmem:v28+s21+$0x0] =	vst.idx.msk $0xffff, v48;
	v48 =	vld.idx.msk [tilespmem:v18+s8+$0x60 ss:$0x1], $0xffff  }
0x270: {  	v60 =	vand.u32 $0x7F, v55;
	v32 =	vor.u32 v35, v32;
	v51 =	vshll.u32 v37, $0x2;
	[tilespmem:v26+s21+$0x0] =	vst.idx.msk $0xffff, v41;
	v12 =	vld.idx.msk [tilespmem:v18+s12+$0x30 ss:$0x1], $0xffff  }
0x271: {  	s22 =	sshll.u32 s15, $0x7;
	v35 =	vand.u32 $0x7F, v47;
	v19 =	vadd.s32 s16, v52;
	v21 =	vadd.s32 s16, v59;
	v57 =	vld.idx.msk [tilespmem:v18+s0+$0x70 ss:$0x1], $0xffff;
	[tilespmem:v34+s21+$0x0] =	vst.idx.msk $0xffff, v20  }
0x272: {  	s23 =	sand.u32 $0x3FFFFF80, s22;
	v33 =	vadd.s32 s16, v58;
	v28 =	vadd.s32 s16, v43;
	v62 =	vld.idx.msk [tilespmem:v18+s10+$0x60 ss:$0x1], $0xffff;
	v43 =	vadd.s32 s17, v49;
	[tilespmem:v9+s21+$0x0] =	vst.idx.msk $0xffff, v61  }
0x273: {  	s24 =	sshll.u32 s16, $0x7;
	v58 =	vld.idx.msk [tilespmem:v18+s23+$0x0 ss:$0x1], $0xffff;
	v26 =	vadd.s32 s20, v52;
	v49 =	vand.u32 $0x7F, v37;
	v41 =	vand.u32 $0x7F, v45;
	[tilespmem:v5+s21+$0x0] =	vst.idx.msk $0xffff, v56  }
0x274: {  	s0 =	sand.u32 $0x3FFFFF80, s24;
	v37 =	vand.u32 $0x7F, v43;
	v20 =	vadd.s32 s17, v59;
	v56 =	vshll.u32 v55, $0x2;
	v53 =	vld.idx.msk [tilespmem:v18+s11+$0x50 ss:$0x1], $0xffff;
	[tilespmem:v17+s21+$0x0] =	vst.idx.msk $0xffff, v48  }
0x275: {  	s26 =	sshll.u32 s20, $0x7;
	v61 =	vand.u32 $0x7F, v40;
	v17 =	vadd.s32 s20, v59;
	v59 =	vld.idx.msk [tilespmem:v18+s0+$0x0 ss:$0x1], $0xffff;
	[tilespmem:v8+s21+$0x0] =	vst.idx.msk $0xffff, v12;
	v8 =	vand.u32 $0x1E00, v56  }
0x276: {  	s14 =	sand.u32 $0x3FFFFF80, s26;
	v5 =	vadd.s32 s17, v52;
	v52 =	vshll.u32 v54, $0x2;
	[tilespmem:v39+s21+$0x0] =	vst.idx.msk $0xffff, v57;
	v57 =	vld.idx.msk [tilespmem:v18+s12+$0x40 ss:$0x1], $0xffff;
	v8 =	vor.u32 v8, v60  }
0x277: {  	[tilespmem:v10+s21+$0x0] =	vst.idx.msk $0xffff, v62;
	v62 =	vshll.u32 v38, $0x2;
	v12 =	vadd.s32 s20, v63;
	v63 =	vld.idx.msk [tilespmem:v18+s14+$0x0 ss:$0x1], $0xffff;
	v8 =	vor.u32 v13, v8  }
0x278: {  	v54 =	vand.u32 $0x7F, v54;
	[tilespmem:v6+s21+$0x0] =	vst.idx.msk $0xffff, v58;
	v38 =	vand.u32 $0x7F, v38;
	v34 =	vand.u32 $0x3E00, v62  }
0x279: {  	v58 =	vld.idx.msk [tilespmem:v18+s5+$0x10 ss:$0x1], $0xffff;
	v48 =	vor.u32 v13, v32;
	v10 =	vor.u32 v34, v38;
	[tilespmem:v25+s21+$0x0] =	vst.idx.msk $0xffff, v53  }
0x27a: {  	v50 =	vld.idx.msk [tilespmem:v18+s23+$0x10 ss:$0x1], $0xffff;
	v34 =	vand.u32 $0x3E00, v52;
	v55 =	vshll.u32 v12, $0x2;
	v10 =	vor.u32 v13, v10;
	[tilespmem:v11+s21+$0x0] =	vst.idx.msk $0xffff, v59  }
0x27b: {  	v12 =	vand.u32 $0x7F, v12;
	v56 =	vor.u32 v34, v54;
	v53 =	vld.idx.msk [tilespmem:v18+s0+$0x10 ss:$0x1], $0xffff;
	[tilespmem:v36+s21+$0x0] =	vst.idx.msk $0xffff, v57;
	v57 =	vand.u32 $0x3E00, v55  }
0x27c: {  	v52 =	vand.u32 $0x7F, v44;
	[tilespmem:v8+s21+$0x0] =	vst.idx.msk $0xffff, v63;
	v8 =	vor.u32 v13, v56;
	v12 =	vor.u32 v57, v12  }
0x27d: {  	v54 =	vand.u32 $0x7F, v46;
	v25 =	vand.u32 $0x7E00, v51;
	v60 =	vld.idx.msk [tilespmem:v18+s14+$0x10 ss:$0x1], $0xffff;
	v12 =	vor.u32 v13, v12  }
0x27e: {  	v51 =	vshll.u32 v44, $0x2;
	v25 =	vor.u32 v25, v49;
	v59 =	vshll.u32 v40, $0x2  }
0x27f: {  	[tilespmem:v7+s21+$0x0] =	vst.idx.msk $0xffff, v50;
	v40 =	vshll.u32 v45, $0x2;
	v62 =	vand.u32 $0x3E00, v59;
	v63 =	vshll.u32 v43, $0x2  }
0x280: {  	v45 =	vshll.u32 v31, $0x2;
	v36 =	vld.idx.msk [tilespmem:v18+s23+$0x20 ss:$0x1], $0xffff;
	v7 =	vor.u32 v62, v61;
	v38 =	vand.u32 $0x3E00, v63;
	[tilespmem:v10+s21+$0x0] =	vst.idx.msk $0xffff, v53  }
0x281: {  	v7 =	vor.u32 v13, v7;
	v10 =	vor.u32 v38, v37;
	v39 =	vld.idx.msk [tilespmem:v18+s0+$0x20 ss:$0x1], $0xffff;
	[tilespmem:v8+s21+$0x0] =	vst.idx.msk $0xffff, v58  }
0x282: {  	v31 =	vand.u32 $0x7F, v31;
	v11 =	vand.u32 $0x3E00, v40;
	v10 =	vor.u32 v13, v10;
	[tilespmem:v12+s21+$0x0] =	vst.idx.msk $0xffff, v60;
	v12 =	vld.idx.msk [tilespmem:v18+s5+$0x20 ss:$0x1], $0xffff  }
0x283: {  	v42 =	vor.u32 v13, v25;
	v6 =	vand.u32 $0x7E00, v45;
	v11 =	vor.u32 v11, v41  }
0x284: {  	v59 =	vand.u32 $0x7F, v28;
	v45 =	vshll.u32 v26, $0x2;
	v11 =	vor.u32 v13, v11;
	v34 =	vld.idx.msk [tilespmem:v18+s14+$0x20 ss:$0x1], $0xffff  }
0x285: {  	v6 =	vor.u32 v6, v31;
	v55 =	vand.u32 $0x7F, v23;
	v43 =	vshll.u32 v33, $0x2;
	[tilespmem:v48+s21+$0x0] =	vst.idx.msk $0xffff, v36  }
0x286: {  	v62 =	vshll.u32 v30, $0x2;
	v25 =	vand.u32 $0x7E00, v43;
	v48 =	vand.u32 $0x7F, v33;
	[tilespmem:v7+s21+$0x0] =	vst.idx.msk $0xffff, v39  }
0x287: {  	v53 =	vshll.u32 v46, $0x2;
	v49 =	vld.idx.msk [tilespmem:v18+s23+$0x30 ss:$0x1], $0xffff;
	v9 =	vor.u32 v25, v48;
	[tilespmem:v10+s21+$0x0] =	vst.idx.msk $0xffff, v12;
	v12 =	vand.u32 $0x7E00, v51  }
0x288: {  	v9 =	vor.u32 v13, v9;
	v50 =	vld.idx.msk [tilespmem:v18+s0+$0x30 ss:$0x1], $0xffff;
	v10 =	vor.u32 v12, v52;
	v12 =	vand.u32 $0x7E00, v53  }
0x289: {  	[tilespmem:v11+s21+$0x0] =	vst.idx.msk $0xffff, v34;
	v11 =	vor.u32 v12, v54;
	v12 =	vld.idx.msk [tilespmem:v18+s5+$0x30 ss:$0x1], $0xffff;
	v10 =	vor.u32 v13, v10  }
0x28a: {  	v41 =	vand.u32 $0x7F, v2;
	v2 =	vshll.u32 v2, $0x2;
	v56 =	vshll.u32 v23, $0x2  }
0x28b: {  	v57 =	vshll.u32 v28, $0x2;
	v6 =	vor.u32 v13, v6;
	v58 =	vld.idx.msk [tilespmem:v18+s14+$0x30 ss:$0x1], $0xffff;
	v11 =	vor.u32 v13, v11  }
0x28c: {  	v28 =	vand.u32 $0x7E00, v62;
	v2 =	vand.u32 $0xFE00, v2;
	v23 =	vand.u32 $0x7E00, v57;
	v60 =	vld.idx.msk [tilespmem:v18+s11+$0x60 ss:$0x1], $0xffff;
	[tilespmem:v42+s21+$0x0] =	vst.idx.msk $0xffff, v49  }
0x28d: {  	v2 =	vor.u32 v2, v41;
	v37 =	vshll.u32 v19, $0x2;
	v8 =	vor.u32 v13, v24;
	[tilespmem:v9+s21+$0x0] =	vst.idx.msk $0xffff, v50  }
0x28e: {  	v33 =	vshll.u32 v47, $0x2;
	v63 =	vld.idx.msk [tilespmem:v18+s23+$0x40 ss:$0x1], $0xffff;
	v9 =	vor.u32 v23, v59;
	[tilespmem:v10+s21+$0x0] =	vst.idx.msk $0xffff, v12;
	v12 =	vand.u32 $0x7F, v30  }
0x28f: {  	v36 =	vand.u32 $0x7E00, v33;
	v9 =	vor.u32 v13, v9;
	v34 =	vld.idx.msk [tilespmem:v18+s0+$0x40 ss:$0x1], $0xffff;
	v12 =	vor.u32 v28, v12  }
0x290: {  	v24 =	vor.u32 v36, v35;
	[tilespmem:v11+s21+$0x0] =	vst.idx.msk $0xffff, v58;
	v38 =	vld.idx.msk [tilespmem:v18+s5+$0x40 ss:$0x1], $0xffff;
	v12 =	vor.u32 v13, v12  }
0x291: {  	v24 =	vor.u32 v13, v24;
	[tilespmem:v16+s21+$0x0] =	vst.idx.msk $0xffff, v60;
	v16 =	vand.u32 $0x7F, v19;
	v19 =	vand.u32 $0xFE00, v37;
	v39 =	vld.idx.msk [tilespmem:v18+s14+$0x40 ss:$0x1], $0xffff  }
0x292: {  	v40 =	vld.idx.msk [tilespmem:v18+s10+$0x70 ss:$0x1], $0xffff;
	v7 =	vand.u32 $0xFE00, v56;
	v16 =	vor.u32 v19, v16;
	v19 =	vshll.u32 v5, $0x2  }
0x293: {  	v61 =	vld.idx.msk [tilespmem:v18+s12+$0x50 ss:$0x1], $0xffff;
	v7 =	vor.u32 v7, v55;
	v5 =	vand.u32 $0x7F, v5;
	v43 =	vand.u32 $0xFE00, v19;
	[tilespmem:v6+s21+$0x0] =	vst.idx.msk $0xffff, v63  }
0x294: {  	v7 =	vor.u32 v13, v7;
	v5 =	vor.u32 v43, v5;
	v44 =	vld.idx.msk [tilespmem:v18+s23+$0x50 ss:$0x1], $0xffff;
	[tilespmem:v9+s21+$0x0] =	vst.idx.msk $0xffff, v34  }
0x295: {  	v10 =	vand.u32 $0xFE00, v45;
	v11 =	vld.idx.msk [tilespmem:v18+s0+$0x50 ss:$0x1], $0xffff;
	[tilespmem:v12+s21+$0x0] =	vst.idx.msk $0xffff, v38;
	v12 =	vor.u32 v13, v16;
	v16 =	vand.u32 $0x7F, v26  }
0x296: {  	v5 =	vor.u32 v13, v5;
	[tilespmem:v24+s21+$0x0] =	vst.idx.msk $0xffff, v39;
	v19 =	vld.idx.msk [tilespmem:v18+s5+$0x50 ss:$0x1], $0xffff;
	v10 =	vor.u32 v10, v16  }
0x297: {  	v57 =	vand.u32 $0x7F, v14;
	[tilespmem:v0+s21+$0x0] =	vst.idx.msk $0xffff, v40;
	v46 =	vld.idx.msk [tilespmem:v18+s14+$0x50 ss:$0x1], $0xffff;
	v10 =	vor.u32 v13, v10  }
0x298: {  	v2 =	vor.u32 v13, v2;
	[tilespmem:v27+s21+$0x0] =	vst.idx.msk $0xffff, v61;
	v48 =	vand.u32 $0x7F, v21;
	v16 =	vshll.u32 v21, $0x2  }
0x299: {  	v47 =	vld.idx.msk [tilespmem:v18+s8+$0x70 ss:$0x1], $0xffff;
	v56 =	vand.u32 $0x7F, v17;
	v51 =	vshll.u32 v22, $0x2;
	[tilespmem:v7+s21+$0x0] =	vst.idx.msk $0xffff, v44;
	v49 =	vand.u32 $0xFE00, v16  }
0x29a: {  	v53 =	vshll.u32 v20, $0x2;
	v54 =	vand.u32 $0x7F, v20;
	v52 =	vld.idx.msk [tilespmem:v18+s23+$0x60 ss:$0x1], $0xffff;
	v6 =	vor.u32 v49, v48;
	[tilespmem:v12+s21+$0x0] =	vst.idx.msk $0xffff, v11  }
0x29b: {  	v42 =	vld.idx.msk [tilespmem:v18+s12+$0x60 ss:$0x1], $0xffff;
	v6 =	vor.u32 v13, v6;
	v11 =	vand.u32 $0xFE00, v53;
	[tilespmem:v5+s21+$0x0] =	vst.idx.msk $0xffff, v19;
	v19 =	vshll.u32 v17, $0x2  }
0x29c: {  	v50 =	vand.u32 $0x7F, v22;
	v55 =	vld.idx.msk [tilespmem:v18+s0+$0x60 ss:$0x1], $0xffff;
	v5 =	vor.u32 v11, v54;
	[tilespmem:v10+s21+$0x0] =	vst.idx.msk $0xffff, v46;
	v17 =	vand.u32 $0xFE00, v19  }
0x29d: {  	v19 =	vshll.u32 v14, $0x2;
	v5 =	vor.u32 v13, v5;
	v11 =	vor.u32 v17, v56;
	v17 =	vld.idx.msk [tilespmem:v18+s5+$0x60 ss:$0x1], $0xffff  }
0x29e: {  	[tilespmem:v29+s21+$0x0] =	vst.idx.msk $0xffff, v47;
	v9 =	vand.u32 $0x1FE00, v51;
	v14 =	vand.u32 $0x1FE00, v19;
	v19 =	vld.idx.msk [tilespmem:v18+s14+$0x60 ss:$0x1], $0xffff;
	v11 =	vor.u32 v13, v11  }
0x29f: {  	v60 =	vshll.u32 v1, $0x2;
	v59 =	vshll.u32 v4, $0x2;
	v58 =	vor.u32 v9, v50;
	v16 =	vld.idx.msk [tilespmem:v18+s11+$0x70 ss:$0x1], $0xffff;
	[tilespmem:v2+s21+$0x0] =	vst.idx.msk $0xffff, v52  }
0x2a0: {  	[tilespmem:v8+s21+$0x0] =	vst.idx.msk $0xffff, v42;
	v4 =	vand.u32 $0x7F, v4;
	v7 =	vand.u32 $0x1FE00, v59;
	v2 =	vor.u32 v13, v58;
	v8 =	vld.idx.msk [tilespmem:v18+s23+$0x70 ss:$0x1], $0xffff  }
0x2a1: {  	v4 =	vor.u32 v7, v4;
	v12 =	vld.idx.msk [tilespmem:v18+s12+$0x70 ss:$0x1], $0xffff;
	v0 =	vor.u32 v14, v57;
	[tilespmem:v6+s21+$0x0] =	vst.idx.msk $0xffff, v55  }
0x2a2: {  	v1 =	vand.u32 $0x7F, v1;
	v0 =	vor.u32 v13, v0;
	v6 =	vand.u32 $0x1FE00, v60;
	v61 =	vld.idx.msk [tilespmem:v18+s0+$0x70 ss:$0x1], $0xffff;
	[tilespmem:v5+s21+$0x0] =	vst.idx.msk $0xffff, v17  }
0x2a3: {  	v4 =	vor.u32 v13, v4;
	v1 =	vor.u32 v6, v1;
	[tilespmem:v11+s21+$0x0] =	vst.idx.msk $0xffff, v19;
	v62 =	vld.idx.msk [tilespmem:v18+s5+$0x70 ss:$0x1], $0xffff  }
0x2a4: {  	p2 =	por p1, p1;
	[tilespmem:v15+s21+$0x0] =	vst.idx.msk $0xffff, v16;
	v1 =	vor.u32 v13, v1;
	v63 =	vld.idx.msk [tilespmem:v18+s14+$0x70 ss:$0x1], $0xffff  }
.Ltmp3:
0x2a5: {  	[tilespmem:v2+s21+$0x0] =	vst.idx.msk $0xffff, v8;
	(pc) =	sbr.rel @p2 .LBB2_9-.Ltmp3, $4  }
0x2a6: {  	[tilespmem:v3+s21+$0x0] =	vst.idx.msk $0xffff, v12  }
0x2a7: {  	[tilespmem:v0+s21+$0x0] =	vst.idx.msk $0xffff, v61  }
0x2a8: {  	p1 =	por $0x0, $0x0;
	[tilespmem:v4+s21+$0x0] =	vst.idx.msk $0xffff, v62  }
0x2a9: {  	s19 =	simm.s32 $0x20;
	s20 =	simm.s32 $0xFFFFFFE0;
	s10 =	simm.s32 $0x7DF;
	[tilespmem:v1+s21+$0x0] =	vst.idx.msk $0xffff, v63  }
0x2aa: {  	v56 =	vlaneseq.u32  }
.LBB2_11:
0x2ab: {  	s0 =	sadd.s32 $0xFFFFF821, s10;
	v16 =	vor.u32 $0x10, v56;
	v15 =	vor.u32 $0x20, v56  }
0x2ac: {  	v14 =	vor.u32 $0x30, v56;
	v0 =	vmov s0;
	v1 =	vor.u32 s0, v56  }
0x2ad: {  	s8 =	sadd.s32 $0xFFFFF862, s10;
	v2 =	vor.u32 s0, v16;
	v23 =	vadd.s32 s0, v15;
	v4 =	vadd.s32 s0, v14  }
0x2ae: {  	s9 =	sadd.s32 $0xFFFFF8A3, s10;
	v26 =	vadd.s32 s8, v56;
	v29 =	vadd.s32 s8, v16;
	v31 =	vadd.s32 s8, v15  }
0x2af: {  	s11 =	sadd.s32 $0xFFFFF8E4, s10;
	v34 =	vadd.s32 s8, v14;
	v36 =	vadd.s32 s9, v56;
	v38 =	vadd.s32 s9, v16  }
0x2b0: {  	v42 =	vadd.s32 s9, v15;
	v44 =	vadd.s32 s9, v14;
	v46 =	vadd.s32 s11, v56  }
0x2b1: {  	s12 =	sadd.s32 $0xFFFFF925, s10;
	v49 =	vadd.s32 s11, v16;
	v51 =	vadd.s32 s11, v15;
	v53 =	vadd.s32 s11, v14  }
0x2b2: {  	s14 =	sadd.s32 $0xFFFFF966, s10;
	s5 =	sadd.s32 $0xFFFFFBF0, s10;
	v58 =	vadd.s32 s12, v56;
	v60 =	vadd.s32 s12, v16;
	v62 =	vadd.s32 s12, v15  }
0x2b3: {  	v7 =	vadd.s32 s12, v14;
	v9 =	vadd.s32 s14, v56;
	v12 =	vadd.s32 s5, v56  }
0x2b4: {  	v0 =	vshll.u32 v0, $0x2;
	v1 =	vand.u32 $0x6F, v1;
	v22 =	vand.u32 $0x7F, v2  }
0x2b5: {  	v3 =	vshll.u32 v23, $0x2;
	v2 =	vand.u32 $0x6F, v23;
	v24 =	vshll.u32 v4, $0x2  }
0x2b6: {  	v25 =	vand.u32 $0x7F, v4;
	v28 =	vshll.u32 v26, $0x2;
	v30 =	vshll.u32 v29, $0x2  }
0x2b7: {  	v32 =	vshll.u32 v31, $0x2;
	v33 =	vand.u32 $0x7F, v31;
	v35 =	vshll.u32 v34, $0x2  }
0x2b8: {  	v37 =	vshll.u32 v36, $0x2;
	v39 =	vshll.u32 v38, $0x2;
	v41 =	vand.u32 $0x7F, v38  }
0x2b9: {  	v43 =	vshll.u32 v42, $0x2;
	v45 =	vshll.u32 v44, $0x2;
	v47 =	vshll.u32 v46, $0x2  }
0x2ba: {  	v48 =	vand.u32 $0x7F, v46;
	v50 =	vshll.u32 v49, $0x2;
	v52 =	vshll.u32 v51, $0x2  }
0x2bb: {  	v54 =	vshll.u32 v53, $0x2;
	v57 =	vand.u32 $0x7F, v53;
	v59 =	vshll.u32 v58, $0x2  }
0x2bc: {  	s15 =	sadd.s32 $0xFFFFF9A7, s10;
	v61 =	vshll.u32 v60, $0x2;
	v63 =	vshll.u32 v62, $0x2;
	v4 =	vand.u32 $0x7F, v62  }
0x2bd: {  	v8 =	vshll.u32 v7, $0x2;
	v11 =	vshll.u32 v9, $0x2;
	v46 =	vadd.s32 s15, v15  }
0x2be: {  	v0 =	vand.u32 $0x7E00, v0;
	v1 =	vor.u32 v1, v13;
	v3 =	vand.u32 $0xFE00, v3  }
0x2bf: {  	v27 =	vor.u32 v0, v1;
	v1 =	vor.u32 v22, v13;
	v20 =	vor.u32 v3, v2  }
0x2c0: {  	v2 =	vand.u32 $0x7F, v26;
	v3 =	vand.u32 $0x7FFFFE00, v30;
	v17 =	vor.u32 v0, v1  }
0x2c1: {  	v0 =	vand.u32 $0xFE00, v24;
	v1 =	vand.u32 $0x7F, v29;
	v29 =	vadd.s32 s14, v16  }
0x2c2: {  	v5 =	vor.u32 v0, v25;
	v0 =	vand.u32 $0x7FFFFE00, v28;
	v23 =	vor.u32 v3, v1  }
0x2c3: {  	v1 =	vand.u32 $0x7F, v36;
	v3 =	vand.u32 $0x7FFFFE00, v37;
	v31 =	vshll.u32 v29, $0x2  }
0x2c4: {  	v40 =	vor.u32 v0, v2;
	v0 =	vand.u32 $0x7FFFFE00, v32;
	v2 =	vand.u32 $0x7F, v34  }
0x2c5: {  	v55 =	vor.u32 v3, v1;
	v1 =	vand.u32 $0x7F, v44;
	v3 =	vand.u32 $0x7FFFFE00, v45  }
0x2c6: {  	v32 =	vand.u32 $0x7F, v29;
	v44 =	vadd.s32 s15, v16;
	v28 =	vor.u32 v0, v33  }
0x2c7: {  	v0 =	vand.u32 $0x7FFFFE00, v35;
	v6 =	vor.u32 v3, v1;
	v1 =	vand.u32 $0x7F, v51  }
0x2c8: {  	s16 =	sadd.s32 $0xFFFFF9E8, s10;
	v3 =	vand.u32 $0x7FFFFE00, v52;
	v33 =	vadd.s32 s14, v15;
	v35 =	vadd.s32 s14, v14  }
0x2c9: {  	v45 =	vshll.u32 v44, $0x2;
	v52 =	vadd.s32 s16, v56;
	v55 =	vor.u32 v13, v55  }
0x2ca: {  	v21 =	vor.u32 v0, v2;
	v0 =	vand.u32 $0x7FFFFE00, v39;
	v2 =	vand.u32 $0x7F, v42  }
0x2cb: {  	v19 =	vor.u32 v3, v1;
	v1 =	vand.u32 $0x7F, v60;
	v3 =	vand.u32 $0x7FFFFE00, v61  }
0x2cc: {  	v34 =	vshll.u32 v33, $0x2;
	v37 =	vshll.u32 v35, $0x2;
	v39 =	vadd.s32 s15, v56  }
0x2cd: {  	v53 =	vshll.u32 v52, $0x2;
	v24 =	vor.u32 v0, v41;
	v0 =	vand.u32 $0x7FFFFE00, v43  }
0x2ce: {  	s17 =	sadd.s32 $0xFFFFFA29, s10;
	v26 =	vor.u32 v3, v1;
	v1 =	vand.u32 $0x7F, v9;
	v3 =	vand.u32 $0x7FFFFE00, v11  }
0x2cf: {  	v42 =	vshll.u32 v39, $0x2;
	v43 =	vand.u32 $0x7F, v39;
	v9 =	vadd.s32 s17, v16  }
0x2d0: {  	v10 =	vor.u32 v0, v2;
	v0 =	vand.u32 $0x7FFFFE00, v47;
	v2 =	vand.u32 $0x7F, v49  }
0x2d1: {  	s19 =	sadd.s32 $0xFFFFFA6A, s10;
	v30 =	vor.u32 v3, v1;
	v1 =	vand.u32 $0x7F, v35;
	v3 =	vand.u32 $0x7FFFFE00, v37  }
0x2d2: {  	v47 =	vshll.u32 v46, $0x2;
	v29 =	vshll.u32 v9, $0x2;
	v35 =	vadd.s32 s19, v56  }
0x2d3: {  	v38 =	vor.u32 v0, v48;
	v0 =	vand.u32 $0x7FFFFE00, v50;
	v41 =	vor.u32 v3, v1  }
0x2d4: {  	v1 =	vand.u32 $0x7F, v46;
	v3 =	vand.u32 $0x7FFFFE00, v47;
	v48 =	vadd.s32 s15, v14  }
0x2d5: {  	[tilespmem:$0x1F680] =	vst v30;
	v30 =	vand.u32 $0x7F, v9;
	v47 =	vadd.s32 s19, v14;
	v18 =	vor.u32 v0, v2  }
0x2d6: {  	v0 =	vand.u32 $0x7FFFFE00, v54;
	v2 =	vand.u32 $0x7F, v58;
	v49 =	vor.u32 v3, v1  }
0x2d7: {  	v50 =	vshll.u32 v48, $0x2;
	v51 =	vand.u32 $0x7F, v48;
	v54 =	vadd.s32 s16, v16  }
0x2d8: {  	[tilespmem:$0x1F6C0] =	vst v41;
	v58 =	vadd.s32 s16, v15;
	v41 =	vshll.u32 v35, $0x2;
	v22 =	vor.u32 v0, v57  }
0x2d9: {  	s22 =	sadd.s32 $0xFFFFFAAB, s10;
	v0 =	vand.u32 $0x7FFFFE00, v59;
	v57 =	vshll.u32 v54, $0x2;
	v1 =	vand.u32 $0x7F, v54  }
0x2da: {  	v60 =	vshll.u32 v58, $0x2;
	v61 =	vand.u32 $0x7F, v58;
	v54 =	vadd.s32 s22, v16  }
0x2db: {  	v25 =	vor.u32 v0, v2;
	v0 =	vand.u32 $0x7FFFFE00, v63;
	v2 =	vand.u32 $0x7F, v7  }
0x2dc: {  	v3 =	vand.u32 $0x7FFFFE00, v57;
	v63 =	vadd.s32 s16, v14;
	v7 =	vadd.s32 s17, v56  }
0x2dd: {  	v58 =	vshll.u32 v54, $0x2;
	v36 =	vor.u32 v0, v4;
	v0 =	vand.u32 $0x7FFFFE00, v8  }
0x2de: {  	v59 =	vor.u32 v3, v1;
	v4 =	vshll.u32 v63, $0x2;
	v8 =	vshll.u32 v7, $0x2  }
0x2df: {  	v1 =	vand.u32 $0x7F, v7;
	v62 =	vor.u32 v0, v2;
	v0 =	vand.u32 $0x7FFFFE00, v31  }
0x2e0: {  	s23 =	sadd.s32 $0xFFFFFAEC, s10;
	v2 =	vand.u32 $0x7F, v33;
	v3 =	vand.u32 $0x7FFFFE00, v8;
	v31 =	vadd.s32 s17, v15  }
0x2e1: {  	[tilespmem:$0x1F710] =	vst v59;
	v33 =	vadd.s32 s17, v14;
	v59 =	vadd.s32 s22, v15;
	v8 =	vadd.s32 s23, v56  }
0x2e2: {  	v0 =	vor.u32 v0, v32;
	v11 =	vor.u32 v3, v1;
	v32 =	vshll.u32 v31, $0x2  }
0x2e3: {  	v1 =	vand.u32 $0x7F, v33;
	v9 =	vshll.u32 v8, $0x2;
	[tilespmem:$0x1F690] =	vst v0;
	v0 =	vand.u32 $0x7FFFFE00, v34  }
0x2e4: {  	[tilespmem:$0x1F740] =	vst v11;
	v34 =	vshll.u32 v33, $0x2;
	v11 =	vadd.s32 s23, v16;
	v0 =	vor.u32 v0, v2  }
0x2e5: {  	v2 =	vand.u32 $0x7F, v44;
	v3 =	vand.u32 $0x7FFFFE00, v34;
	v34 =	vadd.s32 s23, v14  }
0x2e6: {  	[tilespmem:$0x1F6A0] =	vst v0;
	v0 =	vand.u32 $0x7FFFFE00, v42;
	v39 =	vor.u32 v3, v1;
	v42 =	vand.u32 $0x7F, v35  }
0x2e7: {  	s24 =	sadd.s32 $0xFFFFFB2D, s10;
	v35 =	vshll.u32 v34, $0x2;
	v0 =	vor.u32 v0, v43;
	[tilespmem:$0x1F760] =	vst v39;
	v43 =	vadd.s32 s19, v16  }
0x2e8: {  	v39 =	vadd.s32 s24, v56;
	[tilespmem:$0x1F6B0] =	vst v0;
	v0 =	vand.u32 $0x7FFFFE00, v45;
	v44 =	vshll.u32 v43, $0x2  }
0x2e9: {  	v45 =	vadd.s32 s19, v15;
	v0 =	vor.u32 v0, v2;
	v2 =	vand.u32 $0x7F, v52  }
0x2ea: {  	v46 =	vshll.u32 v45, $0x2;
	v1 =	vand.u32 $0x7F, v45;
	v52 =	vadd.s32 s22, v56  }
0x2eb: {  	v45 =	vadd.s32 s24, v16;
	[tilespmem:$0x1F6D0] =	vst v0;
	v0 =	vand.u32 $0x7FFFFE00, v50;
	v3 =	vand.u32 $0x7FFFFE00, v46  }
0x2ec: {  	v50 =	vshll.u32 v47, $0x2;
	v46 =	vshll.u32 v45, $0x2;
	v0 =	vor.u32 v0, v51  }
0x2ed: {  	s25 =	sadd.s32 $0xFFFFFB6E, s10;
	v48 =	vor.u32 v3, v1;
	v51 =	vand.u32 $0x7F, v47;
	v1 =	vand.u32 $0x7F, v54  }
0x2ee: {  	v3 =	vand.u32 $0x7FFFFE00, v58;
	v47 =	vadd.s32 s24, v15;
	v58 =	vadd.s32 s25, v56;
	[tilespmem:$0x1F700] =	vst v0  }
0x2ef: {  	v0 =	vand.u32 $0x7FFFFE00, v53;
	[tilespmem:$0x1F770] =	vst v48;
	v53 =	vshll.u32 v52, $0x2;
	v48 =	vshll.u32 v47, $0x2  }
0x2f0: {  	v0 =	vor.u32 v0, v2;
	v2 =	vand.u32 $0x7F, v63;
	v63 =	vand.u32 $0x7F, v59  }
0x2f1: {  	[tilespmem:$0x1F6E0] =	vst v0;
	v0 =	vand.u32 $0x7FFFFE00, v60;
	v60 =	vor.u32 v3, v1;
	v1 =	vand.u32 $0x7F, v8  }
0x2f2: {  	v3 =	vand.u32 $0x7FFFFE00, v9;
	v8 =	vadd.s32 s25, v14;
	v0 =	vor.u32 v0, v61;
	[tilespmem:$0x1F790] =	vst v60  }
0x2f3: {  	v61 =	vshll.u32 v59, $0x2;
	v60 =	vshll.u32 v58, $0x2;
	[tilespmem:$0x1F720] =	vst v0;
	v0 =	vand.u32 $0x7FFFFE00, v4  }
0x2f4: {  	v9 =	vshll.u32 v8, $0x2;
	v4 =	vadd.s32 s22, v14;
	v0 =	vor.u32 v0, v2  }
0x2f5: {  	v2 =	vand.u32 $0x7F, v31;
	v7 =	vshll.u32 v4, $0x2;
	v31 =	vand.u32 $0x7F, v11  }
0x2f6: {  	[tilespmem:$0x1F730] =	vst v0;
	v0 =	vand.u32 $0x7FFFFE00, v29;
	v29 =	vor.u32 v3, v1;
	v1 =	vand.u32 $0x7F, v34  }
0x2f7: {  	v3 =	vand.u32 $0x7FFFFE00, v35;
	v34 =	vshll.u32 v12, $0x2;
	v35 =	vand.u32 $0x7F, v12  }
0x2f8: {  	s26 =	sadd.s32 $0xFFFFFBAF, s10;
	v12 =	vadd.s32 s5, v14;
	v37 =	vor.u32 v0, v30;
	v0 =	vand.u32 $0x7FFFFE00, v32  }
0x2f9: {  	v30 =	vshll.u32 v11, $0x2;
	v32 =	vadd.s32 s23, v15;
	v11 =	vadd.s32 s26, v56  }
0x2fa: {  	[tilespmem:$0x1F7C0] =	vst v29;
	v0 =	vor.u32 v0, v2;
	v2 =	vand.u32 $0x7F, v43;
	v33 =	vshll.u32 v32, $0x2  }
0x2fb: {  	v43 =	vshll.u32 v39, $0x2;
	v29 =	vshll.u32 v11, $0x2;
	[tilespmem:$0x1F750] =	vst v0;
	v0 =	vand.u32 $0x7FFFFE00, v41  }
0x2fc: {  	v57 =	vor.u32 v0, v42;
	v0 =	vand.u32 $0x7FFFFE00, v44;
	v42 =	vor.u32 v3, v1  }
0x2fd: {  	[tilespmem:$0x1F6F0] =	vst v49;
	v44 =	vand.u32 $0x7F, v39;
	v49 =	vor.u32 v0, v2;
	v0 =	vand.u32 $0x7FFFFE00, v50  }
0x2fe: {  	v1 =	vand.u32 $0x7F, v47;
	v3 =	vand.u32 $0x7FFFFE00, v48;
	v0 =	vor.u32 v0, v51  }
0x2ff: {  	v39 =	vadd.s32 s5, v16;
	v2 =	vand.u32 $0x7F, v52;
	[tilespmem:$0x1F780] =	vst v0;
	v0 =	vand.u32 $0x7FFFFE00, v53  }
0x300: {  	v48 =	vshll.u32 v12, $0x2;
	v41 =	vor.u32 v0, v2;
	v0 =	vand.u32 $0x7FFFFE00, v61  }
0x301: {  	[tilespmem:$0x1F7F0] =	vst v42;
	v50 =	vadd.s32 s24, v14;
	v42 =	vshll.u32 v39, $0x2;
	v0 =	vor.u32 v0, v63  }
0x302: {  	v51 =	vor.u32 v3, v1;
	v2 =	vand.u32 $0x7F, v4;
	[tilespmem:$0x1F7A0] =	vst v0;
	v0 =	vand.u32 $0x7FFFFE00, v7  }
0x303: {  	v52 =	vshll.u32 v50, $0x2;
	v61 =	vadd.s32 s25, v16;
	v0 =	vor.u32 v0, v2  }
0x304: {  	v54 =	vand.u32 $0x7F, v50;
	v63 =	vshll.u32 v61, $0x2;
	[tilespmem:$0x1F7B0] =	vst v0;
	v0 =	vand.u32 $0x7FFFFE00, v30  }
0x305: {  	v1 =	vand.u32 $0x7F, v61;
	v61 =	vand.u32 $0x7F, v12;
	v0 =	vor.u32 v0, v31  }
0x306: {  	s8 =	sadd.s32 $0xFFFFFC31, s10;
	v3 =	vand.u32 $0x7FFFFE00, v63;
	v2 =	vand.u32 $0x7F, v32;
	[tilespmem:$0x1F7D0] =	vst v0;
	v0 =	vand.u32 $0x7FFFFE00, v33  }
0x307: {  	v7 =	vadd.s32 s25, v15;
	v63 =	vmov s8;
	v0 =	vor.u32 v0, v2  }
0x308: {  	v4 =	vshll.u32 v7, $0x2;
	v7 =	vand.u32 $0x7F, v7;
	[tilespmem:$0x1F7E0] =	vst v0;
	v0 =	vand.u32 $0x7FFFFE00, v43  }
0x309: {  	v2 =	vand.u32 $0x7F, v45;
	v59 =	vor.u32 v0, v44;
	v0 =	vand.u32 $0x7FFFFE00, v46  }
0x30a: {  	v32 =	vadd.s32 s26, v15;
	v53 =	vor.u32 v0, v2;
	v0 =	vand.u32 $0x7FFFFE00, v52  }
0x30b: {  	v33 =	vshll.u32 v32, $0x2;
	v43 =	vadd.s32 s5, v15;
	v0 =	vor.u32 v0, v54  }
0x30c: {  	v44 =	vshll.u32 v43, $0x2;
	v2 =	vand.u32 $0x7F, v58;
	[tilespmem:$0x1F810] =	vst v0;
	v0 =	vand.u32 $0x7FFFFE00, v60  }
0x30d: {  	v60 =	vor.u32 v3, v1;
	v1 =	vand.u32 $0x7F, v11;
	v3 =	vadd.s32 s8, v16  }
0x30e: {  	v0 =	vor.u32 v0, v2;
	v2 =	vand.u32 $0x7F, v8;
	v8 =	vadd.s32 s26, v16  }
0x30f: {  	[tilespmem:$0x1F820] =	vst v0;
	v0 =	vand.u32 $0x7FFFFE00, v4;
	v30 =	vshll.u32 v8, $0x2;
	v31 =	vand.u32 $0x7F, v8  }
0x310: {  	v8 =	vand.u32 $0x7F, v32;
	v54 =	vor.u32 v0, v7;
	v0 =	vand.u32 $0x7FFFFE00, v9  }
0x311: {  	v7 =	vand.u32 $0x7FFFFE00, v29;
	v9 =	vadd.s32 s26, v14;
	v29 =	vadd.s32 s8, v15  }
0x312: {  	v58 =	vor.u32 v0, v2;
	v50 =	vor.u32 v7, v1;
	v2 =	vand.u32 $0x7FFFFE00, v30  }
0x313: {  	v7 =	vand.u32 $0x7FFFFE00, v33;
	v11 =	vshll.u32 v9, $0x2;
	v9 =	vand.u32 $0x7F, v9  }
0x314: {  	v0 =	vshll.u32 v63, $0x2;
	v1 =	vor.u32 s8, v56;
	v30 =	vand.u32 $0x6F, v3  }
0x315: {  	s9 =	sadd.s32 $0xFFFFFCB3, s10;
	v12 =	vshll.u32 v29, $0x2;
	v63 =	vor.u32 v13, v23;
	v23 =	vor.u32 v13, v28  }
0x316: {  	v28 =	vadd.s32 s9, v56;
	v47 =	vor.u32 v2, v31;
	v11 =	vand.u32 $0x7FFFFE00, v11  }
0x317: {  	v46 =	vor.u32 v7, v8;
	v7 =	vand.u32 $0x7FFFFE00, v34;
	v8 =	vand.u32 $0x7F, v43  }
0x318: {  	[tilespmem:$0x1F800] =	vst v51;
	v2 =	vor.u32 v13, v40;
	v12 =	vand.u32 $0x7FFFFE00, v12;
	v51 =	vor.u32 v11, v9  }
0x319: {  	v45 =	vor.u32 v7, v35;
	v9 =	vand.u32 $0x7F, v39;
	v7 =	vand.u32 $0x7FFFFE00, v42  }
0x31a: {  	v31 =	vld.idx.msk [tilespmem:v27+s21+$0x0], $0xffff;
	v27 =	vor.u32 v13, v20;
	v11 =	vand.u32 $0x7FFFFE00, v44;
	v44 =	vor.u32 v7, v9  }
0x31b: {  	s5 =	sadd.s32 $0xFFFFFC72, s10;
	v52 =	vor.u32 v11, v8;
	v7 =	vand.u32 $0x7FFFFE00, v48;
	v8 =	vand.u32 $0x7F, v1  }
0x31c: {  	v48 =	vadd.s32 s5, v16;
	v43 =	vor.u32 v7, v61;
	v7 =	vand.u32 $0x7E00, v0  }
0x31d: {  	v61 =	vadd.s32 s8, v14;
	v0 =	vadd.s32 s5, v56;
	v1 =	vshll.u32 v48, $0x2  }
0x31e: {  	v40 =	vor.u32 v7, v8;
	v7 =	vshll.u32 v3, $0x2;
	v8 =	vand.u32 $0x7F, v29  }
0x31f: {  	v39 =	vshll.u32 v0, $0x2;
	v42 =	vand.u32 $0x7F, v0;
	v29 =	vand.u32 $0x7F, v28  }
0x320: {  	v7 =	vand.u32 $0x7FFFFE00, v7;
	v35 =	vor.u32 v12, v8;
	v12 =	vshll.u32 v61, $0x2  }
0x321: {  	v9 =	vld.idx.msk [tilespmem:v2+s21+$0x0], $0xffff;
	v8 =	vand.u32 $0x6F, v61;
	v39 =	vand.u32 $0x7FFFFE00, v39;
	v2 =	vand.u32 $0x7F, v48  }
0x322: {  	v48 =	vor.u32 v13, v5;
	v34 =	vor.u32 v7, v30;
	v12 =	vand.u32 $0x7FFFFE00, v12  }
0x323: {  	[tilespmem:s18+$0xFFFFF000] =	vst v31;
	v39 =	vor.u32 v39, v42;
	v33 =	vor.u32 v12, v8;
	v12 =	vadd.s32 s5, v15  }
0x324: {  	v3 =	vld.idx.msk [tilespmem:v17+s21+$0x0], $0xffff;
	v4 =	vshll.u32 v12, $0x2;
	v20 =	vand.u32 $0x7F, v12;
	v12 =	vadd.s32 s5, v14  }
0x325: {  	v7 =	vor.u32 v13, v26;
	v8 =	vand.u32 $0x7FFFFE00, v1;
	v61 =	vshll.u32 v12, $0x2  }
0x326: {  	v12 =	vand.u32 $0x7F, v12;
	[tilespmem:s18+$0xFFFFF040] =	vst v9;
	v9 =	vand.u32 $0x7FFFFE00, v4;
	v61 =	vand.u32 $0x7FFFFE00, v61  }
0x327: {  	v42 =	vor.u32 v8, v2;
	v17 =	vld.idx.msk [tilespmem:v63+s21+$0x0], $0xffff;
	v32 =	vor.u32 v9, v20;
	v31 =	vor.u32 v61, v12  }
0x328: {  	v55 =	vld.idx.msk [tilespmem:v55+s21+$0x0], $0xffff;
	v63 =	vadd.s32 s9, v16;
	v61 =	vshll.u32 v28, $0x2;
	v12 =	vor.u32 v13, v19  }
0x329: {  	v26 =	vld [tilespmem:$0x1F6F0];
	[tilespmem:s18+$0xFFFFF010] =	vst v3;
	v30 =	vshll.u32 v63, $0x2;
	v4 =	vand.u32 $0x7FFFFE00, v61;
	v11 =	vand.u32 $0x7F, v63  }
0x32a: {  	s11 =	sadd.s32 $0xFFFFFCF4, s10;
	v8 =	vld.idx.msk [tilespmem:v27+s21+$0x0], $0xffff;
	v0 =	vand.u32 $0x7FFFFE00, v30;
	v30 =	vor.u32 v4, v29;
	v4 =	vor.u32 v13, v38  }
0x32b: {  	v19 =	vld [tilespmem:$0x1F6C0];
	v61 =	vor.u32 v13, v21;
	v21 =	vadd.s32 s9, v14;
	v38 =	vadd.s32 s11, v56  }
0x32c: {  	v29 =	vor.u32 v0, v11;
	v11 =	vor.u32 v13, v10;
	v10 =	vld [tilespmem:$0x1F6A0];
	[tilespmem:s18+$0xFFFFF050] =	vst v17;
	v17 =	vadd.s32 s9, v15  }
0x32d: {  	v1 =	vand.u32 $0x7F, v21;
	v3 =	vshll.u32 v38, $0x2;
	v9 =	vld.idx.msk [tilespmem:v23+s21+$0x0], $0xffff;
	v20 =	vshll.u32 v17, $0x2  }
0x32e: {  	v23 =	vshll.u32 v21, $0x2;
	v21 =	vand.u32 $0x7F, v38;
	v38 =	vor.u32 v13, v25;
	v25 =	vld [tilespmem:$0x1F6E0]  }
0x32f: {  	v63 =	vor.u32 v13, v24;
	v0 =	vand.u32 $0x7F, v17;
	[tilespmem:s18+$0xFFFFF020] =	vst v8;
	v2 =	vand.u32 $0x7FFFFE00, v20;
	v27 =	vld.idx.msk [tilespmem:v4+s21+$0x0], $0xffff  }
0x330: {  	v28 =	vand.u32 $0x7FFFFE00, v23;
	v20 =	vadd.s32 s11, v16;
	v24 =	vor.u32 v2, v0;
	v2 =	vld.idx.msk [tilespmem:v48+s21+$0x0], $0xffff  }
0x331: {  	v23 =	vshll.u32 v20, $0x2;
	v8 =	vand.u32 $0x7F, v20;
	v20 =	vor.u32 v13, v6;
	v6 =	vld [tilespmem:$0x1F680]  }
0x332: {  	v3 =	vand.u32 $0x7FFFFE00, v3;
	v17 =	vor.u32 v28, v1;
	v28 =	vor.u32 v13, v18;
	v18 =	vld [tilespmem:$0x1F6B0]  }
0x333: {  	v48 =	vor.u32 v3, v21;
	v21 =	vor.u32 v13, v22;
	v22 =	vld [tilespmem:$0x1F6D0]  }
0x334: {  	[tilespmem:s18+$0xFFFFF200] =	vst v55;
	v55 =	vand.u32 $0x7FFFFE00, v23;
	v23 =	vor.u32 v13, v62;
	v62 =	vld [tilespmem:$0x1F740]  }
0x335: {  	v3 =	vld.idx.msk [tilespmem:v38+s21+$0x0], $0xffff  }
0x336: {  	[tilespmem:s18+$0xFFFFF060] =	vst v9;
	v38 =	vld [tilespmem:$0x1F730]  }
0x337: {  	v9 =	vld.idx.msk [tilespmem:v61+s21+$0x0], $0xffff  }
0x338: {  	v61 =	vld.idx.msk [tilespmem:v63+s21+$0x0], $0xffff  }
0x339: {  	v63 =	vor.u32 v55, v8;
	v8 =	vld [tilespmem:$0x1F690]  }
0x33a: {  	[tilespmem:s18+$0xFFFFF240] =	vst v27;
	v27 =	vld [tilespmem:$0x1F700]  }
0x33b: {  	v0 =	vor.u32 v13, v6;
	v55 =	vld.idx.msk [tilespmem:v28+s21+$0x0], $0xffff  }
0x33c: {  	[tilespmem:s18+$0xFFFFF030] =	vst v2;
	v28 =	vld [tilespmem:$0x1F710]  }
0x33d: {  	v1 =	vor.u32 v13, v18;
	v2 =	vor.u32 v13, v25;
	v25 =	vor.u32 v13, v62;
	v62 =	vld [tilespmem:$0x1F770];
	[tilespmem:s18+$0xFFFFF400] =	vst v3  }
0x33e: {  	[tilespmem:s18+$0xFFFFF070] =	vst v9;
	v9 =	vor.u32 v13, v36;
	v36 =	vld [tilespmem:$0x1F720]  }
0x33f: {  	v7 =	vld.idx.msk [tilespmem:v7+s21+$0x0], $0xffff  }
0x340: {  	v0 =	vld.idx.msk [tilespmem:v0+s21+$0x0], $0xffff  }
0x341: {  	v5 =	vor.u32 v13, v28;
	v28 =	vld [tilespmem:$0x1F750]  }
0x342: {  	v1 =	vld.idx.msk [tilespmem:v1+s21+$0x0], $0xffff  }
0x343: {  	[tilespmem:s18+$0xFFFFF250] =	vst v55;
	v55 =	vld [tilespmem:$0x1F7B0]  }
0x344: {  	[tilespmem:s18+$0xFFFFF210] =	vst v61;
	v2 =	vld.idx.msk [tilespmem:v2+s21+$0x0], $0xffff  }
0x345: {  	v46 =	vor.u32 v13, v46;
	v11 =	vld.idx.msk [tilespmem:v11+s21+$0x0], $0xffff  }
0x346: {  	[tilespmem:$0x1F870] =	vst v46;
	v51 =	vor.u32 v13, v51;
	v4 =	vor.u32 v13, v36;
	v36 =	vld [tilespmem:$0x1F760]  }
0x347: {  	v6 =	vor.u32 v13, v22;
	v61 =	vor.u32 v13, v8;
	[tilespmem:s18+$0xFFFFF410] =	vst v7;
	v7 =	vld.idx.msk [tilespmem:v12+s21+$0x0], $0xffff  }
0x348: {  	[tilespmem:$0x1F890] =	vst v51;
	v22 =	vor.u32 v13, v38;
	v38 =	vor.u32 v13, v28;
	v28 =	vor.u32 v13, v55;
	v55 =	vld [tilespmem:$0x1F7D0]  }
0x349: {  	[tilespmem:s18+$0xFFFFF440] =	vst v0;
	v0 =	vor.u32 v13, v59;
	v59 =	vor.u32 v13, v53;
	v53 =	vld [tilespmem:$0x1F800]  }
0x34a: {  	v37 =	vor.u32 v13, v37;
	v52 =	vor.u32 v13, v52;
	[tilespmem:s18+$0xFFFFF600] =	vst v1;
	v1 =	vld [tilespmem:$0x1F810]  }
0x34b: {  	v60 =	vor.u32 v13, v60;
	[tilespmem:$0x1F880] =	vst v52;
	v51 =	vor.u32 v13, v43;
	v9 =	vld.idx.msk [tilespmem:v9+s21+$0x0], $0xffff  }
0x34c: {  	v12 =	vor.u32 v13, v30;
	[tilespmem:s18+$0xFFFFF640] =	vst v2;
	v2 =	vor.u32 v13, v50;
	v50 =	vld.idx.msk [tilespmem:v61+s21+$0x0], $0xffff  }
0x34d: {  	v46 =	vor.u32 v13, v44;
	[tilespmem:$0x1F8A0] =	vst v51;
	v51 =	vor.u32 v13, v34;
	v52 =	vld.idx.msk [tilespmem:v6+s21+$0x0], $0xffff  }
0x34e: {  	v44 =	vor.u32 v13, v39;
	v39 =	vadd.s32 s11, v15;
	v34 =	vor.u32 v13, v42;
	[tilespmem:s18+$0xFFFFF220] =	vst v11;
	v43 =	vld.idx.msk [tilespmem:v5+s21+$0x0], $0xffff  }
0x34f: {  	v42 =	vor.u32 v13, v29;
	v10 =	vor.u32 v13, v10;
	v18 =	vor.u32 v13, v19;
	v20 =	vld.idx.msk [tilespmem:v20+s21+$0x0], $0xffff  }
0x350: {  	v8 =	vor.u32 v13, v26;
	v19 =	vor.u32 v13, v27;
	v26 =	vor.u32 v13, v36;
	v36 =	vld [tilespmem:$0x1F780]  }
0x351: {  	v29 =	vand.u32 $0x7F, v39;
	v61 =	vor.u32 v13, v45;
	v45 =	vor.u32 v13, v35;
	[tilespmem:s18+$0xFFFFF260] =	vst v7;
	v12 =	vld.idx.msk [tilespmem:v12+s21+$0x0], $0xffff  }
0x352: {  	[tilespmem:$0x1F830] =	vst v26;
	v26 =	vor.u32 v13, v57;
	v57 =	vor.u32 v13, v49;
	v49 =	vor.u32 v13, v62;
	v62 =	vld [tilespmem:$0x1F790]  }
0x353: {  	v35 =	vor.u32 v13, v33;
	v6 =	vor.u32 v13, v32;
	v32 =	vor.u32 v13, v31;
	v21 =	vld.idx.msk [tilespmem:v21+s21+$0x0], $0xffff  }
0x354: {  	v5 =	vor.u32 v13, v17;
	v33 =	vshll.u32 v39, $0x2;
	v39 =	vadd.s32 s11, v14;
	v0 =	vld.idx.msk [tilespmem:v0+s21+$0x0], $0xffff  }
0x355: {  	s12 =	sadd.s32 $0xFFFFFD35, s10;
	v17 =	vand.u32 $0x7FFFFE00, v33;
	v33 =	vand.u32 $0x7F, v39;
	v1 =	vor.u32 v13, v1;
	[tilespmem:s18+$0xFFFFF420] =	vst v9;
	v2 =	vld.idx.msk [tilespmem:v2+s21+$0x0], $0xffff  }
0x356: {  	v17 =	vor.u32 v17, v29;
	v7 =	vor.u32 v13, v63;
	v63 =	vadd.s32 s12, v16;
	[tilespmem:$0x1F860] =	vst v1;
	v1 =	vld [tilespmem:$0x1F820]  }
0x357: {  	v3 =	vor.u32 v13, v55;
	v53 =	vor.u32 v13, v53;
	v30 =	vshll.u32 v63, $0x2;
	[tilespmem:s18+$0xFFFFF450] =	vst v50;
	v23 =	vld.idx.msk [tilespmem:v23+s21+$0x0], $0xffff  }
0x358: {  	[tilespmem:s18+$0xFFFFF610] =	vst v52;
	v50 =	vor.u32 v13, v48;
	v52 =	vshll.u32 v39, $0x2;
	v39 =	vadd.s32 s12, v56;
	v10 =	vld.idx.msk [tilespmem:v10+s21+$0x0], $0xffff  }
0x359: {  	[tilespmem:s18+$0xFFFFF650] =	vst v43;
	v8 =	vld.idx.msk [tilespmem:v8+s21+$0x0], $0xffff;
	v29 =	vand.u32 $0x7FFFFE00, v52;
	v43 =	vshll.u32 v39, $0x2;
	v48 =	vand.u32 $0x7F, v39  }
0x35a: {  	v11 =	vld.idx.msk [tilespmem:v4+s21+$0x0], $0xffff;
	v4 =	vor.u32 v13, v17;
	v39 =	vand.u32 $0x7FFFFE00, v30;
	v27 =	vor.u32 v13, v36  }
0x35b: {  	v29 =	vor.u32 v29, v33;
	v52 =	vand.u32 $0x7FFFFE00, v43;
	v33 =	vand.u32 $0x7F, v63;
	v36 =	vld [tilespmem:$0x1F7A0];
	[tilespmem:$0x1F840] =	vst v27  }
0x35c: {  	v43 =	vadd.s32 s12, v15;
	v27 =	vor.u32 v13, v41;
	v41 =	vor.u32 v13, v62;
	v62 =	vld [tilespmem:$0x1F7C0];
	[tilespmem:s18+$0xFFFFF270] =	vst v21  }
0x35d: {  	v63 =	vadd.s32 s12, v14;
	v9 =	vor.u32 v52, v48;
	v48 =	vshll.u32 v43, $0x2;
	v21 =	vld.idx.msk [tilespmem:v25+s21+$0x0], $0xffff;
	[tilespmem:s18+$0xFFFFF460] =	vst v10  }
0x35e: {  	s14 =	sadd.s32 $0xFFFFFD76, s10;
	v52 =	vand.u32 $0x7F, v43;
	v31 =	vshll.u32 v63, $0x2;
	v1 =	vor.u32 v13, v1;
	[tilespmem:s18+$0xFFFFF620] =	vst v8;
	v17 =	vld.idx.msk [tilespmem:v18+s21+$0x0], $0xffff  }
0x35f: {  	v43 =	vadd.s32 s14, v56;
	[tilespmem:s18+$0xFFFFF660] =	vst v11;
	v10 =	vor.u32 v13, v29;
	v8 =	vor.u32 v39, v33;
	v11 =	vld.idx.msk [tilespmem:v19+s21+$0x0], $0xffff  }
0x360: {  	[tilespmem:s18+$0xFFFFF230] =	vst v20;
	v33 =	vand.u32 $0x7F, v63;
	v20 =	vld.idx.msk [tilespmem:v22+s21+$0x0], $0xffff;
	v18 =	vand.u32 $0x7FFFFE00, v48;
	v19 =	vor.u32 v13, v9  }
0x361: {  	[tilespmem:$0x1F850] =	vst v28;
	v22 =	vld.idx.msk [tilespmem:v26+s21+$0x0], $0xffff;
	v39 =	vor.u32 v13, v8;
	v48 =	vshll.u32 v43, $0x2;
	v28 =	vor.u32 v13, v62  }
0x362: {  	[tilespmem:s18+$0xFFFFFC00] =	vst v0;
	v36 =	vor.u32 v13, v36;
	v30 =	vor.u32 v18, v52;
	v18 =	vand.u32 $0x7FFFFE00, v31;
	v62 =	vld [tilespmem:$0x1F7E0]  }
0x363: {  	v52 =	vand.u32 $0x7F, v43;
	v63 =	vand.u32 $0x7FFFFE00, v48;
	v18 =	vor.u32 v18, v33;
	[tilespmem:s18+$0xFFFFF470] =	vst v17;
	v17 =	vld.idx.msk [tilespmem:v27+s21+$0x0], $0xffff  }
0x364: {  	v43 =	vadd.s32 s14, v15;
	v8 =	vor.u32 v13, v30;
	v29 =	vor.u32 v63, v52;
	[tilespmem:s18+$0xFFFFF800] =	vst v21;
	v1 =	vld.idx.msk [tilespmem:v1+s21+$0x0], $0xffff  }
0x365: {  	v48 =	vld.idx.msk [tilespmem:v37+s21+$0x0], $0xffff;
	v9 =	vor.u32 v13, v18;
	v37 =	vadd.s32 s14, v14;
	v52 =	vor.u32 v13, v29;
	[tilespmem:s18+$0xFFFFF630] =	vst v11  }
0x366: {  	v29 =	vshll.u32 v37, $0x2;
	[tilespmem:s18+$0xFFFFF670] =	vst v20;
	v27 =	vshll.u32 v43, $0x2;
	v11 =	vld.idx.msk [tilespmem:v28+s21+$0x0], $0xffff;
	v28 =	vadd.s32 s14, v16  }
0x367: {  	[tilespmem:s18+$0xFFFFF840] =	vst v22;
	v20 =	vand.u32 $0x7FFFFE00, v29;
	v55 =	vor.u32 v13, v62;
	v62 =	vld [tilespmem:$0x1F7F0];
	v30 =	vshll.u32 v28, $0x2  }
0x368: {  	v21 =	vand.u32 $0x7FFFFE00, v27;
	v31 =	vand.u32 $0x7F, v28;
	v28 =	vld.idx.msk [tilespmem:v57+s21+$0x0], $0xffff;
	v33 =	vand.u32 $0x7FFFFE00, v30;
	[tilespmem:s18+$0xFFFFFA00] =	vst v17  }
0x369: {  	s15 =	sadd.s32 $0xFFFFFDB7, s10;
	[tilespmem:s18+$0xFFFFF430] =	vst v23;
	v30 =	vand.u32 $0x7F, v37;
	v63 =	vor.u32 v33, v31;
	v33 =	vand.u32 $0x7F, v43;
	v43 =	vld.idx.msk [tilespmem:v41+s21+$0x0], $0xffff  }
0x36a: {  	[tilespmem:s18+$0xFFFFFC40] =	vst v1;
	v31 =	vadd.s32 s15, v56;
	v17 =	vor.u32 v21, v33;
	v33 =	vld.idx.msk [tilespmem:v59+s21+$0x0], $0xffff;
	v37 =	vor.u32 v13, v63  }
0x36b: {  	[tilespmem:s18+$0xFFFFF810] =	vst v48;
	v57 =	vshll.u32 v31, $0x2;
	v59 =	vld.idx.msk [tilespmem:v60+s21+$0x0], $0xffff;
	v60 =	vand.u32 $0x7F, v31;
	v63 =	vadd.s32 s15, v16  }
0x36c: {  	v23 =	vld.idx.msk [tilespmem:v38+s21+$0x0], $0xffff;
	v41 =	vadd.s32 s15, v15;
	[tilespmem:s18+$0xFFFFFA40] =	vst v11;
	v18 =	vand.u32 $0x7FFFFE00, v57;
	v48 =	vshll.u32 v63, $0x2  }
0x36d: {  	v38 =	vand.u32 $0x7F, v63;
	v3 =	vld.idx.msk [tilespmem:v3+s21+$0x0], $0xffff;
	v29 =	vor.u32 v18, v60;
	v18 =	vand.u32 $0x7FFFFE00, v48  }
0x36e: {  	v54 =	vor.u32 v13, v54;
	[tilespmem:s18+$0xFFFFF850] =	vst v28;
	v60 =	vshll.u32 v41, $0x2;
	v57 =	vor.u32 v18, v38;
	v38 =	vld [tilespmem:$0x1F840]  }
0x36f: {  	v0 =	vor.u32 v20, v30;
	v30 =	vand.u32 $0x7F, v41;
	v49 =	vld.idx.msk [tilespmem:v49+s21+$0x0], $0xffff;
	v11 =	vand.u32 $0x7FFFFE00, v60  }
0x370: {  	v1 =	vor.u32 v11, v30;
	v30 =	vld [tilespmem:$0x1F830];
	[tilespmem:s18+$0xFFFFFA10] =	vst v43  }
0x371: {  	[tilespmem:s18+$0xFFFFFC10] =	vst v33;
	v43 =	vld.idx.msk [tilespmem:v36+s21+$0x0], $0xffff  }
0x372: {  	[tilespmem:s18+$0xFFFFFC50] =	vst v59;
	v33 =	vld.idx.msk [tilespmem:v53+s21+$0x0], $0xffff  }
0x373: {  	v31 =	vadd.s32 s15, v14;
	v60 =	vld.idx.msk [tilespmem:v54+s21+$0x0], $0xffff  }
0x374: {  	s16 =	sadd.s32 $0xFFFFFDF8, s10;
	v58 =	vor.u32 v13, v58;
	v21 =	vand.u32 $0x7F, v31;
	v59 =	vshll.u32 v31, $0x2;
	v53 =	vld [tilespmem:$0x1F850];
	[tilespmem:s18+$0xFFFFFA50] =	vst v3  }
0x375: {  	v27 =	vor.u32 v13, v29;
	v29 =	vadd.s32 s16, v56;
	v11 =	vand.u32 $0x7FFFFE00, v59;
	v63 =	vld.idx.msk [tilespmem:v55+s21+$0x0], $0xffff;
	[tilespmem:s18+$0xFFFFF860] =	vst v49  }
0x376: {  	v47 =	vor.u32 v13, v47;
	[tilespmem:s18+$0xFFFFF820] =	vst v23;
	v36 =	vshll.u32 v29, $0x2;
	v31 =	vor.u32 v11, v21;
	v21 =	vld.idx.msk [tilespmem:v38+s21+$0x0], $0xffff  }
0x377: {  	v40 =	vor.u32 v13, v40;
	v62 =	vor.u32 v13, v62;
	[tilespmem:s18+$0xFFFFFA20] =	vst v43;
	v43 =	vand.u32 $0x7FFFFE00, v36;
	v36 =	vld [tilespmem:$0x1F860]  }
0x378: {  	v24 =	vor.u32 v13, v24;
	v20 =	vor.u32 v13, v0;
	v41 =	vand.u32 $0x7F, v29;
	[tilespmem:s18+$0xFFFFFC60] =	vst v60;
	v25 =	vld.idx.msk [tilespmem:v30+s21+$0x0], $0xffff  }
0x379: {  	v28 =	vor.u32 v13, v17;
	v48 =	vadd.s32 s16, v16;
	v55 =	vor.u32 v43, v41;
	v43 =	vld.idx.msk [tilespmem:v58+s21+$0x0], $0xffff  }
0x37a: {  	v49 =	vor.u32 v13, v57;
	v57 =	vshll.u32 v48, $0x2;
	[tilespmem:s18+$0xFFFFFC20] =	vst v33;
	v33 =	vadd.s32 s16, v15;
	v58 =	vld.idx.msk [tilespmem:v44+s21+$0x0], $0xffff  }
0x37b: {  	v3 =	vand.u32 $0x7FFFFE00, v57;
	v30 =	vor.u32 v13, v31;
	v41 =	vshll.u32 v33, $0x2;
	v31 =	vld.idx.msk [tilespmem:v61+s21+$0x0], $0xffff;
	[tilespmem:s18+$0xFFFFFA60] =	vst v63  }
0x37c: {  	[tilespmem:s18+$0x200] =	vst v12;
	v60 =	vand.u32 $0x7F, v33;
	v63 =	vand.u32 $0x7F, v48;
	v59 =	vld.idx.msk [tilespmem:v62+s21+$0x0], $0xffff;
	v62 =	vadd.s32 s16, v14  }
0x37d: {  	[tilespmem:s18+$0xFFFFFE00] =	vst v2;
	v54 =	vld.idx.msk [tilespmem:v53+s21+$0x0], $0xffff;
	v38 =	vor.u32 v3, v63;
	v3 =	vand.u32 $0x7FFFFE00, v41;
	v29 =	vshll.u32 v62, $0x2  }
0x37e: {  	v41 =	vld.idx.msk [tilespmem:v47+s21+$0x0], $0xffff;
	v63 =	vor.u32 v3, v60;
	v48 =	vand.u32 $0x7F, v62;
	[tilespmem:s18+$0xFFFFF870] =	vst v21;
	v3 =	vand.u32 $0x7FFFFE00, v29  }
0x37f: {  	s17 =	sadd.s32 $0xFFFFFE39, s10;
	v21 =	vor.u32 v13, v55;
	v55 =	vor.u32 v3, v48;
	[tilespmem:s18+$0x40] =	vst v58;
	v58 =	vld.idx.msk [tilespmem:v42+s21+$0x0], $0xffff  }
0x380: {  	v53 =	vadd.s32 s17, v56;
	v33 =	vor.u32 v13, v38;
	[tilespmem:s18+$0xFFFFFE40] =	vst v31;
	v31 =	vor.u32 v13, v55;
	v55 =	vld.idx.msk [tilespmem:v34+s21+$0x0], $0xffff  }
0x381: {  	v57 =	vshll.u32 v53, $0x2;
	v60 =	vadd.s32 s17, v16;
	v38 =	vadd.s32 s17, v15;
	[tilespmem:s18+$0xFFFFFC70] =	vst v43;
	v17 =	vld.idx.msk [tilespmem:v36+s21+$0x0], $0xffff  }
0x382: {  	v62 =	vshll.u32 v60, $0x2;
	v44 =	vshll.u32 v38, $0x2;
	v3 =	vand.u32 $0x7FFFFE00, v57;
	[tilespmem:s18+$0xFFFFFA30] =	vst v54;
	v54 =	vld.idx.msk [tilespmem:v40+s21+$0x0], $0xffff  }
0x383: {  	v48 =	vand.u32 $0x7F, v38;
	[tilespmem:s18+$0xFFFFFA70] =	vst v59;
	v59 =	vand.u32 $0x7F, v53;
	v40 =	vor.u32 v13, v63;
	v63 =	vld.idx.msk [tilespmem:v50+s21+$0x0], $0xffff  }
0x384: {  	s19 =	sadd.s32 $0xFFFFFE7A, s10;
	v47 =	vld.idx.msk [tilespmem:v46+s21+$0x0], $0xffff;
	v36 =	vand.u32 $0x7F, v60;
	[tilespmem:s18+$0xFFFFFE10] =	vst v41;
	v61 =	vor.u32 v3, v59;
	v3 =	vand.u32 $0x7FFFFE00, v62  }
0x385: {  	v57 =	vadd.s32 s19, v56;
	v41 =	vadd.s32 s19, v15;
	v62 =	vld [tilespmem:$0x1F870];
	v43 =	vor.u32 v3, v36;
	[tilespmem:s18+$0x50] =	vst v55  }
0x386: {  	v50 =	vadd.s32 s17, v14;
	v0 =	vor.u32 v13, v43;
	v43 =	vshll.u32 v41, $0x2;
	[tilespmem:s18+$0xFFFFFC30] =	vst v17;
	v6 =	vld.idx.msk [tilespmem:v6+s21+$0x0], $0xffff  }
0x387: {  	v60 =	vshll.u32 v57, $0x2;
	v12 =	vand.u32 $0x7F, v50;
	[tilespmem:s18+$0x0] =	vst v54;
	v17 =	vand.u32 $0x7FFFFE00, v43;
	v43 =	vld.idx.msk [tilespmem:v19+s21+$0x0], $0xffff  }
0x388: {  	v18 =	vand.u32 $0x7F, v41;
	v3 =	vand.u32 $0x7FFFFE00, v44;
	v44 =	vadd.s32 s19, v14;
	[tilespmem:s18+$0x240] =	vst v63;
	v51 =	vld.idx.msk [tilespmem:v51+s21+$0x0], $0xffff  }
0x389: {  	v53 =	vor.u32 v3, v48;
	[tilespmem:s18+$0xFFFFFE50] =	vst v47;
	v47 =	vshll.u32 v44, $0x2;
	v54 =	vshll.u32 v50, $0x2;
	v7 =	vld.idx.msk [tilespmem:v7+s21+$0x0], $0xffff  }
0x38a: {  	v3 =	vand.u32 $0x7FFFFE00, v54;
	v46 =	vor.u32 v17, v18;
	v17 =	vand.u32 $0x7FFFFE00, v47;
	v54 =	vld [tilespmem:$0x1F8A0]  }
0x38b: {  	s22 =	sadd.s32 $0xFFFFFEBB, s10;
	v47 =	vld.idx.msk [tilespmem:v27+s21+$0x0], $0xffff;
	v59 =	vor.u32 v3, v12;
	v12 =	vand.u32 $0x7F, v57;
	v3 =	vand.u32 $0x7FFFFE00, v60  }
0x38c: {  	v26 =	vor.u32 v13, v61;
	v50 =	vadd.s32 s22, v56;
	v34 =	vor.u32 v3, v12;
	v12 =	vld [tilespmem:$0x1F880]  }
0x38d: {  	[tilespmem:s18+$0xFFFFF830] =	vst v25;
	v22 =	vor.u32 v13, v53;
	v53 =	vshll.u32 v50, $0x2;
	v55 =	vand.u32 $0x7F, v50;
	v50 =	vld.idx.msk [tilespmem:v21+s21+$0x0], $0xffff  }
0x38e: {  	v63 =	vld.idx.msk [tilespmem:v62+s21+$0x0], $0xffff;
	[tilespmem:s18+$0x10] =	vst v51  }
0x38f: {  	v61 =	vadd.s32 s19, v16;
	[tilespmem:s18+$0x210] =	vst v58;
	v42 =	vld.idx.msk [tilespmem:v45+s21+$0x0], $0xffff  }
0x390: {  	v11 =	vor.u32 v13, v1;
	v36 =	vshll.u32 v61, $0x2;
	v38 =	vand.u32 $0x7F, v61;
	[tilespmem:s18+$0x60] =	vst v6;
	v45 =	vld.idx.msk [tilespmem:v24+s21+$0x0], $0xffff  }
0x391: {  	v48 =	vand.u32 $0x7F, v44;
	v57 =	vadd.s32 s22, v16;
	[tilespmem:s18+$0x400] =	vst v43;
	v61 =	vld.idx.msk [tilespmem:v32+s21+$0x0], $0xffff;
	v24 =	vor.u32 v13, v34  }
0x392: {  	v3 =	vand.u32 $0x7FFFFE00, v36;
	[tilespmem:s18+$0x250] =	vst v7;
	v51 =	vor.u32 v17, v48;
	v17 =	vand.u32 $0x7FFFFE00, v53;
	v53 =	vld.idx.msk [tilespmem:v26+s21+$0x0], $0xffff  }
0x393: {  	s24 =	sadd.s32 $0xFFFFFF3D, s10;
	v2 =	vor.u32 v13, v59;
	v60 =	vshll.u32 v57, $0x2;
	v3 =	vor.u32 v3, v38;
	[tilespmem:s18+$0x600] =	vst v47;
	v4 =	vld.idx.msk [tilespmem:v4+s21+$0x0], $0xffff  }
0x394: {  	v62 =	vand.u32 $0x7F, v57;
	v29 =	vor.u32 v13, v3;
	v43 =	vadd.s32 s24, v15;
	[tilespmem:s18+$0x640] =	vst v50;
	v12 =	vld.idx.msk [tilespmem:v12+s21+$0x0], $0xffff  }
0x395: {  	v47 =	vand.u32 $0x7F, v43;
	v34 =	vor.u32 v13, v46;
	v59 =	vor.u32 v17, v55;
	[tilespmem:s18+$0x220] =	vst v45;
	v45 =	vld.idx.msk [tilespmem:v52+s21+$0x0], $0xffff  }
0x396: {  	s23 =	sadd.s32 $0xFFFFFEFC, s10;
	v17 =	vand.u32 $0x7FFFFE00, v60;
	v32 =	vor.u32 v13, v51;
	[tilespmem:s18+$0xFFFFFE20] =	vst v63;
	v63 =	vadd.s32 s22, v15;
	v55 =	vld.idx.msk [tilespmem:v24+s21+$0x0], $0xffff  }
0x397: {  	v46 =	vadd.s32 s23, v56;
	v38 =	vshll.u32 v63, $0x2;
	[tilespmem:s18+$0x20] =	vst v42;
	v42 =	vand.u32 $0x7F, v63;
	v63 =	vld.idx.msk [tilespmem:v49+s21+$0x0], $0xffff  }
0x398: {  	s25 =	sadd.s32 $0xFFFFFF7E, s10;
	v36 =	vor.u32 v17, v62;
	v48 =	vshll.u32 v46, $0x2;
	v62 =	vadd.s32 s23, v14;
	[tilespmem:s18+$0x800] =	vst v53;
	v58 =	vld.idx.msk [tilespmem:v35+s21+$0x0], $0xffff  }
0x399: {  	v51 =	vand.u32 $0x7FFFFE00, v48;
	v27 =	vshll.u32 v62, $0x2;
	v48 =	vadd.s32 s25, v56;
	[tilespmem:s18+$0xFFFFFE60] =	vst v12;
	v12 =	vld [tilespmem:$0x1F890]  }
0x39a: {  	v50 =	vshll.u32 v48, $0x2;
	v53 =	vadd.s32 s25, v15;
	[tilespmem:s18+$0x260] =	vst v4;
	v4 =	vand.u32 $0x7FFFFE00, v38;
	v5 =	vld.idx.msk [tilespmem:v5+s21+$0x0], $0xffff  }
0x39b: {  	[tilespmem:s18+$0x70] =	vst v61;
	v52 =	vadd.s32 s23, v16;
	v38 =	vadd.s32 s24, v16;
	v41 =	vld.idx.msk [tilespmem:v10+s21+$0x0], $0xffff;
	v10 =	vor.u32 v4, v42  }
0x39c: {  	v0 =	vld.idx.msk [tilespmem:v0+s21+$0x0], $0xffff;
	v4 =	vor.u32 v13, v36;
	v57 =	vand.u32 $0x7F, v52;
	v35 =	vand.u32 $0x7F, v62;
	[tilespmem:s18+$0x440] =	vst v45  }
0x39d: {  	v36 =	vadd.s32 s24, v56;
	v17 =	vand.u32 $0x7F, v38;
	v3 =	vor.u32 v13, v10;
	v18 =	vld.idx.msk [tilespmem:v54+s21+$0x0], $0xffff;
	[tilespmem:s18+$0x840] =	vst v55  }
0x39e: {  	s26 =	sadd.s32 $0xFFFFFFBF, s10;
	v23 =	vand.u32 $0x7F, v36;
	v45 =	vadd.s32 s24, v14;
	[tilespmem:s18+$0x30] =	vst v58;
	v61 =	vld.idx.msk [tilespmem:v37+s21+$0x0], $0xffff;
	v37 =	vshll.u32 v36, $0x2  }
0x39f: {  	v55 =	vadd.s32 s26, v56;
	[tilespmem:s18+$0x230] =	vst v5;
	v58 =	vadd.s32 s23, v15;
	v7 =	vand.u32 $0x7FFFFE00, v37  }
0x3a0: {  	v33 =	vld.idx.msk [tilespmem:v33+s21+$0x0], $0xffff;
	[tilespmem:s18+$0x270] =	vst v41;
	v5 =	vand.u32 $0x7FFFFE00, v27;
	v41 =	vshll.u32 v38, $0x2;
	v7 =	vor.u32 v7, v23  }
0x3a1: {  	[tilespmem:s18+$0x610] =	vst v63;
	v49 =	vand.u32 $0x7F, v45;
	v36 =	vadd.s32 s26, v16;
	v7 =	vor.u32 v13, v7;
	v12 =	vld.idx.msk [tilespmem:v12+s21+$0x0], $0xffff  }
0x3a2: {  	v60 =	vshll.u32 v58, $0x2;
	v21 =	vand.u32 $0x7F, v58;
	[tilespmem:s18+$0xFFFFFE70] =	vst v18;
	v18 =	vor.u32 v13, v59;
	v59 =	vld.idx.msk [tilespmem:v39+s21+$0x0], $0xffff  }
0x3a3: {  	[tilespmem:s18+$0x810] =	vst v0;
	v11 =	vld.idx.msk [tilespmem:v11+s21+$0x0], $0xffff;
	v5 =	vor.u32 v5, v35;
	v42 =	vand.u32 $0x7FFFFE00, v41;
	v58 =	vshll.u32 v45, $0x2  }
0x3a4: {  	v22 =	vld.idx.msk [tilespmem:v22+s21+$0x0], $0xffff;
	v37 =	vand.u32 $0x7F, v53;
	v38 =	vshll.u32 v36, $0x2;
	v19 =	vand.u32 $0x7FFFFE00, v60;
	[tilespmem:s18+$0x450] =	vst v61  }
0x3a5: {  	[tilespmem:s18+$0x650] =	vst v33;
	v17 =	vor.u32 v42, v17;
	v23 =	vand.u32 $0x7F, v48;
	v41 =	vand.u32 $0x7FFFFE00, v38;
	v24 =	vld.idx.msk [tilespmem:v28+s21+$0x0], $0xffff  }
0x3a6: {  	v5 =	vor.u32 v13, v5;
	v19 =	vor.u32 v19, v21;
	v7 =	vld.idx.msk [tilespmem:v7+s21+$0x0], $0xffff;
	[tilespmem:s18+$0xFFFFFE30] =	vst v12;
	v12 =	vadd.s32 s22, v14  }
0x3a7: {  	v17 =	vor.u32 v13, v17;
	v39 =	vld.idx.msk [tilespmem:v29+s21+$0x0], $0xffff;
	v61 =	vadd.s32 s10, v56;
	[tilespmem:s18+$0x410] =	vst v59;
	v44 =	vshll.u32 v12, $0x2  }
0x3a8: {  	[tilespmem:s18+$0x620] =	vst v11;
	v63 =	vshll.u32 v61, $0x2;
	v8 =	vld.idx.msk [tilespmem:v8+s21+$0x0], $0xffff;
	v12 =	vand.u32 $0x7F, v12;
	v1 =	vand.u32 $0x7FFFFE00, v44  }
0x3a9: {  	[tilespmem:s18+$0x820] =	vst v22;
	v44 =	vshll.u32 v43, $0x2;
	v1 =	vor.u32 v1, v12;
	v12 =	vand.u32 $0x7F, v46;
	v46 =	vld.idx.msk [tilespmem:v40+s21+$0x0], $0xffff  }
0x3aa: {  	v60 =	vld.idx.msk [tilespmem:v30+s21+$0x0], $0xffff;
	v59 =	vshll.u32 v55, $0x2;
	[tilespmem:s18+$0x460] =	vst v24;
	v24 =	vand.u32 $0x7F, v55;
	v21 =	vand.u32 $0x7FFFFE00, v44  }
0x3ab: {  	v2 =	vld.idx.msk [tilespmem:v2+s21+$0x0], $0xffff;
	[tilespmem:s18+$0xC00] =	vst v7;
	v40 =	vand.u32 $0x7F, v36;
	v54 =	vor.u32 v51, v12;
	v12 =	vshll.u32 v52, $0x2  }
0x3ac: {  	[tilespmem:s18+$0x850] =	vst v39;
	v17 =	vld.idx.msk [tilespmem:v17+s21+$0x0], $0xffff;
	v0 =	vor.u32 v21, v47;
	v52 =	vadd.s32 s25, v16;
	v21 =	vand.u32 $0x7FFFFE00, v50  }
0x3ad: {  	[tilespmem:s18+$0x420] =	vst v8;
	v51 =	vld.idx.msk [tilespmem:v34+s21+$0x0], $0xffff;
	v10 =	vor.u32 v13, v54;
	v21 =	vor.u32 v21, v23;
	v23 =	vand.u32 $0x7FFFFE00, v59  }
0x3ae: {  	v34 =	vld.idx.msk [tilespmem:v18+s21+$0x0], $0xffff;
	v16 =	vadd.s32 s10, v16;
	v8 =	vor.u32 v41, v40;
	v23 =	vor.u32 v23, v24;
	[tilespmem:s18+$0x660] =	vst v46  }
0x3af: {  	[tilespmem:s18+$0x630] =	vst v60;
	v30 =	vor.u32 v13, v21;
	v24 =	vand.u32 $0x7FFFFE00, v63;
	v62 =	vld.idx.msk [tilespmem:v31+s21+$0x0], $0xffff;
	v31 =	vand.u32 $0x7F, v61  }
0x3b0: {  	[tilespmem:s18+$0x830] =	vst v2;
	v12 =	vand.u32 $0x7FFFFE00, v12;
	v9 =	vld.idx.msk [tilespmem:v9+s21+$0x0], $0xffff;
	v23 =	vor.u32 v13, v23;
	v21 =	vor.u32 v24, v31  }
0x3b1: {  	v50 =	vor.u32 v13, v19;
	v12 =	vor.u32 v12, v57;
	v57 =	vld.idx.msk [tilespmem:v20+s21+$0x0], $0xffff;
	v21 =	vor.u32 v13, v21  }
0x3b2: {  	v1 =	vor.u32 v13, v1;
	v33 =	vshll.u32 v52, $0x2;
	v35 =	vand.u32 $0x7F, v52;
	[tilespmem:s18+$0xC10] =	vst v17;
	v10 =	vld.idx.msk [tilespmem:v10+s21+$0x0], $0xffff  }
0x3b3: {  	v43 =	vshll.u32 v16, $0x2;
	v16 =	vand.u32 $0x7F, v16;
	[tilespmem:s18+$0x860] =	vst v51;
	v24 =	vand.u32 $0x7FFFFE00, v33  }
0x3b4: {  	v20 =	vand.u32 $0x7FFFFE00, v58;
	v12 =	vor.u32 v13, v12;
	[tilespmem:s18+$0xA00] =	vst v34;
	v18 =	vor.u32 v24, v35;
	v39 =	vld.idx.msk [tilespmem:v30+s21+$0x0], $0xffff  }
0x3b5: {  	v6 =	vor.u32 v20, v49;
	v20 =	vand.u32 $0x7FFFFE00, v43;
	[tilespmem:s18+$0x430] =	vst v9;
	v18 =	vor.u32 v13, v18;
	v23 =	vld.idx.msk [tilespmem:v23+s21+$0x0], $0xffff  }
0x3b6: {  	v42 =	vshll.u32 v53, $0x2;
	v8 =	vor.u32 v13, v8;
	v45 =	vor.u32 v20, v16;
	[tilespmem:s18+$0x470] =	vst v57;
	v44 =	vld.idx.msk [tilespmem:v21+s21+$0x0], $0xffff  }
0x3b7: {  	v0 =	vor.u32 v13, v0;
	v46 =	vadd.s32 s26, v15;
	v32 =	vld.idx.msk [tilespmem:v32+s21+$0x0], $0xffff;
	[tilespmem:s18+$0xA40] =	vst v10;
	v10 =	vor.u32 v13, v45  }
0x3b8: {  	v15 =	vadd.s32 s10, v15;
	v48 =	vshll.u32 v46, $0x2;
	v9 =	vand.u32 $0x7FFFFE00, v42;
	v4 =	vld.idx.msk [tilespmem:v4+s21+$0x0], $0xffff;
	[tilespmem:s18+$0x670] =	vst v62  }
0x3b9: {  	v47 =	vor.u32 v9, v37;
	v9 =	vand.u32 $0x7FFFFE00, v48;
	[tilespmem:s18+$0xC40] =	vst v39;
	v49 =	vld.idx.msk [tilespmem:v12+s21+$0x0], $0xffff;
	v12 =	vand.u32 $0x7F, v46  }
0x3ba: {  	v54 =	vadd.s32 s25, v14;
	[tilespmem:s18+$0xE00] =	vst v23;
	v9 =	vor.u32 v9, v12;
	v12 =	vshll.u32 v15, $0x2;
	v51 =	vld.idx.msk [tilespmem:v18+s21+$0x0], $0xffff  }
0x3bb: {  	v7 =	vor.u32 v13, v47;
	v15 =	vand.u32 $0x7F, v15;
	v12 =	vand.u32 $0x7FFFFE00, v12;
	v8 =	vld.idx.msk [tilespmem:v8+s21+$0x0], $0xffff;
	[tilespmem:s18+$0xE40] =	vst v44  }
0x3bc: {  	v52 =	vand.u32 $0x7F, v54;
	[tilespmem:s18+$0x870] =	vst v32;
	v9 =	vor.u32 v13, v9;
	v12 =	vor.u32 v12, v15;
	v10 =	vld.idx.msk [tilespmem:v10+s21+$0x0], $0xffff  }
0x3bd: {  	v6 =	vor.u32 v13, v6;
	v0 =	vld.idx.msk [tilespmem:v0+s21+$0x0], $0xffff;
	[tilespmem:s18+$0xA10] =	vst v4;
	v15 =	vshll.u32 v54, $0x2;
	v12 =	vor.u32 v13, v12  }
0x3be: {  	v3 =	vld.idx.msk [tilespmem:v3+s21+$0x0], $0xffff;
	v53 =	vand.u32 $0x7FFFFE00, v15;
	v15 =	vadd.s32 s26, v14;
	v14 =	vadd.s32 s10, v14;
	[tilespmem:s18+$0xA50] =	vst v49  }
0x3bf: {  	v2 =	vor.u32 v53, v52;
	v54 =	vshll.u32 v15, $0x2;
	v55 =	vand.u32 $0x7F, v15;
	v16 =	vld.idx.msk [tilespmem:v50+s21+$0x0], $0xffff;
	[tilespmem:s18+$0xC50] =	vst v51  }
0x3c0: {  	v57 =	vshll.u32 v14, $0x2;
	v58 =	vand.u32 $0x7F, v14;
	v4 =	vand.u32 $0x7FFFFE00, v54;
	[tilespmem:s18+$0xE10] =	vst v8;
	v7 =	vld.idx.msk [tilespmem:v7+s21+$0x0], $0xffff  }
0x3c1: {  	v2 =	vor.u32 v13, v2;
	v4 =	vor.u32 v4, v55;
	v8 =	vand.u32 $0x7FFFFE00, v57;
	v9 =	vld.idx.msk [tilespmem:v9+s21+$0x0], $0xffff;
	[tilespmem:s18+$0xE50] =	vst v10  }
0x3c2: {  	[tilespmem:s18+$0xC20] =	vst v0;
	v59 =	vor.u32 v8, v58;
	v4 =	vor.u32 v13, v4;
	v60 =	vld.idx.msk [tilespmem:v12+s21+$0x0], $0xffff  }
0x3c3: {  	v62 =	vld.idx.msk [tilespmem:v6+s21+$0x0], $0xffff;
	[tilespmem:s18+$0xA20] =	vst v3;
	v3 =	vor.u32 v13, v59  }
0x3c4: {  	v1 =	vld.idx.msk [tilespmem:v1+s21+$0x0], $0xffff;
	[tilespmem:s18+$0xA60] =	vst v16  }
0x3c5: {  	v61 =	vld.idx.msk [tilespmem:v5+s21+$0x0], $0xffff;
	[tilespmem:s18+$0xC60] =	vst v7  }
0x3c6: {  	[tilespmem:s18+$0xE20] =	vst v9;
	v2 =	vld.idx.msk [tilespmem:v2+s21+$0x0], $0xffff  }
0x3c7: {  	s20 =	sadd.s32 $0x20, s20;
	v4 =	vld.idx.msk [tilespmem:v4+s21+$0x0], $0xffff;
	[tilespmem:s18+$0xE60] =	vst v60  }
0x3c8: {  	p1 =	slt.u32 s20, $0x60;
	[tilespmem:s18+$0xC30] =	vst v62;
	v63 =	vld.idx.msk [tilespmem:v3+s21+$0x0], $0xffff  }
.Ltmp4:
0x3c9: {  	[tilespmem:s18+$0xA30] =	vst v1;
	(pc) =	sbr.rel @p1 .LBB2_11-.Ltmp4, $4  }
0x3ca: {  	[tilespmem:s18+$0xA70] =	vst v61  }
0x3cb: {  	[tilespmem:s18+$0xC70] =	vst v2  }
0x3cc: {  	[tilespmem:s18+$0xE30] =	vst v4  }
0x3cd: {  	s10 =	sadd.s32 $0x820, s10;
	[tilespmem:s18+$0xE70] =	vst v63;
	s18 =	sadd.s32 $0x2000, s18  }
0x3ce: {  	s0 =	sshll.u32 s29, $0x12  }
0x3cf: {  	s0 =	sor.u32 s13, s0  }
0x3d0: {  	s26 =	rddreg [dreg:$0x4];
	s5 =	sshrl.u32 s0, $0x3  }
0x3d1: {  	s0 =	sadd.s32 $0x5, s3;
	s3 =	sadd.s32 s26, s5  }
0x3d2: {  	s8 =	sadd.s32 $0x200, s2;
	s5 =	simm.s32 $0x10;
	s9 =	sadd.s32 $0x0, s3  }
.LBB2_13:
0x3d3: {  	[hbm4b:s9+s4] =	stream.linear.scatter [tilespmem:s2], [sflag:s0], $0x80, $0x38;
	[tilespmem:$0x18200] =	vst v63  }
0x3d4: {  	s9 =	smov.u32 s5;
	s2 =	smov.u32 s8;
	p1 =	sne.s32 s5, $0x3F0  }
.Ltmp5:
0x3d5: {  	s5 =	sadd.s32 $0x10, s5;
	(pc) =	sbr.rel @p1 .LBB2_13-.Ltmp5, $2  }
0x3d6: {  	_ =	sdelay $0x2  }
0x3d7: {  	s8 =	sadd.s32 $0x200, s8;
	s9 =	sadd.s32 s9, s3  }
0x3d8: {  	[hbm4b:s9+s4] =	stream.linear.scatter [tilespmem:s2], [sflag:s0], $0x80, $0x38;
	[tilespmem:$0x18200] =	vst v63  }
0x3d9: {  	s0 =	sadd.s32 $0x4, s29  }
0x3da: {  	p1 =	sge.u32 s0, s6  }
0x3db: {  	s2 =	rddreg [dreg:$0x6];
	s0 =	sshll.u32 @!p1 s0, $0xF  }
0x3dc: {  	s0 =	sor.u32 @!p1 s2, s0  }
0x3dd: {  	s29 =	sadd.s32 $0x1, s29;
	s2 =	rddreg [dreg:$0x0];
	s0 =	sshrl.u32 @!p1 s0, $0x3  }
0x3de: {  	s3 =	simm.s32 @!p1 $0x7A1400;
	s0 =	sadd.s32 @!p1 s2, s0;
	s2 =	simm.s32 @!p1 $0x400  }
0x3df: {  	[tilespmem:s31], [sflag:s30] =	stream.strided.gather @!p1 [hbm4b:s0+s2], $0x2000, s3, s2, $0x38;
	[tilespmem:$0x18200] =	vst v63  }
0x3e0: {  	p1 =	sne.s32 s29, s6  }
.Ltmp6:
0x3e1: {  	_ = 	snop;
	(pc) =	sbr.rel @p1 .LBB2_8-.Ltmp6, $2  }
0x3e2: {  	_ =	sdelay $0x2  }
0x3e3: {  	s28 =	sadd.s32 $0x1, s28  }
0x3e4: {  	s0 =	simm.s32 $0x5  }
0x3e5: {  	_ =	swait.ge [sflag:s0], $0x2000  }
0x3e6: {  	[sflag:s0] =	ssyncset.done $0x0  }
0x3e7: {  	s29 =	simm.s32 $0x6;
	[sflag:s0] =	ssyncadd.s32 $0xFFFFE000  }
0x3e8: {  	_ =	swait.ge [sflag:s29], $0x2000  }
0x3e9: {  	[sflag:s29] =	ssyncset.done $0x0  }
0x3ea: {  	s30 =	simm.s32 $0x7;
	[sflag:s29] =	ssyncadd.s32 $0xFFFFE000  }
0x3eb: {  	_ =	swait.ge [sflag:s30], $0x2000  }
0x3ec: {  	[sflag:s30] =	ssyncset.done $0x0  }
0x3ed: {  	s2 =	simm.s32 $0x8;
	[sflag:s30] =	ssyncadd.s32 $0xFFFFE000  }
0x3ee: {  	_ =	swait.ge [sflag:s2], $0x2000  }
0x3ef: {  	s3 =	rddreg [dreg:$0xb]  }
0x3f0: {  	s31 =	rddreg [dreg:$0xa];
	s3 =	sadd.s32 $0x1, s3  }
0x3f1: {  	p1 =	sne.s32 s3, s31  }
.Ltmp7:
0x3f2: {  	_ = 	snop;
	(pc) =	sbr.rel @p1 .LBB2_1-.Ltmp7, $3  }
0x3f3: {  	_ =	sdelay $0x1  }
0x3f4: {  	[sflag:s2] =	ssyncset.done $0x0  }
0x3f5: {  	[sflag:s2] =	ssyncadd.s32 $0xFFFFE000  }
0x3f6: {  	_ =	sfence.sel $0x180000  }
0x3f7: {  	[bflag:$0x0] =	sbarrier.arrive $0xFFFF  }
0x3f8: {  	_ =	strace $0x90000047  }
0x3f9: {  	s0 =	stileid.u32;
	[bflag:$0x2] =	sbarrier.arrive $0xFFFF  }
0x3fa: {  	p0 =	sne.s32 s0, $0x0;
	s0 =	rddreg [dreg:$0x3]  }
0x3fb: {  	s0 =	sadd.s32 @!p0 $0x100000, s0  }
0x3fc: {  	[sflag:s0] =	ssyncadd.tile.s32 @!p0 $0x1;
	_ =	shalt  }
.Lfunc_end2:
_tile_overlayer_lowered:
.L_overlay_start_2:
0x3fd: {  	(tag) =	ssettag $0x2  }
0x3fe: {  	s0 =	rddreg [dreg:$0x0];
	s2 =	stileid.u32  }
0x3ff: {  	s1 =	rddreg [dreg:$0x1];
	p0 =	sne.s32 s2, $0x0  }
0x400: {  	s3 =	rddreg [dreg:$0x2];
	[bflag:$0x3] =	sbarrier.arrive $0xFFFF;
	s2 =	simm.s32 @!p0 $0x1C09  }
0x401: {  	[timem:s3], [sflag:s2] =	dma.local @!p0 [hbm:s0], s1  }
0x402: {  	s0 =	simm.s32 @!p0 $0x9  }
0x403: {  	_ =	swait.ge @!p0 [sflag:s0], s1  }
0x404: {  	s1 =	ssub.s32 @!p0 $0x0, s1;
	[sflag:s0] =	ssyncset.done @!p0 $0x0  }
0x405: {  	[sflag:s0] =	ssyncadd.s32 @!p0 s1  }
0x406: {  	[bflag:$0x3] =	sbarrier.arrive $0xFFFF  }
0x407: {  	_ =	shalt  }

// kernel: kernel.7.cloned.1.call-start
scs
__scs_entry_jumppad:
0x0: {  	(pc) =	sbr.rel $0x88, $3  }
0x1: {  	(tag) =	ssettag $0x0;
	lr =	simm.s32 $0x1  }
0x2: {  	[smem:$0x3F9F] =	sst lr;
	_ =	strace $0xD0000000  }
0x3: {  	_ = 	snop  }
0x4: {  	_ = 	snop  }
0x5: {  	_ = 	snop  }
0x6: {  	_ = 	snop  }
0x7: {  	_ = 	snop  }
__scs_overlays_trampoline_lowered:
0x8: {  	[smem:$0x3FAE] =	sst s0  }
0x9: {  	[smem:$0x3FAF] =	sst s1  }
0xa: {  	[smem:$0x3FB0] =	sst s2  }
0xb: {  	[smem:$0x3FB1] =	sst s3  }
0xc: {  	[smem:$0x3FB2] =	sst s4  }
0xd: {  	[smem:$0x3FB3] =	sst s5  }
0xe: {  	[smem:$0x3FB4] =	sst s6  }
0xf: {  	[smem:$0x3FB5] =	sst s7  }
0x10: {  	[smem:$0x3FB6] =	sst s8  }
0x11: {  	[smem:$0x3FB7] =	sst s9;
	s0 =	simm.s32 @!p0 $0x0  }
0x12: {  	s1 =	sld [smem:$0x3F9D];
	s0 =	simm.s32 @p0 $0x1  }
0x13: {  	[smem:$0x3FB8] =	sst s0;
	s0 =	simm.s32 @!p1 $0x0  }
0x14: {  	s2 =	sld [smem:$0x3F9C];
	s0 =	simm.s32 @p1 $0x1  }
0x15: {  	[smem:$0x3FB9] =	sst s0;
	s0 =	simm.s32 @!p2 $0x0  }
0x16: {  	s3 =	sld [smem:$0x3FDB];
	s0 =	simm.s32 @p2 $0x1  }
0x17: {  	s4 =	simm.s32 $0x1BF5;
	[smem:$0x3FBB] =	sst s0  }
0x18: {  	s0 =	sld [smem:$0x3F9E];
	_ =	swait.ge [sflag:s4], $0x0  }
0x19: {  	s7 =	sld [smem:$0x3F9F]  }
0x1a: {  	s8 =	sadd.s32 $0xFFFFE003, lr  }
0x1b: {  	s9 =	sadd.s32 $0xFFFFFEF7, lr;
	s5 =	simm.s32 $0xFFFFFFFF;
	p2 =	slt.u32 s8, $0xFFFFF086  }
0x1c: {  	p1 =	slt.u32 s9, $0xF7A;
	s5 =	simm.s32 @!p2 $0x0  }
0x1d: {  	s5 =	simm.s32 @p1 $0x1;
	p0 =	seq.s32 s7, s2  }
0x1e: {  	s7 =	smul.u32 @!p0 $0xF7A, s2;
	p2 =	seq.s32 @!p0 s5, $0x0  }
0x1f: {  	s9 =	smul.u32 $0xF7A, s1;
	s8 =	simm.s32 @!p0 $0x1BF5;
	p2 =	por !p2, p0  }
0x20: {  	[sflag:s8] =	ssyncset.s32 @!p0 $0xFFFFF086;
	s6 =	sadd.s32 @!p0 s3, s7;
	s7 =	simm.s32 @!p0 $0x108  }
0x21: {  	s3 =	sadd.s32 s3, s9;
	s6 =	sadd.s32 @!p0 $0x88, s6;
	s7 =	simm.s32 @p2 $0x1082  }
0x22: {  	[simem:s7], [sflag:s8] =	dma.local @!p0 [hbm:s6], $0xF7A  }
0x23: {  	s9 =	sor.u32 $0xD0000000, s2;
	s6 =	simm.s32 $0x108;
	_ =	swait.ge @!p0 [sflag:s8], $0x0  }
0x24: {  	s3 =	sadd.s32 $0x88, s3;
	s6 =	simm.s32 @!p1 $0x1082;
	[sflag:s4] =	ssyncset.s32 $0xFFFFF086  }
0x25: {  	[simem:s6], [sflag:s4] =	dma.local [hbm:s3], $0xF7A  }
0x26: {  	[smem:$0x3F9F] =	sst s1;
	(tag) =	ssettag s2;
	_ =	strace s9  }
0x27: {  	s1 =	sld [smem:$0x3FAF]  }
0x28: {  	s2 =	sld [smem:$0x3FB0]  }
0x29: {  	s4 =	sld [smem:$0x3FB2]  }
0x2a: {  	p0 =	seq.s32 s5, $0x0;
	s5 =	sld [smem:$0x3FB3]  }
0x2b: {  	s6 =	sld [smem:$0x3FB4]  }
0x2c: {  	s7 =	sld [smem:$0x3FB5]  }
0x2d: {  	s3 =	simm.s32 $0x108;
	s8 =	sld [smem:$0x3FB6]  }
0x2e: {  	s3 =	simm.s32 @!p0 $0x1082;
	s9 =	sld [smem:$0x3FB7]  }
0x2f: {  	lr =	sadd.s32 s0, s3;
	s0 =	sld [smem:$0x3FAE]  }
0x30: {  	s3 =	sld [smem:$0x3FB1]  }
0x31: {  	[smem:$0x3FBA] =	sst s10  }
0x32: {  	s10 =	sld [smem:$0x3FB8];
	_ =	sdelay $0x3  }
0x33: {  	p0 =	seq.s32 s10, $0x1;
	s10 =	sld [smem:$0x3FBA];
	_ =	sdelay $0x3  }
0x34: {  	[smem:$0x3FBA] =	sst s10  }
0x35: {  	s10 =	sld [smem:$0x3FB9];
	_ =	sdelay $0x3  }
0x36: {  	p1 =	seq.s32 s10, $0x1;
	s10 =	sld [smem:$0x3FBA];
	_ =	sdelay $0x3  }
0x37: {  	[smem:$0x3FBA] =	sst s10  }
0x38: {  	s10 =	sld [smem:$0x3FBB]  }
0x39: {  	_ = 	snop;
	(pc) =	sbr.ind lr, $3  }
0x3a: {  	_ = 	snop  }
0x3b: {  	_ = 	snop  }
0x3c: {  	p2 =	seq.s32 s10, $0x1;
	s10 =	sld [smem:$0x3FBA]  }
0x3d: {  	_ =	shalt  }
0x3e: {  	_ =	shalt  }
0x3f: {  	_ =	shalt  }
0x40: {  	_ =	shalt  }
0x41: {  	_ =	shalt  }
0x42: {  	_ =	shalt  }
0x43: {  	_ =	shalt  }
0x44: {  	_ =	shalt  }
0x45: {  	_ =	shalt  }
0x46: {  	_ =	shalt  }
0x47: {  	_ =	shalt  }
0x48: {  	_ =	shalt  }
0x49: {  	_ =	shalt  }
0x4a: {  	_ =	shalt  }
0x4b: {  	_ =	shalt  }
0x4c: {  	_ =	shalt  }
0x4d: {  	_ =	shalt  }
0x4e: {  	_ =	shalt  }
0x4f: {  	_ =	shalt  }
0x50: {  	_ =	shalt  }
0x51: {  	_ =	shalt  }
0x52: {  	_ =	shalt  }
0x53: {  	_ =	shalt  }
0x54: {  	_ =	shalt  }
0x55: {  	_ =	shalt  }
0x56: {  	_ =	shalt  }
0x57: {  	_ =	shalt  }
0x58: {  	_ =	shalt  }
0x59: {  	_ =	shalt  }
0x5a: {  	_ =	shalt  }
0x5b: {  	_ =	shalt  }
0x5c: {  	_ =	shalt  }
0x5d: {  	_ =	shalt  }
0x5e: {  	_ =	shalt  }
0x5f: {  	_ =	shalt  }
0x60: {  	_ =	shalt  }
0x61: {  	_ =	shalt  }
0x62: {  	_ =	shalt  }
0x63: {  	_ =	shalt  }
0x64: {  	_ =	shalt  }
0x65: {  	_ =	shalt  }
0x66: {  	_ =	shalt  }
0x67: {  	_ =	shalt  }
0x68: {  	_ =	shalt  }
0x69: {  	_ =	shalt  }
0x6a: {  	_ =	shalt  }
0x6b: {  	_ =	shalt  }
0x6c: {  	_ =	shalt  }
0x6d: {  	_ =	shalt  }
0x6e: {  	_ =	shalt  }
0x6f: {  	_ =	shalt  }
0x70: {  	_ =	shalt  }
0x71: {  	_ =	shalt  }
0x72: {  	_ =	shalt  }
0x73: {  	_ =	shalt  }
0x74: {  	_ =	shalt  }
0x75: {  	_ =	shalt  }
0x76: {  	_ =	shalt  }
0x77: {  	_ =	shalt  }
0x78: {  	_ =	shalt  }
0x79: {  	_ =	shalt  }
0x7a: {  	_ =	shalt  }
0x7b: {  	_ =	shalt  }
0x7c: {  	_ =	shalt  }
0x7d: {  	_ =	shalt  }
0x7e: {  	_ =	shalt  }
0x7f: {  	_ =	shalt  }
0x80: {  	_ =	shalt  }
0x81: {  	_ =	shalt  }
0x82: {  	_ =	shalt  }
0x83: {  	_ =	shalt  }
0x84: {  	_ =	shalt  }
0x85: {  	_ =	shalt  }
0x86: {  	_ =	shalt  }
0x87: {  	_ =	shalt  }
.Lfunc_end0:
.L_simem_size_0:
called_computation.1_lowered:
.L_overlay_start_0:
0x88: {  	s2 =	sld [smem:$0x3FD9]  }
0x89: {  	s3 =	sld [smem:$0x3FFE];
	_ =	sdelay $0x1  }
0x8a: {  	s1 =	srdreg.scid  }
0x8b: {  	s0 =	sand.u32 $0x1, s1  }
0x8c: {  	s17 =	sshll.u32 s0, $0xA;
	s2 =	sadd.s32 s3, s2  }
0x8d: {  	s2 =	sadd.s32 s2, s17  }
0x8e: {  	[smem:$0x3FC6] =	sst s2  }
0x8f: {  	_ = 	snop  }
0x90: {  	s2 =	sld [smem:$0x3FD0];
	(tm) =	ssettm $0x1  }
0x91: {  	s18 =	sld [smem:$0x3FFB];
	_ =	sdelay $0x3  }
0x92: {  	_ =	strace s18  }
0x93: {  	s3 =	sld [smem:$0x3FFC];
	_ =	sdelay $0x3  }
0x94: {  	_ =	strace s3  }
0x95: {  	s3 =	sld [smem:$0x3FFD];
	_ =	sdelay $0x3  }
0x96: {  	_ =	strace s3  }
0x97: {  	_ =	strace $0x8FFFFFFF  }
0x98: {  	s19 =	sld [smem:$0x3FDB];
	_ =	sdelay $0x1  }
0x99: {  	s4 =	simm.s32 $_scs_section_size  }
0x9a: {  	s5 =	simm.s32 $_size__tile_overlayer_lowered;
	s6 =	simm.s32 $_tile_overlayer_lowered  }
0x9b: {  	s22 =	simm.s32 $0x1BFF;
	s21 =	sshll.u32 s6, $0x1;
	s3 =	sadd.s32 s4, s19  }
0x9c: {  	s7 =	simm.s32 $0x0;
	s20 =	sshll.u32 s5, $0x1;
	s5 =	sadd.s32 s21, s3  }
0x9d: {  	[timem:s7], [sflag:s22] =	dma.local [hbm:s5], s20  }
0x9e: {  	_ =	swait.ge [sflag:s22], s20  }
0x9f: {  	s4 =	ssub.s32 $0x0, s20;
	[sflag:s22] =	ssyncset.done $0x0  }
0xa0: {  	[sflag:s22] =	ssyncadd.s32 s4;
	_ =	sdelay $0x1  }
0xa1: {  	s23 =	simm.s32 $0x1B8B  }
0xa2: {  	_ =	swait.ge [sflag:s23], $0x1  }
0xa3: {  	[sflag:s23] =	ssyncset.done $0x0  }
0xa4: {  	s25 =	simm.s32 $0x1B8E;
	s24 =	sld [smem:$0x3FFE];
	[sflag:s23] =	ssyncadd.s32 $0xFFFFFFFF  }
0xa5: {  	s26 =	simm.s32 $execute0_lowered;
	[smem:$0x3FD2] =	sst s25  }
0xa6: {  	s5 =	sshll.u32 s26, $0x1;
	_ =	strace $0x80000049;
	[dreg:$0x1] =	wrdreg $0xFFFFFFFF  }
0xa7: {  	s28 =	simm.s32 $_size_execute0_lowered;
	s3 =	sadd.s32 s3, s5;
	[dreg:$0x0] =	wrdreg $0x0  }
0xa8: {  	s5 =	sshll.u32 s28, $0x1;
	[dreg:$0x2] =	wrdreg s3  }
0xa9: {  	[dreg:$0x3] =	wrdreg s5  }
0xaa: {  	[dreg:$0x4] =	wrdreg $0xC0  }
0xab: {  	_ =	task [dreg:s7], $0x5FFFF  }
0xac: {  	[dreg:$0x1] =	wrdreg $0xFFFFFFFF  }
0xad: {  	[dreg:$0x0] =	wrdreg $0x60  }
0xae: {  	[dreg:$0x2] =	wrdreg s24  }
0xaf: {  	[dreg:$0x3] =	wrdreg s2  }
0xb0: {  	[dreg:$0x4] =	wrdreg $0x9  }
0xb1: {  	_ =	task.clear_ibuf [dreg:s7], $0x5FFFF;
	_ =	strace $0x90000049  }
0xb2: {  	s29 =	simm.s32 $0x9;
	_ =	strace $0x8000004B  }
0xb3: {  	_ =	swait.ge [sflag:s29], $0x1  }
0xb4: {  	[sflag:s29] =	ssyncadd.s32 $0xFFFFFFFF  }
0xb5: {  	_ =	strace $0x9000004B  }
0xb6: {  	_ =	sfence  }
0xb7: {  	s30 =	sld [smem:$0x0];
	_ =	sdelay $0x2  }
0xb8: {  	s31 =	sshll.u32 s1, $0xD;
	s1 =	sshrl.u32 s1, $0x2  }
0xb9: {  	s3 =	sand.u32 $0x4000, s31;
	s1 =	sadd.s32 s1, s30  }
0xba: {  	s0 =	sor.u32 s3, s0;
	s1 =	sshll.u32 s1, $0x11  }
0xbb: {  	s0 =	sor.u32 s1, s0  }
0xbc: {  	s0 =	sadd.s32 $0x8F2B, s0  }
0xbd: {  	[sflag:s0] =	ssyncadd.remote.s32 $0x1  }
0xbe: {  	_ =	sfence.sel $0xFFFF  }
0xbf: {  	[dreg:$0x0] =	wrdreg $0xFFFFFFFF;
	(pc) =	sbr.abs _section_cstart, $3  }
0xc0: {  	[dreg:$0x1] =	wrdreg $0xFFFFFFFF  }
0xc1: {  	_ =	task.clear_ibuf [dreg:s7], $0x2FFFF;
	_ =	strace $0x9FFFFFFF  }
0xc2: {  	(tm) =	ssettm $0x7FFFFFFF  }
0xc3: {  	_ =	shalt  }
tec
execute0_lowered:
.L_overlay_start_1:
0x0: {  	(tag) =	ssettag $0x1  }
0x1: {  	v0 =	vlaneseq.u32  }
0x2: {  	v1 =	vmul.u32 $0x88, v0;
	_ =	sdelay $0x1  }
0x3: {  	v0 =	vor.u32 $0x1, v1  }
0x4: {  	v35 =	vor.u32 $0x2, v1;
	[tilespmem:$0x1FE00] =	vst v0  }
0x5: {  	v36 =	vor.u32 $0x3, v1;
	[tilespmem:$0x1FE10] =	vst v35  }
0x6: {  	v37 =	vor.u32 $0x4, v1;
	[tilespmem:$0x1FE20] =	vst v36  }
0x7: {  	v38 =	vor.u32 $0x5, v1;
	[tilespmem:$0x1FE30] =	vst v37  }
0x8: {  	v39 =	vor.u32 $0x6, v1;
	[tilespmem:$0x1FE40] =	vst v38  }
0x9: {  	v40 =	vor.u32 $0x7, v1;
	[tilespmem:$0x1FE50] =	vst v39  }
0xa: {  	v41 =	vadd.s32 $0x880, v1;
	[tilespmem:$0x1FE60] =	vst v40  }
0xb: {  	s2 =	stileid.u32;
	v42 =	vadd.s32 $0x1100, v1;
	[tilespmem:$0x1FE70] =	vst v41  }
0xc: {  	s0 =	rddreg [dreg:$0x0];
	s3 =	sshll.u32 s2, $0x1;
	s2 =	simm.s32 $0x0;
	v43 =	vadd.s32 $0x1980, v1;
	[tilespmem:$0x1FE80] =	vst v42  }
0xd: {  	[smem:$0x7FF] =	sst s2;
	v44 =	vadd.s32 $0x881, v1;
	[tilespmem:$0x1FE90] =	vst v43  }
0xe: {  	s5 =	rddreg [dreg:$0x1];
	v45 =	vadd.s32 $0x1101, v1;
	_ =	strace $0x8000004A;
	[tilespmem:$0x1FEA0] =	vst v44  }
0xf: {  	v46 =	vadd.s32 $0x1981, v1;
	[tilespmem:$0x1FEB0] =	vst v45  }
0x10: {  	v47 =	vadd.s32 $0x882, v1;
	[tilespmem:$0x1FEC0] =	vst v46  }
0x11: {  	v48 =	vadd.s32 $0x1102, v1;
	[tilespmem:$0x1FED0] =	vst v47  }
0x12: {  	v49 =	vadd.s32 $0x1982, v1;
	[tilespmem:$0x1FEE0] =	vst v48  }
0x13: {  	v50 =	vadd.s32 $0x883, v1;
	[tilespmem:$0x1FEF0] =	vst v49  }
0x14: {  	v51 =	vadd.s32 $0x1103, v1;
	[tilespmem:$0x1FF00] =	vst v50  }
0x15: {  	v52 =	vadd.s32 $0x1983, v1;
	[tilespmem:$0x1FF10] =	vst v51  }
0x16: {  	v53 =	vadd.s32 $0x884, v1;
	[tilespmem:$0x1FF20] =	vst v52  }
0x17: {  	v54 =	vadd.s32 $0x1104, v1;
	[tilespmem:$0x1FF30] =	vst v53  }
0x18: {  	v55 =	vadd.s32 $0x1984, v1;
	[tilespmem:$0x1FF40] =	vst v54  }
0x19: {  	v56 =	vadd.s32 $0x885, v1;
	[tilespmem:$0x1FF50] =	vst v55  }
0x1a: {  	v57 =	vadd.s32 $0x1105, v1;
	[tilespmem:$0x1FF60] =	vst v56  }
0x1b: {  	s1 =	srdreg.scid;
	s9 =	simm.s32 $0x9;
	s10 =	simm.s32 $0x6400;
	v58 =	vadd.s32 $0x1985, v1;
	[tilespmem:$0x1FF70] =	vst v57  }
0x1c: {  	s11 =	simm.s32 $0x8400;
	s12 =	simm.s32 $0x100;
	s13 =	simm.s32 $0xA400;
	v59 =	vadd.s32 $0x886, v1;
	[tilespmem:$0x1FF80] =	vst v58  }
0x1d: {  	s14 =	simm.s32 $0x180;
	s15 =	simm.s32 $0xC400;
	s16 =	simm.s32 $0xE400;
	v60 =	vadd.s32 $0x1106, v1;
	[tilespmem:$0x1FF90] =	vst v59  }
0x1e: {  	s17 =	simm.s32 $0x5;
	s18 =	simm.s32 $0x6;
	s1 =	sand.u32 $0x1, s1;
	v61 =	vadd.s32 $0x1986, v1;
	[tilespmem:$0x1FFA0] =	vst v60  }
0x1f: {  	s19 =	simm.s32 $0x7;
	s20 =	simm.s32 $0x8;
	s4 =	sor.u32 s1, s3;
	v62 =	vadd.s32 $0x887, v1;
	[tilespmem:$0x1FFB0] =	vst v61  }
0x20: {  	s21 =	simm.s32 $0x0;
	s1 =	ssub.s32 $0x2, s1;
	s3 =	sshll.u32 s4, $0x4;
	v2 =	vadd.s32 $0x1107, v1;
	[tilespmem:$0x1FFC0] =	vst v62  }
0x21: {  	s7 =	sshrl.u32 s1, $0x1;
	s31 =	sshll.u32 s4, $0x7;
	s6 =	sadd.s32 s3, s0;
	[tilespmem:$0x1FFD0] =	vst v2  }
0x22: {  	v63 =	vimm.s32 $0x0;
	vm0 =	vcmask $0x300;
	s3 =	sadd.s32 $0xA00, s0;
	s30 =	ssub.s32 s1, s7;
	s5 =	sadd.s32 s5, s31;
	[tilespmem:$0x1FFE0] =	vst v1;
	v1 =	vadd.s32 $0x1987, v1  }
0x23: {  	v32 =	vsel vm0, $0x3, v63;
	s7 =	simm.s32 $0x80;
	s4 =	sadd.s32 $0x7A1C00, s6;
	s6 =	smax.u32 s30, $0x1;
	[tilespmem:$0x1FFF0] =	vst v1  }
.LBB2_1:
0x24: {  	s0 =	simm.s32 $0x1000  }
0x25: {  	[tilespmem:s2], [sflag:$0x9] =	stream.strided.gather [hbm4b:s4+s7], $0x6400, s0, s7, $0x38;
	[tilespmem:$0x16C00] =	vst v63  }
0x26: {  	_ =	swait.ge [sflag:s9], $0x6400  }
0x27: {  	[sflag:s9] =	ssyncset.done $0x0  }
0x28: {  	[sflag:s9] =	ssyncadd.s32 $0xFFFF9C00  }
0x29: {  	[tilespmem:s10], [sflag:$0x1] =	stream.indirect.gather [hbm4b:s3+s7], $0x40, s2, s7, $0xb8;
	[tilespmem:$0x16C00] =	vst v63  }
0x2a: {  	_ = 	snop  }
0x2b: {  	[tilespmem:s11], [sflag:$0x2] =	stream.indirect.gather [hbm4b:s3+s7], $0x40, s7, s7, $0xb8;
	[tilespmem:$0x16C00] =	vst v63  }
0x2c: {  	_ = 	snop  }
0x2d: {  	[tilespmem:s13], [sflag:$0x3] =	stream.indirect.gather [hbm4b:s3+s7], $0x40, s12, s7, $0xb8;
	[tilespmem:$0x16C00] =	vst v63  }
0x2e: {  	s22 =	simm.s32 $0x0;
	s23 =	simm.s32 $0x0  }
0x2f: {  	[tilespmem:s15], [sflag:$0x4] =	stream.indirect.gather [hbm4b:s3+s7], $0x40, s14, s7, $0xb8;
	[tilespmem:$0x16C00] =	vst v63  }
.LBB2_2:
0x30: {  	s25 =	sand.u32 $0x3, s23  }
0x31: {  	v0 =	vmov s25  }
0x32: {  	v0 =	vmul.u32 $0x2200, v0;
	_ =	sdelay $0x1  }
0x33: {  	v54 =	vbroadcast v0, $0x0;
	v0 =	vld [tilespmem:$0x1FFE0];
	_ =	sdelay $0x4  }
0x34: {  	v39 =	vadd.s32 v0, v54;
	v0 =	vld [tilespmem:$0x1FE00];
	_ =	sdelay $0x4  }
0x35: {  	v38 =	vadd.s32 v0, v54;
	v0 =	vld [tilespmem:$0x1FE10];
	_ =	sdelay $0x4  }
0x36: {  	v37 =	vadd.s32 v0, v54;
	v0 =	vld [tilespmem:$0x1FE20];
	_ =	sdelay $0x4  }
0x37: {  	v36 =	vadd.s32 v0, v54;
	v0 =	vld [tilespmem:$0x1FE30];
	_ =	sdelay $0x4  }
0x38: {  	v35 =	vadd.s32 v0, v54;
	v0 =	vld [tilespmem:$0x1FE40];
	_ =	sdelay $0x4  }
0x39: {  	v34 =	vadd.s32 v0, v54;
	v0 =	vld [tilespmem:$0x1FE50];
	_ =	sdelay $0x3  }
0x3a: {  	v1 =	vld [tilespmem:$0x1FFD0]  }
0x3b: {  	v33 =	vadd.s32 v0, v54;
	v0 =	vld [tilespmem:$0x1FE60];
	_ =	sdelay $0x1  }
0x3c: {  	s26 =	simm.s32 $0x2;
	s8 =	simm.s32 $0x5  }
0x3d: {  	s1 =	simm.s32 $0x3;
	v2 =	vmov s26;
	s26 =	simm.s32 $0x7;
	v5 =	vmov s8;
	s8 =	simm.s32 $0x8  }
0x3e: {  	s24 =	simm.s32 $0x1;
	v3 =	vmov s1;
	v7 =	vmov s26;
	v8 =	vmov s8  }
0x3f: {  	s1 =	simm.s32 $0xB;
	v30 =	vadd.s32 v1, v54;
	v1 =	vmov s24;
	s24 =	simm.s32 $0x4;
	v40 =	vadd.s32 v0, v54;
	v0 =	vld [tilespmem:$0x1FFC0]  }
0x40: {  	p0 =	slt.u32 s23, $0x4;
	s26 =	simm.s32 $0xA;
	v11 =	vmov s1;
	v13 =	vshrl.u32 v2, $0x3;
	v4 =	vmov s24;
	s24 =	simm.s32 $0x6  }
0x41: {  	s1 =	simm.s32 $0xF;
	v3 =	vshrl.u32 v3, $0x3;
	v10 =	vmov s26;
	s26 =	sadd.s32 @!p0 $0x5, s25;
	v6 =	vmov s24;
	s24 =	simm.s32 $0x9  }
0x42: {  	s8 =	simm.s32 $0xD;
	v5 =	vshrl.u32 v5, $0x3;
	v2 =	vmov s1;
	v9 =	vmov s24;
	s24 =	simm.s32 $0xC;
	_ =	swait.ge @!p0 [sflag:s26], $0x2000  }
0x43: {  	s0 =	simm.s32 $0x0;
	v16 =	vmov s8;
	v2 =	vshrl.u32 v2, $0x3;
	v12 =	vmov s24;
	s24 =	simm.s32 $0xE;
	[sflag:s26] =	ssyncset.done @!p0 $0x0  }
0x44: {  	v17 =	vmov s24;
	s24 =	sadd.s32 $0x1, s25;
	[sflag:s26] =	ssyncadd.s32 @!p0 $0xFFFFE000;
	v31 =	vadd.s32 v0, v54;
	v0 =	vmov s0  }
0x45: {  	v20 =	vshrl.u32 v10, $0x3;
	v2 =	vshll.u32 v2, v32;
	s26 =	sand.u32 $0x3, s22;
	_ =	swait.ge [sflag:s24], $0x2000;
	v0 =	vshrl.u32 v0, $0x3  }
0x46: {  	v19 =	vbroadcast v2, $0x0;
	v1 =	vshrl.u32 v1, $0x3;
	s8 =	sshll.u32 s26, $0xD;
	[sflag:s24] =	ssyncset.done $0x0;
	v0 =	vshll.u32 v0, v32  }
0x47: {  	v18 =	vshrl.u32 v9, $0x3;
	s29 =	sadd.s32 $0x6600, s8;
	[sflag:s24] =	ssyncadd.s32 $0xFFFFE000;
	v2 =	vbroadcast v0, $0x0;
	v0 =	vshll.u32 v1, v32  }
0x48: {  	v9 =	vadd.s32 v40, v19;
	v1 =	vld [tilespmem:s29+$0x1C0];
	v15 =	vbroadcast v0, $0x0;
	v0 =	vshll.u32 v13, v32  }
0x49: {  	v10 =	vld [tilespmem:s29+$0xFFFFFE00];
	v21 =	vadd.s32 v39, v2;
	v14 =	vbroadcast v0, $0x0;
	v0 =	vshll.u32 v3, v32  }
0x4a: {  	v4 =	vshrl.u32 v4, $0x3;
	v3 =	vld [tilespmem:s29+$0xFFFFFE40];
	v22 =	vadd.s32 v38, v15;
	v13 =	vbroadcast v0, $0x0  }
0x4b: {  	v5 =	vshll.u32 v5, v32;
	v0 =	vshll.u32 v4, v32;
	v4 =	vld [tilespmem:s29+$0xFFFFFE80];
	v23 =	vadd.s32 v37, v14  }
0x4c: {  	v6 =	vshrl.u32 v6, $0x3;
	v25 =	vld [tilespmem:s29+$0xFFFFFEC0];
	v43 =	vbroadcast v0, $0x0;
	v26 =	vadd.s32 v36, v13  }
0x4d: {  	v7 =	vshrl.u32 v7, $0x3;
	v0 =	vbroadcast v5, $0x0;
	v5 =	vshll.u32 v6, v32;
	[tilespmem:v9+s16+$0x0] =	vst.idx.msk $0xffff, v1  }
0x4e: {  	v8 =	vshrl.u32 v8, $0x3;
	v28 =	vld [tilespmem:s29+$0xFFFFFF00];
	v1 =	vshll.u32 v7, v32;
	v29 =	vadd.s32 v35, v43;
	[tilespmem:v21+s16+$0x0] =	vst.idx.msk $0xffff, v10  }
0x4f: {  	v41 =	vbroadcast v5, $0x0;
	v5 =	vld [tilespmem:s29+$0x1D0];
	v7 =	vbroadcast v1, $0x0;
	v1 =	vshll.u32 v8, v32;
	[tilespmem:v22+s16+$0x0] =	vst.idx.msk $0xffff, v3  }
0x50: {  	v42 =	vbroadcast v1, $0x0;
	v1 =	vshll.u32 v18, v32;
	v18 =	vld [tilespmem:s29+$0xFFFFFFC0];
	[tilespmem:v23+s16+$0x0] =	vst.idx.msk $0xffff, v4  }
0x51: {  	v6 =	vadd.s32 v31, v19;
	v3 =	vld [tilespmem:s29+$0xFFFFFF40];
	[tilespmem:v26+s16+$0x0] =	vst.idx.msk $0xffff, v25  }
0x52: {  	v21 =	vadd.s32 v34, v0;
	v4 =	vld [tilespmem:s29+$0xFFFFFF80];
	[tilespmem:$0x1FD50] =	vst v40  }
0x53: {  	v22 =	vadd.s32 v33, v41;
	[tilespmem:v29+s16+$0x0] =	vst.idx.msk $0xffff, v28  }
0x54: {  	v23 =	vadd.s32 v40, v7;
	v40 =	vbroadcast v1, $0x0;
	v1 =	vshrl.u32 v16, $0x3;
	v16 =	vld [tilespmem:s29+$0x0];
	[tilespmem:$0x1FD60] =	vst v39  }
0x55: {  	v8 =	vshll.u32 v20, v32;
	v20 =	vld [tilespmem:s29+$0x40];
	[tilespmem:$0x1FD70] =	vst v38  }
0x56: {  	[tilespmem:v6+s16+$0x0] =	vst.idx.msk $0xffff, v5  }
0x57: {  	v25 =	vadd.s32 v39, v42;
	[tilespmem:v21+s16+$0x0] =	vst.idx.msk $0xffff, v3  }
0x58: {  	[tilespmem:v22+s16+$0x0] =	vst.idx.msk $0xffff, v4;
	v22 =	vld [tilespmem:s29+$0x80]  }
0x59: {  	v26 =	vadd.s32 v38, v40;
	v21 =	vld [tilespmem:s29+$0x1E0];
	[tilespmem:$0x1FD80] =	vst v37  }
0x5a: {  	[tilespmem:v23+s16+$0x0] =	vst.idx.msk $0xffff, v18  }
0x5b: {  	v18 =	vld [tilespmem:s29+$0xC0];
	[tilespmem:$0x1FD90] =	vst v36  }
0x5c: {  	v24 =	vshrl.u32 v11, $0x3;
	[tilespmem:v25+s16+$0x0] =	vst.idx.msk $0xffff, v16  }
0x5d: {  	v24 =	vshll.u32 v24, v32;
	v16 =	vld [tilespmem:s29+$0x100];
	[tilespmem:$0x1FDA0] =	vst v35  }
0x5e: {  	v27 =	vshrl.u32 v12, $0x3;
	v3 =	vbroadcast v24, $0x0;
	v24 =	vadd.s32 v30, v19;
	[tilespmem:v26+s16+$0x0] =	vst.idx.msk $0xffff, v20  }
0x5f: {  	v17 =	vshrl.u32 v17, $0x3;
	v9 =	vmovc v0;
	v1 =	vshll.u32 v1, v32;
	v5 =	vshll.u32 v27, v32;
	v0 =	vld [tilespmem:$0x1FFF0]  }
0x60: {  	v4 =	vbroadcast v5, $0x0;
	v5 =	vbroadcast v1, $0x0;
	v1 =	vshll.u32 v17, v32  }
0x61: {  	v38 =	vbroadcast v8, $0x0;
	v6 =	vbroadcast v1, $0x0;
	v1 =	vld [tilespmem:s29+$0x140];
	[tilespmem:$0x1FDB0] =	vst v34  }
0x62: {  	v25 =	vld [tilespmem:s29+$0x180];
	[tilespmem:$0x1FDC0] =	vst v33  }
0x63: {  	v27 =	vadd.s32 v37, v38;
	[tilespmem:v24+s16+$0x0] =	vst.idx.msk $0xffff, v21  }
0x64: {  	v23 =	vadd.s32 v36, v3;
	v36 =	vadd.s32 v0, v54;
	v0 =	vld [tilespmem:$0x1FEA0];
	_ =	sdelay $0x3  }
0x65: {  	[tilespmem:v27+s16+$0x0] =	vst.idx.msk $0xffff, v22  }
0x66: {  	v48 =	vadd.s32 v0, v54;
	v0 =	vld [tilespmem:$0x1FED0];
	_ =	sdelay $0x3  }
0x67: {  	v17 =	vadd.s32 v35, v4;
	[tilespmem:v23+s16+$0x0] =	vst.idx.msk $0xffff, v18  }
0x68: {  	v50 =	vadd.s32 v0, v54;
	v0 =	vld [tilespmem:$0x1FF00];
	_ =	sdelay $0x3  }
0x69: {  	v20 =	vadd.s32 v34, v5;
	[tilespmem:v17+s16+$0x0] =	vst.idx.msk $0xffff, v16  }
0x6a: {  	v52 =	vadd.s32 v0, v54;
	v0 =	vld [tilespmem:$0x1FF30];
	_ =	sdelay $0x3  }
0x6b: {  	v26 =	vadd.s32 v33, v6;
	[tilespmem:v20+s16+$0x0] =	vst.idx.msk $0xffff, v1  }
0x6c: {  	v53 =	vadd.s32 v0, v54;
	v0 =	vld [tilespmem:$0x1FF60];
	_ =	sdelay $0x2  }
0x6d: {  	v21 =	vld [tilespmem:s29+$0x1F0];
	v19 =	vadd.s32 v36, v19  }
0x6e: {  	v22 =	vld [tilespmem:s29+$0xFFFFFE50];
	v24 =	vadd.s32 v48, v15;
	[tilespmem:v26+s16+$0x0] =	vst.idx.msk $0xffff, v25  }
0x6f: {  	v55 =	vadd.s32 v0, v54;
	v0 =	vld [tilespmem:$0x1FF90];
	_ =	sdelay $0x2  }
0x70: {  	v18 =	vld [tilespmem:s29+$0xFFFFFE90];
	v23 =	vadd.s32 v50, v14;
	[tilespmem:v19+s16+$0x0] =	vst.idx.msk $0xffff, v21  }
0x71: {  	v1 =	vld [tilespmem:s29+$0xFFFFFF10];
	[tilespmem:v24+s16+$0x0] =	vst.idx.msk $0xffff, v22  }
0x72: {  	v20 =	vadd.s32 v53, v43;
	v56 =	vadd.s32 v0, v54;
	v0 =	vld [tilespmem:$0x1FE70]  }
0x73: {  	v16 =	vld [tilespmem:s29+$0xFFFFFED0];
	v17 =	vadd.s32 v52, v13  }
0x74: {  	v25 =	vld [tilespmem:s29+$0xFFFFFF50];
	v26 =	vadd.s32 v55, v9  }
0x75: {  	v22 =	vadd.s32 v31, v7;
	[tilespmem:v23+s16+$0x0] =	vst.idx.msk $0xffff, v18;
	v18 =	vld [tilespmem:s29+$0xFFFFFFD0]  }
0x76: {  	v19 =	vld [tilespmem:s29+$0xFFFFFF90];
	v21 =	vadd.s32 v56, v41;
	[tilespmem:$0x1FDD0] =	vst v31  }
0x77: {  	[tilespmem:v20+s16+$0x0] =	vst.idx.msk $0xffff, v1;
	v1 =	vld [tilespmem:s29+$0x50];
	v20 =	vadd.s32 v48, v40;
	v60 =	vadd.s32 v0, v54  }
0x78: {  	[tilespmem:v17+s16+$0x0] =	vst.idx.msk $0xffff, v16;
	v16 =	vld [tilespmem:s29+$0x10];
	v17 =	vadd.s32 v60, v42  }
0x79: {  	[tilespmem:v26+s16+$0x0] =	vst.idx.msk $0xffff, v25  }
0x7a: {  	[tilespmem:v22+s16+$0x0] =	vst.idx.msk $0xffff, v18  }
0x7b: {  	[tilespmem:v21+s16+$0x0] =	vst.idx.msk $0xffff, v19  }
0x7c: {  	[tilespmem:v20+s16+$0x0] =	vst.idx.msk $0xffff, v1  }
0x7d: {  	v24 =	vadd.s32 v50, v38;
	v23 =	vld [tilespmem:s29+$0x90];
	[tilespmem:v17+s16+$0x0] =	vst.idx.msk $0xffff, v16  }
0x7e: {  	v0 =	vld [tilespmem:$0x1FEB0];
	_ =	sdelay $0x3  }
0x7f: {  	v19 =	vld [tilespmem:s29+$0xD0];
	v21 =	vadd.s32 v52, v3;
	[tilespmem:v24+s16+$0x0] =	vst.idx.msk $0xffff, v23  }
0x80: {  	v57 =	vadd.s32 v0, v54;
	v0 =	vld [tilespmem:$0x1FEE0];
	_ =	sdelay $0x3  }
0x81: {  	v18 =	vld [tilespmem:s29+$0x110];
	v22 =	vadd.s32 v53, v4;
	[tilespmem:v21+s16+$0x0] =	vst.idx.msk $0xffff, v19  }
0x82: {  	v58 =	vadd.s32 v0, v54;
	v0 =	vld [tilespmem:$0x1FF10];
	_ =	sdelay $0x3  }
0x83: {  	v16 =	vld [tilespmem:s29+$0x150];
	v17 =	vadd.s32 v55, v5;
	[tilespmem:v22+s16+$0x0] =	vst.idx.msk $0xffff, v18  }
0x84: {  	v59 =	vadd.s32 v0, v54;
	v0 =	vld [tilespmem:$0x1FF40];
	_ =	sdelay $0x3  }
0x85: {  	v1 =	vld [tilespmem:s29+$0x190];
	v20 =	vadd.s32 v56, v6;
	[tilespmem:v17+s16+$0x0] =	vst.idx.msk $0xffff, v16  }
0x86: {  	v61 =	vadd.s32 v0, v54;
	v0 =	vld [tilespmem:$0x1FF70];
	_ =	sdelay $0x2  }
0x87: {  	v25 =	vld [tilespmem:s29+$0xFFFFFE10];
	v26 =	vadd.s32 v60, v2  }
0x88: {  	v23 =	vld [tilespmem:s29+$0xFFFFFE60];
	v24 =	vadd.s32 v57, v15;
	[tilespmem:v20+s16+$0x0] =	vst.idx.msk $0xffff, v1  }
0x89: {  	v62 =	vadd.s32 v0, v54;
	v0 =	vld [tilespmem:$0x1FFA0];
	_ =	sdelay $0x2  }
0x8a: {  	[tilespmem:v26+s16+$0x0] =	vst.idx.msk $0xffff, v25  }
0x8b: {  	v19 =	vld [tilespmem:s29+$0xFFFFFEA0];
	v21 =	vadd.s32 v58, v14;
	[tilespmem:v24+s16+$0x0] =	vst.idx.msk $0xffff, v23  }
0x8c: {  	v63 =	vadd.s32 v0, v54;
	v0 =	vld [tilespmem:$0x1FE80];
	_ =	sdelay $0x2  }
0x8d: {  	v18 =	vld [tilespmem:s29+$0xFFFFFEE0]  }
0x8e: {  	v16 =	vld [tilespmem:s29+$0xFFFFFF20];
	v22 =	vadd.s32 v59, v13;
	[tilespmem:v21+s16+$0x0] =	vst.idx.msk $0xffff, v19  }
0x8f: {  	v1 =	vadd.s32 v0, v54;
	v0 =	vld [tilespmem:$0x1FE90]  }
0x90: {  	v20 =	vld [tilespmem:s29+$0xFFFFFF60]  }
0x91: {  	v23 =	vld [tilespmem:s29+$0xFFFFFFA0]  }
0x92: {  	v19 =	vld [tilespmem:s29+$0xFFFFFFE0];
	[tilespmem:$0x1FDE0] =	vst v30  }
0x93: {  	v17 =	vadd.s32 v61, v43;
	[tilespmem:v22+s16+$0x0] =	vst.idx.msk $0xffff, v18  }
0x94: {  	v44 =	vadd.s32 v0, v54;
	v0 =	vld [tilespmem:$0x1FEC0];
	_ =	sdelay $0x3  }
0x95: {  	v25 =	vadd.s32 v62, v9;
	[tilespmem:v17+s16+$0x0] =	vst.idx.msk $0xffff, v16  }
0x96: {  	v45 =	vadd.s32 v0, v54;
	v0 =	vld [tilespmem:$0x1FEF0];
	_ =	sdelay $0x3  }
0x97: {  	v24 =	vadd.s32 v63, v41;
	[tilespmem:v25+s16+$0x0] =	vst.idx.msk $0xffff, v20  }
0x98: {  	v46 =	vadd.s32 v0, v54;
	v0 =	vld [tilespmem:$0x1FF20];
	_ =	sdelay $0x3  }
0x99: {  	v21 =	vadd.s32 v30, v7;
	[tilespmem:v24+s16+$0x0] =	vst.idx.msk $0xffff, v23  }
0x9a: {  	v47 =	vadd.s32 v0, v54;
	v0 =	vld [tilespmem:$0x1FF50];
	_ =	sdelay $0x3  }
0x9b: {  	v18 =	vld [tilespmem:s29+$0x20];
	v22 =	vadd.s32 v1, v42;
	[tilespmem:v21+s16+$0x0] =	vst.idx.msk $0xffff, v19  }
0x9c: {  	v49 =	vadd.s32 v0, v54;
	v0 =	vld [tilespmem:$0x1FF80]  }
0x9d: {  	v16 =	vld [tilespmem:s29+$0x60]  }
0x9e: {  	v17 =	vadd.s32 v57, v40;
	v20 =	vld [tilespmem:s29+$0xA0]  }
0x9f: {  	v25 =	vadd.s32 v58, v38;
	v23 =	vld [tilespmem:s29+$0xE0]  }
0xa0: {  	v24 =	vadd.s32 v59, v3;
	v19 =	vld [tilespmem:s29+$0x120];
	[tilespmem:v22+s16+$0x0] =	vst.idx.msk $0xffff, v18  }
0xa1: {  	s1 =	simm.s32 $0x10;
	v21 =	vadd.s32 v61, v4;
	v51 =	vadd.s32 v0, v54;
	v0 =	vld [tilespmem:$0x1FFB0]  }
0xa2: {  	v26 =	vmov s1;
	v18 =	vld [tilespmem:s29+$0x160];
	v22 =	vadd.s32 v62, v5  }
0xa3: {  	v27 =	vshrl.u32 v26, $0x3;
	v26 =	vld [tilespmem:s29+$0xFFFFFE20];
	v28 =	vadd.s32 v1, v2;
	[tilespmem:v17+s16+$0x0] =	vst.idx.msk $0xffff, v16  }
0xa4: {  	v16 =	vld [tilespmem:s29+$0x1A0];
	v17 =	vadd.s32 v63, v6;
	[tilespmem:v25+s16+$0x0] =	vst.idx.msk $0xffff, v20  }
0xa5: {  	s8 =	simm.s32 $0x11;
	[tilespmem:v24+s16+$0x0] =	vst.idx.msk $0xffff, v23;
	v23 =	vld [tilespmem:s29+$0xFFFFFEB0];
	v24 =	vadd.s32 v46, v14  }
0xa6: {  	v29 =	vmov s8;
	s8 =	simm.s32 $0x13;
	s1 =	simm.s32 $0x12;
	v25 =	vld [tilespmem:s29+$0xFFFFFE70];
	[tilespmem:v21+s16+$0x0] =	vst.idx.msk $0xffff, v19;
	v54 =	vadd.s32 v0, v54;
	v0 =	vadd.s32 v45, v15  }
0xa7: {  	v31 =	vmov s8;
	s8 =	simm.s32 $0x15;
	v30 =	vmov s1;
	s1 =	simm.s32 $0x14;
	[tilespmem:v22+s16+$0x0] =	vst.idx.msk $0xffff, v18  }
0xa8: {  	v39 =	vmov s8;
	v12 =	vmov s1;
	s1 =	simm.s32 $0x16;
	[tilespmem:v28+s16+$0x0] =	vst.idx.msk $0xffff, v26  }
0xa9: {  	v8 =	vmovc v9;
	s8 =	simm.s32 $0x17;
	v11 =	vmov s1;
	v12 =	vshrl.u32 v12, $0x3;
	v9 =	vld [tilespmem:s29+$0xFFFFFEF0];
	v13 =	vadd.s32 v47, v13;
	[tilespmem:v17+s16+$0x0] =	vst.idx.msk $0xffff, v16  }
0xaa: {  	v37 =	vmovc v7;
	s1 =	simm.s32 $0x18;
	v11 =	vshrl.u32 v11, $0x3;
	v7 =	vadd.s32 v49, v43;
	v20 =	vmov s8;
	s8 =	simm.s32 $0x19;
	v16 =	vld [tilespmem:s29+$0xFFFFFF30];
	[tilespmem:v24+s16+$0x0] =	vst.idx.msk $0xffff, v23  }
0xab: {  	v10 =	vld [tilespmem:s29+$0xFFFFFF70];
	v21 =	vmov s1;
	v14 =	vmov s8;
	s8 =	simm.s32 $0x1B;
	v8 =	vadd.s32 v51, v8;
	[tilespmem:v0+s16+$0x0] =	vst.idx.msk $0xffff, v25  }
0xac: {  	s1 =	simm.s32 $0x1A;
	v22 =	vshll.u32 v27, v32;
	v28 =	vadd.s32 v36, v37;
	v18 =	vmov s8;
	v25 =	vld [tilespmem:s29+$0xFFFFFFB0];
	[tilespmem:$0x1FDF0] =	vst v36  }
0xad: {  	s26 =	smul.u32 $0x8800, s26;
	v15 =	vmov s1;
	s1 =	simm.s32 $0x1C;
	v24 =	vshrl.u32 v29, $0x3;
	v23 =	vshrl.u32 v30, $0x3;
	v27 =	vld [tilespmem:s29+$0xFFFFFFF0]  }
0xae: {  	s8 =	simm.s32 $0x1D;
	v30 =	vadd.s32 v44, v42;
	v19 =	vmov s1;
	s1 =	simm.s32 $0x1E;
	v26 =	vadd.s32 v54, v41;
	[tilespmem:v13+s16+$0x0] =	vst.idx.msk $0xffff, v9;
	v29 =	vld [tilespmem:s29+$0x30]  }
0xaf: {  	s31 =	simm.s32 $0x1F;
	v17 =	vmov s1;
	v0 =	vmov s8;
	s8 =	sshrl.u32 s26, $0x2;
	s26 =	sshll.u32 s25, $0xD;
	[tilespmem:v7+s16+$0x0] =	vst.idx.msk $0xffff, v16;
	v9 =	vshrl.u32 v31, $0x3;
	v31 =	vld [tilespmem:s29+$0x70]  }
0xb0: {  	s30 =	simm.s32 $0x20;
	s28 =	sadd.s32 $0xE400, s8;
	s26 =	sadd.s32 $0x6400, s26;
	v13 =	vadd.s32 v45, v40;
	[tilespmem:v8+s16+$0x0] =	vst.idx.msk $0xffff, v10;
	v10 =	vshrl.u32 v39, $0x3;
	v7 =	vld [tilespmem:s29+$0xB0];
	v8 =	vadd.s32 v46, v38  }
.LBB2_3:
0xb1: {  	v40 =	vld [tilespmem:$0x1FD50]  }
0xb2: {  	v39 =	vld [tilespmem:$0x1FD60]  }
0xb3: {  	v38 =	vld [tilespmem:$0x1FD70]  }
0xb4: {  	v37 =	vld [tilespmem:$0x1FD80]  }
0xb5: {  	v36 =	vld [tilespmem:$0x1FD90]  }
0xb6: {  	v35 =	vld [tilespmem:$0x1FDA0]  }
0xb7: {  	v34 =	vld [tilespmem:$0x1FDB0]  }
0xb8: {  	v33 =	vld [tilespmem:$0x1FDC0]  }
0xb9: {  	v43 =	vld [tilespmem:$0x1FDF0]  }
0xba: {  	v16 =	vshrl.u32 v20, $0x3;
	v20 =	vmov s31;
	[tilespmem:v26+s16+$0x0] =	vst.idx.msk $0xffff, v25;
	v25 =	vld [tilespmem:s29+$0xF0]  }
0xbb: {  	v20 =	vshrl.u32 v20, $0x3;
	v26 =	vld [tilespmem:s29+$0x130]  }
0xbc: {  	v3 =	vadd.s32 v47, v3;
	[tilespmem:v28+s16+$0x0] =	vst.idx.msk $0xffff, v27;
	v27 =	vshrl.u32 v14, $0x3;
	v14 =	vshll.u32 v20, v32;
	v20 =	vld [tilespmem:s29+$0x170]  }
0xbd: {  	v4 =	vadd.s32 v49, v4;
	[tilespmem:v13+s16+$0x0] =	vst.idx.msk $0xffff, v31;
	v13 =	vld [tilespmem:s29+$0x1B0]  }
0xbe: {  	v21 =	vshrl.u32 v21, $0x3;
	v5 =	vadd.s32 v51, v5;
	v31 =	vld [tilespmem:$0x1FDD0]  }
0xbf: {  	v6 =	vadd.s32 v54, v6;
	[tilespmem:v30+s16+$0x0] =	vst.idx.msk $0xffff, v29;
	v29 =	vbroadcast v14, $0x0;
	v14 =	vshll.u32 v24, v32;
	v24 =	vld [tilespmem:s29+$0xFFFFFE30];
	s29 =	sadd.s32 $0x400, s29  }
0xc0: {  	v28 =	vshrl.u32 v15, $0x3;
	v30 =	vadd.s32 v44, v2;
	v2 =	vbroadcast v22, $0x0;
	[tilespmem:v8+s16+$0x0] =	vst.idx.msk $0xffff, v7;
	v8 =	vld [tilespmem:s29+$0x1C0]  }
0xc1: {  	v7 =	vshll.u32 v23, v32;
	v14 =	vbroadcast v14, $0x0;
	v22 =	vadd.s32 v40, v29;
	[tilespmem:v3+s16+$0x0] =	vst.idx.msk $0xffff, v25;
	v3 =	vld [tilespmem:s29+$0xFFFFFE00]  }
0xc2: {  	v15 =	vbroadcast v7, $0x0;
	v7 =	vshll.u32 v9, v32;
	v23 =	vadd.s32 v39, v2;
	[tilespmem:v4+s16+$0x0] =	vst.idx.msk $0xffff, v26;
	v4 =	vld [tilespmem:s29+$0xFFFFFE40]  }
0xc3: {  	v9 =	vbroadcast v7, $0x0;
	v7 =	vshll.u32 v12, v32;
	v25 =	vadd.s32 v38, v14;
	[tilespmem:v5+s16+$0x0] =	vst.idx.msk $0xffff, v20;
	v5 =	vld [tilespmem:s29+$0xFFFFFE80]  }
0xc4: {  	v18 =	vshrl.u32 v18, $0x3;
	v12 =	vadd.s32 v37, v15;
	v7 =	vbroadcast v7, $0x0;
	[tilespmem:v6+s16+$0x0] =	vst.idx.msk $0xffff, v13;
	v6 =	vld [tilespmem:s29+$0xFFFFFEC0]  }
0xc5: {  	v10 =	vshll.u32 v10, v32;
	v19 =	vshrl.u32 v19, $0x3;
	v13 =	vadd.s32 v36, v9;
	v20 =	vld [tilespmem:s29+$0xFFFFFF00];
	[tilespmem:v30+s16+$0x0] =	vst.idx.msk $0xffff, v24  }
0xc6: {  	v11 =	vshll.u32 v11, v32;
	v10 =	vbroadcast v10, $0x0;
	v24 =	vadd.s32 v35, v7;
	v30 =	vld [tilespmem:$0x1FDE0];
	[tilespmem:v22+s16+$0x0] =	vst.idx.msk $0xffff, v8  }
0xc7: {  	v8 =	vbroadcast v11, $0x0;
	v22 =	vld [tilespmem:s29+$0x1D0];
	[tilespmem:v23+s16+$0x0] =	vst.idx.msk $0xffff, v3;
	v3 =	vshll.u32 v16, v32;
	v23 =	vadd.s32 v31, v29  }
0xc8: {  	[tilespmem:v25+s16+$0x0] =	vst.idx.msk $0xffff, v4;
	v4 =	vld [tilespmem:s29+$0xFFFFFF40];
	v25 =	vadd.s32 v34, v10;
	v11 =	vbroadcast v3, $0x0;
	v3 =	vshll.u32 v21, v32  }
0xc9: {  	[tilespmem:v12+s16+$0x0] =	vst.idx.msk $0xffff, v5;
	v5 =	vld [tilespmem:s29+$0xFFFFFF80];
	v21 =	vadd.s32 v33, v8;
	v12 =	vbroadcast v3, $0x0;
	v3 =	vshll.u32 v27, v32  }
0xca: {  	v0 =	vshrl.u32 v0, $0x3;
	[tilespmem:v13+s16+$0x0] =	vst.idx.msk $0xffff, v6;
	v6 =	vld [tilespmem:s29+$0xFFFFFFC0];
	v26 =	vadd.s32 v40, v11;
	v13 =	vbroadcast v3, $0x0  }
0xcb: {  	v17 =	vshrl.u32 v17, $0x3;
	[tilespmem:v24+s16+$0x0] =	vst.idx.msk $0xffff, v20;
	v20 =	vld [tilespmem:s29+$0x0];
	v3 =	vshll.u32 v28, v32;
	v24 =	vadd.s32 v39, v12  }
0xcc: {  	v27 =	vld [tilespmem:s29+$0x40];
	v16 =	vbroadcast v3, $0x0;
	v3 =	vshll.u32 v18, v32;
	v28 =	vadd.s32 v38, v13;
	[tilespmem:v23+s16+$0x0] =	vst.idx.msk $0xffff, v22  }
0xcd: {  	[tilespmem:v25+s16+$0x0] =	vst.idx.msk $0xffff, v4;
	v3 =	vbroadcast v3, $0x0;
	v4 =	vshll.u32 v19, v32;
	v19 =	vadd.s32 v30, v29;
	v18 =	vld [tilespmem:s29+$0x1E0]  }
0xce: {  	v0 =	vshll.u32 v0, v32;
	[tilespmem:v21+s16+$0x0] =	vst.idx.msk $0xffff, v5;
	v21 =	vld [tilespmem:s29+$0x80];
	v22 =	vadd.s32 v37, v16;
	v4 =	vbroadcast v4, $0x0  }
0xcf: {  	v23 =	vld [tilespmem:s29+$0xC0];
	v5 =	vbroadcast v0, $0x0;
	v0 =	vshll.u32 v17, v32;
	v25 =	vadd.s32 v36, v3;
	[tilespmem:v26+s16+$0x0] =	vst.idx.msk $0xffff, v6  }
0xd0: {  	v17 =	vld [tilespmem:s29+$0x100];
	v6 =	vbroadcast v0, $0x0;
	[tilespmem:v24+s16+$0x0] =	vst.idx.msk $0xffff, v20;
	v20 =	vadd.s32 v35, v4  }
0xd1: {  	v0 =	vld [tilespmem:s29+$0x140];
	v24 =	vadd.s32 v34, v5;
	[tilespmem:v28+s16+$0x0] =	vst.idx.msk $0xffff, v27  }
0xd2: {  	v26 =	vld [tilespmem:s29+$0x180];
	v27 =	vadd.s32 v33, v6;
	[tilespmem:v19+s16+$0x0] =	vst.idx.msk $0xffff, v18  }
0xd3: {  	[tilespmem:v22+s16+$0x0] =	vst.idx.msk $0xffff, v21;
	v21 =	vld [tilespmem:s29+$0xFFFFFE50];
	v22 =	vadd.s32 v48, v14  }
0xd4: {  	v19 =	vadd.s32 v43, v29;
	v18 =	vld [tilespmem:s29+$0x1F0];
	[tilespmem:v25+s16+$0x0] =	vst.idx.msk $0xffff, v23  }
0xd5: {  	v23 =	vld [tilespmem:s29+$0xFFFFFE90];
	v25 =	vadd.s32 v50, v15;
	[tilespmem:v20+s16+$0x0] =	vst.idx.msk $0xffff, v17  }
0xd6: {  	v17 =	vld [tilespmem:s29+$0xFFFFFED0];
	v20 =	vadd.s32 v52, v9;
	[tilespmem:v24+s16+$0x0] =	vst.idx.msk $0xffff, v0  }
0xd7: {  	v0 =	vld [tilespmem:s29+$0xFFFFFF10];
	v24 =	vadd.s32 v53, v7;
	[tilespmem:v27+s16+$0x0] =	vst.idx.msk $0xffff, v26  }
0xd8: {  	v26 =	vld [tilespmem:s29+$0xFFFFFF50];
	v27 =	vadd.s32 v55, v10;
	[tilespmem:v22+s16+$0x0] =	vst.idx.msk $0xffff, v21  }
0xd9: {  	v21 =	vld [tilespmem:s29+$0xFFFFFFD0];
	v22 =	vadd.s32 v31, v11;
	[tilespmem:v19+s16+$0x0] =	vst.idx.msk $0xffff, v18  }
0xda: {  	v18 =	vld [tilespmem:s29+$0xFFFFFF90];
	v19 =	vadd.s32 v56, v8;
	[tilespmem:v25+s16+$0x0] =	vst.idx.msk $0xffff, v23  }
0xdb: {  	[tilespmem:v20+s16+$0x0] =	vst.idx.msk $0xffff, v17;
	v17 =	vld [tilespmem:s29+$0x10];
	v20 =	vadd.s32 v60, v12  }
0xdc: {  	v23 =	vadd.s32 v48, v13;
	[tilespmem:v24+s16+$0x0] =	vst.idx.msk $0xffff, v0;
	v0 =	vld [tilespmem:s29+$0x50]  }
0xdd: {  	v25 =	vadd.s32 v50, v16;
	v24 =	vld [tilespmem:s29+$0x90];
	[tilespmem:v27+s16+$0x0] =	vst.idx.msk $0xffff, v26  }
0xde: {  	v26 =	vld [tilespmem:s29+$0xFFFFFE10];
	v27 =	vadd.s32 v60, v2;
	[tilespmem:v22+s16+$0x0] =	vst.idx.msk $0xffff, v21  }
0xdf: {  	v21 =	vld [tilespmem:s29+$0x110];
	v22 =	vadd.s32 v53, v4;
	[tilespmem:v19+s16+$0x0] =	vst.idx.msk $0xffff, v18  }
0xe0: {  	v18 =	vld [tilespmem:s29+$0xD0];
	v19 =	vadd.s32 v52, v3;
	[tilespmem:v20+s16+$0x0] =	vst.idx.msk $0xffff, v17  }
0xe1: {  	v17 =	vld [tilespmem:s29+$0x150];
	v20 =	vadd.s32 v55, v5;
	[tilespmem:v23+s16+$0x0] =	vst.idx.msk $0xffff, v0  }
0xe2: {  	v0 =	vld [tilespmem:s29+$0x190];
	v23 =	vadd.s32 v56, v6;
	[tilespmem:v25+s16+$0x0] =	vst.idx.msk $0xffff, v24  }
0xe3: {  	v24 =	vld [tilespmem:s29+$0xFFFFFE60];
	v25 =	vadd.s32 v57, v14;
	[tilespmem:v27+s16+$0x0] =	vst.idx.msk $0xffff, v26  }
0xe4: {  	[tilespmem:v22+s16+$0x0] =	vst.idx.msk $0xffff, v21;
	v21 =	vld [tilespmem:s29+$0xFFFFFEE0];
	v22 =	vadd.s32 v59, v9  }
0xe5: {  	[tilespmem:v19+s16+$0x0] =	vst.idx.msk $0xffff, v18;
	v18 =	vld [tilespmem:s29+$0xFFFFFEA0];
	v19 =	vadd.s32 v58, v15  }
0xe6: {  	[tilespmem:v20+s16+$0x0] =	vst.idx.msk $0xffff, v17;
	v17 =	vld [tilespmem:s29+$0xFFFFFF20];
	v20 =	vadd.s32 v61, v7  }
0xe7: {  	[tilespmem:v23+s16+$0x0] =	vst.idx.msk $0xffff, v0;
	v0 =	vld [tilespmem:s29+$0xFFFFFF60];
	v23 =	vadd.s32 v62, v10  }
0xe8: {  	[tilespmem:v25+s16+$0x0] =	vst.idx.msk $0xffff, v24;
	v24 =	vld [tilespmem:s29+$0xFFFFFFA0];
	v25 =	vadd.s32 v63, v8  }
0xe9: {  	v34 =	vadd.s32 v45, v14;
	v33 =	vld [tilespmem:s29+$0xFFFFFE70];
	[tilespmem:v22+s16+$0x0] =	vst.idx.msk $0xffff, v21  }
0xea: {  	v21 =	vld [tilespmem:s29+$0x20];
	v22 =	vadd.s32 v1, v12;
	[tilespmem:v19+s16+$0x0] =	vst.idx.msk $0xffff, v18  }
0xeb: {  	v26 =	vmov s30;
	v18 =	vld [tilespmem:s29+$0xFFFFFFE0];
	v19 =	vadd.s32 v30, v11;
	[tilespmem:v20+s16+$0x0] =	vst.idx.msk $0xffff, v17  }
0xec: {  	v28 =	vshrl.u32 v26, $0x3;
	v26 =	vld [tilespmem:s29+$0xFFFFFE20];
	v30 =	vadd.s32 v1, v2;
	[tilespmem:v23+s16+$0x0] =	vst.idx.msk $0xffff, v0  }
0xed: {  	v9 =	vadd.s32 v47, v9;
	v39 =	vld [tilespmem:s29+$0xFFFFFEF0];
	[tilespmem:v25+s16+$0x0] =	vst.idx.msk $0xffff, v24  }
0xee: {  	v17 =	vld [tilespmem:s29+$0x60];
	v20 =	vadd.s32 v57, v13;
	[tilespmem:v34+s16+$0x0] =	vst.idx.msk $0xffff, v33  }
0xef: {  	v0 =	vld [tilespmem:s29+$0xA0];
	v23 =	vadd.s32 v58, v16;
	[tilespmem:v22+s16+$0x0] =	vst.idx.msk $0xffff, v21  }
0xf0: {  	v24 =	vld [tilespmem:s29+$0xE0];
	v25 =	vadd.s32 v59, v3;
	[tilespmem:v19+s16+$0x0] =	vst.idx.msk $0xffff, v18  }
0xf1: {  	s0 =	sadd.s32 $0x1, s30;
	s1 =	sadd.s32 $0x3, s30;
	v42 =	vadd.s32 v51, v10;
	v7 =	vadd.s32 v49, v7;
	v40 =	vld [tilespmem:s29+$0xFFFFFF30];
	[tilespmem:v30+s16+$0x0] =	vst.idx.msk $0xffff, v26  }
0xf2: {  	v37 =	vadd.s32 v46, v15;
	v29 =	vmov s0;
	v31 =	vmov s1;
	s1 =	sadd.s32 $0x4, s30;
	v41 =	vld [tilespmem:s29+$0xFFFFFF70];
	[tilespmem:v9+s16+$0x0] =	vst.idx.msk $0xffff, v39  }
0xf3: {  	v35 =	vmov s1;
	s1 =	sadd.s32 $0x6, s30;
	v27 =	vadd.s32 v63, v6;
	v21 =	vld [tilespmem:s29+$0x160];
	v22 =	vadd.s32 v62, v5;
	[tilespmem:v20+s16+$0x0] =	vst.idx.msk $0xffff, v17  }
0xf4: {  	s8 =	sadd.s32 $0x2, s30;
	v38 =	vmov s1;
	v13 =	vadd.s32 v45, v13;
	v18 =	vld [tilespmem:s29+$0x120];
	v19 =	vadd.s32 v61, v4;
	[tilespmem:v23+s16+$0x0] =	vst.idx.msk $0xffff, v0  }
0xf5: {  	v26 =	vadd.s32 v54, v8;
	v30 =	vadd.s32 v44, v12;
	v17 =	vld [tilespmem:s29+$0x1A0];
	v23 =	vmov s8;
	s8 =	sadd.s32 $0x5, s30;
	[tilespmem:v25+s16+$0x0] =	vst.idx.msk $0xffff, v24  }
0xf6: {  	p0 =	slt.u32 s30, $0x70;
	v9 =	vshrl.u32 v31, $0x3;
	v12 =	vshrl.u32 v35, $0x3;
	v24 =	vld [tilespmem:s29+$0xFFFFFEB0];
	v36 =	vmov s8;
	s8 =	sadd.s32 $0x7, s30;
	[tilespmem:v7+s16+$0x0] =	vst.idx.msk $0xffff, v40  }
.Ltmp0:
0xf7: {  	s1 =	sadd.s32 $0x8, s30;
	v8 =	vadd.s32 v46, v16;
	v25 =	vld [tilespmem:s29+$0xFFFFFFB0];
	v23 =	vshrl.u32 v23, $0x3;
	[tilespmem:v42+s16+$0x0] =	vst.idx.msk $0xffff, v41;
	v20 =	vmov s8;
	s8 =	sadd.s32 $0x9, s30;
	(pc) =	sbr.rel @p0 .LBB2_3-.Ltmp0, $4  }
0xf8: {  	v31 =	vld [tilespmem:s29+$0x70];
	[tilespmem:v22+s16+$0x0] =	vst.idx.msk $0xffff, v21;
	v21 =	vmov s1;
	v22 =	vshll.u32 v28, v32;
	v14 =	vmov s8;
	s8 =	sadd.s32 $0xB, s30  }
0xf9: {  	v7 =	vld [tilespmem:s29+$0xB0];
	s1 =	sadd.s32 $0xA, s30;
	v28 =	vadd.s32 v43, v11;
	v10 =	vshrl.u32 v36, $0x3;
	[tilespmem:v19+s16+$0x0] =	vst.idx.msk $0xffff, v18;
	v18 =	vmov s8;
	s8 =	sadd.s32 $0xD, s30  }
0xfa: {  	v11 =	vshrl.u32 v38, $0x3;
	v15 =	vmov s1;
	s1 =	sadd.s32 $0xC, s30;
	[tilespmem:v27+s16+$0x0] =	vst.idx.msk $0xffff, v17;
	v0 =	vmov s8;
	s8 =	sadd.s32 $0xE, s30;
	v27 =	vld [tilespmem:s29+$0xFFFFFFF0]  }
0xfb: {  	s31 =	sadd.s32 $0xF, s30;
	v19 =	vmov s1;
	[tilespmem:v37+s16+$0x0] =	vst.idx.msk $0xffff, v24;
	v24 =	vshrl.u32 v29, $0x3;
	v29 =	vld [tilespmem:s29+$0x30];
	s30 =	sadd.s32 $0x10, s30;
	v17 =	vmov s8  }
0xfc: {  	_ =	sdelay $0x3  }
0xfd: {  	[tilespmem:v26+s16+$0x0] =	vst.idx.msk $0xffff, v25;
	v25 =	vld [tilespmem:s29+$0xF0];
	v33 =	vadd.s32 v47, v3  }
0xfe: {  	v35 =	vld [tilespmem:s29+$0x130];
	v36 =	vadd.s32 v49, v4;
	[tilespmem:v13+s16+$0x0] =	vst.idx.msk $0xffff, v31  }
0xff: {  	[tilespmem:v8+s16+$0x0] =	vst.idx.msk $0xffff, v7  }
0x100: {  	[tilespmem:v28+s16+$0x0] =	vst.idx.msk $0xffff, v27  }
0x101: {  	v28 =	vld [tilespmem:s29+$0x170];
	[tilespmem:v30+s16+$0x0] =	vst.idx.msk $0xffff, v29  }
0x102: {  	v43 =	vmov s31;
	v41 =	vld [tilespmem:$0x1FD50];
	[tilespmem:v33+s16+$0x0] =	vst.idx.msk $0xffff, v25  }
0x103: {  	v34 =	vshrl.u32 v43, $0x3;
	v40 =	vld [tilespmem:$0x1FD60];
	[tilespmem:v36+s16+$0x0] =	vst.idx.msk $0xffff, v35  }
0x104: {  	v3 =	vshll.u32 v34, v32;
	v29 =	vadd.s32 v51, v5;
	v39 =	vld [tilespmem:$0x1FD70]  }
0x105: {  	v13 =	vld [tilespmem:s29+$0x1B0];
	v31 =	vadd.s32 v54, v6;
	v30 =	vbroadcast v3, $0x0  }
0x106: {  	v37 =	vshll.u32 v24, v32;
	v24 =	vadd.s32 v44, v2;
	v3 =	vbroadcast v22, $0x0;
	v22 =	vld [tilespmem:s29+$0xFFFFFE30];
	s29 =	sadd.s32 $0x400, s29  }
0x107: {  	v38 =	vshll.u32 v23, v32;
	v2 =	vbroadcast v37, $0x0;
	v8 =	vld [tilespmem:s29+$0x1C0];
	v23 =	vadd.s32 v41, v30  }
0x108: {  	v25 =	vld [tilespmem:s29+$0xFFFFFE00];
	v33 =	vadd.s32 v40, v3  }
0x109: {  	v16 =	vshrl.u32 v20, $0x3;
	v34 =	vshll.u32 v9, v32;
	v9 =	vld [tilespmem:s29+$0xFFFFFE40];
	[tilespmem:v29+s16+$0x0] =	vst.idx.msk $0xffff, v28;
	v20 =	vadd.s32 v39, v2  }
0x10a: {  	v4 =	vbroadcast v38, $0x0;
	v38 =	vld [tilespmem:$0x1FD80];
	[tilespmem:v31+s16+$0x0] =	vst.idx.msk $0xffff, v13  }
0x10b: {  	v37 =	vld [tilespmem:$0x1FD90];
	[tilespmem:v24+s16+$0x0] =	vst.idx.msk $0xffff, v22  }
0x10c: {  	v36 =	vld [tilespmem:$0x1FDA0];
	[tilespmem:v23+s16+$0x0] =	vst.idx.msk $0xffff, v8  }
0x10d: {  	[tilespmem:v33+s16+$0x0] =	vst.idx.msk $0xffff, v25  }
0x10e: {  	v35 =	vshll.u32 v12, v32;
	v33 =	vld [tilespmem:$0x1FDD0];
	[tilespmem:v20+s16+$0x0] =	vst.idx.msk $0xffff, v9  }
0x10f: {  	v5 =	vbroadcast v34, $0x0;
	v6 =	vbroadcast v35, $0x0;
	v35 =	vld [tilespmem:$0x1FDB0]  }
0x110: {  	v12 =	vld [tilespmem:s29+$0xFFFFFE80];
	v27 =	vadd.s32 v38, v4  }
0x111: {  	v42 =	vshll.u32 v10, v32;
	v13 =	vld [tilespmem:s29+$0xFFFFFEC0];
	v28 =	vadd.s32 v37, v5  }
0x112: {  	v7 =	vbroadcast v42, $0x0;
	v22 =	vld [tilespmem:s29+$0xFFFFFF00];
	v24 =	vadd.s32 v36, v6  }
0x113: {  	v29 =	vshll.u32 v16, v32;
	v16 =	vld [tilespmem:s29+$0x1D0];
	v23 =	vadd.s32 v33, v30  }
0x114: {  	v20 =	vld [tilespmem:s29+$0xFFFFFF40];
	v25 =	vadd.s32 v35, v7  }
0x115: {  	[tilespmem:v27+s16+$0x0] =	vst.idx.msk $0xffff, v12  }
0x116: {  	v21 =	vshrl.u32 v21, $0x3;
	v34 =	vld [tilespmem:$0x1FDC0];
	[tilespmem:v28+s16+$0x0] =	vst.idx.msk $0xffff, v13  }
0x117: {  	v14 =	vshrl.u32 v14, $0x3;
	v15 =	vshrl.u32 v15, $0x3;
	v18 =	vshrl.u32 v18, $0x3;
	[tilespmem:v24+s16+$0x0] =	vst.idx.msk $0xffff, v22  }
0x118: {  	v42 =	vshll.u32 v14, v32;
	v31 =	vshll.u32 v21, v32;
	v9 =	vbroadcast v29, $0x0;
	[tilespmem:v23+s16+$0x0] =	vst.idx.msk $0xffff, v16  }
0x119: {  	v43 =	vshll.u32 v11, v32;
	v11 =	vbroadcast v42, $0x0;
	v14 =	vld [tilespmem:s29+$0xFFFFFFC0];
	v10 =	vbroadcast v31, $0x0;
	[tilespmem:v25+s16+$0x0] =	vst.idx.msk $0xffff, v20  }
0x11a: {  	v8 =	vbroadcast v43, $0x0;
	v43 =	vshll.u32 v15, v32;
	v27 =	vadd.s32 v41, v9;
	v31 =	vld [tilespmem:$0x1FDE0]  }
0x11b: {  	v28 =	vshrl.u32 v0, $0x3;
	v0 =	vbroadcast v43, $0x0;
	v22 =	vld [tilespmem:s29+$0x0];
	v24 =	vadd.s32 v40, v10  }
0x11c: {  	v19 =	vshrl.u32 v19, $0x3;
	v15 =	vshrl.u32 v17, $0x3;
	v17 =	vld [tilespmem:s29+$0x40];
	v40 =	vadd.s32 v39, v11  }
0x11d: {  	v42 =	vshll.u32 v19, v32;
	v19 =	vld [tilespmem:s29+$0x80];
	v41 =	vshll.u32 v18, v32;
	v43 =	vadd.s32 v38, v0  }
0x11e: {  	v21 =	vld [tilespmem:s29+$0xFFFFFF80];
	v12 =	vbroadcast v41, $0x0;
	v26 =	vadd.s32 v34, v8  }
0x11f: {  	v13 =	vbroadcast v42, $0x0;
	v28 =	vshll.u32 v28, v32;
	v16 =	vld [tilespmem:s29+$0x1E0];
	[tilespmem:v27+s16+$0x0] =	vst.idx.msk $0xffff, v14;
	v18 =	vadd.s32 v31, v30  }
0x120: {  	v15 =	vshll.u32 v15, v32;
	v41 =	vld [tilespmem:s29+$0x180];
	v14 =	vbroadcast v28, $0x0;
	[tilespmem:v24+s16+$0x0] =	vst.idx.msk $0xffff, v22  }
0x121: {  	v15 =	vbroadcast v15, $0x0;
	v38 =	vadd.s32 v36, v13;
	v25 =	vadd.s32 v37, v12;
	v37 =	vld [tilespmem:s29+$0x100];
	[tilespmem:v40+s16+$0x0] =	vst.idx.msk $0xffff, v17  }
0x122: {  	v39 =	vld [tilespmem:s29+$0x140];
	[tilespmem:v43+s16+$0x0] =	vst.idx.msk $0xffff, v19;
	v40 =	vadd.s32 v35, v14  }
0x123: {  	v42 =	vadd.s32 v34, v15;
	v23 =	vld [tilespmem:s29+$0xC0];
	[tilespmem:v26+s16+$0x0] =	vst.idx.msk $0xffff, v21  }
0x124: {  	v36 =	vadd.s32 v50, v4;
	v35 =	vld [tilespmem:s29+$0xFFFFFE90];
	[tilespmem:v18+s16+$0x0] =	vst.idx.msk $0xffff, v16  }
0x125: {  	v28 =	vld [tilespmem:$0x1FDF0]  }
0x126: {  	[tilespmem:v38+s16+$0x0] =	vst.idx.msk $0xffff, v37;
	v37 =	vld [tilespmem:s29+$0xFFFFFED0];
	v38 =	vadd.s32 v52, v5  }
0x127: {  	[tilespmem:v40+s16+$0x0] =	vst.idx.msk $0xffff, v39;
	v39 =	vld [tilespmem:s29+$0xFFFFFF10];
	v40 =	vadd.s32 v53, v6  }
0x128: {  	[tilespmem:v42+s16+$0x0] =	vst.idx.msk $0xffff, v41;
	v41 =	vld [tilespmem:s29+$0xFFFFFF50];
	v42 =	vadd.s32 v55, v7  }
0x129: {  	[tilespmem:v36+s16+$0x0] =	vst.idx.msk $0xffff, v35;
	v35 =	vld [tilespmem:s29+$0x10];
	v36 =	vadd.s32 v60, v10  }
0x12a: {  	v16 =	vld [tilespmem:s29+$0x1F0];
	[tilespmem:v25+s16+$0x0] =	vst.idx.msk $0xffff, v23;
	v43 =	vadd.s32 v28, v30  }
0x12b: {  	v34 =	vadd.s32 v48, v2;
	v30 =	vld [tilespmem:s29+$0xFFFFFE50];
	[tilespmem:v38+s16+$0x0] =	vst.idx.msk $0xffff, v37  }
0x12c: {  	[tilespmem:v40+s16+$0x0] =	vst.idx.msk $0xffff, v39;
	v37 =	vld [tilespmem:s29+$0x50];
	v38 =	vadd.s32 v48, v11  }
0x12d: {  	[tilespmem:v42+s16+$0x0] =	vst.idx.msk $0xffff, v41;
	v39 =	vld [tilespmem:s29+$0x90];
	v40 =	vadd.s32 v50, v0  }
0x12e: {  	v41 =	vld [tilespmem:s29+$0xD0];
	v42 =	vadd.s32 v52, v12;
	[tilespmem:v36+s16+$0x0] =	vst.idx.msk $0xffff, v35  }
0x12f: {  	v50 =	vld [tilespmem:s29+$0x150];
	v52 =	vadd.s32 v55, v14;
	[tilespmem:v43+s16+$0x0] =	vst.idx.msk $0xffff, v16  }
0x130: {  	v48 =	vadd.s32 v53, v13;
	v53 =	vld [tilespmem:s29+$0x190];
	v55 =	vadd.s32 v56, v15;
	[tilespmem:v34+s16+$0x0] =	vst.idx.msk $0xffff, v30  }
0x131: {  	v29 =	vadd.s32 v56, v8;
	v60 =	vadd.s32 v60, v3;
	v56 =	vld [tilespmem:s29+$0xFFFFFE10];
	[tilespmem:v38+s16+$0x0] =	vst.idx.msk $0xffff, v37  }
0x132: {  	v43 =	vld [tilespmem:s29+$0xFFFFFF90];
	[tilespmem:v40+s16+$0x0] =	vst.idx.msk $0xffff, v39  }
0x133: {  	v30 =	vld [tilespmem:s29+$0xFFFFFFD0];
	v34 =	vadd.s32 v33, v9;
	[tilespmem:v42+s16+$0x0] =	vst.idx.msk $0xffff, v41  }
0x134: {  	v36 =	vld [tilespmem:s29+$0xFFFFFEE0];
	v37 =	vadd.s32 v59, v5;
	[tilespmem:v52+s16+$0x0] =	vst.idx.msk $0xffff, v50  }
0x135: {  	v38 =	vld [tilespmem:s29+$0xFFFFFF20];
	v39 =	vadd.s32 v61, v6;
	[tilespmem:v55+s16+$0x0] =	vst.idx.msk $0xffff, v53  }
0x136: {  	[tilespmem:v60+s16+$0x0] =	vst.idx.msk $0xffff, v56;
	v40 =	vld [tilespmem:s29+$0xFFFFFF60];
	v41 =	vadd.s32 v62, v7  }
0x137: {  	v52 =	vld [tilespmem:s29+$0x20];
	v53 =	vadd.s32 v1, v10;
	[tilespmem:v29+s16+$0x0] =	vst.idx.msk $0xffff, v43  }
0x138: {  	v35 =	vadd.s32 v58, v4;
	v56 =	vadd.s32 v57, v11;
	v55 =	vld [tilespmem:s29+$0x60];
	[tilespmem:v34+s16+$0x0] =	vst.idx.msk $0xffff, v30  }
0x139: {  	v58 =	vadd.s32 v58, v0;
	v33 =	vadd.s32 v57, v2;
	v57 =	vld [tilespmem:s29+$0xA0];
	[tilespmem:v37+s16+$0x0] =	vst.idx.msk $0xffff, v36  }
0x13a: {  	v43 =	vld [tilespmem:s29+$0x110];
	[tilespmem:v39+s16+$0x0] =	vst.idx.msk $0xffff, v38  }
0x13b: {  	v30 =	vld [tilespmem:s29+$0xFFFFFE60];
	[tilespmem:v41+s16+$0x0] =	vst.idx.msk $0xffff, v40  }
0x13c: {  	v34 =	vld [tilespmem:s29+$0xFFFFFEA0];
	[tilespmem:v53+s16+$0x0] =	vst.idx.msk $0xffff, v52  }
0x13d: {  	v60 =	vld [tilespmem:s29+$0xE0];
	v29 =	vadd.s32 v59, v12;
	[tilespmem:v56+s16+$0x0] =	vst.idx.msk $0xffff, v55  }
0x13e: {  	v26 =	vld [tilespmem:s29+$0xFFFFFE20];
	v37 =	vadd.s32 v1, v3;
	[tilespmem:v58+s16+$0x0] =	vst.idx.msk $0xffff, v57  }
0x13f: {  	v5 =	vadd.s32 v47, v5;
	v40 =	vld [tilespmem:s29+$0xFFFFFEF0];
	[tilespmem:v48+s16+$0x0] =	vst.idx.msk $0xffff, v43  }
0x140: {  	v6 =	vadd.s32 v49, v6;
	v41 =	vld [tilespmem:s29+$0xFFFFFF30];
	[tilespmem:v33+s16+$0x0] =	vst.idx.msk $0xffff, v30  }
0x141: {  	v11 =	vadd.s32 v45, v11;
	v52 =	vld [tilespmem:s29+$0x70];
	[tilespmem:v35+s16+$0x0] =	vst.idx.msk $0xffff, v34  }
0x142: {  	v0 =	vadd.s32 v46, v0;
	v53 =	vld [tilespmem:s29+$0xB0];
	[tilespmem:v29+s16+$0x0] =	vst.idx.msk $0xffff, v60  }
0x143: {  	v42 =	vld [tilespmem:s29+$0xFFFFFFA0];
	v43 =	vadd.s32 v63, v8;
	[tilespmem:v37+s16+$0x0] =	vst.idx.msk $0xffff, v26  }
0x144: {  	v50 =	vadd.s32 v31, v9;
	v48 =	vld [tilespmem:s29+$0xFFFFFFE0];
	[tilespmem:v5+s16+$0x0] =	vst.idx.msk $0xffff, v40  }
0x145: {  	v33 =	vld [tilespmem:s29+$0x160];
	v34 =	vadd.s32 v62, v14;
	[tilespmem:v6+s16+$0x0] =	vst.idx.msk $0xffff, v41  }
0x146: {  	v36 =	vadd.s32 v63, v15;
	v35 =	vld [tilespmem:s29+$0x1A0];
	[tilespmem:v11+s16+$0x0] =	vst.idx.msk $0xffff, v52  }
0x147: {  	v31 =	vadd.s32 v61, v13;
	v30 =	vld [tilespmem:s29+$0x120];
	[tilespmem:v0+s16+$0x0] =	vst.idx.msk $0xffff, v53  }
0x148: {  	v2 =	vadd.s32 v45, v2;
	v38 =	vld [tilespmem:s29+$0xFFFFFE70];
	[tilespmem:v43+s16+$0x0] =	vst.idx.msk $0xffff, v42  }
0x149: {  	v4 =	vadd.s32 v46, v4;
	v39 =	vld [tilespmem:s29+$0xFFFFFEB0];
	[tilespmem:v50+s16+$0x0] =	vst.idx.msk $0xffff, v48  }
0x14a: {  	v56 =	vadd.s32 v47, v12;
	v55 =	vld [tilespmem:s29+$0xF0];
	[tilespmem:v34+s16+$0x0] =	vst.idx.msk $0xffff, v33  }
0x14b: {  	v3 =	vadd.s32 v44, v3;
	v63 =	vld [tilespmem:s29+$0xFFFFFE30];
	[tilespmem:v36+s16+$0x0] =	vst.idx.msk $0xffff, v35  }
0x14c: {  	v7 =	vadd.s32 v51, v7;
	v42 =	vld [tilespmem:s29+$0xFFFFFF70];
	[tilespmem:v31+s16+$0x0] =	vst.idx.msk $0xffff, v30  }
0x14d: {  	v10 =	vadd.s32 v44, v10;
	v50 =	vld [tilespmem:s29+$0x30];
	[tilespmem:v2+s16+$0x0] =	vst.idx.msk $0xffff, v38  }
0x14e: {  	v8 =	vadd.s32 v54, v8;
	v43 =	vld [tilespmem:s29+$0xFFFFFFB0];
	[tilespmem:v4+s16+$0x0] =	vst.idx.msk $0xffff, v39  }
0x14f: {  	v9 =	vadd.s32 v28, v9;
	v48 =	vld [tilespmem:s29+$0xFFFFFFF0];
	[tilespmem:v56+s16+$0x0] =	vst.idx.msk $0xffff, v55  }
0x150: {  	v60 =	vadd.s32 v51, v14;
	v59 =	vld [tilespmem:s29+$0x170];
	[tilespmem:v3+s16+$0x0] =	vst.idx.msk $0xffff, v63  }
0x151: {  	v62 =	vadd.s32 v54, v15;
	v61 =	vld [tilespmem:s29+$0x1B0];
	[tilespmem:v7+s16+$0x0] =	vst.idx.msk $0xffff, v42  }
0x152: {  	v58 =	vadd.s32 v49, v13;
	v57 =	vld [tilespmem:s29+$0x130];
	[tilespmem:v10+s16+$0x0] =	vst.idx.msk $0xffff, v50  }
0x153: {  	[tilespmem:v8+s16+$0x0] =	vst.idx.msk $0xffff, v43  }
0x154: {  	[tilespmem:v9+s16+$0x0] =	vst.idx.msk $0xffff, v48  }
0x155: {  	[tilespmem:v60+s16+$0x0] =	vst.idx.msk $0xffff, v59  }
0x156: {  	s0 =	sshll.u32 s23, $0xF;
	[tilespmem:v62+s16+$0x0] =	vst.idx.msk $0xffff, v61  }
0x157: {  	s25 =	sadd.s32 $0x5, s25;
	s29 =	sadd.s32 s0, s5;
	s0 =	sadd.s32 $0x0, s28;
	[tilespmem:v58+s16+$0x0] =	vst.idx.msk $0xffff, v57  }
0x158: {  	[hbm4b:s29+s2] =	stream.linear.scatter [tilespmem:s0], [sflag:s25], $0x80, $0x38;
	[tilespmem:$0x16C00] =	vst v63  }
0x159: {  	s1 =	sadd.s32 $0x88, s0;
	s30 =	sadd.s32 $0x10, s29  }
0x15a: {  	[hbm4b:s30+s2] =	stream.linear.scatter [tilespmem:s1], [sflag:s25], $0x80, $0x38;
	[tilespmem:$0x16C00] =	vst v63  }
0x15b: {  	s8 =	sadd.s32 $0x110, s0;
	s30 =	sadd.s32 $0x20, s29  }
0x15c: {  	[hbm4b:s30+s2] =	stream.linear.scatter [tilespmem:s8], [sflag:s25], $0x80, $0x38;
	[tilespmem:$0x16C00] =	vst v63  }
0x15d: {  	s8 =	sadd.s32 $0x198, s0;
	s30 =	sadd.s32 $0x30, s29  }
0x15e: {  	[hbm4b:s30+s2] =	stream.linear.scatter [tilespmem:s8], [sflag:s25], $0x80, $0x38;
	[tilespmem:$0x16C00] =	vst v63  }
0x15f: {  	s8 =	sadd.s32 $0x220, s0;
	s30 =	sadd.s32 $0x40, s29  }
0x160: {  	[hbm4b:s30+s2] =	stream.linear.scatter [tilespmem:s8], [sflag:s25], $0x80, $0x38;
	[tilespmem:$0x16C00] =	vst v63  }
0x161: {  	s31 =	simm.s32 $0x2200;
	s8 =	sadd.s32 $0x2A8, s0;
	s30 =	sadd.s32 $0x50, s29  }
0x162: {  	[hbm4b:s30+s2] =	stream.linear.scatter [tilespmem:s8], [sflag:s25], $0x80, $0x38;
	[tilespmem:$0x16C00] =	vst v63  }
0x163: {  	s1 =	sadd.s32 $0x3B8, s0;
	s8 =	sadd.s32 $0x330, s0;
	s30 =	sadd.s32 $0x60, s29  }
0x164: {  	[hbm4b:s30+s2] =	stream.linear.scatter [tilespmem:s8], [sflag:s25], $0x80, $0x38;
	[tilespmem:$0x16C00] =	vst v63  }
0x165: {  	s0 =	sadd.s32 $0x70, s29;
	s29 =	sadd.s32 $0x1000, s29;
	s30 =	simm.s32 $0x440  }
.LBB2_5:
0x166: {  	[hbm4b:s0+s2] =	stream.linear.scatter [tilespmem:s1], [sflag:s25], $0x80, $0x38;
	[tilespmem:$0x16C00] =	vst v63  }
0x167: {  	s0 =	smov.u32 s31  }
0x168: {  	s8 =	sadd.s32 $0x1100, s31;
	s1 =	sadd.s32 s30, s28;
	s30 =	sshra.s32 s0, $0x2  }
0x169: {  	[hbm4b:s29+s2] =	stream.linear.scatter [tilespmem:s1], [sflag:s25], $0x80, $0x38;
	[tilespmem:$0x16C00] =	vst v63  }
0x16a: {  	p0 =	sne.s32 s31, $0x7700;
	s31 =	sadd.s32 $0x10, s29;
	s0 =	sadd.s32 $0x88, s1  }
0x16b: {  	[hbm4b:s31+s2] =	stream.linear.scatter [tilespmem:s0], [sflag:s25], $0x80, $0x38;
	[tilespmem:$0x16C00] =	vst v63  }
0x16c: {  	s0 =	sadd.s32 $0x110, s1;
	s31 =	sadd.s32 $0x20, s29  }
0x16d: {  	[hbm4b:s31+s2] =	stream.linear.scatter [tilespmem:s0], [sflag:s25], $0x80, $0x38;
	[tilespmem:$0x16C00] =	vst v63  }
0x16e: {  	s0 =	sadd.s32 $0x198, s1;
	s31 =	sadd.s32 $0x30, s29  }
0x16f: {  	[hbm4b:s31+s2] =	stream.linear.scatter [tilespmem:s0], [sflag:s25], $0x80, $0x38;
	[tilespmem:$0x16C00] =	vst v63  }
0x170: {  	s0 =	sadd.s32 $0x220, s1;
	s31 =	sadd.s32 $0x40, s29  }
0x171: {  	[hbm4b:s31+s2] =	stream.linear.scatter [tilespmem:s0], [sflag:s25], $0x80, $0x38;
	[tilespmem:$0x16C00] =	vst v63  }
.Ltmp1:
0x172: {  	s0 =	sadd.s32 $0x2A8, s1;
	s31 =	sadd.s32 $0x50, s29;
	(pc) =	sbr.rel @p0 .LBB2_5-.Ltmp1, $4  }
0x173: {  	[hbm4b:s31+s2] =	stream.linear.scatter [tilespmem:s0], [sflag:s25], $0x80, $0x38;
	[tilespmem:$0x16C00] =	vst v63  }
0x174: {  	s0 =	sadd.s32 $0x330, s1;
	s31 =	sadd.s32 $0x60, s29;
	s1 =	sadd.s32 $0x3B8, s1  }
0x175: {  	[hbm4b:s31+s2] =	stream.linear.scatter [tilespmem:s0], [sflag:s25], $0x80, $0x38;
	[tilespmem:$0x16C00] =	vst v63  }
0x176: {  	s0 =	sadd.s32 $0x70, s29;
	s29 =	sadd.s32 $0x1000, s29;
	s31 =	smov.u32 s8  }
0x177: {  	[hbm4b:s0+s2] =	stream.linear.scatter [tilespmem:s1], [sflag:s25], $0x80, $0x38;
	[tilespmem:$0x16C00] =	vst v63  }
0x178: {  	s0 =	sadd.s32 s30, s28  }
0x179: {  	[hbm4b:s29+s2] =	stream.linear.scatter [tilespmem:s0], [sflag:s25], $0x80, $0x38;
	[tilespmem:$0x16C00] =	vst v63  }
0x17a: {  	s8 =	sadd.s32 $0x10, s29;
	s31 =	sadd.s32 $0x88, s0  }
0x17b: {  	[hbm4b:s8+s2] =	stream.linear.scatter [tilespmem:s31], [sflag:s25], $0x80, $0x38;
	[tilespmem:$0x16C00] =	vst v63  }
0x17c: {  	s28 =	sadd.s32 $0x20, s29;
	s8 =	sadd.s32 $0x110, s0  }
0x17d: {  	[hbm4b:s28+s2] =	stream.linear.scatter [tilespmem:s8], [sflag:s25], $0x80, $0x38;
	[tilespmem:$0x16C00] =	vst v63  }
0x17e: {  	s30 =	sadd.s32 $0x198, s0;
	s31 =	sadd.s32 $0x30, s29  }
0x17f: {  	[hbm4b:s31+s2] =	stream.linear.scatter [tilespmem:s30], [sflag:s25], $0x80, $0x38;
	[tilespmem:$0x16C00] =	vst v63  }
0x180: {  	s8 =	sadd.s32 $0x220, s0;
	s28 =	sadd.s32 $0x40, s29  }
0x181: {  	[hbm4b:s28+s2] =	stream.linear.scatter [tilespmem:s8], [sflag:s25], $0x80, $0x38;
	[tilespmem:$0x16C00] =	vst v63  }
0x182: {  	s30 =	sadd.s32 $0x2A8, s0;
	s31 =	sadd.s32 $0x50, s29  }
0x183: {  	[hbm4b:s31+s2] =	stream.linear.scatter [tilespmem:s30], [sflag:s25], $0x80, $0x38;
	[tilespmem:$0x16C00] =	vst v63  }
0x184: {  	s28 =	sadd.s32 $0x330, s0;
	s30 =	sadd.s32 $0x60, s29  }
0x185: {  	[hbm4b:s30+s2] =	stream.linear.scatter [tilespmem:s28], [sflag:s25], $0x80, $0x38;
	[tilespmem:$0x16C00] =	vst v63  }
0x186: {  	p0 =	sgt.u32 s23, $0xC3;
	s0 =	sadd.s32 $0x3B8, s0;
	s31 =	sadd.s32 $0x70, s29  }
0x187: {  	[hbm4b:s31+s2] =	stream.linear.scatter [tilespmem:s0], [sflag:s25], $0x80, $0x38;
	[tilespmem:$0x16C00] =	vst v63  }
0x188: {  	s0 =	sshll.u32 @!p0 s23, $0x7  }
0x189: {  	s0 =	sand.u32 @!p0 $0x3FFFFF80, s0  }
0x18a: {  	s1 =	simm.s32 @!p0 $0x80;
	s23 =	sadd.s32 $0x1, s23;
	s0 =	sadd.s32 @!p0 $0x200, s0  }
0x18b: {  	[tilespmem:s26], [sflag:s24] =	stream.indirect.gather @!p0 [hbm4b:s3+s1], $0x40, s0, s1, $0xb8;
	[tilespmem:$0x16C00] =	vst v63  }
0x18c: {  	p0 =	sne.s32 s23, $0xC8  }
.Ltmp2:
0x18d: {  	_ = 	snop;
	(pc) =	sbr.rel @p0 .LBB2_2-.Ltmp2, $2  }
0x18e: {  	_ =	sdelay $0x2  }
0x18f: {  	s22 =	sadd.s32 $0x1, s22  }
0x190: {  	_ =	swait.ge [sflag:s17], $0x2000  }
0x191: {  	[sflag:s17] =	ssyncset.done $0x0  }
0x192: {  	[sflag:s17] =	ssyncadd.s32 $0xFFFFE000  }
0x193: {  	_ =	swait.ge [sflag:s18], $0x2000  }
0x194: {  	[sflag:s18] =	ssyncset.done $0x0  }
0x195: {  	s21 =	sadd.s32 $0x1, s21;
	[sflag:s18] =	ssyncadd.s32 $0xFFFFE000  }
0x196: {  	p0 =	sne.s32 s21, s6;
	_ =	swait.ge [sflag:s19], $0x2000  }
.Ltmp3:
0x197: {  	[sflag:s19] =	ssyncset.done $0x0;
	(pc) =	sbr.rel @p0 .LBB2_1-.Ltmp3, $4  }
0x198: {  	[sflag:s19] =	ssyncadd.s32 $0xFFFFE000  }
0x199: {  	_ =	swait.ge [sflag:s20], $0x2000  }
0x19a: {  	[sflag:s20] =	ssyncset.done $0x0  }
0x19b: {  	[sflag:s20] =	ssyncadd.s32 $0xFFFFE000  }
0x19c: {  	_ =	sfence.sel $0x180000  }
0x19d: {  	[bflag:$0x0] =	sbarrier.arrive $0xFFFF  }
0x19e: {  	_ =	strace $0x9000004A  }
0x19f: {  	s0 =	stileid.u32;
	[bflag:$0x2] =	sbarrier.arrive $0xFFFF  }
0x1a0: {  	p0 =	sne.s32 s0, $0x0;
	s0 =	rddreg [dreg:$0x2]  }
0x1a1: {  	s0 =	sadd.s32 @!p0 $0x100000, s0  }
0x1a2: {  	[sflag:s0] =	ssyncadd.tile.s32 @!p0 $0x1;
	_ =	shalt  }
.Lfunc_end2:
_tile_overlayer_lowered:
.L_overlay_start_2:
0x1a3: {  	(tag) =	ssettag $0x2  }
0x1a4: {  	s0 =	rddreg [dreg:$0x0];
	s2 =	stileid.u32  }
0x1a5: {  	s1 =	rddreg [dreg:$0x1];
	p0 =	sne.s32 s2, $0x0  }
0x1a6: {  	s3 =	rddreg [dreg:$0x2];
	[bflag:$0x3] =	sbarrier.arrive $0xFFFF;
	s2 =	simm.s32 @!p0 $0x1C09  }
0x1a7: {  	[timem:s3], [sflag:s2] =	dma.local @!p0 [hbm:s0], s1  }
0x1a8: {  	s0 =	simm.s32 @!p0 $0x9  }
0x1a9: {  	_ =	swait.ge @!p0 [sflag:s0], s1  }
0x1aa: {  	s1 =	ssub.s32 @!p0 $0x0, s1;
	[sflag:s0] =	ssyncset.done @!p0 $0x0  }
0x1ab: {  	[sflag:s0] =	ssyncadd.s32 @!p0 s1  }
0x1ac: {  	[bflag:$0x3] =	sbarrier.arrive $0xFFFF  }
0x1ad: {  	_ =	shalt  }

</sc_bundles>
